<compile_context>
chip_gen: v7x
topology: tpu7x:2x2x1
jax: 0.10.2.dev20260603
libtpu: 0.0.44.dev20260713+nightly
codegen_flags: <defaults>
</compile_context>

<pallas_src>
import jax
import jax.numpy as jnp
from jax import lax
from jax.experimental import pallas as pl
from jax.experimental.pallas import tpu as pltpu
from jax.experimental.pallas import tpu_sc as plsc

B = 16384
D = 32
NC, NS, L = 2, 16, 16
NW = NC * NS
BPW = B // NW
CHUNK = 128
NCH = BPW // CHUNK

MODULUS_WEIGHT = 4.0
PHASE_WEIGHT = 1.0

_INV_2PI = float(0.15915494309189535)
_MAGIC = float(12582912.0)
_PI_HI = float(3.1415927410125732)
_PI_LO = float(-8.742277657347586e-08)
_C3 = float(-1.0 / 6.0)
_C5 = float(1.0 / 120.0)
_C7 = float(-1.0 / 5040.0)
_C9 = float(1.0 / 362880.0)
_C11 = float(-1.0 / 39916800.0)


def _abs_sin_half(p):
    z = p * _INV_2PI
    k = (z + _MAGIC) - _MAGIC
    y = p * 0.5 - k * _PI_HI
    y = y - k * _PI_LO
    y2 = y * y
    t = _C9 + y2 * _C11
    t = _C7 + y2 * t
    t = _C5 + y2 * t
    t = _C3 + y2 * t
    t = 1.0 + y2 * t
    return jnp.abs(y * t)


def _newton_sqrt(x):
    i = lax.bitcast_convert_type(x, jnp.int32)
    i = jnp.int32(0x1FBD1DF5) + lax.shift_right_arithmetic(i, 1)
    y = lax.bitcast_convert_type(i, jnp.float32)
    for _ in range(3):
        y = 0.5 * (y + x / y)
    return y


def _sc_body(head, relation, tail, e_mod, e_ph, r_mod, r_ph, out, *scr):
    idx_refs = scr[:3 * NCH]
    hm, hp, tm, tp, rm, rp = scr[3 * NCH:3 * NCH + 6]
    acc_m, acc_p = scr[3 * NCH + 6:3 * NCH + 8]
    out_v = scr[3 * NCH + 8]
    sem = scr[3 * NCH + 9]

    wid = lax.axis_index("s") * NC + lax.axis_index("c")
    base = wid * BPW

    for c in range(NCH):
        off = base + c * CHUNK
        pltpu.sync_copy(head.at[pl.ds(off, CHUNK)], idx_refs[c])
        pltpu.sync_copy(tail.at[pl.ds(off, CHUNK)], idx_refs[NCH + c])
        pltpu.sync_copy(relation.at[pl.ds(off, CHUNK)], idx_refs[2 * NCH + c])

    copies = []
    for c in range(NCH):
        sl = pl.ds(c * CHUNK, CHUNK)
        ih, it, ir = idx_refs[c], idx_refs[NCH + c], idx_refs[2 * NCH + c]
        copies.append(pltpu.async_copy(e_mod.at[ih], hm.at[sl], sem))
        copies.append(pltpu.async_copy(e_ph.at[ih], hp.at[sl], sem))
        copies.append(pltpu.async_copy(e_mod.at[it], tm.at[sl], sem))
        copies.append(pltpu.async_copy(e_ph.at[it], tp.at[sl], sem))
        copies.append(pltpu.async_copy(r_mod.at[ir], rm.at[sl], sem))
        copies.append(pltpu.async_copy(r_ph.at[ir], rp.at[sl], sem))
    for cp in copies:
        cp.wait()

    row_iota = lax.iota(jnp.int32, L)

    def group_body(g, carry):
        e0 = g * L
        for j in range(L):
            e = e0 + j
            hm0, hm1 = plsc.unpack(hm[e, :], format=plsc.PackFormat.INTERLEAVED)
            rm0, rm1 = plsc.unpack(rm[e, :], format=plsc.PackFormat.INTERLEAVED)
            tm0, tm1 = plsc.unpack(tm[e, :], format=plsc.PackFormat.INTERLEAVED)
            hp0, hp1 = plsc.unpack(hp[e, :], format=plsc.PackFormat.INTERLEAVED)
            rp0, rp1 = plsc.unpack(rp[e, :], format=plsc.PackFormat.INTERLEAVED)
            tp0, tp1 = plsc.unpack(tp[e, :], format=plsc.PackFormat.INTERLEAVED)
            d0 = hm0 * rm0 - tm0
            d1 = hm1 * rm1 - tm1
            smod = d0 * d0 + d1 * d1
            sph = _abs_sin_half(hp0 + rp0 - tp0) + _abs_sin_half(hp1 + rp1 - tp1)
            acc_m[pl.ds(j * L, L)] = smod
            acc_p[pl.ds(j * L, L)] = sph
        msum = None
        psum = None
        for l in range(L):
            col = row_iota * L + l
            cm = plsc.load_gather(acc_m, [col])
            cp_ = plsc.load_gather(acc_p, [col])
            msum = cm if msum is None else msum + cm
            psum = cp_ if psum is None else psum + cp_
        score = MODULUS_WEIGHT * _newton_sqrt(msum) + PHASE_WEIGHT * psum
        out_v[pl.ds(e0, L)] = score
        return carry

    lax.fori_loop(0, BPW // L, group_body, 0)

    pltpu.sync_copy(out_v, out.at[pl.ds(base, BPW)])


@jax.jit
def _transee_score(head, relation, tail, e_mod, e_ph, r_mod, r_ph):
    mesh = plsc.VectorSubcoreMesh(core_axis_name="c", subcore_axis_name="s")
    scratch = (
        [pltpu.VMEM((CHUNK,), jnp.int32)] * (3 * NCH)
        + [pltpu.VMEM((BPW, D), jnp.bfloat16)] * 6
        + [pltpu.VMEM((L * L,), jnp.float32)] * 2
        + [pltpu.VMEM((BPW,), jnp.float32)]
        + [pltpu.SemaphoreType.DMA]
    )
    return pl.kernel(
        _sc_body,
        out_type=jax.ShapeDtypeStruct((B,), jnp.float32),
        mesh=mesh,
        scratch_types=scratch,
        compiler_params=pltpu.CompilerParams(needs_layout_passes=False,
                                             use_tc_tiling_on_sc=False),
    )(head, relation, tail, e_mod, e_ph, r_mod, r_ph)


def kernel(head, relation, tail, entity_modulus, entity_phase,
           relation_modulus, relation_phase):
    return _transee_score(head, relation, tail,
                          entity_modulus.astype(jnp.bfloat16),
                          entity_phase.astype(jnp.bfloat16),
                          relation_modulus.astype(jnp.bfloat16),
                          relation_phase.astype(jnp.bfloat16))

# --- scband reference (transcript-rebuilt; emitter-appended) ---
"""Pipeline reference for scband-trans-eenhanced-76184129896472 (READ-ONLY COPY).

The authoritative reference and input builder live on the scoring server;
editing this copy changes nothing except your own understanding.
"""

import jax, jax.numpy as jnp
import numpy as np

NUM_ENTITIES = 1000000
NUM_RELATIONS = 1000
DIM = 32
BATCH = 16384
GAMMA = 10.0
EPSILON = 1.0
EMB_RANGE = (GAMMA + EPSILON) / DIM
MODULUS_WEIGHT = 4.0
PHASE_WEIGHT = 1.0


def setup_inputs(seed: int = 0) -> dict:
    key = jax.random.key(seed)
    k1, k2, k3, k4, k5, k6, k7 = jax.random.split(key, 7)
    head = jax.random.randint(k1, (BATCH,), 0, NUM_ENTITIES, dtype=jnp.int32)
    relation = jax.random.randint(k2, (BATCH,), 0, NUM_RELATIONS, dtype=jnp.int32)
    tail = jax.random.randint(k3, (BATCH,), 0, NUM_ENTITIES, dtype=jnp.int32)
    entity_modulus = jax.random.uniform(k4, (NUM_ENTITIES, DIM), minval=-EMB_RANGE, maxval=EMB_RANGE, dtype=jnp.float32)
    entity_phase = jax.random.uniform(k5, (NUM_ENTITIES, DIM), minval=-np.pi, maxval=np.pi, dtype=jnp.float32)
    relation_modulus = jax.random.uniform(k6, (NUM_RELATIONS, DIM), minval=-EMB_RANGE, maxval=EMB_RANGE, dtype=jnp.float32)
    relation_phase = jax.random.uniform(k7, (NUM_RELATIONS, DIM), minval=-np.pi, maxval=np.pi, dtype=jnp.float32)
    return {
        "head": head,
        "relation": relation,
        "tail": tail,
        "entity_modulus": entity_modulus,
        "entity_phase": entity_phase,
        "relation_modulus": relation_modulus,
        "relation_phase": relation_phase,
    }


def reference(head, relation, tail, entity_modulus, entity_phase, relation_modulus, relation_phase):
    h_mod = jnp.take(entity_modulus, head, axis=0)
    h_phase = jnp.take(entity_phase, head, axis=0)
    r_mod = jnp.take(relation_modulus, relation, axis=0)
    r_phase = jnp.take(relation_phase, relation, axis=0)
    t_mod = jnp.take(entity_modulus, tail, axis=0)
    t_phase = jnp.take(entity_phase, tail, axis=0)
    diff = h_mod * r_mod - t_mod
    modulus_score = jnp.sqrt(jnp.sum(diff * diff, axis=-1))
    phase_diff = jnp.abs(jnp.sin((h_phase + r_phase - t_phase) / 2.0))
    phase_score = jnp.sum(phase_diff, axis=-1)
    score = MODULUS_WEIGHT * modulus_score + PHASE_WEIGHT * phase_score
    return score

if __name__ == "__main__":
    import jax
    _d = setup_inputs()
    print(jax.jit(kernel)(*tuple(_d.values())))

</pallas_src>

<mosaic_0001>
#map = affine_map<(d0, d1) -> (0)>
#map1 = affine_map<(d0, d1) -> (0, 0)>
module attributes {stable_mosaic.version = 14 : i64} {
  func.func @_sc_body(%arg0: i32, %arg1: i32, %arg2: memref<16384xi32, #tpu.memory_space<hbm>>, %arg3: memref<16384xi32, #tpu.memory_space<hbm>>, %arg4: memref<16384xi32, #tpu.memory_space<hbm>>, %arg5: memref<1000000x32xbf16, #tpu.memory_space<hbm>>, %arg6: memref<1000000x32xbf16, #tpu.memory_space<hbm>>, %arg7: memref<1000x32xbf16, #tpu.memory_space<hbm>>, %arg8: memref<1000x32xbf16, #tpu.memory_space<hbm>>, %arg9: memref<16384xf32, #tpu.memory_space<hbm>>, %arg10: memref<128xi32, #tpu.memory_space<vmem>>, %arg11: memref<128xi32, #tpu.memory_space<vmem>>, %arg12: memref<128xi32, #tpu.memory_space<vmem>>, %arg13: memref<128xi32, #tpu.memory_space<vmem>>, %arg14: memref<128xi32, #tpu.memory_space<vmem>>, %arg15: memref<128xi32, #tpu.memory_space<vmem>>, %arg16: memref<128xi32, #tpu.memory_space<vmem>>, %arg17: memref<128xi32, #tpu.memory_space<vmem>>, %arg18: memref<128xi32, #tpu.memory_space<vmem>>, %arg19: memref<128xi32, #tpu.memory_space<vmem>>, %arg20: memref<128xi32, #tpu.memory_space<vmem>>, %arg21: memref<128xi32, #tpu.memory_space<vmem>>, %arg22: memref<512x32xbf16, #tpu.memory_space<vmem>>, %arg23: memref<512x32xbf16, #tpu.memory_space<vmem>>, %arg24: memref<512x32xbf16, #tpu.memory_space<vmem>>, %arg25: memref<512x32xbf16, #tpu.memory_space<vmem>>, %arg26: memref<512x32xbf16, #tpu.memory_space<vmem>>, %arg27: memref<512x32xbf16, #tpu.memory_space<vmem>>, %arg28: memref<256xf32, #tpu.memory_space<vmem>>, %arg29: memref<256xf32, #tpu.memory_space<vmem>>, %arg30: memref<512xf32, #tpu.memory_space<vmem>>, %arg31: memref<!tpu.dma_semaphore, #tpu.memory_space<semaphore_mem>>) attributes {dimension_semantics = [#tpu.dimension_semantics<core_parallel>, #tpu.dimension_semantics<subcore_parallel>], iteration_bounds = array<i64: 2, 16>, scalar_prefetch = 0 : i64, scratch_operands = 22 : i64, tpu.core_type = #tpu.core_type<sc_vector_subcore>, window_params = [{transform_indices = #map}, {transform_indices = #map}, {transform_indices = #map}, {transform_indices = #map1}, {transform_indices = #map1}, {transform_indices = #map1}, {transform_indices = #map1}, {transform_indices = #map}]} {
    %mul3A = arith.constant 2 : i32
    %mul3A_0 = arith.muli %arg1, %mul3A : i32
    %add3A = arith.addi %mul3A_0, %arg0 : i32
    %mul3A_1 = arith.constant 512 : i32
    %mul3A_2 = arith.muli %add3A, %mul3A_1 : i32
    %add3A_3 = arith.constant 0 : i32
    %add3A_4 = arith.addi %mul3A_2, %add3A_3 : i32
    "tpu.region"() ({
      %run_scoped3A = tpu.sem_alloc : memref<!tpu.dma_semaphore, #tpu.memory_space<semaphore_mem>>
      %dma_start3A_302 = tpu.memref_slice %arg2[%add3A_4] : memref<16384xi32, #tpu.memory_space<hbm>> -> memref<128xi32, #tpu.memory_space<hbm>>
      %dma_start3A_303 = tpu.memref_slice %arg2[%add3A_4] : memref<16384xi32, #tpu.memory_space<hbm>> -> memref<128xi32, #tpu.memory_space<hbm>>
      tpu.enqueue_dma source(%dma_start3A_303 : memref<128xi32, #tpu.memory_space<hbm>>) target(%arg10 : memref<128xi32, #tpu.memory_space<vmem>>) target_semaphore(%run_scoped3A : memref<!tpu.dma_semaphore, #tpu.memory_space<semaphore_mem>>)
      %dma_wait3A_304 = tpu.memref_slice %arg2[%add3A_4] : memref<16384xi32, #tpu.memory_space<hbm>> -> memref<128xi32, #tpu.memory_space<hbm>>
      %dma_wait3A_305 = tpu.memref_slice %arg2[%add3A_4] : memref<16384xi32, #tpu.memory_space<hbm>> -> memref<128xi32, #tpu.memory_space<hbm>>
      tpu.wait_dma2 semaphore(%run_scoped3A : memref<!tpu.dma_semaphore, #tpu.memory_space<semaphore_mem>>) src(%dma_wait3A_305 : memref<128xi32, #tpu.memory_space<hbm>>) dst(%arg10 : memref<128xi32, #tpu.memory_space<vmem>>)
      tpu.yield
    }) : () -> ()
    "tpu.region"() ({
      %run_scoped3A = tpu.sem_alloc : memref<!tpu.dma_semaphore, #tpu.memory_space<semaphore_mem>>
      %dma_start3A_302 = tpu.memref_slice %arg4[%add3A_4] : memref<16384xi32, #tpu.memory_space<hbm>> -> memref<128xi32, #tpu.memory_space<hbm>>
      %dma_start3A_303 = tpu.memref_slice %arg4[%add3A_4] : memref<16384xi32, #tpu.memory_space<hbm>> -> memref<128xi32, #tpu.memory_space<hbm>>
      tpu.enqueue_dma source(%dma_start3A_303 : memref<128xi32, #tpu.memory_space<hbm>>) target(%arg14 : memref<128xi32, #tpu.memory_space<vmem>>) target_semaphore(%run_scoped3A : memref<!tpu.dma_semaphore, #tpu.memory_space<semaphore_mem>>)
      %dma_wait3A_304 = tpu.memref_slice %arg4[%add3A_4] : memref<16384xi32, #tpu.memory_space<hbm>> -> memref<128xi32, #tpu.memory_space<hbm>>
      %dma_wait3A_305 = tpu.memref_slice %arg4[%add3A_4] : memref<16384xi32, #tpu.memory_space<hbm>> -> memref<128xi32, #tpu.memory_space<hbm>>
      tpu.wait_dma2 semaphore(%run_scoped3A : memref<!tpu.dma_semaphore, #tpu.memory_space<semaphore_mem>>) src(%dma_wait3A_305 : memref<128xi32, #tpu.memory_space<hbm>>) dst(%arg14 : memref<128xi32, #tpu.memory_space<vmem>>)
      tpu.yield
    }) : () -> ()
    "tpu.region"() ({
      %run_scoped3A = tpu.sem_alloc : memref<!tpu.dma_semaphore, #tpu.memory_space<semaphore_mem>>
      %dma_start3A_302 = tpu.memref_slice %arg3[%add3A_4] : memref<16384xi32, #tpu.memory_space<hbm>> -> memref<128xi32, #tpu.memory_space<hbm>>
      %dma_start3A_303 = tpu.memref_slice %arg3[%add3A_4] : memref<16384xi32, #tpu.memory_space<hbm>> -> memref<128xi32, #tpu.memory_space<hbm>>
      tpu.enqueue_dma source(%dma_start3A_303 : memref<128xi32, #tpu.memory_space<hbm>>) target(%arg18 : memref<128xi32, #tpu.memory_space<vmem>>) target_semaphore(%run_scoped3A : memref<!tpu.dma_semaphore, #tpu.memory_space<semaphore_mem>>)
      %dma_wait3A_304 = tpu.memref_slice %arg3[%add3A_4] : memref<16384xi32, #tpu.memory_space<hbm>> -> memref<128xi32, #tpu.memory_space<hbm>>
      %dma_wait3A_305 = tpu.memref_slice %arg3[%add3A_4] : memref<16384xi32, #tpu.memory_space<hbm>> -> memref<128xi32, #tpu.memory_space<hbm>>
      tpu.wait_dma2 semaphore(%run_scoped3A : memref<!tpu.dma_semaphore, #tpu.memory_space<semaphore_mem>>) src(%dma_wait3A_305 : memref<128xi32, #tpu.memory_space<hbm>>) dst(%arg18 : memref<128xi32, #tpu.memory_space<vmem>>)
      tpu.yield
    }) : () -> ()
    %add3A_5 = arith.constant 128 : i32
    %add3A_6 = arith.addi %mul3A_2, %add3A_5 : i32
    "tpu.region"() ({
      %run_scoped3A = tpu.sem_alloc : memref<!tpu.dma_semaphore, #tpu.memory_space<semaphore_mem>>
      %dma_start3A_302 = tpu.memref_slice %arg2[%add3A_6] : memref<16384xi32, #tpu.memory_space<hbm>> -> memref<128xi32, #tpu.memory_space<hbm>>
      %dma_start3A_303 = tpu.memref_slice %arg2[%add3A_6] : memref<16384xi32, #tpu.memory_space<hbm>> -> memref<128xi32, #tpu.memory_space<hbm>>
      tpu.enqueue_dma source(%dma_start3A_303 : memref<128xi32, #tpu.memory_space<hbm>>) target(%arg11 : memref<128xi32, #tpu.memory_space<vmem>>) target_semaphore(%run_scoped3A : memref<!tpu.dma_semaphore, #tpu.memory_space<semaphore_mem>>)
      %dma_wait3A_304 = tpu.memref_slice %arg2[%add3A_6] : memref<16384xi32, #tpu.memory_space<hbm>> -> memref<128xi32, #tpu.memory_space<hbm>>
      %dma_wait3A_305 = tpu.memref_slice %arg2[%add3A_6] : memref<16384xi32, #tpu.memory_space<hbm>> -> memref<128xi32, #tpu.memory_space<hbm>>
      tpu.wait_dma2 semaphore(%run_scoped3A : memref<!tpu.dma_semaphore, #tpu.memory_space<semaphore_mem>>) src(%dma_wait3A_305 : memref<128xi32, #tpu.memory_space<hbm>>) dst(%arg11 : memref<128xi32, #tpu.memory_space<vmem>>)
      tpu.yield
    }) : () -> ()
    "tpu.region"() ({
      %run_scoped3A = tpu.sem_alloc : memref<!tpu.dma_semaphore, #tpu.memory_space<semaphore_mem>>
      %dma_start3A_302 = tpu.memref_slice %arg4[%add3A_6] : memref<16384xi32, #tpu.memory_space<hbm>> -> memref<128xi32, #tpu.memory_space<hbm>>
      %dma_start3A_303 = tpu.memref_slice %arg4[%add3A_6] : memref<16384xi32, #tpu.memory_space<hbm>> -> memref<128xi32, #tpu.memory_space<hbm>>
      tpu.enqueue_dma source(%dma_start3A_303 : memref<128xi32, #tpu.memory_space<hbm>>) target(%arg15 : memref<128xi32, #tpu.memory_space<vmem>>) target_semaphore(%run_scoped3A : memref<!tpu.dma_semaphore, #tpu.memory_space<semaphore_mem>>)
      %dma_wait3A_304 = tpu.memref_slice %arg4[%add3A_6] : memref<16384xi32, #tpu.memory_space<hbm>> -> memref<128xi32, #tpu.memory_space<hbm>>
      %dma_wait3A_305 = tpu.memref_slice %arg4[%add3A_6] : memref<16384xi32, #tpu.memory_space<hbm>> -> memref<128xi32, #tpu.memory_space<hbm>>
      tpu.wait_dma2 semaphore(%run_scoped3A : memref<!tpu.dma_semaphore, #tpu.memory_space<semaphore_mem>>) src(%dma_wait3A_305 : memref<128xi32, #tpu.memory_space<hbm>>) dst(%arg15 : memref<128xi32, #tpu.memory_space<vmem>>)
      tpu.yield
    }) : () -> ()
    "tpu.region"() ({
      %run_scoped3A = tpu.sem_alloc : memref<!tpu.dma_semaphore, #tpu.memory_space<semaphore_mem>>
      %dma_start3A_302 = tpu.memref_slice %arg3[%add3A_6] : memref<16384xi32, #tpu.memory_space<hbm>> -> memref<128xi32, #tpu.memory_space<hbm>>
      %dma_start3A_303 = tpu.memref_slice %arg3[%add3A_6] : memref<16384xi32, #tpu.memory_space<hbm>> -> memref<128xi32, #tpu.memory_space<hbm>>
      tpu.enqueue_dma source(%dma_start3A_303 : memref<128xi32, #tpu.memory_space<hbm>>) target(%arg19 : memref<128xi32, #tpu.memory_space<vmem>>) target_semaphore(%run_scoped3A : memref<!tpu.dma_semaphore, #tpu.memory_space<semaphore_mem>>)
      %dma_wait3A_304 = tpu.memref_slice %arg3[%add3A_6] : memref<16384xi32, #tpu.memory_space<hbm>> -> memref<128xi32, #tpu.memory_space<hbm>>
      %dma_wait3A_305 = tpu.memref_slice %arg3[%add3A_6] : memref<16384xi32, #tpu.memory_space<hbm>> -> memref<128xi32, #tpu.memory_space<hbm>>
      tpu.wait_dma2 semaphore(%run_scoped3A : memref<!tpu.dma_semaphore, #tpu.memory_space<semaphore_mem>>) src(%dma_wait3A_305 : memref<128xi32, #tpu.memory_space<hbm>>) dst(%arg19 : memref<128xi32, #tpu.memory_space<vmem>>)
      tpu.yield
    }) : () -> ()
    %add3A_7 = arith.constant 256 : i32
    %add3A_8 = arith.addi %mul3A_2, %add3A_7 : i32
    "tpu.region"() ({
      %run_scoped3A = tpu.sem_alloc : memref<!tpu.dma_semaphore, #tpu.memory_space<semaphore_mem>>
      %dma_start3A_302 = tpu.memref_slice %arg2[%add3A_8] : memref<16384xi32, #tpu.memory_space<hbm>> -> memref<128xi32, #tpu.memory_space<hbm>>
      %dma_start3A_303 = tpu.memref_slice %arg2[%add3A_8] : memref<16384xi32, #tpu.memory_space<hbm>> -> memref<128xi32, #tpu.memory_space<hbm>>
      tpu.enqueue_dma source(%dma_start3A_303 : memref<128xi32, #tpu.memory_space<hbm>>) target(%arg12 : memref<128xi32, #tpu.memory_space<vmem>>) target_semaphore(%run_scoped3A : memref<!tpu.dma_semaphore, #tpu.memory_space<semaphore_mem>>)
      %dma_wait3A_304 = tpu.memref_slice %arg2[%add3A_8] : memref<16384xi32, #tpu.memory_space<hbm>> -> memref<128xi32, #tpu.memory_space<hbm>>
      %dma_wait3A_305 = tpu.memref_slice %arg2[%add3A_8] : memref<16384xi32, #tpu.memory_space<hbm>> -> memref<128xi32, #tpu.memory_space<hbm>>
      tpu.wait_dma2 semaphore(%run_scoped3A : memref<!tpu.dma_semaphore, #tpu.memory_space<semaphore_mem>>) src(%dma_wait3A_305 : memref<128xi32, #tpu.memory_space<hbm>>) dst(%arg12 : memref<128xi32, #tpu.memory_space<vmem>>)
      tpu.yield
    }) : () -> ()
    "tpu.region"() ({
      %run_scoped3A = tpu.sem_alloc : memref<!tpu.dma_semaphore, #tpu.memory_space<semaphore_mem>>
      %dma_start3A_302 = tpu.memref_slice %arg4[%add3A_8] : memref<16384xi32, #tpu.memory_space<hbm>> -> memref<128xi32, #tpu.memory_space<hbm>>
      %dma_start3A_303 = tpu.memref_slice %arg4[%add3A_8] : memref<16384xi32, #tpu.memory_space<hbm>> -> memref<128xi32, #tpu.memory_space<hbm>>
      tpu.enqueue_dma source(%dma_start3A_303 : memref<128xi32, #tpu.memory_space<hbm>>) target(%arg16 : memref<128xi32, #tpu.memory_space<vmem>>) target_semaphore(%run_scoped3A : memref<!tpu.dma_semaphore, #tpu.memory_space<semaphore_mem>>)
      %dma_wait3A_304 = tpu.memref_slice %arg4[%add3A_8] : memref<16384xi32, #tpu.memory_space<hbm>> -> memref<128xi32, #tpu.memory_space<hbm>>
      %dma_wait3A_305 = tpu.memref_slice %arg4[%add3A_8] : memref<16384xi32, #tpu.memory_space<hbm>> -> memref<128xi32, #tpu.memory_space<hbm>>
      tpu.wait_dma2 semaphore(%run_scoped3A : memref<!tpu.dma_semaphore, #tpu.memory_space<semaphore_mem>>) src(%dma_wait3A_305 : memref<128xi32, #tpu.memory_space<hbm>>) dst(%arg16 : memref<128xi32, #tpu.memory_space<vmem>>)
      tpu.yield
    }) : () -> ()
    "tpu.region"() ({
      %run_scoped3A = tpu.sem_alloc : memref<!tpu.dma_semaphore, #tpu.memory_space<semaphore_mem>>
      %dma_start3A_302 = tpu.memref_slice %arg3[%add3A_8] : memref<16384xi32, #tpu.memory_space<hbm>> -> memref<128xi32, #tpu.memory_space<hbm>>
      %dma_start3A_303 = tpu.memref_slice %arg3[%add3A_8] : memref<16384xi32, #tpu.memory_space<hbm>> -> memref<128xi32, #tpu.memory_space<hbm>>
      tpu.enqueue_dma source(%dma_start3A_303 : memref<128xi32, #tpu.memory_space<hbm>>) target(%arg20 : memref<128xi32, #tpu.memory_space<vmem>>) target_semaphore(%run_scoped3A : memref<!tpu.dma_semaphore, #tpu.memory_space<semaphore_mem>>)
      %dma_wait3A_304 = tpu.memref_slice %arg3[%add3A_8] : memref<16384xi32, #tpu.memory_space<hbm>> -> memref<128xi32, #tpu.memory_space<hbm>>
      %dma_wait3A_305 = tpu.memref_slice %arg3[%add3A_8] : memref<16384xi32, #tpu.memory_space<hbm>> -> memref<128xi32, #tpu.memory_space<hbm>>
      tpu.wait_dma2 semaphore(%run_scoped3A : memref<!tpu.dma_semaphore, #tpu.memory_space<semaphore_mem>>) src(%dma_wait3A_305 : memref<128xi32, #tpu.memory_space<hbm>>) dst(%arg20 : memref<128xi32, #tpu.memory_space<vmem>>)
      tpu.yield
    }) : () -> ()
    %add3A_9 = arith.constant 384 : i32
    %add3A_10 = arith.addi %mul3A_2, %add3A_9 : i32
    "tpu.region"() ({
      %run_scoped3A = tpu.sem_alloc : memref<!tpu.dma_semaphore, #tpu.memory_space<semaphore_mem>>
      %dma_start3A_302 = tpu.memref_slice %arg2[%add3A_10] : memref<16384xi32, #tpu.memory_space<hbm>> -> memref<128xi32, #tpu.memory_space<hbm>>
      %dma_start3A_303 = tpu.memref_slice %arg2[%add3A_10] : memref<16384xi32, #tpu.memory_space<hbm>> -> memref<128xi32, #tpu.memory_space<hbm>>
      tpu.enqueue_dma source(%dma_start3A_303 : memref<128xi32, #tpu.memory_space<hbm>>) target(%arg13 : memref<128xi32, #tpu.memory_space<vmem>>) target_semaphore(%run_scoped3A : memref<!tpu.dma_semaphore, #tpu.memory_space<semaphore_mem>>)
      %dma_wait3A_304 = tpu.memref_slice %arg2[%add3A_10] : memref<16384xi32, #tpu.memory_space<hbm>> -> memref<128xi32, #tpu.memory_space<hbm>>
      %dma_wait3A_305 = tpu.memref_slice %arg2[%add3A_10] : memref<16384xi32, #tpu.memory_space<hbm>> -> memref<128xi32, #tpu.memory_space<hbm>>
      tpu.wait_dma2 semaphore(%run_scoped3A : memref<!tpu.dma_semaphore, #tpu.memory_space<semaphore_mem>>) src(%dma_wait3A_305 : memref<128xi32, #tpu.memory_space<hbm>>) dst(%arg13 : memref<128xi32, #tpu.memory_space<vmem>>)
      tpu.yield
    }) : () -> ()
    "tpu.region"() ({
      %run_scoped3A = tpu.sem_alloc : memref<!tpu.dma_semaphore, #tpu.memory_space<semaphore_mem>>
      %dma_start3A_302 = tpu.memref_slice %arg4[%add3A_10] : memref<16384xi32, #tpu.memory_space<hbm>> -> memref<128xi32, #tpu.memory_space<hbm>>
      %dma_start3A_303 = tpu.memref_slice %arg4[%add3A_10] : memref<16384xi32, #tpu.memory_space<hbm>> -> memref<128xi32, #tpu.memory_space<hbm>>
      tpu.enqueue_dma source(%dma_start3A_303 : memref<128xi32, #tpu.memory_space<hbm>>) target(%arg17 : memref<128xi32, #tpu.memory_space<vmem>>) target_semaphore(%run_scoped3A : memref<!tpu.dma_semaphore, #tpu.memory_space<semaphore_mem>>)
      %dma_wait3A_304 = tpu.memref_slice %arg4[%add3A_10] : memref<16384xi32, #tpu.memory_space<hbm>> -> memref<128xi32, #tpu.memory_space<hbm>>
      %dma_wait3A_305 = tpu.memref_slice %arg4[%add3A_10] : memref<16384xi32, #tpu.memory_space<hbm>> -> memref<128xi32, #tpu.memory_space<hbm>>
      tpu.wait_dma2 semaphore(%run_scoped3A : memref<!tpu.dma_semaphore, #tpu.memory_space<semaphore_mem>>) src(%dma_wait3A_305 : memref<128xi32, #tpu.memory_space<hbm>>) dst(%arg17 : memref<128xi32, #tpu.memory_space<vmem>>)
      tpu.yield
    }) : () -> ()
    "tpu.region"() ({
      %run_scoped3A = tpu.sem_alloc : memref<!tpu.dma_semaphore, #tpu.memory_space<semaphore_mem>>
      %dma_start3A_302 = tpu.memref_slice %arg3[%add3A_10] : memref<16384xi32, #tpu.memory_space<hbm>> -> memref<128xi32, #tpu.memory_space<hbm>>
      %dma_start3A_303 = tpu.memref_slice %arg3[%add3A_10] : memref<16384xi32, #tpu.memory_space<hbm>> -> memref<128xi32, #tpu.memory_space<hbm>>
      tpu.enqueue_dma source(%dma_start3A_303 : memref<128xi32, #tpu.memory_space<hbm>>) target(%arg21 : memref<128xi32, #tpu.memory_space<vmem>>) target_semaphore(%run_scoped3A : memref<!tpu.dma_semaphore, #tpu.memory_space<semaphore_mem>>)
      %dma_wait3A_304 = tpu.memref_slice %arg3[%add3A_10] : memref<16384xi32, #tpu.memory_space<hbm>> -> memref<128xi32, #tpu.memory_space<hbm>>
      %dma_wait3A_305 = tpu.memref_slice %arg3[%add3A_10] : memref<16384xi32, #tpu.memory_space<hbm>> -> memref<128xi32, #tpu.memory_space<hbm>>
      tpu.wait_dma2 semaphore(%run_scoped3A : memref<!tpu.dma_semaphore, #tpu.memory_space<semaphore_mem>>) src(%dma_wait3A_305 : memref<128xi32, #tpu.memory_space<hbm>>) dst(%arg21 : memref<128xi32, #tpu.memory_space<vmem>>)
      tpu.yield
    }) : () -> ()
    %dma_start3A = arith.constant 0 : i32
    %dma_start3A_11 = arith.constant 0 : i32
    %dma_start3A_12 = tpu.memref_slice %arg22[%dma_start3A, %dma_start3A_11] : memref<512x32xbf16, #tpu.memory_space<vmem>> -> memref<128x32xbf16, #tpu.memory_space<vmem>>
    %dma_start3A_13 = arith.constant 0 : i32
    %dma_start3A_14 = arith.constant 0 : i32
    %dma_start3A_15 = tpu.memref_slice %arg5[%dma_start3A_13, %dma_start3A_14] : memref<1000000x32xbf16, #tpu.memory_space<hbm>> -> memref<1000000x32xbf16, #tpu.memory_space<hbm>>
    tpu.enqueue_indirect_dma source(%dma_start3A_15 : memref<1000000x32xbf16, #tpu.memory_space<hbm>>) target(%dma_start3A_12 : memref<128x32xbf16, #tpu.memory_space<vmem>>) offsets(%arg10 : memref<128xi32, #tpu.memory_space<vmem>>) semaphore(%arg31 : memref<!tpu.dma_semaphore, #tpu.memory_space<semaphore_mem>>)
    %dma_start3A_16 = arith.constant 0 : i32
    %dma_start3A_17 = arith.constant 0 : i32
    %dma_start3A_18 = tpu.memref_slice %arg23[%dma_start3A_16, %dma_start3A_17] : memref<512x32xbf16, #tpu.memory_space<vmem>> -> memref<128x32xbf16, #tpu.memory_space<vmem>>
    %dma_start3A_19 = arith.constant 0 : i32
    %dma_start3A_20 = arith.constant 0 : i32
    %dma_start3A_21 = tpu.memref_slice %arg6[%dma_start3A_19, %dma_start3A_20] : memref<1000000x32xbf16, #tpu.memory_space<hbm>> -> memref<1000000x32xbf16, #tpu.memory_space<hbm>>
    tpu.enqueue_indirect_dma source(%dma_start3A_21 : memref<1000000x32xbf16, #tpu.memory_space<hbm>>) target(%dma_start3A_18 : memref<128x32xbf16, #tpu.memory_space<vmem>>) offsets(%arg10 : memref<128xi32, #tpu.memory_space<vmem>>) semaphore(%arg31 : memref<!tpu.dma_semaphore, #tpu.memory_space<semaphore_mem>>)
    %dma_start3A_22 = arith.constant 0 : i32
    %dma_start3A_23 = arith.constant 0 : i32
    %dma_start3A_24 = tpu.memref_slice %arg24[%dma_start3A_22, %dma_start3A_23] : memref<512x32xbf16, #tpu.memory_space<vmem>> -> memref<128x32xbf16, #tpu.memory_space<vmem>>
    %dma_start3A_25 = arith.constant 0 : i32
    %dma_start3A_26 = arith.constant 0 : i32
    %dma_start3A_27 = tpu.memref_slice %arg5[%dma_start3A_25, %dma_start3A_26] : memref<1000000x32xbf16, #tpu.memory_space<hbm>> -> memref<1000000x32xbf16, #tpu.memory_space<hbm>>
    tpu.enqueue_indirect_dma source(%dma_start3A_27 : memref<1000000x32xbf16, #tpu.memory_space<hbm>>) target(%dma_start3A_24 : memref<128x32xbf16, #tpu.memory_space<vmem>>) offsets(%arg14 : memref<128xi32, #tpu.memory_space<vmem>>) semaphore(%arg31 : memref<!tpu.dma_semaphore, #tpu.memory_space<semaphore_mem>>)
    %dma_start3A_28 = arith.constant 0 : i32
    %dma_start3A_29 = arith.constant 0 : i32
    %dma_start3A_30 = tpu.memref_slice %arg25[%dma_start3A_28, %dma_start3A_29] : memref<512x32xbf16, #tpu.memory_space<vmem>> -> memref<128x32xbf16, #tpu.memory_space<vmem>>
    %dma_start3A_31 = arith.constant 0 : i32
    %dma_start3A_32 = arith.constant 0 : i32
    %dma_start3A_33 = tpu.memref_slice %arg6[%dma_start3A_31, %dma_start3A_32] : memref<1000000x32xbf16, #tpu.memory_space<hbm>> -> memref<1000000x32xbf16, #tpu.memory_space<hbm>>
    tpu.enqueue_indirect_dma source(%dma_start3A_33 : memref<1000000x32xbf16, #tpu.memory_space<hbm>>) target(%dma_start3A_30 : memref<128x32xbf16, #tpu.memory_space<vmem>>) offsets(%arg14 : memref<128xi32, #tpu.memory_space<vmem>>) semaphore(%arg31 : memref<!tpu.dma_semaphore, #tpu.memory_space<semaphore_mem>>)
    %dma_start3A_34 = arith.constant 0 : i32
    %dma_start3A_35 = arith.constant 0 : i32
    %dma_start3A_36 = tpu.memref_slice %arg26[%dma_start3A_34, %dma_start3A_35] : memref<512x32xbf16, #tpu.memory_space<vmem>> -> memref<128x32xbf16, #tpu.memory_space<vmem>>
    %dma_start3A_37 = arith.constant 0 : i32
    %dma_start3A_38 = arith.constant 0 : i32
    %dma_start3A_39 = tpu.memref_slice %arg7[%dma_start3A_37, %dma_start3A_38] : memref<1000x32xbf16, #tpu.memory_space<hbm>> -> memref<1000x32xbf16, #tpu.memory_space<hbm>>
    tpu.enqueue_indirect_dma source(%dma_start3A_39 : memref<1000x32xbf16, #tpu.memory_space<hbm>>) target(%dma_start3A_36 : memref<128x32xbf16, #tpu.memory_space<vmem>>) offsets(%arg18 : memref<128xi32, #tpu.memory_space<vmem>>) semaphore(%arg31 : memref<!tpu.dma_semaphore, #tpu.memory_space<semaphore_mem>>)
    %dma_start3A_40 = arith.constant 0 : i32
    %dma_start3A_41 = arith.constant 0 : i32
    %dma_start3A_42 = tpu.memref_slice %arg27[%dma_start3A_40, %dma_start3A_41] : memref<512x32xbf16, #tpu.memory_space<vmem>> -> memref<128x32xbf16, #tpu.memory_space<vmem>>
    %dma_start3A_43 = arith.constant 0 : i32
    %dma_start3A_44 = arith.constant 0 : i32
    %dma_start3A_45 = tpu.memref_slice %arg8[%dma_start3A_43, %dma_start3A_44] : memref<1000x32xbf16, #tpu.memory_space<hbm>> -> memref<1000x32xbf16, #tpu.memory_space<hbm>>
    tpu.enqueue_indirect_dma source(%dma_start3A_45 : memref<1000x32xbf16, #tpu.memory_space<hbm>>) target(%dma_start3A_42 : memref<128x32xbf16, #tpu.memory_space<vmem>>) offsets(%arg18 : memref<128xi32, #tpu.memory_space<vmem>>) semaphore(%arg31 : memref<!tpu.dma_semaphore, #tpu.memory_space<semaphore_mem>>)
    %dma_start3A_46 = arith.constant 128 : i32
    %dma_start3A_47 = arith.constant 0 : i32
    %dma_start3A_48 = tpu.memref_slice %arg22[%dma_start3A_46, %dma_start3A_47] : memref<512x32xbf16, #tpu.memory_space<vmem>> -> memref<128x32xbf16, #tpu.memory_space<vmem>>
    %dma_start3A_49 = arith.constant 0 : i32
    %dma_start3A_50 = arith.constant 0 : i32
    %dma_start3A_51 = tpu.memref_slice %arg5[%dma_start3A_49, %dma_start3A_50] : memref<1000000x32xbf16, #tpu.memory_space<hbm>> -> memref<1000000x32xbf16, #tpu.memory_space<hbm>>
    tpu.enqueue_indirect_dma source(%dma_start3A_51 : memref<1000000x32xbf16, #tpu.memory_space<hbm>>) target(%dma_start3A_48 : memref<128x32xbf16, #tpu.memory_space<vmem>>) offsets(%arg11 : memref<128xi32, #tpu.memory_space<vmem>>) semaphore(%arg31 : memref<!tpu.dma_semaphore, #tpu.memory_space<semaphore_mem>>)
    %dma_start3A_52 = arith.constant 128 : i32
    %dma_start3A_53 = arith.constant 0 : i32
    %dma_start3A_54 = tpu.memref_slice %arg23[%dma_start3A_52, %dma_start3A_53] : memref<512x32xbf16, #tpu.memory_space<vmem>> -> memref<128x32xbf16, #tpu.memory_space<vmem>>
    %dma_start3A_55 = arith.constant 0 : i32
    %dma_start3A_56 = arith.constant 0 : i32
    %dma_start3A_57 = tpu.memref_slice %arg6[%dma_start3A_55, %dma_start3A_56] : memref<1000000x32xbf16, #tpu.memory_space<hbm>> -> memref<1000000x32xbf16, #tpu.memory_space<hbm>>
    tpu.enqueue_indirect_dma source(%dma_start3A_57 : memref<1000000x32xbf16, #tpu.memory_space<hbm>>) target(%dma_start3A_54 : memref<128x32xbf16, #tpu.memory_space<vmem>>) offsets(%arg11 : memref<128xi32, #tpu.memory_space<vmem>>) semaphore(%arg31 : memref<!tpu.dma_semaphore, #tpu.memory_space<semaphore_mem>>)
    %dma_start3A_58 = arith.constant 128 : i32
    %dma_start3A_59 = arith.constant 0 : i32
    %dma_start3A_60 = tpu.memref_slice %arg24[%dma_start3A_58, %dma_start3A_59] : memref<512x32xbf16, #tpu.memory_space<vmem>> -> memref<128x32xbf16, #tpu.memory_space<vmem>>
    %dma_start3A_61 = arith.constant 0 : i32
    %dma_start3A_62 = arith.constant 0 : i32
    %dma_start3A_63 = tpu.memref_slice %arg5[%dma_start3A_61, %dma_start3A_62] : memref<1000000x32xbf16, #tpu.memory_space<hbm>> -> memref<1000000x32xbf16, #tpu.memory_space<hbm>>
    tpu.enqueue_indirect_dma source(%dma_start3A_63 : memref<1000000x32xbf16, #tpu.memory_space<hbm>>) target(%dma_start3A_60 : memref<128x32xbf16, #tpu.memory_space<vmem>>) offsets(%arg15 : memref<128xi32, #tpu.memory_space<vmem>>) semaphore(%arg31 : memref<!tpu.dma_semaphore, #tpu.memory_space<semaphore_mem>>)
    %dma_start3A_64 = arith.constant 128 : i32
    %dma_start3A_65 = arith.constant 0 : i32
    %dma_start3A_66 = tpu.memref_slice %arg25[%dma_start3A_64, %dma_start3A_65] : memref<512x32xbf16, #tpu.memory_space<vmem>> -> memref<128x32xbf16, #tpu.memory_space<vmem>>
    %dma_start3A_67 = arith.constant 0 : i32
    %dma_start3A_68 = arith.constant 0 : i32
    %dma_start3A_69 = tpu.memref_slice %arg6[%dma_start3A_67, %dma_start3A_68] : memref<1000000x32xbf16, #tpu.memory_space<hbm>> -> memref<1000000x32xbf16, #tpu.memory_space<hbm>>
    tpu.enqueue_indirect_dma source(%dma_start3A_69 : memref<1000000x32xbf16, #tpu.memory_space<hbm>>) target(%dma_start3A_66 : memref<128x32xbf16, #tpu.memory_space<vmem>>) offsets(%arg15 : memref<128xi32, #tpu.memory_space<vmem>>) semaphore(%arg31 : memref<!tpu.dma_semaphore, #tpu.memory_space<semaphore_mem>>)
    %dma_start3A_70 = arith.constant 128 : i32
    %dma_start3A_71 = arith.constant 0 : i32
    %dma_start3A_72 = tpu.memref_slice %arg26[%dma_start3A_70, %dma_start3A_71] : memref<512x32xbf16, #tpu.memory_space<vmem>> -> memref<128x32xbf16, #tpu.memory_space<vmem>>
    %dma_start3A_73 = arith.constant 0 : i32
    %dma_start3A_74 = arith.constant 0 : i32
    %dma_start3A_75 = tpu.memref_slice %arg7[%dma_start3A_73, %dma_start3A_74] : memref<1000x32xbf16, #tpu.memory_space<hbm>> -> memref<1000x32xbf16, #tpu.memory_space<hbm>>
    tpu.enqueue_indirect_dma source(%dma_start3A_75 : memref<1000x32xbf16, #tpu.memory_space<hbm>>) target(%dma_start3A_72 : memref<128x32xbf16, #tpu.memory_space<vmem>>) offsets(%arg19 : memref<128xi32, #tpu.memory_space<vmem>>) semaphore(%arg31 : memref<!tpu.dma_semaphore, #tpu.memory_space<semaphore_mem>>)
    %dma_start3A_76 = arith.constant 128 : i32
    %dma_start3A_77 = arith.constant 0 : i32
    %dma_start3A_78 = tpu.memref_slice %arg27[%dma_start3A_76, %dma_start3A_77] : memref<512x32xbf16, #tpu.memory_space<vmem>> -> memref<128x32xbf16, #tpu.memory_space<vmem>>
    %dma_start3A_79 = arith.constant 0 : i32
    %dma_start3A_80 = arith.constant 0 : i32
    %dma_start3A_81 = tpu.memref_slice %arg8[%dma_start3A_79, %dma_start3A_80] : memref<1000x32xbf16, #tpu.memory_space<hbm>> -> memref<1000x32xbf16, #tpu.memory_space<hbm>>
    tpu.enqueue_indirect_dma source(%dma_start3A_81 : memref<1000x32xbf16, #tpu.memory_space<hbm>>) target(%dma_start3A_78 : memref<128x32xbf16, #tpu.memory_space<vmem>>) offsets(%arg19 : memref<128xi32, #tpu.memory_space<vmem>>) semaphore(%arg31 : memref<!tpu.dma_semaphore, #tpu.memory_space<semaphore_mem>>)
    %dma_start3A_82 = arith.constant 256 : i32
    %dma_start3A_83 = arith.constant 0 : i32
    %dma_start3A_84 = tpu.memref_slice %arg22[%dma_start3A_82, %dma_start3A_83] : memref<512x32xbf16, #tpu.memory_space<vmem>> -> memref<128x32xbf16, #tpu.memory_space<vmem>>
    %dma_start3A_85 = arith.constant 0 : i32
    %dma_start3A_86 = arith.constant 0 : i32
    %dma_start3A_87 = tpu.memref_slice %arg5[%dma_start3A_85, %dma_start3A_86] : memref<1000000x32xbf16, #tpu.memory_space<hbm>> -> memref<1000000x32xbf16, #tpu.memory_space<hbm>>
    tpu.enqueue_indirect_dma source(%dma_start3A_87 : memref<1000000x32xbf16, #tpu.memory_space<hbm>>) target(%dma_start3A_84 : memref<128x32xbf16, #tpu.memory_space<vmem>>) offsets(%arg12 : memref<128xi32, #tpu.memory_space<vmem>>) semaphore(%arg31 : memref<!tpu.dma_semaphore, #tpu.memory_space<semaphore_mem>>)
    %dma_start3A_88 = arith.constant 256 : i32
    %dma_start3A_89 = arith.constant 0 : i32
    %dma_start3A_90 = tpu.memref_slice %arg23[%dma_start3A_88, %dma_start3A_89] : memref<512x32xbf16, #tpu.memory_space<vmem>> -> memref<128x32xbf16, #tpu.memory_space<vmem>>
    %dma_start3A_91 = arith.constant 0 : i32
    %dma_start3A_92 = arith.constant 0 : i32
    %dma_start3A_93 = tpu.memref_slice %arg6[%dma_start3A_91, %dma_start3A_92] : memref<1000000x32xbf16, #tpu.memory_space<hbm>> -> memref<1000000x32xbf16, #tpu.memory_space<hbm>>
    tpu.enqueue_indirect_dma source(%dma_start3A_93 : memref<1000000x32xbf16, #tpu.memory_space<hbm>>) target(%dma_start3A_90 : memref<128x32xbf16, #tpu.memory_space<vmem>>) offsets(%arg12 : memref<128xi32, #tpu.memory_space<vmem>>) semaphore(%arg31 : memref<!tpu.dma_semaphore, #tpu.memory_space<semaphore_mem>>)
    %dma_start3A_94 = arith.constant 256 : i32
    %dma_start3A_95 = arith.constant 0 : i32
    %dma_start3A_96 = tpu.memref_slice %arg24[%dma_start3A_94, %dma_start3A_95] : memref<512x32xbf16, #tpu.memory_space<vmem>> -> memref<128x32xbf16, #tpu.memory_space<vmem>>
    %dma_start3A_97 = arith.constant 0 : i32
    %dma_start3A_98 = arith.constant 0 : i32
    %dma_start3A_99 = tpu.memref_slice %arg5[%dma_start3A_97, %dma_start3A_98] : memref<1000000x32xbf16, #tpu.memory_space<hbm>> -> memref<1000000x32xbf16, #tpu.memory_space<hbm>>
    tpu.enqueue_indirect_dma source(%dma_start3A_99 : memref<1000000x32xbf16, #tpu.memory_space<hbm>>) target(%dma_start3A_96 : memref<128x32xbf16, #tpu.memory_space<vmem>>) offsets(%arg16 : memref<128xi32, #tpu.memory_space<vmem>>) semaphore(%arg31 : memref<!tpu.dma_semaphore, #tpu.memory_space<semaphore_mem>>)
    %dma_start3A_100 = arith.constant 256 : i32
    %dma_start3A_101 = arith.constant 0 : i32
    %dma_start3A_102 = tpu.memref_slice %arg25[%dma_start3A_100, %dma_start3A_101] : memref<512x32xbf16, #tpu.memory_space<vmem>> -> memref<128x32xbf16, #tpu.memory_space<vmem>>
    %dma_start3A_103 = arith.constant 0 : i32
    %dma_start3A_104 = arith.constant 0 : i32
    %dma_start3A_105 = tpu.memref_slice %arg6[%dma_start3A_103, %dma_start3A_104] : memref<1000000x32xbf16, #tpu.memory_space<hbm>> -> memref<1000000x32xbf16, #tpu.memory_space<hbm>>
    tpu.enqueue_indirect_dma source(%dma_start3A_105 : memref<1000000x32xbf16, #tpu.memory_space<hbm>>) target(%dma_start3A_102 : memref<128x32xbf16, #tpu.memory_space<vmem>>) offsets(%arg16 : memref<128xi32, #tpu.memory_space<vmem>>) semaphore(%arg31 : memref<!tpu.dma_semaphore, #tpu.memory_space<semaphore_mem>>)
    %dma_start3A_106 = arith.constant 256 : i32
    %dma_start3A_107 = arith.constant 0 : i32
    %dma_start3A_108 = tpu.memref_slice %arg26[%dma_start3A_106, %dma_start3A_107] : memref<512x32xbf16, #tpu.memory_space<vmem>> -> memref<128x32xbf16, #tpu.memory_space<vmem>>
    %dma_start3A_109 = arith.constant 0 : i32
    %dma_start3A_110 = arith.constant 0 : i32
    %dma_start3A_111 = tpu.memref_slice %arg7[%dma_start3A_109, %dma_start3A_110] : memref<1000x32xbf16, #tpu.memory_space<hbm>> -> memref<1000x32xbf16, #tpu.memory_space<hbm>>
    tpu.enqueue_indirect_dma source(%dma_start3A_111 : memref<1000x32xbf16, #tpu.memory_space<hbm>>) target(%dma_start3A_108 : memref<128x32xbf16, #tpu.memory_space<vmem>>) offsets(%arg20 : memref<128xi32, #tpu.memory_space<vmem>>) semaphore(%arg31 : memref<!tpu.dma_semaphore, #tpu.memory_space<semaphore_mem>>)
    %dma_start3A_112 = arith.constant 256 : i32
    %dma_start3A_113 = arith.constant 0 : i32
    %dma_start3A_114 = tpu.memref_slice %arg27[%dma_start3A_112, %dma_start3A_113] : memref<512x32xbf16, #tpu.memory_space<vmem>> -> memref<128x32xbf16, #tpu.memory_space<vmem>>
    %dma_start3A_115 = arith.constant 0 : i32
    %dma_start3A_116 = arith.constant 0 : i32
    %dma_start3A_117 = tpu.memref_slice %arg8[%dma_start3A_115, %dma_start3A_116] : memref<1000x32xbf16, #tpu.memory_space<hbm>> -> memref<1000x32xbf16, #tpu.memory_space<hbm>>
    tpu.enqueue_indirect_dma source(%dma_start3A_117 : memref<1000x32xbf16, #tpu.memory_space<hbm>>) target(%dma_start3A_114 : memref<128x32xbf16, #tpu.memory_space<vmem>>) offsets(%arg20 : memref<128xi32, #tpu.memory_space<vmem>>) semaphore(%arg31 : memref<!tpu.dma_semaphore, #tpu.memory_space<semaphore_mem>>)
    %dma_start3A_118 = arith.constant 384 : i32
    %dma_start3A_119 = arith.constant 0 : i32
    %dma_start3A_120 = tpu.memref_slice %arg22[%dma_start3A_118, %dma_start3A_119] : memref<512x32xbf16, #tpu.memory_space<vmem>> -> memref<128x32xbf16, #tpu.memory_space<vmem>>
    %dma_start3A_121 = arith.constant 0 : i32
    %dma_start3A_122 = arith.constant 0 : i32
    %dma_start3A_123 = tpu.memref_slice %arg5[%dma_start3A_121, %dma_start3A_122] : memref<1000000x32xbf16, #tpu.memory_space<hbm>> -> memref<1000000x32xbf16, #tpu.memory_space<hbm>>
    tpu.enqueue_indirect_dma source(%dma_start3A_123 : memref<1000000x32xbf16, #tpu.memory_space<hbm>>) target(%dma_start3A_120 : memref<128x32xbf16, #tpu.memory_space<vmem>>) offsets(%arg13 : memref<128xi32, #tpu.memory_space<vmem>>) semaphore(%arg31 : memref<!tpu.dma_semaphore, #tpu.memory_space<semaphore_mem>>)
    %dma_start3A_124 = arith.constant 384 : i32
    %dma_start3A_125 = arith.constant 0 : i32
    %dma_start3A_126 = tpu.memref_slice %arg23[%dma_start3A_124, %dma_start3A_125] : memref<512x32xbf16, #tpu.memory_space<vmem>> -> memref<128x32xbf16, #tpu.memory_space<vmem>>
    %dma_start3A_127 = arith.constant 0 : i32
    %dma_start3A_128 = arith.constant 0 : i32
    %dma_start3A_129 = tpu.memref_slice %arg6[%dma_start3A_127, %dma_start3A_128] : memref<1000000x32xbf16, #tpu.memory_space<hbm>> -> memref<1000000x32xbf16, #tpu.memory_space<hbm>>
    tpu.enqueue_indirect_dma source(%dma_start3A_129 : memref<1000000x32xbf16, #tpu.memory_space<hbm>>) target(%dma_start3A_126 : memref<128x32xbf16, #tpu.memory_space<vmem>>) offsets(%arg13 : memref<128xi32, #tpu.memory_space<vmem>>) semaphore(%arg31 : memref<!tpu.dma_semaphore, #tpu.memory_space<semaphore_mem>>)
    %dma_start3A_130 = arith.constant 384 : i32
    %dma_start3A_131 = arith.constant 0 : i32
    %dma_start3A_132 = tpu.memref_slice %arg24[%dma_start3A_130, %dma_start3A_131] : memref<512x32xbf16, #tpu.memory_space<vmem>> -> memref<128x32xbf16, #tpu.memory_space<vmem>>
    %dma_start3A_133 = arith.constant 0 : i32
    %dma_start3A_134 = arith.constant 0 : i32
    %dma_start3A_135 = tpu.memref_slice %arg5[%dma_start3A_133, %dma_start3A_134] : memref<1000000x32xbf16, #tpu.memory_space<hbm>> -> memref<1000000x32xbf16, #tpu.memory_space<hbm>>
    tpu.enqueue_indirect_dma source(%dma_start3A_135 : memref<1000000x32xbf16, #tpu.memory_space<hbm>>) target(%dma_start3A_132 : memref<128x32xbf16, #tpu.memory_space<vmem>>) offsets(%arg17 : memref<128xi32, #tpu.memory_space<vmem>>) semaphore(%arg31 : memref<!tpu.dma_semaphore, #tpu.memory_space<semaphore_mem>>)
    %dma_start3A_136 = arith.constant 384 : i32
    %dma_start3A_137 = arith.constant 0 : i32
    %dma_start3A_138 = tpu.memref_slice %arg25[%dma_start3A_136, %dma_start3A_137] : memref<512x32xbf16, #tpu.memory_space<vmem>> -> memref<128x32xbf16, #tpu.memory_space<vmem>>
    %dma_start3A_139 = arith.constant 0 : i32
    %dma_start3A_140 = arith.constant 0 : i32
    %dma_start3A_141 = tpu.memref_slice %arg6[%dma_start3A_139, %dma_start3A_140] : memref<1000000x32xbf16, #tpu.memory_space<hbm>> -> memref<1000000x32xbf16, #tpu.memory_space<hbm>>
    tpu.enqueue_indirect_dma source(%dma_start3A_141 : memref<1000000x32xbf16, #tpu.memory_space<hbm>>) target(%dma_start3A_138 : memref<128x32xbf16, #tpu.memory_space<vmem>>) offsets(%arg17 : memref<128xi32, #tpu.memory_space<vmem>>) semaphore(%arg31 : memref<!tpu.dma_semaphore, #tpu.memory_space<semaphore_mem>>)
    %dma_start3A_142 = arith.constant 384 : i32
    %dma_start3A_143 = arith.constant 0 : i32
    %dma_start3A_144 = tpu.memref_slice %arg26[%dma_start3A_142, %dma_start3A_143] : memref<512x32xbf16, #tpu.memory_space<vmem>> -> memref<128x32xbf16, #tpu.memory_space<vmem>>
    %dma_start3A_145 = arith.constant 0 : i32
    %dma_start3A_146 = arith.constant 0 : i32
    %dma_start3A_147 = tpu.memref_slice %arg7[%dma_start3A_145, %dma_start3A_146] : memref<1000x32xbf16, #tpu.memory_space<hbm>> -> memref<1000x32xbf16, #tpu.memory_space<hbm>>
    tpu.enqueue_indirect_dma source(%dma_start3A_147 : memref<1000x32xbf16, #tpu.memory_space<hbm>>) target(%dma_start3A_144 : memref<128x32xbf16, #tpu.memory_space<vmem>>) offsets(%arg21 : memref<128xi32, #tpu.memory_space<vmem>>) semaphore(%arg31 : memref<!tpu.dma_semaphore, #tpu.memory_space<semaphore_mem>>)
    %dma_start3A_148 = arith.constant 384 : i32
    %dma_start3A_149 = arith.constant 0 : i32
    %dma_start3A_150 = tpu.memref_slice %arg27[%dma_start3A_148, %dma_start3A_149] : memref<512x32xbf16, #tpu.memory_space<vmem>> -> memref<128x32xbf16, #tpu.memory_space<vmem>>
    %dma_start3A_151 = arith.constant 0 : i32
    %dma_start3A_152 = arith.constant 0 : i32
    %dma_start3A_153 = tpu.memref_slice %arg8[%dma_start3A_151, %dma_start3A_152] : memref<1000x32xbf16, #tpu.memory_space<hbm>> -> memref<1000x32xbf16, #tpu.memory_space<hbm>>
    tpu.enqueue_indirect_dma source(%dma_start3A_153 : memref<1000x32xbf16, #tpu.memory_space<hbm>>) target(%dma_start3A_150 : memref<128x32xbf16, #tpu.memory_space<vmem>>) offsets(%arg21 : memref<128xi32, #tpu.memory_space<vmem>>) semaphore(%arg31 : memref<!tpu.dma_semaphore, #tpu.memory_space<semaphore_mem>>)
    %dma_wait3A = arith.constant 0 : i32
    %dma_wait3A_154 = arith.constant 0 : i32
    %dma_wait3A_155 = tpu.memref_slice %arg22[%dma_wait3A, %dma_wait3A_154] : memref<512x32xbf16, #tpu.memory_space<vmem>> -> memref<128x32xbf16, #tpu.memory_space<vmem>>
    %dma_wait3A_156 = arith.constant 0 : i32
    %dma_wait3A_157 = arith.constant 0 : i32
    %dma_wait3A_158 = tpu.memref_slice %arg5[%dma_wait3A_156, %dma_wait3A_157] : memref<1000000x32xbf16, #tpu.memory_space<hbm>> -> memref<1000000x32xbf16, #tpu.memory_space<hbm>>
    tpu.wait_indirect_dma semaphore(%arg31 : memref<!tpu.dma_semaphore, #tpu.memory_space<semaphore_mem>>) src(%dma_wait3A_158 : memref<1000000x32xbf16, #tpu.memory_space<hbm>>) dst(%dma_wait3A_155 : memref<128x32xbf16, #tpu.memory_space<vmem>>)
    %dma_wait3A_159 = arith.constant 0 : i32
    %dma_wait3A_160 = arith.constant 0 : i32
    %dma_wait3A_161 = tpu.memref_slice %arg23[%dma_wait3A_159, %dma_wait3A_160] : memref<512x32xbf16, #tpu.memory_space<vmem>> -> memref<128x32xbf16, #tpu.memory_space<vmem>>
    %dma_wait3A_162 = arith.constant 0 : i32
    %dma_wait3A_163 = arith.constant 0 : i32
    %dma_wait3A_164 = tpu.memref_slice %arg6[%dma_wait3A_162, %dma_wait3A_163] : memref<1000000x32xbf16, #tpu.memory_space<hbm>> -> memref<1000000x32xbf16, #tpu.memory_space<hbm>>
    tpu.wait_indirect_dma semaphore(%arg31 : memref<!tpu.dma_semaphore, #tpu.memory_space<semaphore_mem>>) src(%dma_wait3A_164 : memref<1000000x32xbf16, #tpu.memory_space<hbm>>) dst(%dma_wait3A_161 : memref<128x32xbf16, #tpu.memory_space<vmem>>)
    %dma_wait3A_165 = arith.constant 0 : i32
    %dma_wait3A_166 = arith.constant 0 : i32
    %dma_wait3A_167 = tpu.memref_slice %arg24[%dma_wait3A_165, %dma_wait3A_166] : memref<512x32xbf16, #tpu.memory_space<vmem>> -> memref<128x32xbf16, #tpu.memory_space<vmem>>
    %dma_wait3A_168 = arith.constant 0 : i32
    %dma_wait3A_169 = arith.constant 0 : i32
    %dma_wait3A_170 = tpu.memref_slice %arg5[%dma_wait3A_168, %dma_wait3A_169] : memref<1000000x32xbf16, #tpu.memory_space<hbm>> -> memref<1000000x32xbf16, #tpu.memory_space<hbm>>
    tpu.wait_indirect_dma semaphore(%arg31 : memref<!tpu.dma_semaphore, #tpu.memory_space<semaphore_mem>>) src(%dma_wait3A_170 : memref<1000000x32xbf16, #tpu.memory_space<hbm>>) dst(%dma_wait3A_167 : memref<128x32xbf16, #tpu.memory_space<vmem>>)
    %dma_wait3A_171 = arith.constant 0 : i32
    %dma_wait3A_172 = arith.constant 0 : i32
    %dma_wait3A_173 = tpu.memref_slice %arg25[%dma_wait3A_171, %dma_wait3A_172] : memref<512x32xbf16, #tpu.memory_space<vmem>> -> memref<128x32xbf16, #tpu.memory_space<vmem>>
    %dma_wait3A_174 = arith.constant 0 : i32
    %dma_wait3A_175 = arith.constant 0 : i32
    %dma_wait3A_176 = tpu.memref_slice %arg6[%dma_wait3A_174, %dma_wait3A_175] : memref<1000000x32xbf16, #tpu.memory_space<hbm>> -> memref<1000000x32xbf16, #tpu.memory_space<hbm>>
    tpu.wait_indirect_dma semaphore(%arg31 : memref<!tpu.dma_semaphore, #tpu.memory_space<semaphore_mem>>) src(%dma_wait3A_176 : memref<1000000x32xbf16, #tpu.memory_space<hbm>>) dst(%dma_wait3A_173 : memref<128x32xbf16, #tpu.memory_space<vmem>>)
    %dma_wait3A_177 = arith.constant 0 : i32
    %dma_wait3A_178 = arith.constant 0 : i32
    %dma_wait3A_179 = tpu.memref_slice %arg26[%dma_wait3A_177, %dma_wait3A_178] : memref<512x32xbf16, #tpu.memory_space<vmem>> -> memref<128x32xbf16, #tpu.memory_space<vmem>>
    %dma_wait3A_180 = arith.constant 0 : i32
    %dma_wait3A_181 = arith.constant 0 : i32
    %dma_wait3A_182 = tpu.memref_slice %arg7[%dma_wait3A_180, %dma_wait3A_181] : memref<1000x32xbf16, #tpu.memory_space<hbm>> -> memref<1000x32xbf16, #tpu.memory_space<hbm>>
    tpu.wait_indirect_dma semaphore(%arg31 : memref<!tpu.dma_semaphore, #tpu.memory_space<semaphore_mem>>) src(%dma_wait3A_182 : memref<1000x32xbf16, #tpu.memory_space<hbm>>) dst(%dma_wait3A_179 : memref<128x32xbf16, #tpu.memory_space<vmem>>)
    %dma_wait3A_183 = arith.constant 0 : i32
    %dma_wait3A_184 = arith.constant 0 : i32
    %dma_wait3A_185 = tpu.memref_slice %arg27[%dma_wait3A_183, %dma_wait3A_184] : memref<512x32xbf16, #tpu.memory_space<vmem>> -> memref<128x32xbf16, #tpu.memory_space<vmem>>
    %dma_wait3A_186 = arith.constant 0 : i32
    %dma_wait3A_187 = arith.constant 0 : i32
    %dma_wait3A_188 = tpu.memref_slice %arg8[%dma_wait3A_186, %dma_wait3A_187] : memref<1000x32xbf16, #tpu.memory_space<hbm>> -> memref<1000x32xbf16, #tpu.memory_space<hbm>>
    tpu.wait_indirect_dma semaphore(%arg31 : memref<!tpu.dma_semaphore, #tpu.memory_space<semaphore_mem>>) src(%dma_wait3A_188 : memref<1000x32xbf16, #tpu.memory_space<hbm>>) dst(%dma_wait3A_185 : memref<128x32xbf16, #tpu.memory_space<vmem>>)
    %dma_wait3A_189 = arith.constant 128 : i32
    %dma_wait3A_190 = arith.constant 0 : i32
    %dma_wait3A_191 = tpu.memref_slice %arg22[%dma_wait3A_189, %dma_wait3A_190] : memref<512x32xbf16, #tpu.memory_space<vmem>> -> memref<128x32xbf16, #tpu.memory_space<vmem>>
    %dma_wait3A_192 = arith.constant 0 : i32
    %dma_wait3A_193 = arith.constant 0 : i32
    %dma_wait3A_194 = tpu.memref_slice %arg5[%dma_wait3A_192, %dma_wait3A_193] : memref<1000000x32xbf16, #tpu.memory_space<hbm>> -> memref<1000000x32xbf16, #tpu.memory_space<hbm>>
    tpu.wait_indirect_dma semaphore(%arg31 : memref<!tpu.dma_semaphore, #tpu.memory_space<semaphore_mem>>) src(%dma_wait3A_194 : memref<1000000x32xbf16, #tpu.memory_space<hbm>>) dst(%dma_wait3A_191 : memref<128x32xbf16, #tpu.memory_space<vmem>>)
    %dma_wait3A_195 = arith.constant 128 : i32
    %dma_wait3A_196 = arith.constant 0 : i32
    %dma_wait3A_197 = tpu.memref_slice %arg23[%dma_wait3A_195, %dma_wait3A_196] : memref<512x32xbf16, #tpu.memory_space<vmem>> -> memref<128x32xbf16, #tpu.memory_space<vmem>>
    %dma_wait3A_198 = arith.constant 0 : i32
    %dma_wait3A_199 = arith.constant 0 : i32
    %dma_wait3A_200 = tpu.memref_slice %arg6[%dma_wait3A_198, %dma_wait3A_199] : memref<1000000x32xbf16, #tpu.memory_space<hbm>> -> memref<1000000x32xbf16, #tpu.memory_space<hbm>>
    tpu.wait_indirect_dma semaphore(%arg31 : memref<!tpu.dma_semaphore, #tpu.memory_space<semaphore_mem>>) src(%dma_wait3A_200 : memref<1000000x32xbf16, #tpu.memory_space<hbm>>) dst(%dma_wait3A_197 : memref<128x32xbf16, #tpu.memory_space<vmem>>)
    %dma_wait3A_201 = arith.constant 128 : i32
    %dma_wait3A_202 = arith.constant 0 : i32
    %dma_wait3A_203 = tpu.memref_slice %arg24[%dma_wait3A_201, %dma_wait3A_202] : memref<512x32xbf16, #tpu.memory_space<vmem>> -> memref<128x32xbf16, #tpu.memory_space<vmem>>
    %dma_wait3A_204 = arith.constant 0 : i32
    %dma_wait3A_205 = arith.constant 0 : i32
    %dma_wait3A_206 = tpu.memref_slice %arg5[%dma_wait3A_204, %dma_wait3A_205] : memref<1000000x32xbf16, #tpu.memory_space<hbm>> -> memref<1000000x32xbf16, #tpu.memory_space<hbm>>
    tpu.wait_indirect_dma semaphore(%arg31 : memref<!tpu.dma_semaphore, #tpu.memory_space<semaphore_mem>>) src(%dma_wait3A_206 : memref<1000000x32xbf16, #tpu.memory_space<hbm>>) dst(%dma_wait3A_203 : memref<128x32xbf16, #tpu.memory_space<vmem>>)
    %dma_wait3A_207 = arith.constant 128 : i32
    %dma_wait3A_208 = arith.constant 0 : i32
    %dma_wait3A_209 = tpu.memref_slice %arg25[%dma_wait3A_207, %dma_wait3A_208] : memref<512x32xbf16, #tpu.memory_space<vmem>> -> memref<128x32xbf16, #tpu.memory_space<vmem>>
    %dma_wait3A_210 = arith.constant 0 : i32
    %dma_wait3A_211 = arith.constant 0 : i32
    %dma_wait3A_212 = tpu.memref_slice %arg6[%dma_wait3A_210, %dma_wait3A_211] : memref<1000000x32xbf16, #tpu.memory_space<hbm>> -> memref<1000000x32xbf16, #tpu.memory_space<hbm>>
    tpu.wait_indirect_dma semaphore(%arg31 : memref<!tpu.dma_semaphore, #tpu.memory_space<semaphore_mem>>) src(%dma_wait3A_212 : memref<1000000x32xbf16, #tpu.memory_space<hbm>>) dst(%dma_wait3A_209 : memref<128x32xbf16, #tpu.memory_space<vmem>>)
    %dma_wait3A_213 = arith.constant 128 : i32
    %dma_wait3A_214 = arith.constant 0 : i32
    %dma_wait3A_215 = tpu.memref_slice %arg26[%dma_wait3A_213, %dma_wait3A_214] : memref<512x32xbf16, #tpu.memory_space<vmem>> -> memref<128x32xbf16, #tpu.memory_space<vmem>>
    %dma_wait3A_216 = arith.constant 0 : i32
    %dma_wait3A_217 = arith.constant 0 : i32
    %dma_wait3A_218 = tpu.memref_slice %arg7[%dma_wait3A_216, %dma_wait3A_217] : memref<1000x32xbf16, #tpu.memory_space<hbm>> -> memref<1000x32xbf16, #tpu.memory_space<hbm>>
    tpu.wait_indirect_dma semaphore(%arg31 : memref<!tpu.dma_semaphore, #tpu.memory_space<semaphore_mem>>) src(%dma_wait3A_218 : memref<1000x32xbf16, #tpu.memory_space<hbm>>) dst(%dma_wait3A_215 : memref<128x32xbf16, #tpu.memory_space<vmem>>)
    %dma_wait3A_219 = arith.constant 128 : i32
    %dma_wait3A_220 = arith.constant 0 : i32
    %dma_wait3A_221 = tpu.memref_slice %arg27[%dma_wait3A_219, %dma_wait3A_220] : memref<512x32xbf16, #tpu.memory_space<vmem>> -> memref<128x32xbf16, #tpu.memory_space<vmem>>
    %dma_wait3A_222 = arith.constant 0 : i32
    %dma_wait3A_223 = arith.constant 0 : i32
    %dma_wait3A_224 = tpu.memref_slice %arg8[%dma_wait3A_222, %dma_wait3A_223] : memref<1000x32xbf16, #tpu.memory_space<hbm>> -> memref<1000x32xbf16, #tpu.memory_space<hbm>>
    tpu.wait_indirect_dma semaphore(%arg31 : memref<!tpu.dma_semaphore, #tpu.memory_space<semaphore_mem>>) src(%dma_wait3A_224 : memref<1000x32xbf16, #tpu.memory_space<hbm>>) dst(%dma_wait3A_221 : memref<128x32xbf16, #tpu.memory_space<vmem>>)
    %dma_wait3A_225 = arith.constant 256 : i32
    %dma_wait3A_226 = arith.constant 0 : i32
    %dma_wait3A_227 = tpu.memref_slice %arg22[%dma_wait3A_225, %dma_wait3A_226] : memref<512x32xbf16, #tpu.memory_space<vmem>> -> memref<128x32xbf16, #tpu.memory_space<vmem>>
    %dma_wait3A_228 = arith.constant 0 : i32
    %dma_wait3A_229 = arith.constant 0 : i32
    %dma_wait3A_230 = tpu.memref_slice %arg5[%dma_wait3A_228, %dma_wait3A_229] : memref<1000000x32xbf16, #tpu.memory_space<hbm>> -> memref<1000000x32xbf16, #tpu.memory_space<hbm>>
    tpu.wait_indirect_dma semaphore(%arg31 : memref<!tpu.dma_semaphore, #tpu.memory_space<semaphore_mem>>) src(%dma_wait3A_230 : memref<1000000x32xbf16, #tpu.memory_space<hbm>>) dst(%dma_wait3A_227 : memref<128x32xbf16, #tpu.memory_space<vmem>>)
    %dma_wait3A_231 = arith.constant 256 : i32
    %dma_wait3A_232 = arith.constant 0 : i32
    %dma_wait3A_233 = tpu.memref_slice %arg23[%dma_wait3A_231, %dma_wait3A_232] : memref<512x32xbf16, #tpu.memory_space<vmem>> -> memref<128x32xbf16, #tpu.memory_space<vmem>>
    %dma_wait3A_234 = arith.constant 0 : i32
    %dma_wait3A_235 = arith.constant 0 : i32
    %dma_wait3A_236 = tpu.memref_slice %arg6[%dma_wait3A_234, %dma_wait3A_235] : memref<1000000x32xbf16, #tpu.memory_space<hbm>> -> memref<1000000x32xbf16, #tpu.memory_space<hbm>>
    tpu.wait_indirect_dma semaphore(%arg31 : memref<!tpu.dma_semaphore, #tpu.memory_space<semaphore_mem>>) src(%dma_wait3A_236 : memref<1000000x32xbf16, #tpu.memory_space<hbm>>) dst(%dma_wait3A_233 : memref<128x32xbf16, #tpu.memory_space<vmem>>)
    %dma_wait3A_237 = arith.constant 256 : i32
    %dma_wait3A_238 = arith.constant 0 : i32
    %dma_wait3A_239 = tpu.memref_slice %arg24[%dma_wait3A_237, %dma_wait3A_238] : memref<512x32xbf16, #tpu.memory_space<vmem>> -> memref<128x32xbf16, #tpu.memory_space<vmem>>
    %dma_wait3A_240 = arith.constant 0 : i32
    %dma_wait3A_241 = arith.constant 0 : i32
    %dma_wait3A_242 = tpu.memref_slice %arg5[%dma_wait3A_240, %dma_wait3A_241] : memref<1000000x32xbf16, #tpu.memory_space<hbm>> -> memref<1000000x32xbf16, #tpu.memory_space<hbm>>
    tpu.wait_indirect_dma semaphore(%arg31 : memref<!tpu.dma_semaphore, #tpu.memory_space<semaphore_mem>>) src(%dma_wait3A_242 : memref<1000000x32xbf16, #tpu.memory_space<hbm>>) dst(%dma_wait3A_239 : memref<128x32xbf16, #tpu.memory_space<vmem>>)
    %dma_wait3A_243 = arith.constant 256 : i32
    %dma_wait3A_244 = arith.constant 0 : i32
    %dma_wait3A_245 = tpu.memref_slice %arg25[%dma_wait3A_243, %dma_wait3A_244] : memref<512x32xbf16, #tpu.memory_space<vmem>> -> memref<128x32xbf16, #tpu.memory_space<vmem>>
    %dma_wait3A_246 = arith.constant 0 : i32
    %dma_wait3A_247 = arith.constant 0 : i32
    %dma_wait3A_248 = tpu.memref_slice %arg6[%dma_wait3A_246, %dma_wait3A_247] : memref<1000000x32xbf16, #tpu.memory_space<hbm>> -> memref<1000000x32xbf16, #tpu.memory_space<hbm>>
    tpu.wait_indirect_dma semaphore(%arg31 : memref<!tpu.dma_semaphore, #tpu.memory_space<semaphore_mem>>) src(%dma_wait3A_248 : memref<1000000x32xbf16, #tpu.memory_space<hbm>>) dst(%dma_wait3A_245 : memref<128x32xbf16, #tpu.memory_space<vmem>>)
    %dma_wait3A_249 = arith.constant 256 : i32
    %dma_wait3A_250 = arith.constant 0 : i32
    %dma_wait3A_251 = tpu.memref_slice %arg26[%dma_wait3A_249, %dma_wait3A_250] : memref<512x32xbf16, #tpu.memory_space<vmem>> -> memref<128x32xbf16, #tpu.memory_space<vmem>>
    %dma_wait3A_252 = arith.constant 0 : i32
    %dma_wait3A_253 = arith.constant 0 : i32
    %dma_wait3A_254 = tpu.memref_slice %arg7[%dma_wait3A_252, %dma_wait3A_253] : memref<1000x32xbf16, #tpu.memory_space<hbm>> -> memref<1000x32xbf16, #tpu.memory_space<hbm>>
    tpu.wait_indirect_dma semaphore(%arg31 : memref<!tpu.dma_semaphore, #tpu.memory_space<semaphore_mem>>) src(%dma_wait3A_254 : memref<1000x32xbf16, #tpu.memory_space<hbm>>) dst(%dma_wait3A_251 : memref<128x32xbf16, #tpu.memory_space<vmem>>)
    %dma_wait3A_255 = arith.constant 256 : i32
    %dma_wait3A_256 = arith.constant 0 : i32
    %dma_wait3A_257 = tpu.memref_slice %arg27[%dma_wait3A_255, %dma_wait3A_256] : memref<512x32xbf16, #tpu.memory_space<vmem>> -> memref<128x32xbf16, #tpu.memory_space<vmem>>
    %dma_wait3A_258 = arith.constant 0 : i32
    %dma_wait3A_259 = arith.constant 0 : i32
    %dma_wait3A_260 = tpu.memref_slice %arg8[%dma_wait3A_258, %dma_wait3A_259] : memref<1000x32xbf16, #tpu.memory_space<hbm>> -> memref<1000x32xbf16, #tpu.memory_space<hbm>>
    tpu.wait_indirect_dma semaphore(%arg31 : memref<!tpu.dma_semaphore, #tpu.memory_space<semaphore_mem>>) src(%dma_wait3A_260 : memref<1000x32xbf16, #tpu.memory_space<hbm>>) dst(%dma_wait3A_257 : memref<128x32xbf16, #tpu.memory_space<vmem>>)
    %dma_wait3A_261 = arith.constant 384 : i32
    %dma_wait3A_262 = arith.constant 0 : i32
    %dma_wait3A_263 = tpu.memref_slice %arg22[%dma_wait3A_261, %dma_wait3A_262] : memref<512x32xbf16, #tpu.memory_space<vmem>> -> memref<128x32xbf16, #tpu.memory_space<vmem>>
    %dma_wait3A_264 = arith.constant 0 : i32
    %dma_wait3A_265 = arith.constant 0 : i32
    %dma_wait3A_266 = tpu.memref_slice %arg5[%dma_wait3A_264, %dma_wait3A_265] : memref<1000000x32xbf16, #tpu.memory_space<hbm>> -> memref<1000000x32xbf16, #tpu.memory_space<hbm>>
    tpu.wait_indirect_dma semaphore(%arg31 : memref<!tpu.dma_semaphore, #tpu.memory_space<semaphore_mem>>) src(%dma_wait3A_266 : memref<1000000x32xbf16, #tpu.memory_space<hbm>>) dst(%dma_wait3A_263 : memref<128x32xbf16, #tpu.memory_space<vmem>>)
    %dma_wait3A_267 = arith.constant 384 : i32
    %dma_wait3A_268 = arith.constant 0 : i32
    %dma_wait3A_269 = tpu.memref_slice %arg23[%dma_wait3A_267, %dma_wait3A_268] : memref<512x32xbf16, #tpu.memory_space<vmem>> -> memref<128x32xbf16, #tpu.memory_space<vmem>>
    %dma_wait3A_270 = arith.constant 0 : i32
    %dma_wait3A_271 = arith.constant 0 : i32
    %dma_wait3A_272 = tpu.memref_slice %arg6[%dma_wait3A_270, %dma_wait3A_271] : memref<1000000x32xbf16, #tpu.memory_space<hbm>> -> memref<1000000x32xbf16, #tpu.memory_space<hbm>>
    tpu.wait_indirect_dma semaphore(%arg31 : memref<!tpu.dma_semaphore, #tpu.memory_space<semaphore_mem>>) src(%dma_wait3A_272 : memref<1000000x32xbf16, #tpu.memory_space<hbm>>) dst(%dma_wait3A_269 : memref<128x32xbf16, #tpu.memory_space<vmem>>)
    %dma_wait3A_273 = arith.constant 384 : i32
    %dma_wait3A_274 = arith.constant 0 : i32
    %dma_wait3A_275 = tpu.memref_slice %arg24[%dma_wait3A_273, %dma_wait3A_274] : memref<512x32xbf16, #tpu.memory_space<vmem>> -> memref<128x32xbf16, #tpu.memory_space<vmem>>
    %dma_wait3A_276 = arith.constant 0 : i32
    %dma_wait3A_277 = arith.constant 0 : i32
    %dma_wait3A_278 = tpu.memref_slice %arg5[%dma_wait3A_276, %dma_wait3A_277] : memref<1000000x32xbf16, #tpu.memory_space<hbm>> -> memref<1000000x32xbf16, #tpu.memory_space<hbm>>
    tpu.wait_indirect_dma semaphore(%arg31 : memref<!tpu.dma_semaphore, #tpu.memory_space<semaphore_mem>>) src(%dma_wait3A_278 : memref<1000000x32xbf16, #tpu.memory_space<hbm>>) dst(%dma_wait3A_275 : memref<128x32xbf16, #tpu.memory_space<vmem>>)
    %dma_wait3A_279 = arith.constant 384 : i32
    %dma_wait3A_280 = arith.constant 0 : i32
    %dma_wait3A_281 = tpu.memref_slice %arg25[%dma_wait3A_279, %dma_wait3A_280] : memref<512x32xbf16, #tpu.memory_space<vmem>> -> memref<128x32xbf16, #tpu.memory_space<vmem>>
    %dma_wait3A_282 = arith.constant 0 : i32
    %dma_wait3A_283 = arith.constant 0 : i32
    %dma_wait3A_284 = tpu.memref_slice %arg6[%dma_wait3A_282, %dma_wait3A_283] : memref<1000000x32xbf16, #tpu.memory_space<hbm>> -> memref<1000000x32xbf16, #tpu.memory_space<hbm>>
    tpu.wait_indirect_dma semaphore(%arg31 : memref<!tpu.dma_semaphore, #tpu.memory_space<semaphore_mem>>) src(%dma_wait3A_284 : memref<1000000x32xbf16, #tpu.memory_space<hbm>>) dst(%dma_wait3A_281 : memref<128x32xbf16, #tpu.memory_space<vmem>>)
    %dma_wait3A_285 = arith.constant 384 : i32
    %dma_wait3A_286 = arith.constant 0 : i32
    %dma_wait3A_287 = tpu.memref_slice %arg26[%dma_wait3A_285, %dma_wait3A_286] : memref<512x32xbf16, #tpu.memory_space<vmem>> -> memref<128x32xbf16, #tpu.memory_space<vmem>>
    %dma_wait3A_288 = arith.constant 0 : i32
    %dma_wait3A_289 = arith.constant 0 : i32
    %dma_wait3A_290 = tpu.memref_slice %arg7[%dma_wait3A_288, %dma_wait3A_289] : memref<1000x32xbf16, #tpu.memory_space<hbm>> -> memref<1000x32xbf16, #tpu.memory_space<hbm>>
    tpu.wait_indirect_dma semaphore(%arg31 : memref<!tpu.dma_semaphore, #tpu.memory_space<semaphore_mem>>) src(%dma_wait3A_290 : memref<1000x32xbf16, #tpu.memory_space<hbm>>) dst(%dma_wait3A_287 : memref<128x32xbf16, #tpu.memory_space<vmem>>)
    %dma_wait3A_291 = arith.constant 384 : i32
    %dma_wait3A_292 = arith.constant 0 : i32
    %dma_wait3A_293 = tpu.memref_slice %arg27[%dma_wait3A_291, %dma_wait3A_292] : memref<512x32xbf16, #tpu.memory_space<vmem>> -> memref<128x32xbf16, #tpu.memory_space<vmem>>
    %dma_wait3A_294 = arith.constant 0 : i32
    %dma_wait3A_295 = arith.constant 0 : i32
    %dma_wait3A_296 = tpu.memref_slice %arg8[%dma_wait3A_294, %dma_wait3A_295] : memref<1000x32xbf16, #tpu.memory_space<hbm>> -> memref<1000x32xbf16, #tpu.memory_space<hbm>>
    tpu.wait_indirect_dma semaphore(%arg31 : memref<!tpu.dma_semaphore, #tpu.memory_space<semaphore_mem>>) src(%dma_wait3A_296 : memref<1000x32xbf16, #tpu.memory_space<hbm>>) dst(%dma_wait3A_293 : memref<128x32xbf16, #tpu.memory_space<vmem>>)
    %iota3A = tpu.iota {dimensions = array<i32: 0>} : vector<16xi32>
    %scan3A = arith.constant 0 : i32
    %scan3A_297 = arith.constant 0 : i32
    %scan3A_298 = arith.constant 32 : i32
    %scan3A_299 = arith.addi %scan3A_297, %scan3A_298 : i32
    %scan3A_300 = arith.constant 1 : i32
    scf.for %scan3A_302 = %scan3A_297 to %scan3A_299 step %scan3A_300  : i32 {
      %mul3A_303 = arith.constant 16 : i32
      %mul3A_304 = arith.muli %scan3A_302, %mul3A_303 : i32
      %add3A_305 = arith.constant 0 : i32
      %add3A_306 = arith.addi %mul3A_304, %add3A_305 : i32
      %get3A = arith.index_cast %add3A_306 : i32 to index
      %get3A_307 = arith.constant 0 : index
      %get3A_308 = tpu.vector_load %arg22[%get3A, %get3A_307] {strides = array<i32>} : memref<512x32xbf16, #tpu.memory_space<vmem>>, vector<32xbf16>,
      %unpack3A = tpu.unpack_subelements %get3A_308, 0 {pack_format = #tpu.pack_format<interleaved>} : vector<32xbf16> -> vector<16xf32>
      %unpack3A_309 = tpu.unpack_subelements %get3A_308, 1 {pack_format = #tpu.pack_format<interleaved>} : vector<32xbf16> -> vector<16xf32>
      %get3A_310 = arith.index_cast %add3A_306 : i32 to index
      %get3A_311 = arith.constant 0 : index
      %get3A_312 = tpu.vector_load %arg26[%get3A_310, %get3A_311] {strides = array<i32>} : memref<512x32xbf16, #tpu.memory_space<vmem>>, vector<32xbf16>,
      %unpack3A_313 = tpu.unpack_subelements %get3A_312, 0 {pack_format = #tpu.pack_format<interleaved>} : vector<32xbf16> -> vector<16xf32>
      %unpack3A_314 = tpu.unpack_subelements %get3A_312, 1 {pack_format = #tpu.pack_format<interleaved>} : vector<32xbf16> -> vector<16xf32>
      %get3A_315 = arith.index_cast %add3A_306 : i32 to index
      %get3A_316 = arith.constant 0 : index
      %get3A_317 = tpu.vector_load %arg24[%get3A_315, %get3A_316] {strides = array<i32>} : memref<512x32xbf16, #tpu.memory_space<vmem>>, vector<32xbf16>,
      %unpack3A_318 = tpu.unpack_subelements %get3A_317, 0 {pack_format = #tpu.pack_format<interleaved>} : vector<32xbf16> -> vector<16xf32>
      %unpack3A_319 = tpu.unpack_subelements %get3A_317, 1 {pack_format = #tpu.pack_format<interleaved>} : vector<32xbf16> -> vector<16xf32>
      %get3A_320 = arith.index_cast %add3A_306 : i32 to index
      %get3A_321 = arith.constant 0 : index
      %get3A_322 = tpu.vector_load %arg23[%get3A_320, %get3A_321] {strides = array<i32>} : memref<512x32xbf16, #tpu.memory_space<vmem>>, vector<32xbf16>,
      %unpack3A_323 = tpu.unpack_subelements %get3A_322, 0 {pack_format = #tpu.pack_format<interleaved>} : vector<32xbf16> -> vector<16xf32>
      %unpack3A_324 = tpu.unpack_subelements %get3A_322, 1 {pack_format = #tpu.pack_format<interleaved>} : vector<32xbf16> -> vector<16xf32>
      %get3A_325 = arith.index_cast %add3A_306 : i32 to index
      %get3A_326 = arith.constant 0 : index
      %get3A_327 = tpu.vector_load %arg27[%get3A_325, %get3A_326] {strides = array<i32>} : memref<512x32xbf16, #tpu.memory_space<vmem>>, vector<32xbf16>,
      %unpack3A_328 = tpu.unpack_subelements %get3A_327, 0 {pack_format = #tpu.pack_format<interleaved>} : vector<32xbf16> -> vector<16xf32>
      %unpack3A_329 = tpu.unpack_subelements %get3A_327, 1 {pack_format = #tpu.pack_format<interleaved>} : vector<32xbf16> -> vector<16xf32>
      %get3A_330 = arith.index_cast %add3A_306 : i32 to index
      %get3A_331 = arith.constant 0 : index
      %get3A_332 = tpu.vector_load %arg25[%get3A_330, %get3A_331] {strides = array<i32>} : memref<512x32xbf16, #tpu.memory_space<vmem>>, vector<32xbf16>,
      %unpack3A_333 = tpu.unpack_subelements %get3A_332, 0 {pack_format = #tpu.pack_format<interleaved>} : vector<32xbf16> -> vector<16xf32>
      %unpack3A_334 = tpu.unpack_subelements %get3A_332, 1 {pack_format = #tpu.pack_format<interleaved>} : vector<32xbf16> -> vector<16xf32>
      %mul3A_335 = arith.mulf %unpack3A, %unpack3A_313 : vector<16xf32>
      %sub3A = arith.subf %mul3A_335, %unpack3A_318 : vector<16xf32>
      %mul3A_336 = arith.mulf %unpack3A_309, %unpack3A_314 : vector<16xf32>
      %sub3A_337 = arith.subf %mul3A_336, %unpack3A_319 : vector<16xf32>
      %mul3A_338 = arith.mulf %sub3A, %sub3A : vector<16xf32>
      %mul3A_339 = arith.mulf %sub3A_337, %sub3A_337 : vector<16xf32>
      %add3A_340 = arith.addf %mul3A_338, %mul3A_339 : vector<16xf32>
      %add3A_341 = arith.addf %unpack3A_323, %unpack3A_328 : vector<16xf32>
      %sub3A_342 = arith.subf %add3A_341, %unpack3A_333 : vector<16xf32>
      %mul3A_343 = arith.constant 0.159154937 : f32
      %mul3A_344 = vector.broadcast %mul3A_343 : f32 to vector<16xf32>
      %mul3A_345 = arith.mulf %sub3A_342, %mul3A_344 : vector<16xf32>
      %add3A_346 = arith.constant 0x4B400000 : f32
      %add3A_347 = vector.broadcast %add3A_346 : f32 to vector<16xf32>
      %add3A_348 = arith.addf %mul3A_345, %add3A_347 : vector<16xf32>
      %sub3A_349 = arith.constant 0x4B400000 : f32
      %sub3A_350 = vector.broadcast %sub3A_349 : f32 to vector<16xf32>
      %sub3A_351 = arith.subf %add3A_348, %sub3A_350 : vector<16xf32>
      %mul3A_352 = arith.constant 5.000000e-01 : f32
      %mul3A_353 = vector.broadcast %mul3A_352 : f32 to vector<16xf32>
      %mul3A_354 = arith.mulf %sub3A_342, %mul3A_353 : vector<16xf32>
      %mul3A_355 = arith.constant 3.14159274 : f32
      %mul3A_356 = vector.broadcast %mul3A_355 : f32 to vector<16xf32>
      %mul3A_357 = arith.mulf %sub3A_351, %mul3A_356 : vector<16xf32>
      %sub3A_358 = arith.subf %mul3A_354, %mul3A_357 : vector<16xf32>
      %mul3A_359 = arith.constant -8.74227765E-8 : f32
      %mul3A_360 = vector.broadcast %mul3A_359 : f32 to vector<16xf32>
      %mul3A_361 = arith.mulf %sub3A_351, %mul3A_360 : vector<16xf32>
      %sub3A_362 = arith.subf %sub3A_358, %mul3A_361 : vector<16xf32>
      %mul3A_363 = arith.mulf %sub3A_362, %sub3A_362 : vector<16xf32>
      %mul3A_364 = arith.constant -2.50521079E-8 : f32
      %mul3A_365 = vector.broadcast %mul3A_364 : f32 to vector<16xf32>
      %mul3A_366 = arith.mulf %mul3A_363, %mul3A_365 : vector<16xf32>
      %add3A_367 = arith.constant 2.75573188E-6 : f32
      %add3A_368 = vector.broadcast %add3A_367 : f32 to vector<16xf32>
      %add3A_369 = arith.addf %add3A_368, %mul3A_366 : vector<16xf32>
      %mul3A_370 = arith.mulf %mul3A_363, %add3A_369 : vector<16xf32>
      %add3A_371 = arith.constant -1.98412701E-4 : f32
      %add3A_372 = vector.broadcast %add3A_371 : f32 to vector<16xf32>
      %add3A_373 = arith.addf %add3A_372, %mul3A_370 : vector<16xf32>
      %mul3A_374 = arith.mulf %mul3A_363, %add3A_373 : vector<16xf32>
      %add3A_375 = arith.constant 0.00833333377 : f32
      %add3A_376 = vector.broadcast %add3A_375 : f32 to vector<16xf32>
      %add3A_377 = arith.addf %add3A_376, %mul3A_374 : vector<16xf32>
      %mul3A_378 = arith.mulf %mul3A_363, %add3A_377 : vector<16xf32>
      %add3A_379 = arith.constant -0.166666672 : f32
      %add3A_380 = vector.broadcast %add3A_379 : f32 to vector<16xf32>
      %add3A_381 = arith.addf %add3A_380, %mul3A_378 : vector<16xf32>
      %mul3A_382 = arith.mulf %mul3A_363, %add3A_381 : vector<16xf32>
      %add3A_383 = arith.constant 1.000000e+00 : f32
      %add3A_384 = vector.broadcast %add3A_383 : f32 to vector<16xf32>
      %add3A_385 = arith.addf %add3A_384, %mul3A_382 : vector<16xf32>
      %mul3A_386 = arith.mulf %sub3A_362, %add3A_385 : vector<16xf32>
      %abs3A = math.absf %mul3A_386 : vector<16xf32>
      %add3A_387 = arith.addf %unpack3A_324, %unpack3A_329 : vector<16xf32>
      %sub3A_388 = arith.subf %add3A_387, %unpack3A_334 : vector<16xf32>
      %mul3A_389 = arith.constant 0.159154937 : f32
      %mul3A_390 = vector.broadcast %mul3A_389 : f32 to vector<16xf32>
      %mul3A_391 = arith.mulf %sub3A_388, %mul3A_390 : vector<16xf32>
      %add3A_392 = arith.constant 0x4B400000 : f32
      %add3A_393 = vector.broadcast %add3A_392 : f32 to vector<16xf32>
      %add3A_394 = arith.addf %mul3A_391, %add3A_393 : vector<16xf32>
      %sub3A_395 = arith.constant 0x4B400000 : f32
      %sub3A_396 = vector.broadcast %sub3A_395 : f32 to vector<16xf32>
      %sub3A_397 = arith.subf %add3A_394, %sub3A_396 : vector<16xf32>
      %mul3A_398 = arith.constant 5.000000e-01 : f32
      %mul3A_399 = vector.broadcast %mul3A_398 : f32 to vector<16xf32>
      %mul3A_400 = arith.mulf %sub3A_388, %mul3A_399 : vector<16xf32>
      %mul3A_401 = arith.constant 3.14159274 : f32
      %mul3A_402 = vector.broadcast %mul3A_401 : f32 to vector<16xf32>
      %mul3A_403 = arith.mulf %sub3A_397, %mul3A_402 : vector<16xf32>
      %sub3A_404 = arith.subf %mul3A_400, %mul3A_403 : vector<16xf32>
      %mul3A_405 = arith.constant -8.74227765E-8 : f32
      %mul3A_406 = vector.broadcast %mul3A_405 : f32 to vector<16xf32>
      %mul3A_407 = arith.mulf %sub3A_397, %mul3A_406 : vector<16xf32>
      %sub3A_408 = arith.subf %sub3A_404, %mul3A_407 : vector<16xf32>
      %mul3A_409 = arith.mulf %sub3A_408, %sub3A_408 : vector<16xf32>
      %mul3A_410 = arith.constant -2.50521079E-8 : f32
      %mul3A_411 = vector.broadcast %mul3A_410 : f32 to vector<16xf32>
      %mul3A_412 = arith.mulf %mul3A_409, %mul3A_411 : vector<16xf32>
      %add3A_413 = arith.constant 2.75573188E-6 : f32
      %add3A_414 = vector.broadcast %add3A_413 : f32 to vector<16xf32>
      %add3A_415 = arith.addf %add3A_414, %mul3A_412 : vector<16xf32>
      %mul3A_416 = arith.mulf %mul3A_409, %add3A_415 : vector<16xf32>
      %add3A_417 = arith.constant -1.98412701E-4 : f32
      %add3A_418 = vector.broadcast %add3A_417 : f32 to vector<16xf32>
      %add3A_419 = arith.addf %add3A_418, %mul3A_416 : vector<16xf32>
      %mul3A_420 = arith.mulf %mul3A_409, %add3A_419 : vector<16xf32>
      %add3A_421 = arith.constant 0.00833333377 : f32
      %add3A_422 = vector.broadcast %add3A_421 : f32 to vector<16xf32>
      %add3A_423 = arith.addf %add3A_422, %mul3A_420 : vector<16xf32>
      %mul3A_424 = arith.mulf %mul3A_409, %add3A_423 : vector<16xf32>
      %add3A_425 = arith.constant -0.166666672 : f32
      %add3A_426 = vector.broadcast %add3A_425 : f32 to vector<16xf32>
      %add3A_427 = arith.addf %add3A_426, %mul3A_424 : vector<16xf32>
      %mul3A_428 = arith.mulf %mul3A_409, %add3A_427 : vector<16xf32>
      %add3A_429 = arith.constant 1.000000e+00 : f32
      %add3A_430 = vector.broadcast %add3A_429 : f32 to vector<16xf32>
      %add3A_431 = arith.addf %add3A_430, %mul3A_428 : vector<16xf32>
      %mul3A_432 = arith.mulf %sub3A_408, %add3A_431 : vector<16xf32>
      %abs3A_433 = math.absf %mul3A_432 : vector<16xf32>
      %add3A_434 = arith.addf %abs3A, %abs3A_433 : vector<16xf32>
      %swap3A = arith.constant 0 : index
      %swap3A_435 = tpu.vector_load %arg28[%swap3A] {strides = array<i32>} : memref<256xf32, #tpu.memory_space<vmem>>, vector<16xf32>,
      tpu.vector_store %arg28[%swap3A], %add3A_340 {strides = array<i32>} : memref<256xf32, #tpu.memory_space<vmem>>, vector<16xf32>,
      %swap3A_436 = arith.constant 0 : index
      %swap3A_437 = tpu.vector_load %arg29[%swap3A_436] {strides = array<i32>} : memref<256xf32, #tpu.memory_space<vmem>>, vector<16xf32>,
      tpu.vector_store %arg29[%swap3A_436], %add3A_434 {strides = array<i32>} : memref<256xf32, #tpu.memory_space<vmem>>, vector<16xf32>,
      %add3A_438 = arith.constant 1 : i32
      %add3A_439 = arith.addi %mul3A_304, %add3A_438 : i32
      %get3A_440 = arith.index_cast %add3A_439 : i32 to index
      %get3A_441 = arith.constant 0 : index
      %get3A_442 = tpu.vector_load %arg22[%get3A_440, %get3A_441] {strides = array<i32>} : memref<512x32xbf16, #tpu.memory_space<vmem>>, vector<32xbf16>,
      %unpack3A_443 = tpu.unpack_subelements %get3A_442, 0 {pack_format = #tpu.pack_format<interleaved>} : vector<32xbf16> -> vector<16xf32>
      %unpack3A_444 = tpu.unpack_subelements %get3A_442, 1 {pack_format = #tpu.pack_format<interleaved>} : vector<32xbf16> -> vector<16xf32>
      %get3A_445 = arith.index_cast %add3A_439 : i32 to index
      %get3A_446 = arith.constant 0 : index
      %get3A_447 = tpu.vector_load %arg26[%get3A_445, %get3A_446] {strides = array<i32>} : memref<512x32xbf16, #tpu.memory_space<vmem>>, vector<32xbf16>,
      %unpack3A_448 = tpu.unpack_subelements %get3A_447, 0 {pack_format = #tpu.pack_format<interleaved>} : vector<32xbf16> -> vector<16xf32>
      %unpack3A_449 = tpu.unpack_subelements %get3A_447, 1 {pack_format = #tpu.pack_format<interleaved>} : vector<32xbf16> -> vector<16xf32>
      %get3A_450 = arith.index_cast %add3A_439 : i32 to index
      %get3A_451 = arith.constant 0 : index
      %get3A_452 = tpu.vector_load %arg24[%get3A_450, %get3A_451] {strides = array<i32>} : memref<512x32xbf16, #tpu.memory_space<vmem>>, vector<32xbf16>,
      %unpack3A_453 = tpu.unpack_subelements %get3A_452, 0 {pack_format = #tpu.pack_format<interleaved>} : vector<32xbf16> -> vector<16xf32>
      %unpack3A_454 = tpu.unpack_subelements %get3A_452, 1 {pack_format = #tpu.pack_format<interleaved>} : vector<32xbf16> -> vector<16xf32>
      %get3A_455 = arith.index_cast %add3A_439 : i32 to index
      %get3A_456 = arith.constant 0 : index
      %get3A_457 = tpu.vector_load %arg23[%get3A_455, %get3A_456] {strides = array<i32>} : memref<512x32xbf16, #tpu.memory_space<vmem>>, vector<32xbf16>,
      %unpack3A_458 = tpu.unpack_subelements %get3A_457, 0 {pack_format = #tpu.pack_format<interleaved>} : vector<32xbf16> -> vector<16xf32>
      %unpack3A_459 = tpu.unpack_subelements %get3A_457, 1 {pack_format = #tpu.pack_format<interleaved>} : vector<32xbf16> -> vector<16xf32>
      %get3A_460 = arith.index_cast %add3A_439 : i32 to index
      %get3A_461 = arith.constant 0 : index
      %get3A_462 = tpu.vector_load %arg27[%get3A_460, %get3A_461] {strides = array<i32>} : memref<512x32xbf16, #tpu.memory_space<vmem>>, vector<32xbf16>,
      %unpack3A_463 = tpu.unpack_subelements %get3A_462, 0 {pack_format = #tpu.pack_format<interleaved>} : vector<32xbf16> -> vector<16xf32>
      %unpack3A_464 = tpu.unpack_subelements %get3A_462, 1 {pack_format = #tpu.pack_format<interleaved>} : vector<32xbf16> -> vector<16xf32>
      %get3A_465 = arith.index_cast %add3A_439 : i32 to index
      %get3A_466 = arith.constant 0 : index
      %get3A_467 = tpu.vector_load %arg25[%get3A_465, %get3A_466] {strides = array<i32>} : memref<512x32xbf16, #tpu.memory_space<vmem>>, vector<32xbf16>,
      %unpack3A_468 = tpu.unpack_subelements %get3A_467, 0 {pack_format = #tpu.pack_format<interleaved>} : vector<32xbf16> -> vector<16xf32>
      %unpack3A_469 = tpu.unpack_subelements %get3A_467, 1 {pack_format = #tpu.pack_format<interleaved>} : vector<32xbf16> -> vector<16xf32>
      %mul3A_470 = arith.mulf %unpack3A_443, %unpack3A_448 : vector<16xf32>
      %sub3A_471 = arith.subf %mul3A_470, %unpack3A_453 : vector<16xf32>
      %mul3A_472 = arith.mulf %unpack3A_444, %unpack3A_449 : vector<16xf32>
      %sub3A_473 = arith.subf %mul3A_472, %unpack3A_454 : vector<16xf32>
      %mul3A_474 = arith.mulf %sub3A_471, %sub3A_471 : vector<16xf32>
      %mul3A_475 = arith.mulf %sub3A_473, %sub3A_473 : vector<16xf32>
      %add3A_476 = arith.addf %mul3A_474, %mul3A_475 : vector<16xf32>
      %add3A_477 = arith.addf %unpack3A_458, %unpack3A_463 : vector<16xf32>
      %sub3A_478 = arith.subf %add3A_477, %unpack3A_468 : vector<16xf32>
      %mul3A_479 = arith.constant 0.159154937 : f32
      %mul3A_480 = vector.broadcast %mul3A_479 : f32 to vector<16xf32>
      %mul3A_481 = arith.mulf %sub3A_478, %mul3A_480 : vector<16xf32>
      %add3A_482 = arith.constant 0x4B400000 : f32
      %add3A_483 = vector.broadcast %add3A_482 : f32 to vector<16xf32>
      %add3A_484 = arith.addf %mul3A_481, %add3A_483 : vector<16xf32>
      %sub3A_485 = arith.constant 0x4B400000 : f32
      %sub3A_486 = vector.broadcast %sub3A_485 : f32 to vector<16xf32>
      %sub3A_487 = arith.subf %add3A_484, %sub3A_486 : vector<16xf32>
      %mul3A_488 = arith.constant 5.000000e-01 : f32
      %mul3A_489 = vector.broadcast %mul3A_488 : f32 to vector<16xf32>
      %mul3A_490 = arith.mulf %sub3A_478, %mul3A_489 : vector<16xf32>
      %mul3A_491 = arith.constant 3.14159274 : f32
      %mul3A_492 = vector.broadcast %mul3A_491 : f32 to vector<16xf32>
      %mul3A_493 = arith.mulf %sub3A_487, %mul3A_492 : vector<16xf32>
      %sub3A_494 = arith.subf %mul3A_490, %mul3A_493 : vector<16xf32>
      %mul3A_495 = arith.constant -8.74227765E-8 : f32
      %mul3A_496 = vector.broadcast %mul3A_495 : f32 to vector<16xf32>
      %mul3A_497 = arith.mulf %sub3A_487, %mul3A_496 : vector<16xf32>
      %sub3A_498 = arith.subf %sub3A_494, %mul3A_497 : vector<16xf32>
      %mul3A_499 = arith.mulf %sub3A_498, %sub3A_498 : vector<16xf32>
      %mul3A_500 = arith.constant -2.50521079E-8 : f32
      %mul3A_501 = vector.broadcast %mul3A_500 : f32 to vector<16xf32>
      %mul3A_502 = arith.mulf %mul3A_499, %mul3A_501 : vector<16xf32>
      %add3A_503 = arith.constant 2.75573188E-6 : f32
      %add3A_504 = vector.broadcast %add3A_503 : f32 to vector<16xf32>
      %add3A_505 = arith.addf %add3A_504, %mul3A_502 : vector<16xf32>
      %mul3A_506 = arith.mulf %mul3A_499, %add3A_505 : vector<16xf32>
      %add3A_507 = arith.constant -1.98412701E-4 : f32
      %add3A_508 = vector.broadcast %add3A_507 : f32 to vector<16xf32>
      %add3A_509 = arith.addf %add3A_508, %mul3A_506 : vector<16xf32>
      %mul3A_510 = arith.mulf %mul3A_499, %add3A_509 : vector<16xf32>
      %add3A_511 = arith.constant 0.00833333377 : f32
      %add3A_512 = vector.broadcast %add3A_511 : f32 to vector<16xf32>
      %add3A_513 = arith.addf %add3A_512, %mul3A_510 : vector<16xf32>
      %mul3A_514 = arith.mulf %mul3A_499, %add3A_513 : vector<16xf32>
      %add3A_515 = arith.constant -0.166666672 : f32
      %add3A_516 = vector.broadcast %add3A_515 : f32 to vector<16xf32>
      %add3A_517 = arith.addf %add3A_516, %mul3A_514 : vector<16xf32>
      %mul3A_518 = arith.mulf %mul3A_499, %add3A_517 : vector<16xf32>
      %add3A_519 = arith.constant 1.000000e+00 : f32
      %add3A_520 = vector.broadcast %add3A_519 : f32 to vector<16xf32>
      %add3A_521 = arith.addf %add3A_520, %mul3A_518 : vector<16xf32>
      %mul3A_522 = arith.mulf %sub3A_498, %add3A_521 : vector<16xf32>
      %abs3A_523 = math.absf %mul3A_522 : vector<16xf32>
      %add3A_524 = arith.addf %unpack3A_459, %unpack3A_464 : vector<16xf32>
      %sub3A_525 = arith.subf %add3A_524, %unpack3A_469 : vector<16xf32>
      %mul3A_526 = arith.constant 0.159154937 : f32
      %mul3A_527 = vector.broadcast %mul3A_526 : f32 to vector<16xf32>
      %mul3A_528 = arith.mulf %sub3A_525, %mul3A_527 : vector<16xf32>
      %add3A_529 = arith.constant 0x4B400000 : f32
      %add3A_530 = vector.broadcast %add3A_529 : f32 to vector<16xf32>
      %add3A_531 = arith.addf %mul3A_528, %add3A_530 : vector<16xf32>
      %sub3A_532 = arith.constant 0x4B400000 : f32
      %sub3A_533 = vector.broadcast %sub3A_532 : f32 to vector<16xf32>
      %sub3A_534 = arith.subf %add3A_531, %sub3A_533 : vector<16xf32>
      %mul3A_535 = arith.constant 5.000000e-01 : f32
      %mul3A_536 = vector.broadcast %mul3A_535 : f32 to vector<16xf32>
      %mul3A_537 = arith.mulf %sub3A_525, %mul3A_536 : vector<16xf32>
      %mul3A_538 = arith.constant 3.14159274 : f32
      %mul3A_539 = vector.broadcast %mul3A_538 : f32 to vector<16xf32>
      %mul3A_540 = arith.mulf %sub3A_534, %mul3A_539 : vector<16xf32>
      %sub3A_541 = arith.subf %mul3A_537, %mul3A_540 : vector<16xf32>
      %mul3A_542 = arith.constant -8.74227765E-8 : f32
      %mul3A_543 = vector.broadcast %mul3A_542 : f32 to vector<16xf32>
      %mul3A_544 = arith.mulf %sub3A_534, %mul3A_543 : vector<16xf32>
      %sub3A_545 = arith.subf %sub3A_541, %mul3A_544 : vector<16xf32>
      %mul3A_546 = arith.mulf %sub3A_545, %sub3A_545 : vector<16xf32>
      %mul3A_547 = arith.constant -2.50521079E-8 : f32
      %mul3A_548 = vector.broadcast %mul3A_547 : f32 to vector<16xf32>
      %mul3A_549 = arith.mulf %mul3A_546, %mul3A_548 : vector<16xf32>
      %add3A_550 = arith.constant 2.75573188E-6 : f32
      %add3A_551 = vector.broadcast %add3A_550 : f32 to vector<16xf32>
      %add3A_552 = arith.addf %add3A_551, %mul3A_549 : vector<16xf32>
      %mul3A_553 = arith.mulf %mul3A_546, %add3A_552 : vector<16xf32>
      %add3A_554 = arith.constant -1.98412701E-4 : f32
      %add3A_555 = vector.broadcast %add3A_554 : f32 to vector<16xf32>
      %add3A_556 = arith.addf %add3A_555, %mul3A_553 : vector<16xf32>
      %mul3A_557 = arith.mulf %mul3A_546, %add3A_556 : vector<16xf32>
      %add3A_558 = arith.constant 0.00833333377 : f32
      %add3A_559 = vector.broadcast %add3A_558 : f32 to vector<16xf32>
      %add3A_560 = arith.addf %add3A_559, %mul3A_557 : vector<16xf32>
      %mul3A_561 = arith.mulf %mul3A_546, %add3A_560 : vector<16xf32>
      %add3A_562 = arith.constant -0.166666672 : f32
      %add3A_563 = vector.broadcast %add3A_562 : f32 to vector<16xf32>
      %add3A_564 = arith.addf %add3A_563, %mul3A_561 : vector<16xf32>
      %mul3A_565 = arith.mulf %mul3A_546, %add3A_564 : vector<16xf32>
      %add3A_566 = arith.constant 1.000000e+00 : f32
      %add3A_567 = vector.broadcast %add3A_566 : f32 to vector<16xf32>
      %add3A_568 = arith.addf %add3A_567, %mul3A_565 : vector<16xf32>
      %mul3A_569 = arith.mulf %sub3A_545, %add3A_568 : vector<16xf32>
      %abs3A_570 = math.absf %mul3A_569 : vector<16xf32>
      %add3A_571 = arith.addf %abs3A_523, %abs3A_570 : vector<16xf32>
      %swap3A_572 = arith.constant 16 : index
      %swap3A_573 = tpu.vector_load %arg28[%swap3A_572] {strides = array<i32>} : memref<256xf32, #tpu.memory_space<vmem>>, vector<16xf32>,
      tpu.vector_store %arg28[%swap3A_572], %add3A_476 {strides = array<i32>} : memref<256xf32, #tpu.memory_space<vmem>>, vector<16xf32>,
      %swap3A_574 = arith.constant 16 : index
      %swap3A_575 = tpu.vector_load %arg29[%swap3A_574] {strides = array<i32>} : memref<256xf32, #tpu.memory_space<vmem>>, vector<16xf32>,
      tpu.vector_store %arg29[%swap3A_574], %add3A_571 {strides = array<i32>} : memref<256xf32, #tpu.memory_space<vmem>>, vector<16xf32>,
      %add3A_576 = arith.constant 2 : i32
      %add3A_577 = arith.addi %mul3A_304, %add3A_576 : i32
      %get3A_578 = arith.index_cast %add3A_577 : i32 to index
      %get3A_579 = arith.constant 0 : index
      %get3A_580 = tpu.vector_load %arg22[%get3A_578, %get3A_579] {strides = array<i32>} : memref<512x32xbf16, #tpu.memory_space<vmem>>, vector<32xbf16>,
      %unpack3A_581 = tpu.unpack_subelements %get3A_580, 0 {pack_format = #tpu.pack_format<interleaved>} : vector<32xbf16> -> vector<16xf32>
      %unpack3A_582 = tpu.unpack_subelements %get3A_580, 1 {pack_format = #tpu.pack_format<interleaved>} : vector<32xbf16> -> vector<16xf32>
      %get3A_583 = arith.index_cast %add3A_577 : i32 to index
      %get3A_584 = arith.constant 0 : index
      %get3A_585 = tpu.vector_load %arg26[%get3A_583, %get3A_584] {strides = array<i32>} : memref<512x32xbf16, #tpu.memory_space<vmem>>, vector<32xbf16>,
      %unpack3A_586 = tpu.unpack_subelements %get3A_585, 0 {pack_format = #tpu.pack_format<interleaved>} : vector<32xbf16> -> vector<16xf32>
      %unpack3A_587 = tpu.unpack_subelements %get3A_585, 1 {pack_format = #tpu.pack_format<interleaved>} : vector<32xbf16> -> vector<16xf32>
      %get3A_588 = arith.index_cast %add3A_577 : i32 to index
      %get3A_589 = arith.constant 0 : index
      %get3A_590 = tpu.vector_load %arg24[%get3A_588, %get3A_589] {strides = array<i32>} : memref<512x32xbf16, #tpu.memory_space<vmem>>, vector<32xbf16>,
      %unpack3A_591 = tpu.unpack_subelements %get3A_590, 0 {pack_format = #tpu.pack_format<interleaved>} : vector<32xbf16> -> vector<16xf32>
      %unpack3A_592 = tpu.unpack_subelements %get3A_590, 1 {pack_format = #tpu.pack_format<interleaved>} : vector<32xbf16> -> vector<16xf32>
      %get3A_593 = arith.index_cast %add3A_577 : i32 to index
      %get3A_594 = arith.constant 0 : index
      %get3A_595 = tpu.vector_load %arg23[%get3A_593, %get3A_594] {strides = array<i32>} : memref<512x32xbf16, #tpu.memory_space<vmem>>, vector<32xbf16>,
      %unpack3A_596 = tpu.unpack_subelements %get3A_595, 0 {pack_format = #tpu.pack_format<interleaved>} : vector<32xbf16> -> vector<16xf32>
      %unpack3A_597 = tpu.unpack_subelements %get3A_595, 1 {pack_format = #tpu.pack_format<interleaved>} : vector<32xbf16> -> vector<16xf32>
      %get3A_598 = arith.index_cast %add3A_577 : i32 to index
      %get3A_599 = arith.constant 0 : index
      %get3A_600 = tpu.vector_load %arg27[%get3A_598, %get3A_599] {strides = array<i32>} : memref<512x32xbf16, #tpu.memory_space<vmem>>, vector<32xbf16>,
      %unpack3A_601 = tpu.unpack_subelements %get3A_600, 0 {pack_format = #tpu.pack_format<interleaved>} : vector<32xbf16> -> vector<16xf32>
      %unpack3A_602 = tpu.unpack_subelements %get3A_600, 1 {pack_format = #tpu.pack_format<interleaved>} : vector<32xbf16> -> vector<16xf32>
      %get3A_603 = arith.index_cast %add3A_577 : i32 to index
      %get3A_604 = arith.constant 0 : index
      %get3A_605 = tpu.vector_load %arg25[%get3A_603, %get3A_604] {strides = array<i32>} : memref<512x32xbf16, #tpu.memory_space<vmem>>, vector<32xbf16>,
      %unpack3A_606 = tpu.unpack_subelements %get3A_605, 0 {pack_format = #tpu.pack_format<interleaved>} : vector<32xbf16> -> vector<16xf32>
      %unpack3A_607 = tpu.unpack_subelements %get3A_605, 1 {pack_format = #tpu.pack_format<interleaved>} : vector<32xbf16> -> vector<16xf32>
      %mul3A_608 = arith.mulf %unpack3A_581, %unpack3A_586 : vector<16xf32>
      %sub3A_609 = arith.subf %mul3A_608, %unpack3A_591 : vector<16xf32>
      %mul3A_610 = arith.mulf %unpack3A_582, %unpack3A_587 : vector<16xf32>
      %sub3A_611 = arith.subf %mul3A_610, %unpack3A_592 : vector<16xf32>
      %mul3A_612 = arith.mulf %sub3A_609, %sub3A_609 : vector<16xf32>
      %mul3A_613 = arith.mulf %sub3A_611, %sub3A_611 : vector<16xf32>
      %add3A_614 = arith.addf %mul3A_612, %mul3A_613 : vector<16xf32>
      %add3A_615 = arith.addf %unpack3A_596, %unpack3A_601 : vector<16xf32>
      %sub3A_616 = arith.subf %add3A_615, %unpack3A_606 : vector<16xf32>
      %mul3A_617 = arith.constant 0.159154937 : f32
      %mul3A_618 = vector.broadcast %mul3A_617 : f32 to vector<16xf32>
      %mul3A_619 = arith.mulf %sub3A_616, %mul3A_618 : vector<16xf32>
      %add3A_620 = arith.constant 0x4B400000 : f32
      %add3A_621 = vector.broadcast %add3A_620 : f32 to vector<16xf32>
      %add3A_622 = arith.addf %mul3A_619, %add3A_621 : vector<16xf32>
      %sub3A_623 = arith.constant 0x4B400000 : f32
      %sub3A_624 = vector.broadcast %sub3A_623 : f32 to vector<16xf32>
      %sub3A_625 = arith.subf %add3A_622, %sub3A_624 : vector<16xf32>
      %mul3A_626 = arith.constant 5.000000e-01 : f32
      %mul3A_627 = vector.broadcast %mul3A_626 : f32 to vector<16xf32>
      %mul3A_628 = arith.mulf %sub3A_616, %mul3A_627 : vector<16xf32>
      %mul3A_629 = arith.constant 3.14159274 : f32
      %mul3A_630 = vector.broadcast %mul3A_629 : f32 to vector<16xf32>
      %mul3A_631 = arith.mulf %sub3A_625, %mul3A_630 : vector<16xf32>
      %sub3A_632 = arith.subf %mul3A_628, %mul3A_631 : vector<16xf32>
      %mul3A_633 = arith.constant -8.74227765E-8 : f32
      %mul3A_634 = vector.broadcast %mul3A_633 : f32 to vector<16xf32>
      %mul3A_635 = arith.mulf %sub3A_625, %mul3A_634 : vector<16xf32>
      %sub3A_636 = arith.subf %sub3A_632, %mul3A_635 : vector<16xf32>
      %mul3A_637 = arith.mulf %sub3A_636, %sub3A_636 : vector<16xf32>
      %mul3A_638 = arith.constant -2.50521079E-8 : f32
      %mul3A_639 = vector.broadcast %mul3A_638 : f32 to vector<16xf32>
      %mul3A_640 = arith.mulf %mul3A_637, %mul3A_639 : vector<16xf32>
      %add3A_641 = arith.constant 2.75573188E-6 : f32
      %add3A_642 = vector.broadcast %add3A_641 : f32 to vector<16xf32>
      %add3A_643 = arith.addf %add3A_642, %mul3A_640 : vector<16xf32>
      %mul3A_644 = arith.mulf %mul3A_637, %add3A_643 : vector<16xf32>
      %add3A_645 = arith.constant -1.98412701E-4 : f32
      %add3A_646 = vector.broadcast %add3A_645 : f32 to vector<16xf32>
      %add3A_647 = arith.addf %add3A_646, %mul3A_644 : vector<16xf32>
      %mul3A_648 = arith.mulf %mul3A_637, %add3A_647 : vector<16xf32>
      %add3A_649 = arith.constant 0.00833333377 : f32
      %add3A_650 = vector.broadcast %add3A_649 : f32 to vector<16xf32>
      %add3A_651 = arith.addf %add3A_650, %mul3A_648 : vector<16xf32>
      %mul3A_652 = arith.mulf %mul3A_637, %add3A_651 : vector<16xf32>
      %add3A_653 = arith.constant -0.166666672 : f32
      %add3A_654 = vector.broadcast %add3A_653 : f32 to vector<16xf32>
      %add3A_655 = arith.addf %add3A_654, %mul3A_652 : vector<16xf32>
      %mul3A_656 = arith.mulf %mul3A_637, %add3A_655 : vector<16xf32>
      %add3A_657 = arith.constant 1.000000e+00 : f32
      %add3A_658 = vector.broadcast %add3A_657 : f32 to vector<16xf32>
      %add3A_659 = arith.addf %add3A_658, %mul3A_656 : vector<16xf32>
      %mul3A_660 = arith.mulf %sub3A_636, %add3A_659 : vector<16xf32>
      %abs3A_661 = math.absf %mul3A_660 : vector<16xf32>
      %add3A_662 = arith.addf %unpack3A_597, %unpack3A_602 : vector<16xf32>
      %sub3A_663 = arith.subf %add3A_662, %unpack3A_607 : vector<16xf32>
      %mul3A_664 = arith.constant 0.159154937 : f32
      %mul3A_665 = vector.broadcast %mul3A_664 : f32 to vector<16xf32>
      %mul3A_666 = arith.mulf %sub3A_663, %mul3A_665 : vector<16xf32>
      %add3A_667 = arith.constant 0x4B400000 : f32
      %add3A_668 = vector.broadcast %add3A_667 : f32 to vector<16xf32>
      %add3A_669 = arith.addf %mul3A_666, %add3A_668 : vector<16xf32>
      %sub3A_670 = arith.constant 0x4B400000 : f32
      %sub3A_671 = vector.broadcast %sub3A_670 : f32 to vector<16xf32>
      %sub3A_672 = arith.subf %add3A_669, %sub3A_671 : vector<16xf32>
      %mul3A_673 = arith.constant 5.000000e-01 : f32
      %mul3A_674 = vector.broadcast %mul3A_673 : f32 to vector<16xf32>
      %mul3A_675 = arith.mulf %sub3A_663, %mul3A_674 : vector<16xf32>
      %mul3A_676 = arith.constant 3.14159274 : f32
      %mul3A_677 = vector.broadcast %mul3A_676 : f32 to vector<16xf32>
      %mul3A_678 = arith.mulf %sub3A_672, %mul3A_677 : vector<16xf32>
      %sub3A_679 = arith.subf %mul3A_675, %mul3A_678 : vector<16xf32>
      %mul3A_680 = arith.constant -8.74227765E-8 : f32
      %mul3A_681 = vector.broadcast %mul3A_680 : f32 to vector<16xf32>
      %mul3A_682 = arith.mulf %sub3A_672, %mul3A_681 : vector<16xf32>
      %sub3A_683 = arith.subf %sub3A_679, %mul3A_682 : vector<16xf32>
      %mul3A_684 = arith.mulf %sub3A_683, %sub3A_683 : vector<16xf32>
      %mul3A_685 = arith.constant -2.50521079E-8 : f32
      %mul3A_686 = vector.broadcast %mul3A_685 : f32 to vector<16xf32>
      %mul3A_687 = arith.mulf %mul3A_684, %mul3A_686 : vector<16xf32>
      %add3A_688 = arith.constant 2.75573188E-6 : f32
      %add3A_689 = vector.broadcast %add3A_688 : f32 to vector<16xf32>
      %add3A_690 = arith.addf %add3A_689, %mul3A_687 : vector<16xf32>
      %mul3A_691 = arith.mulf %mul3A_684, %add3A_690 : vector<16xf32>
      %add3A_692 = arith.constant -1.98412701E-4 : f32
      %add3A_693 = vector.broadcast %add3A_692 : f32 to vector<16xf32>
      %add3A_694 = arith.addf %add3A_693, %mul3A_691 : vector<16xf32>
      %mul3A_695 = arith.mulf %mul3A_684, %add3A_694 : vector<16xf32>
      %add3A_696 = arith.constant 0.00833333377 : f32
      %add3A_697 = vector.broadcast %add3A_696 : f32 to vector<16xf32>
      %add3A_698 = arith.addf %add3A_697, %mul3A_695 : vector<16xf32>
      %mul3A_699 = arith.mulf %mul3A_684, %add3A_698 : vector<16xf32>
      %add3A_700 = arith.constant -0.166666672 : f32
      %add3A_701 = vector.broadcast %add3A_700 : f32 to vector<16xf32>
      %add3A_702 = arith.addf %add3A_701, %mul3A_699 : vector<16xf32>
      %mul3A_703 = arith.mulf %mul3A_684, %add3A_702 : vector<16xf32>
      %add3A_704 = arith.constant 1.000000e+00 : f32
      %add3A_705 = vector.broadcast %add3A_704 : f32 to vector<16xf32>
      %add3A_706 = arith.addf %add3A_705, %mul3A_703 : vector<16xf32>
      %mul3A_707 = arith.mulf %sub3A_683, %add3A_706 : vector<16xf32>
      %abs3A_708 = math.absf %mul3A_707 : vector<16xf32>
      %add3A_709 = arith.addf %abs3A_661, %abs3A_708 : vector<16xf32>
      %swap3A_710 = arith.constant 32 : index
      %swap3A_711 = tpu.vector_load %arg28[%swap3A_710] {strides = array<i32>} : memref<256xf32, #tpu.memory_space<vmem>>, vector<16xf32>,
      tpu.vector_store %arg28[%swap3A_710], %add3A_614 {strides = array<i32>} : memref<256xf32, #tpu.memory_space<vmem>>, vector<16xf32>,
      %swap3A_712 = arith.constant 32 : index
      %swap3A_713 = tpu.vector_load %arg29[%swap3A_712] {strides = array<i32>} : memref<256xf32, #tpu.memory_space<vmem>>, vector<16xf32>,
      tpu.vector_store %arg29[%swap3A_712], %add3A_709 {strides = array<i32>} : memref<256xf32, #tpu.memory_space<vmem>>, vector<16xf32>,
      %add3A_714 = arith.constant 3 : i32
      %add3A_715 = arith.addi %mul3A_304, %add3A_714 : i32
      %get3A_716 = arith.index_cast %add3A_715 : i32 to index
      %get3A_717 = arith.constant 0 : index
      %get3A_718 = tpu.vector_load %arg22[%get3A_716, %get3A_717] {strides = array<i32>} : memref<512x32xbf16, #tpu.memory_space<vmem>>, vector<32xbf16>,
      %unpack3A_719 = tpu.unpack_subelements %get3A_718, 0 {pack_format = #tpu.pack_format<interleaved>} : vector<32xbf16> -> vector<16xf32>
      %unpack3A_720 = tpu.unpack_subelements %get3A_718, 1 {pack_format = #tpu.pack_format<interleaved>} : vector<32xbf16> -> vector<16xf32>
      %get3A_721 = arith.index_cast %add3A_715 : i32 to index
      %get3A_722 = arith.constant 0 : index
      %get3A_723 = tpu.vector_load %arg26[%get3A_721, %get3A_722] {strides = array<i32>} : memref<512x32xbf16, #tpu.memory_space<vmem>>, vector<32xbf16>,
      %unpack3A_724 = tpu.unpack_subelements %get3A_723, 0 {pack_format = #tpu.pack_format<interleaved>} : vector<32xbf16> -> vector<16xf32>
      %unpack3A_725 = tpu.unpack_subelements %get3A_723, 1 {pack_format = #tpu.pack_format<interleaved>} : vector<32xbf16> -> vector<16xf32>
      %get3A_726 = arith.index_cast %add3A_715 : i32 to index
      %get3A_727 = arith.constant 0 : index
      %get3A_728 = tpu.vector_load %arg24[%get3A_726, %get3A_727] {strides = array<i32>} : memref<512x32xbf16, #tpu.memory_space<vmem>>, vector<32xbf16>,
      %unpack3A_729 = tpu.unpack_subelements %get3A_728, 0 {pack_format = #tpu.pack_format<interleaved>} : vector<32xbf16> -> vector<16xf32>
      %unpack3A_730 = tpu.unpack_subelements %get3A_728, 1 {pack_format = #tpu.pack_format<interleaved>} : vector<32xbf16> -> vector<16xf32>
      %get3A_731 = arith.index_cast %add3A_715 : i32 to index
      %get3A_732 = arith.constant 0 : index
      %get3A_733 = tpu.vector_load %arg23[%get3A_731, %get3A_732] {strides = array<i32>} : memref<512x32xbf16, #tpu.memory_space<vmem>>, vector<32xbf16>,
      %unpack3A_734 = tpu.unpack_subelements %get3A_733, 0 {pack_format = #tpu.pack_format<interleaved>} : vector<32xbf16> -> vector<16xf32>
      %unpack3A_735 = tpu.unpack_subelements %get3A_733, 1 {pack_format = #tpu.pack_format<interleaved>} : vector<32xbf16> -> vector<16xf32>
      %get3A_736 = arith.index_cast %add3A_715 : i32 to index
      %get3A_737 = arith.constant 0 : index
      %get3A_738 = tpu.vector_load %arg27[%get3A_736, %get3A_737] {strides = array<i32>} : memref<512x32xbf16, #tpu.memory_space<vmem>>, vector<32xbf16>,
      %unpack3A_739 = tpu.unpack_subelements %get3A_738, 0 {pack_format = #tpu.pack_format<interleaved>} : vector<32xbf16> -> vector<16xf32>
      %unpack3A_740 = tpu.unpack_subelements %get3A_738, 1 {pack_format = #tpu.pack_format<interleaved>} : vector<32xbf16> -> vector<16xf32>
      %get3A_741 = arith.index_cast %add3A_715 : i32 to index
      %get3A_742 = arith.constant 0 : index
      %get3A_743 = tpu.vector_load %arg25[%get3A_741, %get3A_742] {strides = array<i32>} : memref<512x32xbf16, #tpu.memory_space<vmem>>, vector<32xbf16>,
      %unpack3A_744 = tpu.unpack_subelements %get3A_743, 0 {pack_format = #tpu.pack_format<interleaved>} : vector<32xbf16> -> vector<16xf32>
      %unpack3A_745 = tpu.unpack_subelements %get3A_743, 1 {pack_format = #tpu.pack_format<interleaved>} : vector<32xbf16> -> vector<16xf32>
      %mul3A_746 = arith.mulf %unpack3A_719, %unpack3A_724 : vector<16xf32>
      %sub3A_747 = arith.subf %mul3A_746, %unpack3A_729 : vector<16xf32>
      %mul3A_748 = arith.mulf %unpack3A_720, %unpack3A_725 : vector<16xf32>
      %sub3A_749 = arith.subf %mul3A_748, %unpack3A_730 : vector<16xf32>
      %mul3A_750 = arith.mulf %sub3A_747, %sub3A_747 : vector<16xf32>
      %mul3A_751 = arith.mulf %sub3A_749, %sub3A_749 : vector<16xf32>
      %add3A_752 = arith.addf %mul3A_750, %mul3A_751 : vector<16xf32>
      %add3A_753 = arith.addf %unpack3A_734, %unpack3A_739 : vector<16xf32>
      %sub3A_754 = arith.subf %add3A_753, %unpack3A_744 : vector<16xf32>
      %mul3A_755 = arith.constant 0.159154937 : f32
      %mul3A_756 = vector.broadcast %mul3A_755 : f32 to vector<16xf32>
      %mul3A_757 = arith.mulf %sub3A_754, %mul3A_756 : vector<16xf32>
      %add3A_758 = arith.constant 0x4B400000 : f32
      %add3A_759 = vector.broadcast %add3A_758 : f32 to vector<16xf32>
      %add3A_760 = arith.addf %mul3A_757, %add3A_759 : vector<16xf32>
      %sub3A_761 = arith.constant 0x4B400000 : f32
      %sub3A_762 = vector.broadcast %sub3A_761 : f32 to vector<16xf32>
      %sub3A_763 = arith.subf %add3A_760, %sub3A_762 : vector<16xf32>
      %mul3A_764 = arith.constant 5.000000e-01 : f32
      %mul3A_765 = vector.broadcast %mul3A_764 : f32 to vector<16xf32>
      %mul3A_766 = arith.mulf %sub3A_754, %mul3A_765 : vector<16xf32>
      %mul3A_767 = arith.constant 3.14159274 : f32
      %mul3A_768 = vector.broadcast %mul3A_767 : f32 to vector<16xf32>
      %mul3A_769 = arith.mulf %sub3A_763, %mul3A_768 : vector<16xf32>
      %sub3A_770 = arith.subf %mul3A_766, %mul3A_769 : vector<16xf32>
      %mul3A_771 = arith.constant -8.74227765E-8 : f32
      %mul3A_772 = vector.broadcast %mul3A_771 : f32 to vector<16xf32>
      %mul3A_773 = arith.mulf %sub3A_763, %mul3A_772 : vector<16xf32>
      %sub3A_774 = arith.subf %sub3A_770, %mul3A_773 : vector<16xf32>
      %mul3A_775 = arith.mulf %sub3A_774, %sub3A_774 : vector<16xf32>
      %mul3A_776 = arith.constant -2.50521079E-8 : f32
      %mul3A_777 = vector.broadcast %mul3A_776 : f32 to vector<16xf32>
      %mul3A_778 = arith.mulf %mul3A_775, %mul3A_777 : vector<16xf32>
      %add3A_779 = arith.constant 2.75573188E-6 : f32
      %add3A_780 = vector.broadcast %add3A_779 : f32 to vector<16xf32>
      %add3A_781 = arith.addf %add3A_780, %mul3A_778 : vector<16xf32>
      %mul3A_782 = arith.mulf %mul3A_775, %add3A_781 : vector<16xf32>
      %add3A_783 = arith.constant -1.98412701E-4 : f32
      %add3A_784 = vector.broadcast %add3A_783 : f32 to vector<16xf32>
      %add3A_785 = arith.addf %add3A_784, %mul3A_782 : vector<16xf32>
      %mul3A_786 = arith.mulf %mul3A_775, %add3A_785 : vector<16xf32>
      %add3A_787 = arith.constant 0.00833333377 : f32
      %add3A_788 = vector.broadcast %add3A_787 : f32 to vector<16xf32>
      %add3A_789 = arith.addf %add3A_788, %mul3A_786 : vector<16xf32>
      %mul3A_790 = arith.mulf %mul3A_775, %add3A_789 : vector<16xf32>
      %add3A_791 = arith.constant -0.166666672 : f32
      %add3A_792 = vector.broadcast %add3A_791 : f32 to vector<16xf32>
      %add3A_793 = arith.addf %add3A_792, %mul3A_790 : vector<16xf32>
      %mul3A_794 = arith.mulf %mul3A_775, %add3A_793 : vector<16xf32>
      %add3A_795 = arith.constant 1.000000e+00 : f32
      %add3A_796 = vector.broadcast %add3A_795 : f32 to vector<16xf32>
      %add3A_797 = arith.addf %add3A_796, %mul3A_794 : vector<16xf32>
      %mul3A_798 = arith.mulf %sub3A_774, %add3A_797 : vector<16xf32>
      %abs3A_799 = math.absf %mul3A_798 : vector<16xf32>
      %add3A_800 = arith.addf %unpack3A_735, %unpack3A_740 : vector<16xf32>
      %sub3A_801 = arith.subf %add3A_800, %unpack3A_745 : vector<16xf32>
      %mul3A_802 = arith.constant 0.159154937 : f32
      %mul3A_803 = vector.broadcast %mul3A_802 : f32 to vector<16xf32>
      %mul3A_804 = arith.mulf %sub3A_801, %mul3A_803 : vector<16xf32>
      %add3A_805 = arith.constant 0x4B400000 : f32
      %add3A_806 = vector.broadcast %add3A_805 : f32 to vector<16xf32>
      %add3A_807 = arith.addf %mul3A_804, %add3A_806 : vector<16xf32>
      %sub3A_808 = arith.constant 0x4B400000 : f32
      %sub3A_809 = vector.broadcast %sub3A_808 : f32 to vector<16xf32>
      %sub3A_810 = arith.subf %add3A_807, %sub3A_809 : vector<16xf32>
      %mul3A_811 = arith.constant 5.000000e-01 : f32
      %mul3A_812 = vector.broadcast %mul3A_811 : f32 to vector<16xf32>
      %mul3A_813 = arith.mulf %sub3A_801, %mul3A_812 : vector<16xf32>
      %mul3A_814 = arith.constant 3.14159274 : f32
      %mul3A_815 = vector.broadcast %mul3A_814 : f32 to vector<16xf32>
      %mul3A_816 = arith.mulf %sub3A_810, %mul3A_815 : vector<16xf32>
      %sub3A_817 = arith.subf %mul3A_813, %mul3A_816 : vector<16xf32>
      %mul3A_818 = arith.constant -8.74227765E-8 : f32
      %mul3A_819 = vector.broadcast %mul3A_818 : f32 to vector<16xf32>
      %mul3A_820 = arith.mulf %sub3A_810, %mul3A_819 : vector<16xf32>
      %sub3A_821 = arith.subf %sub3A_817, %mul3A_820 : vector<16xf32>
      %mul3A_822 = arith.mulf %sub3A_821, %sub3A_821 : vector<16xf32>
      %mul3A_823 = arith.constant -2.50521079E-8 : f32
      %mul3A_824 = vector.broadcast %mul3A_823 : f32 to vector<16xf32>
      %mul3A_825 = arith.mulf %mul3A_822, %mul3A_824 : vector<16xf32>
      %add3A_826 = arith.constant 2.75573188E-6 : f32
      %add3A_827 = vector.broadcast %add3A_826 : f32 to vector<16xf32>
      %add3A_828 = arith.addf %add3A_827, %mul3A_825 : vector<16xf32>
      %mul3A_829 = arith.mulf %mul3A_822, %add3A_828 : vector<16xf32>
      %add3A_830 = arith.constant -1.98412701E-4 : f32
      %add3A_831 = vector.broadcast %add3A_830 : f32 to vector<16xf32>
      %add3A_832 = arith.addf %add3A_831, %mul3A_829 : vector<16xf32>
      %mul3A_833 = arith.mulf %mul3A_822, %add3A_832 : vector<16xf32>
      %add3A_834 = arith.constant 0.00833333377 : f32
      %add3A_835 = vector.broadcast %add3A_834 : f32 to vector<16xf32>
      %add3A_836 = arith.addf %add3A_835, %mul3A_833 : vector<16xf32>
      %mul3A_837 = arith.mulf %mul3A_822, %add3A_836 : vector<16xf32>
      %add3A_838 = arith.constant -0.166666672 : f32
      %add3A_839 = vector.broadcast %add3A_838 : f32 to vector<16xf32>
      %add3A_840 = arith.addf %add3A_839, %mul3A_837 : vector<16xf32>
      %mul3A_841 = arith.mulf %mul3A_822, %add3A_840 : vector<16xf32>
      %add3A_842 = arith.constant 1.000000e+00 : f32
      %add3A_843 = vector.broadcast %add3A_842 : f32 to vector<16xf32>
      %add3A_844 = arith.addf %add3A_843, %mul3A_841 : vector<16xf32>
      %mul3A_845 = arith.mulf %sub3A_821, %add3A_844 : vector<16xf32>
      %abs3A_846 = math.absf %mul3A_845 : vector<16xf32>
      %add3A_847 = arith.addf %abs3A_799, %abs3A_846 : vector<16xf32>
      %swap3A_848 = arith.constant 48 : index
      %swap3A_849 = tpu.vector_load %arg28[%swap3A_848] {strides = array<i32>} : memref<256xf32, #tpu.memory_space<vmem>>, vector<16xf32>,
      tpu.vector_store %arg28[%swap3A_848], %add3A_752 {strides = array<i32>} : memref<256xf32, #tpu.memory_space<vmem>>, vector<16xf32>,
      %swap3A_850 = arith.constant 48 : index
      %swap3A_851 = tpu.vector_load %arg29[%swap3A_850] {strides = array<i32>} : memref<256xf32, #tpu.memory_space<vmem>>, vector<16xf32>,
      tpu.vector_store %arg29[%swap3A_850], %add3A_847 {strides = array<i32>} : memref<256xf32, #tpu.memory_space<vmem>>, vector<16xf32>,
      %add3A_852 = arith.constant 4 : i32
      %add3A_853 = arith.addi %mul3A_304, %add3A_852 : i32
      %get3A_854 = arith.index_cast %add3A_853 : i32 to index
      %get3A_855 = arith.constant 0 : index
      %get3A_856 = tpu.vector_load %arg22[%get3A_854, %get3A_855] {strides = array<i32>} : memref<512x32xbf16, #tpu.memory_space<vmem>>, vector<32xbf16>,
      %unpack3A_857 = tpu.unpack_subelements %get3A_856, 0 {pack_format = #tpu.pack_format<interleaved>} : vector<32xbf16> -> vector<16xf32>
      %unpack3A_858 = tpu.unpack_subelements %get3A_856, 1 {pack_format = #tpu.pack_format<interleaved>} : vector<32xbf16> -> vector<16xf32>
      %get3A_859 = arith.index_cast %add3A_853 : i32 to index
      %get3A_860 = arith.constant 0 : index
      %get3A_861 = tpu.vector_load %arg26[%get3A_859, %get3A_860] {strides = array<i32>} : memref<512x32xbf16, #tpu.memory_space<vmem>>, vector<32xbf16>,
      %unpack3A_862 = tpu.unpack_subelements %get3A_861, 0 {pack_format = #tpu.pack_format<interleaved>} : vector<32xbf16> -> vector<16xf32>
      %unpack3A_863 = tpu.unpack_subelements %get3A_861, 1 {pack_format = #tpu.pack_format<interleaved>} : vector<32xbf16> -> vector<16xf32>
      %get3A_864 = arith.index_cast %add3A_853 : i32 to index
      %get3A_865 = arith.constant 0 : index
      %get3A_866 = tpu.vector_load %arg24[%get3A_864, %get3A_865] {strides = array<i32>} : memref<512x32xbf16, #tpu.memory_space<vmem>>, vector<32xbf16>,
      %unpack3A_867 = tpu.unpack_subelements %get3A_866, 0 {pack_format = #tpu.pack_format<interleaved>} : vector<32xbf16> -> vector<16xf32>
      %unpack3A_868 = tpu.unpack_subelements %get3A_866, 1 {pack_format = #tpu.pack_format<interleaved>} : vector<32xbf16> -> vector<16xf32>
      %get3A_869 = arith.index_cast %add3A_853 : i32 to index
      %get3A_870 = arith.constant 0 : index
      %get3A_871 = tpu.vector_load %arg23[%get3A_869, %get3A_870] {strides = array<i32>} : memref<512x32xbf16, #tpu.memory_space<vmem>>, vector<32xbf16>,
      %unpack3A_872 = tpu.unpack_subelements %get3A_871, 0 {pack_format = #tpu.pack_format<interleaved>} : vector<32xbf16> -> vector<16xf32>
      %unpack3A_873 = tpu.unpack_subelements %get3A_871, 1 {pack_format = #tpu.pack_format<interleaved>} : vector<32xbf16> -> vector<16xf32>
      %get3A_874 = arith.index_cast %add3A_853 : i32 to index
      %get3A_875 = arith.constant 0 : index
      %get3A_876 = tpu.vector_load %arg27[%get3A_874, %get3A_875] {strides = array<i32>} : memref<512x32xbf16, #tpu.memory_space<vmem>>, vector<32xbf16>,
      %unpack3A_877 = tpu.unpack_subelements %get3A_876, 0 {pack_format = #tpu.pack_format<interleaved>} : vector<32xbf16> -> vector<16xf32>
      %unpack3A_878 = tpu.unpack_subelements %get3A_876, 1 {pack_format = #tpu.pack_format<interleaved>} : vector<32xbf16> -> vector<16xf32>
      %get3A_879 = arith.index_cast %add3A_853 : i32 to index
      %get3A_880 = arith.constant 0 : index
      %get3A_881 = tpu.vector_load %arg25[%get3A_879, %get3A_880] {strides = array<i32>} : memref<512x32xbf16, #tpu.memory_space<vmem>>, vector<32xbf16>,
      %unpack3A_882 = tpu.unpack_subelements %get3A_881, 0 {pack_format = #tpu.pack_format<interleaved>} : vector<32xbf16> -> vector<16xf32>
      %unpack3A_883 = tpu.unpack_subelements %get3A_881, 1 {pack_format = #tpu.pack_format<interleaved>} : vector<32xbf16> -> vector<16xf32>
      %mul3A_884 = arith.mulf %unpack3A_857, %unpack3A_862 : vector<16xf32>
      %sub3A_885 = arith.subf %mul3A_884, %unpack3A_867 : vector<16xf32>
      %mul3A_886 = arith.mulf %unpack3A_858, %unpack3A_863 : vector<16xf32>
      %sub3A_887 = arith.subf %mul3A_886, %unpack3A_868 : vector<16xf32>
      %mul3A_888 = arith.mulf %sub3A_885, %sub3A_885 : vector<16xf32>
      %mul3A_889 = arith.mulf %sub3A_887, %sub3A_887 : vector<16xf32>
      %add3A_890 = arith.addf %mul3A_888, %mul3A_889 : vector<16xf32>
      %add3A_891 = arith.addf %unpack3A_872, %unpack3A_877 : vector<16xf32>
      %sub3A_892 = arith.subf %add3A_891, %unpack3A_882 : vector<16xf32>
      %mul3A_893 = arith.constant 0.159154937 : f32
      %mul3A_894 = vector.broadcast %mul3A_893 : f32 to vector<16xf32>
      %mul3A_895 = arith.mulf %sub3A_892, %mul3A_894 : vector<16xf32>
      %add3A_896 = arith.constant 0x4B400000 : f32
      %add3A_897 = vector.broadcast %add3A_896 : f32 to vector<16xf32>
      %add3A_898 = arith.addf %mul3A_895, %add3A_897 : vector<16xf32>
      %sub3A_899 = arith.constant 0x4B400000 : f32
      %sub3A_900 = vector.broadcast %sub3A_899 : f32 to vector<16xf32>
      %sub3A_901 = arith.subf %add3A_898, %sub3A_900 : vector<16xf32>
      %mul3A_902 = arith.constant 5.000000e-01 : f32
      %mul3A_903 = vector.broadcast %mul3A_902 : f32 to vector<16xf32>
      %mul3A_904 = arith.mulf %sub3A_892, %mul3A_903 : vector<16xf32>
      %mul3A_905 = arith.constant 3.14159274 : f32
      %mul3A_906 = vector.broadcast %mul3A_905 : f32 to vector<16xf32>
      %mul3A_907 = arith.mulf %sub3A_901, %mul3A_906 : vector<16xf32>
      %sub3A_908 = arith.subf %mul3A_904, %mul3A_907 : vector<16xf32>
      %mul3A_909 = arith.constant -8.74227765E-8 : f32
      %mul3A_910 = vector.broadcast %mul3A_909 : f32 to vector<16xf32>
      %mul3A_911 = arith.mulf %sub3A_901, %mul3A_910 : vector<16xf32>
      %sub3A_912 = arith.subf %sub3A_908, %mul3A_911 : vector<16xf32>
      %mul3A_913 = arith.mulf %sub3A_912, %sub3A_912 : vector<16xf32>
      %mul3A_914 = arith.constant -2.50521079E-8 : f32
      %mul3A_915 = vector.broadcast %mul3A_914 : f32 to vector<16xf32>
      %mul3A_916 = arith.mulf %mul3A_913, %mul3A_915 : vector<16xf32>
      %add3A_917 = arith.constant 2.75573188E-6 : f32
      %add3A_918 = vector.broadcast %add3A_917 : f32 to vector<16xf32>
      %add3A_919 = arith.addf %add3A_918, %mul3A_916 : vector<16xf32>
      %mul3A_920 = arith.mulf %mul3A_913, %add3A_919 : vector<16xf32>
      %add3A_921 = arith.constant -1.98412701E-4 : f32
      %add3A_922 = vector.broadcast %add3A_921 : f32 to vector<16xf32>
      %add3A_923 = arith.addf %add3A_922, %mul3A_920 : vector<16xf32>
      %mul3A_924 = arith.mulf %mul3A_913, %add3A_923 : vector<16xf32>
      %add3A_925 = arith.constant 0.00833333377 : f32
      %add3A_926 = vector.broadcast %add3A_925 : f32 to vector<16xf32>
      %add3A_927 = arith.addf %add3A_926, %mul3A_924 : vector<16xf32>
      %mul3A_928 = arith.mulf %mul3A_913, %add3A_927 : vector<16xf32>
      %add3A_929 = arith.constant -0.166666672 : f32
      %add3A_930 = vector.broadcast %add3A_929 : f32 to vector<16xf32>
      %add3A_931 = arith.addf %add3A_930, %mul3A_928 : vector<16xf32>
      %mul3A_932 = arith.mulf %mul3A_913, %add3A_931 : vector<16xf32>
      %add3A_933 = arith.constant 1.000000e+00 : f32
      %add3A_934 = vector.broadcast %add3A_933 : f32 to vector<16xf32>
      %add3A_935 = arith.addf %add3A_934, %mul3A_932 : vector<16xf32>
      %mul3A_936 = arith.mulf %sub3A_912, %add3A_935 : vector<16xf32>
      %abs3A_937 = math.absf %mul3A_936 : vector<16xf32>
      %add3A_938 = arith.addf %unpack3A_873, %unpack3A_878 : vector<16xf32>
      %sub3A_939 = arith.subf %add3A_938, %unpack3A_883 : vector<16xf32>
      %mul3A_940 = arith.constant 0.159154937 : f32
      %mul3A_941 = vector.broadcast %mul3A_940 : f32 to vector<16xf32>
      %mul3A_942 = arith.mulf %sub3A_939, %mul3A_941 : vector<16xf32>
      %add3A_943 = arith.constant 0x4B400000 : f32
      %add3A_944 = vector.broadcast %add3A_943 : f32 to vector<16xf32>
      %add3A_945 = arith.addf %mul3A_942, %add3A_944 : vector<16xf32>
      %sub3A_946 = arith.constant 0x4B400000 : f32
      %sub3A_947 = vector.broadcast %sub3A_946 : f32 to vector<16xf32>
      %sub3A_948 = arith.subf %add3A_945, %sub3A_947 : vector<16xf32>
      %mul3A_949 = arith.constant 5.000000e-01 : f32
      %mul3A_950 = vector.broadcast %mul3A_949 : f32 to vector<16xf32>
      %mul3A_951 = arith.mulf %sub3A_939, %mul3A_950 : vector<16xf32>
      %mul3A_952 = arith.constant 3.14159274 : f32
      %mul3A_953 = vector.broadcast %mul3A_952 : f32 to vector<16xf32>
      %mul3A_954 = arith.mulf %sub3A_948, %mul3A_953 : vector<16xf32>
      %sub3A_955 = arith.subf %mul3A_951, %mul3A_954 : vector<16xf32>
      %mul3A_956 = arith.constant -8.74227765E-8 : f32
      %mul3A_957 = vector.broadcast %mul3A_956 : f32 to vector<16xf32>
      %mul3A_958 = arith.mulf %sub3A_948, %mul3A_957 : vector<16xf32>
      %sub3A_959 = arith.subf %sub3A_955, %mul3A_958 : vector<16xf32>
      %mul3A_960 = arith.mulf %sub3A_959, %sub3A_959 : vector<16xf32>
      %mul3A_961 = arith.constant -2.50521079E-8 : f32
      %mul3A_962 = vector.broadcast %mul3A_961 : f32 to vector<16xf32>
      %mul3A_963 = arith.mulf %mul3A_960, %mul3A_962 : vector<16xf32>
      %add3A_964 = arith.constant 2.75573188E-6 : f32
      %add3A_965 = vector.broadcast %add3A_964 : f32 to vector<16xf32>
      %add3A_966 = arith.addf %add3A_965, %mul3A_963 : vector<16xf32>
      %mul3A_967 = arith.mulf %mul3A_960, %add3A_966 : vector<16xf32>
      %add3A_968 = arith.constant -1.98412701E-4 : f32
      %add3A_969 = vector.broadcast %add3A_968 : f32 to vector<16xf32>
      %add3A_970 = arith.addf %add3A_969, %mul3A_967 : vector<16xf32>
      %mul3A_971 = arith.mulf %mul3A_960, %add3A_970 : vector<16xf32>
      %add3A_972 = arith.constant 0.00833333377 : f32
      %add3A_973 = vector.broadcast %add3A_972 : f32 to vector<16xf32>
      %add3A_974 = arith.addf %add3A_973, %mul3A_971 : vector<16xf32>
      %mul3A_975 = arith.mulf %mul3A_960, %add3A_974 : vector<16xf32>
      %add3A_976 = arith.constant -0.166666672 : f32
      %add3A_977 = vector.broadcast %add3A_976 : f32 to vector<16xf32>
      %add3A_978 = arith.addf %add3A_977, %mul3A_975 : vector<16xf32>
      %mul3A_979 = arith.mulf %mul3A_960, %add3A_978 : vector<16xf32>
      %add3A_980 = arith.constant 1.000000e+00 : f32
      %add3A_981 = vector.broadcast %add3A_980 : f32 to vector<16xf32>
      %add3A_982 = arith.addf %add3A_981, %mul3A_979 : vector<16xf32>
      %mul3A_983 = arith.mulf %sub3A_959, %add3A_982 : vector<16xf32>
      %abs3A_984 = math.absf %mul3A_983 : vector<16xf32>
      %add3A_985 = arith.addf %abs3A_937, %abs3A_984 : vector<16xf32>
      %swap3A_986 = arith.constant 64 : index
      %swap3A_987 = tpu.vector_load %arg28[%swap3A_986] {strides = array<i32>} : memref<256xf32, #tpu.memory_space<vmem>>, vector<16xf32>,
      tpu.vector_store %arg28[%swap3A_986], %add3A_890 {strides = array<i32>} : memref<256xf32, #tpu.memory_space<vmem>>, vector<16xf32>,
      %swap3A_988 = arith.constant 64 : index
      %swap3A_989 = tpu.vector_load %arg29[%swap3A_988] {strides = array<i32>} : memref<256xf32, #tpu.memory_space<vmem>>, vector<16xf32>,
      tpu.vector_store %arg29[%swap3A_988], %add3A_985 {strides = array<i32>} : memref<256xf32, #tpu.memory_space<vmem>>, vector<16xf32>,
      %add3A_990 = arith.constant 5 : i32
      %add3A_991 = arith.addi %mul3A_304, %add3A_990 : i32
      %get3A_992 = arith.index_cast %add3A_991 : i32 to index
      %get3A_993 = arith.constant 0 : index
      %get3A_994 = tpu.vector_load %arg22[%get3A_992, %get3A_993] {strides = array<i32>} : memref<512x32xbf16, #tpu.memory_space<vmem>>, vector<32xbf16>,
      %unpack3A_995 = tpu.unpack_subelements %get3A_994, 0 {pack_format = #tpu.pack_format<interleaved>} : vector<32xbf16> -> vector<16xf32>
      %unpack3A_996 = tpu.unpack_subelements %get3A_994, 1 {pack_format = #tpu.pack_format<interleaved>} : vector<32xbf16> -> vector<16xf32>
      %get3A_997 = arith.index_cast %add3A_991 : i32 to index
      %get3A_998 = arith.constant 0 : index
      %get3A_999 = tpu.vector_load %arg26[%get3A_997, %get3A_998] {strides = array<i32>} : memref<512x32xbf16, #tpu.memory_space<vmem>>, vector<32xbf16>,
      %unpack3A_1000 = tpu.unpack_subelements %get3A_999, 0 {pack_format = #tpu.pack_format<interleaved>} : vector<32xbf16> -> vector<16xf32>
      %unpack3A_1001 = tpu.unpack_subelements %get3A_999, 1 {pack_format = #tpu.pack_format<interleaved>} : vector<32xbf16> -> vector<16xf32>
      %get3A_1002 = arith.index_cast %add3A_991 : i32 to index
      %get3A_1003 = arith.constant 0 : index
      %get3A_1004 = tpu.vector_load %arg24[%get3A_1002, %get3A_1003] {strides = array<i32>} : memref<512x32xbf16, #tpu.memory_space<vmem>>, vector<32xbf16>,
      %unpack3A_1005 = tpu.unpack_subelements %get3A_1004, 0 {pack_format = #tpu.pack_format<interleaved>} : vector<32xbf16> -> vector<16xf32>
      %unpack3A_1006 = tpu.unpack_subelements %get3A_1004, 1 {pack_format = #tpu.pack_format<interleaved>} : vector<32xbf16> -> vector<16xf32>
      %get3A_1007 = arith.index_cast %add3A_991 : i32 to index
      %get3A_1008 = arith.constant 0 : index
      %get3A_1009 = tpu.vector_load %arg23[%get3A_1007, %get3A_1008] {strides = array<i32>} : memref<512x32xbf16, #tpu.memory_space<vmem>>, vector<32xbf16>,
      %unpack3A_1010 = tpu.unpack_subelements %get3A_1009, 0 {pack_format = #tpu.pack_format<interleaved>} : vector<32xbf16> -> vector<16xf32>
      %unpack3A_1011 = tpu.unpack_subelements %get3A_1009, 1 {pack_format = #tpu.pack_format<interleaved>} : vector<32xbf16> -> vector<16xf32>
      %get3A_1012 = arith.index_cast %add3A_991 : i32 to index
      %get3A_1013 = arith.constant 0 : index
      %get3A_1014 = tpu.vector_load %arg27[%get3A_1012, %get3A_1013] {strides = array<i32>} : memref<512x32xbf16, #tpu.memory_space<vmem>>, vector<32xbf16>,
      %unpack3A_1015 = tpu.unpack_subelements %get3A_1014, 0 {pack_format = #tpu.pack_format<interleaved>} : vector<32xbf16> -> vector<16xf32>
      %unpack3A_1016 = tpu.unpack_subelements %get3A_1014, 1 {pack_format = #tpu.pack_format<interleaved>} : vector<32xbf16> -> vector<16xf32>
      %get3A_1017 = arith.index_cast %add3A_991 : i32 to index
      %get3A_1018 = arith.constant 0 : index
      %get3A_1019 = tpu.vector_load %arg25[%get3A_1017, %get3A_1018] {strides = array<i32>} : memref<512x32xbf16, #tpu.memory_space<vmem>>, vector<32xbf16>,
      %unpack3A_1020 = tpu.unpack_subelements %get3A_1019, 0 {pack_format = #tpu.pack_format<interleaved>} : vector<32xbf16> -> vector<16xf32>
      %unpack3A_1021 = tpu.unpack_subelements %get3A_1019, 1 {pack_format = #tpu.pack_format<interleaved>} : vector<32xbf16> -> vector<16xf32>
      %mul3A_1022 = arith.mulf %unpack3A_995, %unpack3A_1000 : vector<16xf32>
      %sub3A_1023 = arith.subf %mul3A_1022, %unpack3A_1005 : vector<16xf32>
      %mul3A_1024 = arith.mulf %unpack3A_996, %unpack3A_1001 : vector<16xf32>
      %sub3A_1025 = arith.subf %mul3A_1024, %unpack3A_1006 : vector<16xf32>
      %mul3A_1026 = arith.mulf %sub3A_1023, %sub3A_1023 : vector<16xf32>
      %mul3A_1027 = arith.mulf %sub3A_1025, %sub3A_1025 : vector<16xf32>
      %add3A_1028 = arith.addf %mul3A_1026, %mul3A_1027 : vector<16xf32>
      %add3A_1029 = arith.addf %unpack3A_1010, %unpack3A_1015 : vector<16xf32>
      %sub3A_1030 = arith.subf %add3A_1029, %unpack3A_1020 : vector<16xf32>
      %mul3A_1031 = arith.constant 0.159154937 : f32
      %mul3A_1032 = vector.broadcast %mul3A_1031 : f32 to vector<16xf32>
      %mul3A_1033 = arith.mulf %sub3A_1030, %mul3A_1032 : vector<16xf32>
      %add3A_1034 = arith.constant 0x4B400000 : f32
      %add3A_1035 = vector.broadcast %add3A_1034 : f32 to vector<16xf32>
      %add3A_1036 = arith.addf %mul3A_1033, %add3A_1035 : vector<16xf32>
      %sub3A_1037 = arith.constant 0x4B400000 : f32
      %sub3A_1038 = vector.broadcast %sub3A_1037 : f32 to vector<16xf32>
      %sub3A_1039 = arith.subf %add3A_1036, %sub3A_1038 : vector<16xf32>
      %mul3A_1040 = arith.constant 5.000000e-01 : f32
      %mul3A_1041 = vector.broadcast %mul3A_1040 : f32 to vector<16xf32>
      %mul3A_1042 = arith.mulf %sub3A_1030, %mul3A_1041 : vector<16xf32>
      %mul3A_1043 = arith.constant 3.14159274 : f32
      %mul3A_1044 = vector.broadcast %mul3A_1043 : f32 to vector<16xf32>
      %mul3A_1045 = arith.mulf %sub3A_1039, %mul3A_1044 : vector<16xf32>
      %sub3A_1046 = arith.subf %mul3A_1042, %mul3A_1045 : vector<16xf32>
      %mul3A_1047 = arith.constant -8.74227765E-8 : f32
      %mul3A_1048 = vector.broadcast %mul3A_1047 : f32 to vector<16xf32>
      %mul3A_1049 = arith.mulf %sub3A_1039, %mul3A_1048 : vector<16xf32>
      %sub3A_1050 = arith.subf %sub3A_1046, %mul3A_1049 : vector<16xf32>
      %mul3A_1051 = arith.mulf %sub3A_1050, %sub3A_1050 : vector<16xf32>
      %mul3A_1052 = arith.constant -2.50521079E-8 : f32
      %mul3A_1053 = vector.broadcast %mul3A_1052 : f32 to vector<16xf32>
      %mul3A_1054 = arith.mulf %mul3A_1051, %mul3A_1053 : vector<16xf32>
      %add3A_1055 = arith.constant 2.75573188E-6 : f32
      %add3A_1056 = vector.broadcast %add3A_1055 : f32 to vector<16xf32>
      %add3A_1057 = arith.addf %add3A_1056, %mul3A_1054 : vector<16xf32>
      %mul3A_1058 = arith.mulf %mul3A_1051, %add3A_1057 : vector<16xf32>
      %add3A_1059 = arith.constant -1.98412701E-4 : f32
      %add3A_1060 = vector.broadcast %add3A_1059 : f32 to vector<16xf32>
      %add3A_1061 = arith.addf %add3A_1060, %mul3A_1058 : vector<16xf32>
      %mul3A_1062 = arith.mulf %mul3A_1051, %add3A_1061 : vector<16xf32>
      %add3A_1063 = arith.constant 0.00833333377 : f32
      %add3A_1064 = vector.broadcast %add3A_1063 : f32 to vector<16xf32>
      %add3A_1065 = arith.addf %add3A_1064, %mul3A_1062 : vector<16xf32>
      %mul3A_1066 = arith.mulf %mul3A_1051, %add3A_1065 : vector<16xf32>
      %add3A_1067 = arith.constant -0.166666672 : f32
      %add3A_1068 = vector.broadcast %add3A_1067 : f32 to vector<16xf32>
      %add3A_1069 = arith.addf %add3A_1068, %mul3A_1066 : vector<16xf32>
      %mul3A_1070 = arith.mulf %mul3A_1051, %add3A_1069 : vector<16xf32>
      %add3A_1071 = arith.constant 1.000000e+00 : f32
      %add3A_1072 = vector.broadcast %add3A_1071 : f32 to vector<16xf32>
      %add3A_1073 = arith.addf %add3A_1072, %mul3A_1070 : vector<16xf32>
      %mul3A_1074 = arith.mulf %sub3A_1050, %add3A_1073 : vector<16xf32>
      %abs3A_1075 = math.absf %mul3A_1074 : vector<16xf32>
      %add3A_1076 = arith.addf %unpack3A_1011, %unpack3A_1016 : vector<16xf32>
      %sub3A_1077 = arith.subf %add3A_1076, %unpack3A_1021 : vector<16xf32>
      %mul3A_1078 = arith.constant 0.159154937 : f32
      %mul3A_1079 = vector.broadcast %mul3A_1078 : f32 to vector<16xf32>
      %mul3A_1080 = arith.mulf %sub3A_1077, %mul3A_1079 : vector<16xf32>
      %add3A_1081 = arith.constant 0x4B400000 : f32
      %add3A_1082 = vector.broadcast %add3A_1081 : f32 to vector<16xf32>
      %add3A_1083 = arith.addf %mul3A_1080, %add3A_1082 : vector<16xf32>
      %sub3A_1084 = arith.constant 0x4B400000 : f32
      %sub3A_1085 = vector.broadcast %sub3A_1084 : f32 to vector<16xf32>
      %sub3A_1086 = arith.subf %add3A_1083, %sub3A_1085 : vector<16xf32>
      %mul3A_1087 = arith.constant 5.000000e-01 : f32
      %mul3A_1088 = vector.broadcast %mul3A_1087 : f32 to vector<16xf32>
      %mul3A_1089 = arith.mulf %sub3A_1077, %mul3A_1088 : vector<16xf32>
      %mul3A_1090 = arith.constant 3.14159274 : f32
      %mul3A_1091 = vector.broadcast %mul3A_1090 : f32 to vector<16xf32>
      %mul3A_1092 = arith.mulf %sub3A_1086, %mul3A_1091 : vector<16xf32>
      %sub3A_1093 = arith.subf %mul3A_1089, %mul3A_1092 : vector<16xf32>
      %mul3A_1094 = arith.constant -8.74227765E-8 : f32
      %mul3A_1095 = vector.broadcast %mul3A_1094 : f32 to vector<16xf32>
      %mul3A_1096 = arith.mulf %sub3A_1086, %mul3A_1095 : vector<16xf32>
      %sub3A_1097 = arith.subf %sub3A_1093, %mul3A_1096 : vector<16xf32>
      %mul3A_1098 = arith.mulf %sub3A_1097, %sub3A_1097 : vector<16xf32>
      %mul3A_1099 = arith.constant -2.50521079E-8 : f32
      %mul3A_1100 = vector.broadcast %mul3A_1099 : f32 to vector<16xf32>
      %mul3A_1101 = arith.mulf %mul3A_1098, %mul3A_1100 : vector<16xf32>
      %add3A_1102 = arith.constant 2.75573188E-6 : f32
      %add3A_1103 = vector.broadcast %add3A_1102 : f32 to vector<16xf32>
      %add3A_1104 = arith.addf %add3A_1103, %mul3A_1101 : vector<16xf32>
      %mul3A_1105 = arith.mulf %mul3A_1098, %add3A_1104 : vector<16xf32>
      %add3A_1106 = arith.constant -1.98412701E-4 : f32
      %add3A_1107 = vector.broadcast %add3A_1106 : f32 to vector<16xf32>
      %add3A_1108 = arith.addf %add3A_1107, %mul3A_1105 : vector<16xf32>
      %mul3A_1109 = arith.mulf %mul3A_1098, %add3A_1108 : vector<16xf32>
      %add3A_1110 = arith.constant 0.00833333377 : f32
      %add3A_1111 = vector.broadcast %add3A_1110 : f32 to vector<16xf32>
      %add3A_1112 = arith.addf %add3A_1111, %mul3A_1109 : vector<16xf32>
      %mul3A_1113 = arith.mulf %mul3A_1098, %add3A_1112 : vector<16xf32>
      %add3A_1114 = arith.constant -0.166666672 : f32
      %add3A_1115 = vector.broadcast %add3A_1114 : f32 to vector<16xf32>
      %add3A_1116 = arith.addf %add3A_1115, %mul3A_1113 : vector<16xf32>
      %mul3A_1117 = arith.mulf %mul3A_1098, %add3A_1116 : vector<16xf32>
      %add3A_1118 = arith.constant 1.000000e+00 : f32
      %add3A_1119 = vector.broadcast %add3A_1118 : f32 to vector<16xf32>
      %add3A_1120 = arith.addf %add3A_1119, %mul3A_1117 : vector<16xf32>
      %mul3A_1121 = arith.mulf %sub3A_1097, %add3A_1120 : vector<16xf32>
      %abs3A_1122 = math.absf %mul3A_1121 : vector<16xf32>
      %add3A_1123 = arith.addf %abs3A_1075, %abs3A_1122 : vector<16xf32>
      %swap3A_1124 = arith.constant 80 : index
      %swap3A_1125 = tpu.vector_load %arg28[%swap3A_1124] {strides = array<i32>} : memref<256xf32, #tpu.memory_space<vmem>>, vector<16xf32>,
      tpu.vector_store %arg28[%swap3A_1124], %add3A_1028 {strides = array<i32>} : memref<256xf32, #tpu.memory_space<vmem>>, vector<16xf32>,
      %swap3A_1126 = arith.constant 80 : index
      %swap3A_1127 = tpu.vector_load %arg29[%swap3A_1126] {strides = array<i32>} : memref<256xf32, #tpu.memory_space<vmem>>, vector<16xf32>,
      tpu.vector_store %arg29[%swap3A_1126], %add3A_1123 {strides = array<i32>} : memref<256xf32, #tpu.memory_space<vmem>>, vector<16xf32>,
      %add3A_1128 = arith.constant 6 : i32
      %add3A_1129 = arith.addi %mul3A_304, %add3A_1128 : i32
      %get3A_1130 = arith.index_cast %add3A_1129 : i32 to index
      %get3A_1131 = arith.constant 0 : index
      %get3A_1132 = tpu.vector_load %arg22[%get3A_1130, %get3A_1131] {strides = array<i32>} : memref<512x32xbf16, #tpu.memory_space<vmem>>, vector<32xbf16>,
      %unpack3A_1133 = tpu.unpack_subelements %get3A_1132, 0 {pack_format = #tpu.pack_format<interleaved>} : vector<32xbf16> -> vector<16xf32>
      %unpack3A_1134 = tpu.unpack_subelements %get3A_1132, 1 {pack_format = #tpu.pack_format<interleaved>} : vector<32xbf16> -> vector<16xf32>
      %get3A_1135 = arith.index_cast %add3A_1129 : i32 to index
      %get3A_1136 = arith.constant 0 : index
      %get3A_1137 = tpu.vector_load %arg26[%get3A_1135, %get3A_1136] {strides = array<i32>} : memref<512x32xbf16, #tpu.memory_space<vmem>>, vector<32xbf16>,
      %unpack3A_1138 = tpu.unpack_subelements %get3A_1137, 0 {pack_format = #tpu.pack_format<interleaved>} : vector<32xbf16> -> vector<16xf32>
      %unpack3A_1139 = tpu.unpack_subelements %get3A_1137, 1 {pack_format = #tpu.pack_format<interleaved>} : vector<32xbf16> -> vector<16xf32>
      %get3A_1140 = arith.index_cast %add3A_1129 : i32 to index
      %get3A_1141 = arith.constant 0 : index
      %get3A_1142 = tpu.vector_load %arg24[%get3A_1140, %get3A_1141] {strides = array<i32>} : memref<512x32xbf16, #tpu.memory_space<vmem>>, vector<32xbf16>,
      %unpack3A_1143 = tpu.unpack_subelements %get3A_1142, 0 {pack_format = #tpu.pack_format<interleaved>} : vector<32xbf16> -> vector<16xf32>
      %unpack3A_1144 = tpu.unpack_subelements %get3A_1142, 1 {pack_format = #tpu.pack_format<interleaved>} : vector<32xbf16> -> vector<16xf32>
      %get3A_1145 = arith.index_cast %add3A_1129 : i32 to index
      %get3A_1146 = arith.constant 0 : index
      %get3A_1147 = tpu.vector_load %arg23[%get3A_1145, %get3A_1146] {strides = array<i32>} : memref<512x32xbf16, #tpu.memory_space<vmem>>, vector<32xbf16>,
      %unpack3A_1148 = tpu.unpack_subelements %get3A_1147, 0 {pack_format = #tpu.pack_format<interleaved>} : vector<32xbf16> -> vector<16xf32>
      %unpack3A_1149 = tpu.unpack_subelements %get3A_1147, 1 {pack_format = #tpu.pack_format<interleaved>} : vector<32xbf16> -> vector<16xf32>
      %get3A_1150 = arith.index_cast %add3A_1129 : i32 to index
      %get3A_1151 = arith.constant 0 : index
      %get3A_1152 = tpu.vector_load %arg27[%get3A_1150, %get3A_1151] {strides = array<i32>} : memref<512x32xbf16, #tpu.memory_space<vmem>>, vector<32xbf16>,
      %unpack3A_1153 = tpu.unpack_subelements %get3A_1152, 0 {pack_format = #tpu.pack_format<interleaved>} : vector<32xbf16> -> vector<16xf32>
      %unpack3A_1154 = tpu.unpack_subelements %get3A_1152, 1 {pack_format = #tpu.pack_format<interleaved>} : vector<32xbf16> -> vector<16xf32>
      %get3A_1155 = arith.index_cast %add3A_1129 : i32 to index
      %get3A_1156 = arith.constant 0 : index
      %get3A_1157 = tpu.vector_load %arg25[%get3A_1155, %get3A_1156] {strides = array<i32>} : memref<512x32xbf16, #tpu.memory_space<vmem>>, vector<32xbf16>,
      %unpack3A_1158 = tpu.unpack_subelements %get3A_1157, 0 {pack_format = #tpu.pack_format<interleaved>} : vector<32xbf16> -> vector<16xf32>
      %unpack3A_1159 = tpu.unpack_subelements %get3A_1157, 1 {pack_format = #tpu.pack_format<interleaved>} : vector<32xbf16> -> vector<16xf32>
      %mul3A_1160 = arith.mulf %unpack3A_1133, %unpack3A_1138 : vector<16xf32>
      %sub3A_1161 = arith.subf %mul3A_1160, %unpack3A_1143 : vector<16xf32>
      %mul3A_1162 = arith.mulf %unpack3A_1134, %unpack3A_1139 : vector<16xf32>
      %sub3A_1163 = arith.subf %mul3A_1162, %unpack3A_1144 : vector<16xf32>
      %mul3A_1164 = arith.mulf %sub3A_1161, %sub3A_1161 : vector<16xf32>
      %mul3A_1165 = arith.mulf %sub3A_1163, %sub3A_1163 : vector<16xf32>
      %add3A_1166 = arith.addf %mul3A_1164, %mul3A_1165 : vector<16xf32>
      %add3A_1167 = arith.addf %unpack3A_1148, %unpack3A_1153 : vector<16xf32>
      %sub3A_1168 = arith.subf %add3A_1167, %unpack3A_1158 : vector<16xf32>
      %mul3A_1169 = arith.constant 0.159154937 : f32
      %mul3A_1170 = vector.broadcast %mul3A_1169 : f32 to vector<16xf32>
      %mul3A_1171 = arith.mulf %sub3A_1168, %mul3A_1170 : vector<16xf32>
      %add3A_1172 = arith.constant 0x4B400000 : f32
      %add3A_1173 = vector.broadcast %add3A_1172 : f32 to vector<16xf32>
      %add3A_1174 = arith.addf %mul3A_1171, %add3A_1173 : vector<16xf32>
      %sub3A_1175 = arith.constant 0x4B400000 : f32
      %sub3A_1176 = vector.broadcast %sub3A_1175 : f32 to vector<16xf32>
      %sub3A_1177 = arith.subf %add3A_1174, %sub3A_1176 : vector<16xf32>
      %mul3A_1178 = arith.constant 5.000000e-01 : f32
      %mul3A_1179 = vector.broadcast %mul3A_1178 : f32 to vector<16xf32>
      %mul3A_1180 = arith.mulf %sub3A_1168, %mul3A_1179 : vector<16xf32>
      %mul3A_1181 = arith.constant 3.14159274 : f32
      %mul3A_1182 = vector.broadcast %mul3A_1181 : f32 to vector<16xf32>
      %mul3A_1183 = arith.mulf %sub3A_1177, %mul3A_1182 : vector<16xf32>
      %sub3A_1184 = arith.subf %mul3A_1180, %mul3A_1183 : vector<16xf32>
      %mul3A_1185 = arith.constant -8.74227765E-8 : f32
      %mul3A_1186 = vector.broadcast %mul3A_1185 : f32 to vector<16xf32>
      %mul3A_1187 = arith.mulf %sub3A_1177, %mul3A_1186 : vector<16xf32>
      %sub3A_1188 = arith.subf %sub3A_1184, %mul3A_1187 : vector<16xf32>
      %mul3A_1189 = arith.mulf %sub3A_1188, %sub3A_1188 : vector<16xf32>
      %mul3A_1190 = arith.constant -2.50521079E-8 : f32
      %mul3A_1191 = vector.broadcast %mul3A_1190 : f32 to vector<16xf32>
      %mul3A_1192 = arith.mulf %mul3A_1189, %mul3A_1191 : vector<16xf32>
      %add3A_1193 = arith.constant 2.75573188E-6 : f32
      %add3A_1194 = vector.broadcast %add3A_1193 : f32 to vector<16xf32>
      %add3A_1195 = arith.addf %add3A_1194, %mul3A_1192 : vector<16xf32>
      %mul3A_1196 = arith.mulf %mul3A_1189, %add3A_1195 : vector<16xf32>
      %add3A_1197 = arith.constant -1.98412701E-4 : f32
      %add3A_1198 = vector.broadcast %add3A_1197 : f32 to vector<16xf32>
      %add3A_1199 = arith.addf %add3A_1198, %mul3A_1196 : vector<16xf32>
      %mul3A_1200 = arith.mulf %mul3A_1189, %add3A_1199 : vector<16xf32>
      %add3A_1201 = arith.constant 0.00833333377 : f32
      %add3A_1202 = vector.broadcast %add3A_1201 : f32 to vector<16xf32>
      %add3A_1203 = arith.addf %add3A_1202, %mul3A_1200 : vector<16xf32>
      %mul3A_1204 = arith.mulf %mul3A_1189, %add3A_1203 : vector<16xf32>
      %add3A_1205 = arith.constant -0.166666672 : f32
      %add3A_1206 = vector.broadcast %add3A_1205 : f32 to vector<16xf32>
      %add3A_1207 = arith.addf %add3A_1206, %mul3A_1204 : vector<16xf32>
      %mul3A_1208 = arith.mulf %mul3A_1189, %add3A_1207 : vector<16xf32>
      %add3A_1209 = arith.constant 1.000000e+00 : f32
      %add3A_1210 = vector.broadcast %add3A_1209 : f32 to vector<16xf32>
      %add3A_1211 = arith.addf %add3A_1210, %mul3A_1208 : vector<16xf32>
      %mul3A_1212 = arith.mulf %sub3A_1188, %add3A_1211 : vector<16xf32>
      %abs3A_1213 = math.absf %mul3A_1212 : vector<16xf32>
      %add3A_1214 = arith.addf %unpack3A_1149, %unpack3A_1154 : vector<16xf32>
      %sub3A_1215 = arith.subf %add3A_1214, %unpack3A_1159 : vector<16xf32>
      %mul3A_1216 = arith.constant 0.159154937 : f32
      %mul3A_1217 = vector.broadcast %mul3A_1216 : f32 to vector<16xf32>
      %mul3A_1218 = arith.mulf %sub3A_1215, %mul3A_1217 : vector<16xf32>
      %add3A_1219 = arith.constant 0x4B400000 : f32
      %add3A_1220 = vector.broadcast %add3A_1219 : f32 to vector<16xf32>
      %add3A_1221 = arith.addf %mul3A_1218, %add3A_1220 : vector<16xf32>
      %sub3A_1222 = arith.constant 0x4B400000 : f32
      %sub3A_1223 = vector.broadcast %sub3A_1222 : f32 to vector<16xf32>
      %sub3A_1224 = arith.subf %add3A_1221, %sub3A_1223 : vector<16xf32>
      %mul3A_1225 = arith.constant 5.000000e-01 : f32
      %mul3A_1226 = vector.broadcast %mul3A_1225 : f32 to vector<16xf32>
      %mul3A_1227 = arith.mulf %sub3A_1215, %mul3A_1226 : vector<16xf32>
      %mul3A_1228 = arith.constant 3.14159274 : f32
      %mul3A_1229 = vector.broadcast %mul3A_1228 : f32 to vector<16xf32>
      %mul3A_1230 = arith.mulf %sub3A_1224, %mul3A_1229 : vector<16xf32>
      %sub3A_1231 = arith.subf %mul3A_1227, %mul3A_1230 : vector<16xf32>
      %mul3A_1232 = arith.constant -8.74227765E-8 : f32
      %mul3A_1233 = vector.broadcast %mul3A_1232 : f32 to vector<16xf32>
      %mul3A_1234 = arith.mulf %sub3A_1224, %mul3A_1233 : vector<16xf32>
      %sub3A_1235 = arith.subf %sub3A_1231, %mul3A_1234 : vector<16xf32>
      %mul3A_1236 = arith.mulf %sub3A_1235, %sub3A_1235 : vector<16xf32>
      %mul3A_1237 = arith.constant -2.50521079E-8 : f32
      %mul3A_1238 = vector.broadcast %mul3A_1237 : f32 to vector<16xf32>
      %mul3A_1239 = arith.mulf %mul3A_1236, %mul3A_1238 : vector<16xf32>
      %add3A_1240 = arith.constant 2.75573188E-6 : f32
      %add3A_1241 = vector.broadcast %add3A_1240 : f32 to vector<16xf32>
      %add3A_1242 = arith.addf %add3A_1241, %mul3A_1239 : vector<16xf32>
      %mul3A_1243 = arith.mulf %mul3A_1236, %add3A_1242 : vector<16xf32>
      %add3A_1244 = arith.constant -1.98412701E-4 : f32
      %add3A_1245 = vector.broadcast %add3A_1244 : f32 to vector<16xf32>
      %add3A_1246 = arith.addf %add3A_1245, %mul3A_1243 : vector<16xf32>
      %mul3A_1247 = arith.mulf %mul3A_1236, %add3A_1246 : vector<16xf32>
      %add3A_1248 = arith.constant 0.00833333377 : f32
      %add3A_1249 = vector.broadcast %add3A_1248 : f32 to vector<16xf32>
      %add3A_1250 = arith.addf %add3A_1249, %mul3A_1247 : vector<16xf32>
      %mul3A_1251 = arith.mulf %mul3A_1236, %add3A_1250 : vector<16xf32>
      %add3A_1252 = arith.constant -0.166666672 : f32
      %add3A_1253 = vector.broadcast %add3A_1252 : f32 to vector<16xf32>
      %add3A_1254 = arith.addf %add3A_1253, %mul3A_1251 : vector<16xf32>
      %mul3A_1255 = arith.mulf %mul3A_1236, %add3A_1254 : vector<16xf32>
      %add3A_1256 = arith.constant 1.000000e+00 : f32
      %add3A_1257 = vector.broadcast %add3A_1256 : f32 to vector<16xf32>
      %add3A_1258 = arith.addf %add3A_1257, %mul3A_1255 : vector<16xf32>
      %mul3A_1259 = arith.mulf %sub3A_1235, %add3A_1258 : vector<16xf32>
      %abs3A_1260 = math.absf %mul3A_1259 : vector<16xf32>
      %add3A_1261 = arith.addf %abs3A_1213, %abs3A_1260 : vector<16xf32>
      %swap3A_1262 = arith.constant 96 : index
      %swap3A_1263 = tpu.vector_load %arg28[%swap3A_1262] {strides = array<i32>} : memref<256xf32, #tpu.memory_space<vmem>>, vector<16xf32>,
      tpu.vector_store %arg28[%swap3A_1262], %add3A_1166 {strides = array<i32>} : memref<256xf32, #tpu.memory_space<vmem>>, vector<16xf32>,
      %swap3A_1264 = arith.constant 96 : index
      %swap3A_1265 = tpu.vector_load %arg29[%swap3A_1264] {strides = array<i32>} : memref<256xf32, #tpu.memory_space<vmem>>, vector<16xf32>,
      tpu.vector_store %arg29[%swap3A_1264], %add3A_1261 {strides = array<i32>} : memref<256xf32, #tpu.memory_space<vmem>>, vector<16xf32>,
      %add3A_1266 = arith.constant 7 : i32
      %add3A_1267 = arith.addi %mul3A_304, %add3A_1266 : i32
      %get3A_1268 = arith.index_cast %add3A_1267 : i32 to index
      %get3A_1269 = arith.constant 0 : index
      %get3A_1270 = tpu.vector_load %arg22[%get3A_1268, %get3A_1269] {strides = array<i32>} : memref<512x32xbf16, #tpu.memory_space<vmem>>, vector<32xbf16>,
      %unpack3A_1271 = tpu.unpack_subelements %get3A_1270, 0 {pack_format = #tpu.pack_format<interleaved>} : vector<32xbf16> -> vector<16xf32>
      %unpack3A_1272 = tpu.unpack_subelements %get3A_1270, 1 {pack_format = #tpu.pack_format<interleaved>} : vector<32xbf16> -> vector<16xf32>
      %get3A_1273 = arith.index_cast %add3A_1267 : i32 to index
      %get3A_1274 = arith.constant 0 : index
      %get3A_1275 = tpu.vector_load %arg26[%get3A_1273, %get3A_1274] {strides = array<i32>} : memref<512x32xbf16, #tpu.memory_space<vmem>>, vector<32xbf16>,
      %unpack3A_1276 = tpu.unpack_subelements %get3A_1275, 0 {pack_format = #tpu.pack_format<interleaved>} : vector<32xbf16> -> vector<16xf32>
      %unpack3A_1277 = tpu.unpack_subelements %get3A_1275, 1 {pack_format = #tpu.pack_format<interleaved>} : vector<32xbf16> -> vector<16xf32>
      %get3A_1278 = arith.index_cast %add3A_1267 : i32 to index
      %get3A_1279 = arith.constant 0 : index
      %get3A_1280 = tpu.vector_load %arg24[%get3A_1278, %get3A_1279] {strides = array<i32>} : memref<512x32xbf16, #tpu.memory_space<vmem>>, vector<32xbf16>,
      %unpack3A_1281 = tpu.unpack_subelements %get3A_1280, 0 {pack_format = #tpu.pack_format<interleaved>} : vector<32xbf16> -> vector<16xf32>
      %unpack3A_1282 = tpu.unpack_subelements %get3A_1280, 1 {pack_format = #tpu.pack_format<interleaved>} : vector<32xbf16> -> vector<16xf32>
      %get3A_1283 = arith.index_cast %add3A_1267 : i32 to index
      %get3A_1284 = arith.constant 0 : index
      %get3A_1285 = tpu.vector_load %arg23[%get3A_1283, %get3A_1284] {strides = array<i32>} : memref<512x32xbf16, #tpu.memory_space<vmem>>, vector<32xbf16>,
      %unpack3A_1286 = tpu.unpack_subelements %get3A_1285, 0 {pack_format = #tpu.pack_format<interleaved>} : vector<32xbf16> -> vector<16xf32>
      %unpack3A_1287 = tpu.unpack_subelements %get3A_1285, 1 {pack_format = #tpu.pack_format<interleaved>} : vector<32xbf16> -> vector<16xf32>
      %get3A_1288 = arith.index_cast %add3A_1267 : i32 to index
      %get3A_1289 = arith.constant 0 : index
      %get3A_1290 = tpu.vector_load %arg27[%get3A_1288, %get3A_1289] {strides = array<i32>} : memref<512x32xbf16, #tpu.memory_space<vmem>>, vector<32xbf16>,
      %unpack3A_1291 = tpu.unpack_subelements %get3A_1290, 0 {pack_format = #tpu.pack_format<interleaved>} : vector<32xbf16> -> vector<16xf32>
      %unpack3A_1292 = tpu.unpack_subelements %get3A_1290, 1 {pack_format = #tpu.pack_format<interleaved>} : vector<32xbf16> -> vector<16xf32>
      %get3A_1293 = arith.index_cast %add3A_1267 : i32 to index
      %get3A_1294 = arith.constant 0 : index
      %get3A_1295 = tpu.vector_load %arg25[%get3A_1293, %get3A_1294] {strides = array<i32>} : memref<512x32xbf16, #tpu.memory_space<vmem>>, vector<32xbf16>,
      %unpack3A_1296 = tpu.unpack_subelements %get3A_1295, 0 {pack_format = #tpu.pack_format<interleaved>} : vector<32xbf16> -> vector<16xf32>
      %unpack3A_1297 = tpu.unpack_subelements %get3A_1295, 1 {pack_format = #tpu.pack_format<interleaved>} : vector<32xbf16> -> vector<16xf32>
      %mul3A_1298 = arith.mulf %unpack3A_1271, %unpack3A_1276 : vector<16xf32>
      %sub3A_1299 = arith.subf %mul3A_1298, %unpack3A_1281 : vector<16xf32>
      %mul3A_1300 = arith.mulf %unpack3A_1272, %unpack3A_1277 : vector<16xf32>
      %sub3A_1301 = arith.subf %mul3A_1300, %unpack3A_1282 : vector<16xf32>
      %mul3A_1302 = arith.mulf %sub3A_1299, %sub3A_1299 : vector<16xf32>
      %mul3A_1303 = arith.mulf %sub3A_1301, %sub3A_1301 : vector<16xf32>
      %add3A_1304 = arith.addf %mul3A_1302, %mul3A_1303 : vector<16xf32>
      %add3A_1305 = arith.addf %unpack3A_1286, %unpack3A_1291 : vector<16xf32>
      %sub3A_1306 = arith.subf %add3A_1305, %unpack3A_1296 : vector<16xf32>
      %mul3A_1307 = arith.constant 0.159154937 : f32
      %mul3A_1308 = vector.broadcast %mul3A_1307 : f32 to vector<16xf32>
      %mul3A_1309 = arith.mulf %sub3A_1306, %mul3A_1308 : vector<16xf32>
      %add3A_1310 = arith.constant 0x4B400000 : f32
      %add3A_1311 = vector.broadcast %add3A_1310 : f32 to vector<16xf32>
      %add3A_1312 = arith.addf %mul3A_1309, %add3A_1311 : vector<16xf32>
      %sub3A_1313 = arith.constant 0x4B400000 : f32
      %sub3A_1314 = vector.broadcast %sub3A_1313 : f32 to vector<16xf32>
      %sub3A_1315 = arith.subf %add3A_1312, %sub3A_1314 : vector<16xf32>
      %mul3A_1316 = arith.constant 5.000000e-01 : f32
      %mul3A_1317 = vector.broadcast %mul3A_1316 : f32 to vector<16xf32>
      %mul3A_1318 = arith.mulf %sub3A_1306, %mul3A_1317 : vector<16xf32>
      %mul3A_1319 = arith.constant 3.14159274 : f32
      %mul3A_1320 = vector.broadcast %mul3A_1319 : f32 to vector<16xf32>
      %mul3A_1321 = arith.mulf %sub3A_1315, %mul3A_1320 : vector<16xf32>
      %sub3A_1322 = arith.subf %mul3A_1318, %mul3A_1321 : vector<16xf32>
      %mul3A_1323 = arith.constant -8.74227765E-8 : f32
      %mul3A_1324 = vector.broadcast %mul3A_1323 : f32 to vector<16xf32>
      %mul3A_1325 = arith.mulf %sub3A_1315, %mul3A_1324 : vector<16xf32>
      %sub3A_1326 = arith.subf %sub3A_1322, %mul3A_1325 : vector<16xf32>
      %mul3A_1327 = arith.mulf %sub3A_1326, %sub3A_1326 : vector<16xf32>
      %mul3A_1328 = arith.constant -2.50521079E-8 : f32
      %mul3A_1329 = vector.broadcast %mul3A_1328 : f32 to vector<16xf32>
      %mul3A_1330 = arith.mulf %mul3A_1327, %mul3A_1329 : vector<16xf32>
      %add3A_1331 = arith.constant 2.75573188E-6 : f32
      %add3A_1332 = vector.broadcast %add3A_1331 : f32 to vector<16xf32>
      %add3A_1333 = arith.addf %add3A_1332, %mul3A_1330 : vector<16xf32>
      %mul3A_1334 = arith.mulf %mul3A_1327, %add3A_1333 : vector<16xf32>
      %add3A_1335 = arith.constant -1.98412701E-4 : f32
      %add3A_1336 = vector.broadcast %add3A_1335 : f32 to vector<16xf32>
      %add3A_1337 = arith.addf %add3A_1336, %mul3A_1334 : vector<16xf32>
      %mul3A_1338 = arith.mulf %mul3A_1327, %add3A_1337 : vector<16xf32>
      %add3A_1339 = arith.constant 0.00833333377 : f32
      %add3A_1340 = vector.broadcast %add3A_1339 : f32 to vector<16xf32>
      %add3A_1341 = arith.addf %add3A_1340, %mul3A_1338 : vector<16xf32>
      %mul3A_1342 = arith.mulf %mul3A_1327, %add3A_1341 : vector<16xf32>
      %add3A_1343 = arith.constant -0.166666672 : f32
      %add3A_1344 = vector.broadcast %add3A_1343 : f32 to vector<16xf32>
      %add3A_1345 = arith.addf %add3A_1344, %mul3A_1342 : vector<16xf32>
      %mul3A_1346 = arith.mulf %mul3A_1327, %add3A_1345 : vector<16xf32>
      %add3A_1347 = arith.constant 1.000000e+00 : f32
      %add3A_1348 = vector.broadcast %add3A_1347 : f32 to vector<16xf32>
      %add3A_1349 = arith.addf %add3A_1348, %mul3A_1346 : vector<16xf32>
      %mul3A_1350 = arith.mulf %sub3A_1326, %add3A_1349 : vector<16xf32>
      %abs3A_1351 = math.absf %mul3A_1350 : vector<16xf32>
      %add3A_1352 = arith.addf %unpack3A_1287, %unpack3A_1292 : vector<16xf32>
      %sub3A_1353 = arith.subf %add3A_1352, %unpack3A_1297 : vector<16xf32>
      %mul3A_1354 = arith.constant 0.159154937 : f32
      %mul3A_1355 = vector.broadcast %mul3A_1354 : f32 to vector<16xf32>
      %mul3A_1356 = arith.mulf %sub3A_1353, %mul3A_1355 : vector<16xf32>
      %add3A_1357 = arith.constant 0x4B400000 : f32
      %add3A_1358 = vector.broadcast %add3A_1357 : f32 to vector<16xf32>
      %add3A_1359 = arith.addf %mul3A_1356, %add3A_1358 : vector<16xf32>
      %sub3A_1360 = arith.constant 0x4B400000 : f32
      %sub3A_1361 = vector.broadcast %sub3A_1360 : f32 to vector<16xf32>
      %sub3A_1362 = arith.subf %add3A_1359, %sub3A_1361 : vector<16xf32>
      %mul3A_1363 = arith.constant 5.000000e-01 : f32
      %mul3A_1364 = vector.broadcast %mul3A_1363 : f32 to vector<16xf32>
      %mul3A_1365 = arith.mulf %sub3A_1353, %mul3A_1364 : vector<16xf32>
      %mul3A_1366 = arith.constant 3.14159274 : f32
      %mul3A_1367 = vector.broadcast %mul3A_1366 : f32 to vector<16xf32>
      %mul3A_1368 = arith.mulf %sub3A_1362, %mul3A_1367 : vector<16xf32>
      %sub3A_1369 = arith.subf %mul3A_1365, %mul3A_1368 : vector<16xf32>
      %mul3A_1370 = arith.constant -8.74227765E-8 : f32
      %mul3A_1371 = vector.broadcast %mul3A_1370 : f32 to vector<16xf32>
      %mul3A_1372 = arith.mulf %sub3A_1362, %mul3A_1371 : vector<16xf32>
      %sub3A_1373 = arith.subf %sub3A_1369, %mul3A_1372 : vector<16xf32>
      %mul3A_1374 = arith.mulf %sub3A_1373, %sub3A_1373 : vector<16xf32>
      %mul3A_1375 = arith.constant -2.50521079E-8 : f32
      %mul3A_1376 = vector.broadcast %mul3A_1375 : f32 to vector<16xf32>
      %mul3A_1377 = arith.mulf %mul3A_1374, %mul3A_1376 : vector<16xf32>
      %add3A_1378 = arith.constant 2.75573188E-6 : f32
      %add3A_1379 = vector.broadcast %add3A_1378 : f32 to vector<16xf32>
      %add3A_1380 = arith.addf %add3A_1379, %mul3A_1377 : vector<16xf32>
      %mul3A_1381 = arith.mulf %mul3A_1374, %add3A_1380 : vector<16xf32>
      %add3A_1382 = arith.constant -1.98412701E-4 : f32
      %add3A_1383 = vector.broadcast %add3A_1382 : f32 to vector<16xf32>
      %add3A_1384 = arith.addf %add3A_1383, %mul3A_1381 : vector<16xf32>
      %mul3A_1385 = arith.mulf %mul3A_1374, %add3A_1384 : vector<16xf32>
      %add3A_1386 = arith.constant 0.00833333377 : f32
      %add3A_1387 = vector.broadcast %add3A_1386 : f32 to vector<16xf32>
      %add3A_1388 = arith.addf %add3A_1387, %mul3A_1385 : vector<16xf32>
      %mul3A_1389 = arith.mulf %mul3A_1374, %add3A_1388 : vector<16xf32>
      %add3A_1390 = arith.constant -0.166666672 : f32
      %add3A_1391 = vector.broadcast %add3A_1390 : f32 to vector<16xf32>
      %add3A_1392 = arith.addf %add3A_1391, %mul3A_1389 : vector<16xf32>
      %mul3A_1393 = arith.mulf %mul3A_1374, %add3A_1392 : vector<16xf32>
      %add3A_1394 = arith.constant 1.000000e+00 : f32
      %add3A_1395 = vector.broadcast %add3A_1394 : f32 to vector<16xf32>
      %add3A_1396 = arith.addf %add3A_1395, %mul3A_1393 : vector<16xf32>
      %mul3A_1397 = arith.mulf %sub3A_1373, %add3A_1396 : vector<16xf32>
      %abs3A_1398 = math.absf %mul3A_1397 : vector<16xf32>
      %add3A_1399 = arith.addf %abs3A_1351, %abs3A_1398 : vector<16xf32>
      %swap3A_1400 = arith.constant 112 : index
      %swap3A_1401 = tpu.vector_load %arg28[%swap3A_1400] {strides = array<i32>} : memref<256xf32, #tpu.memory_space<vmem>>, vector<16xf32>,
      tpu.vector_store %arg28[%swap3A_1400], %add3A_1304 {strides = array<i32>} : memref<256xf32, #tpu.memory_space<vmem>>, vector<16xf32>,
      %swap3A_1402 = arith.constant 112 : index
      %swap3A_1403 = tpu.vector_load %arg29[%swap3A_1402] {strides = array<i32>} : memref<256xf32, #tpu.memory_space<vmem>>, vector<16xf32>,
      tpu.vector_store %arg29[%swap3A_1402], %add3A_1399 {strides = array<i32>} : memref<256xf32, #tpu.memory_space<vmem>>, vector<16xf32>,
      %add3A_1404 = arith.constant 8 : i32
      %add3A_1405 = arith.addi %mul3A_304, %add3A_1404 : i32
      %get3A_1406 = arith.index_cast %add3A_1405 : i32 to index
      %get3A_1407 = arith.constant 0 : index
      %get3A_1408 = tpu.vector_load %arg22[%get3A_1406, %get3A_1407] {strides = array<i32>} : memref<512x32xbf16, #tpu.memory_space<vmem>>, vector<32xbf16>,
      %unpack3A_1409 = tpu.unpack_subelements %get3A_1408, 0 {pack_format = #tpu.pack_format<interleaved>} : vector<32xbf16> -> vector<16xf32>
      %unpack3A_1410 = tpu.unpack_subelements %get3A_1408, 1 {pack_format = #tpu.pack_format<interleaved>} : vector<32xbf16> -> vector<16xf32>
      %get3A_1411 = arith.index_cast %add3A_1405 : i32 to index
      %get3A_1412 = arith.constant 0 : index
      %get3A_1413 = tpu.vector_load %arg26[%get3A_1411, %get3A_1412] {strides = array<i32>} : memref<512x32xbf16, #tpu.memory_space<vmem>>, vector<32xbf16>,
      %unpack3A_1414 = tpu.unpack_subelements %get3A_1413, 0 {pack_format = #tpu.pack_format<interleaved>} : vector<32xbf16> -> vector<16xf32>
      %unpack3A_1415 = tpu.unpack_subelements %get3A_1413, 1 {pack_format = #tpu.pack_format<interleaved>} : vector<32xbf16> -> vector<16xf32>
      %get3A_1416 = arith.index_cast %add3A_1405 : i32 to index
      %get3A_1417 = arith.constant 0 : index
      %get3A_1418 = tpu.vector_load %arg24[%get3A_1416, %get3A_1417] {strides = array<i32>} : memref<512x32xbf16, #tpu.memory_space<vmem>>, vector<32xbf16>,
      %unpack3A_1419 = tpu.unpack_subelements %get3A_1418, 0 {pack_format = #tpu.pack_format<interleaved>} : vector<32xbf16> -> vector<16xf32>
      %unpack3A_1420 = tpu.unpack_subelements %get3A_1418, 1 {pack_format = #tpu.pack_format<interleaved>} : vector<32xbf16> -> vector<16xf32>
      %get3A_1421 = arith.index_cast %add3A_1405 : i32 to index
      %get3A_1422 = arith.constant 0 : index
      %get3A_1423 = tpu.vector_load %arg23[%get3A_1421, %get3A_1422] {strides = array<i32>} : memref<512x32xbf16, #tpu.memory_space<vmem>>, vector<32xbf16>,
      %unpack3A_1424 = tpu.unpack_subelements %get3A_1423, 0 {pack_format = #tpu.pack_format<interleaved>} : vector<32xbf16> -> vector<16xf32>
      %unpack3A_1425 = tpu.unpack_subelements %get3A_1423, 1 {pack_format = #tpu.pack_format<interleaved>} : vector<32xbf16> -> vector<16xf32>
      %get3A_1426 = arith.index_cast %add3A_1405 : i32 to index
      %get3A_1427 = arith.constant 0 : index
      %get3A_1428 = tpu.vector_load %arg27[%get3A_1426, %get3A_1427] {strides = array<i32>} : memref<512x32xbf16, #tpu.memory_space<vmem>>, vector<32xbf16>,
      %unpack3A_1429 = tpu.unpack_subelements %get3A_1428, 0 {pack_format = #tpu.pack_format<interleaved>} : vector<32xbf16> -> vector<16xf32>
      %unpack3A_1430 = tpu.unpack_subelements %get3A_1428, 1 {pack_format = #tpu.pack_format<interleaved>} : vector<32xbf16> -> vector<16xf32>
      %get3A_1431 = arith.index_cast %add3A_1405 : i32 to index
      %get3A_1432 = arith.constant 0 : index
      %get3A_1433 = tpu.vector_load %arg25[%get3A_1431, %get3A_1432] {strides = array<i32>} : memref<512x32xbf16, #tpu.memory_space<vmem>>, vector<32xbf16>,
      %unpack3A_1434 = tpu.unpack_subelements %get3A_1433, 0 {pack_format = #tpu.pack_format<interleaved>} : vector<32xbf16> -> vector<16xf32>
      %unpack3A_1435 = tpu.unpack_subelements %get3A_1433, 1 {pack_format = #tpu.pack_format<interleaved>} : vector<32xbf16> -> vector<16xf32>
      %mul3A_1436 = arith.mulf %unpack3A_1409, %unpack3A_1414 : vector<16xf32>
      %sub3A_1437 = arith.subf %mul3A_1436, %unpack3A_1419 : vector<16xf32>
      %mul3A_1438 = arith.mulf %unpack3A_1410, %unpack3A_1415 : vector<16xf32>
      %sub3A_1439 = arith.subf %mul3A_1438, %unpack3A_1420 : vector<16xf32>
      %mul3A_1440 = arith.mulf %sub3A_1437, %sub3A_1437 : vector<16xf32>
      %mul3A_1441 = arith.mulf %sub3A_1439, %sub3A_1439 : vector<16xf32>
      %add3A_1442 = arith.addf %mul3A_1440, %mul3A_1441 : vector<16xf32>
      %add3A_1443 = arith.addf %unpack3A_1424, %unpack3A_1429 : vector<16xf32>
      %sub3A_1444 = arith.subf %add3A_1443, %unpack3A_1434 : vector<16xf32>
      %mul3A_1445 = arith.constant 0.159154937 : f32
      %mul3A_1446 = vector.broadcast %mul3A_1445 : f32 to vector<16xf32>
      %mul3A_1447 = arith.mulf %sub3A_1444, %mul3A_1446 : vector<16xf32>
      %add3A_1448 = arith.constant 0x4B400000 : f32
      %add3A_1449 = vector.broadcast %add3A_1448 : f32 to vector<16xf32>
      %add3A_1450 = arith.addf %mul3A_1447, %add3A_1449 : vector<16xf32>
      %sub3A_1451 = arith.constant 0x4B400000 : f32
      %sub3A_1452 = vector.broadcast %sub3A_1451 : f32 to vector<16xf32>
      %sub3A_1453 = arith.subf %add3A_1450, %sub3A_1452 : vector<16xf32>
      %mul3A_1454 = arith.constant 5.000000e-01 : f32
      %mul3A_1455 = vector.broadcast %mul3A_1454 : f32 to vector<16xf32>
      %mul3A_1456 = arith.mulf %sub3A_1444, %mul3A_1455 : vector<16xf32>
      %mul3A_1457 = arith.constant 3.14159274 : f32
      %mul3A_1458 = vector.broadcast %mul3A_1457 : f32 to vector<16xf32>
      %mul3A_1459 = arith.mulf %sub3A_1453, %mul3A_1458 : vector<16xf32>
      %sub3A_1460 = arith.subf %mul3A_1456, %mul3A_1459 : vector<16xf32>
      %mul3A_1461 = arith.constant -8.74227765E-8 : f32
      %mul3A_1462 = vector.broadcast %mul3A_1461 : f32 to vector<16xf32>
      %mul3A_1463 = arith.mulf %sub3A_1453, %mul3A_1462 : vector<16xf32>
      %sub3A_1464 = arith.subf %sub3A_1460, %mul3A_1463 : vector<16xf32>
      %mul3A_1465 = arith.mulf %sub3A_1464, %sub3A_1464 : vector<16xf32>
      %mul3A_1466 = arith.constant -2.50521079E-8 : f32
      %mul3A_1467 = vector.broadcast %mul3A_1466 : f32 to vector<16xf32>
      %mul3A_1468 = arith.mulf %mul3A_1465, %mul3A_1467 : vector<16xf32>
      %add3A_1469 = arith.constant 2.75573188E-6 : f32
      %add3A_1470 = vector.broadcast %add3A_1469 : f32 to vector<16xf32>
      %add3A_1471 = arith.addf %add3A_1470, %mul3A_1468 : vector<16xf32>
      %mul3A_1472 = arith.mulf %mul3A_1465, %add3A_1471 : vector<16xf32>
      %add3A_1473 = arith.constant -1.98412701E-4 : f32
      %add3A_1474 = vector.broadcast %add3A_1473 : f32 to vector<16xf32>
      %add3A_1475 = arith.addf %add3A_1474, %mul3A_1472 : vector<16xf32>
      %mul3A_1476 = arith.mulf %mul3A_1465, %add3A_1475 : vector<16xf32>
      %add3A_1477 = arith.constant 0.00833333377 : f32
      %add3A_1478 = vector.broadcast %add3A_1477 : f32 to vector<16xf32>
      %add3A_1479 = arith.addf %add3A_1478, %mul3A_1476 : vector<16xf32>
      %mul3A_1480 = arith.mulf %mul3A_1465, %add3A_1479 : vector<16xf32>
      %add3A_1481 = arith.constant -0.166666672 : f32
      %add3A_1482 = vector.broadcast %add3A_1481 : f32 to vector<16xf32>
      %add3A_1483 = arith.addf %add3A_1482, %mul3A_1480 : vector<16xf32>
      %mul3A_1484 = arith.mulf %mul3A_1465, %add3A_1483 : vector<16xf32>
      %add3A_1485 = arith.constant 1.000000e+00 : f32
      %add3A_1486 = vector.broadcast %add3A_1485 : f32 to vector<16xf32>
      %add3A_1487 = arith.addf %add3A_1486, %mul3A_1484 : vector<16xf32>
      %mul3A_1488 = arith.mulf %sub3A_1464, %add3A_1487 : vector<16xf32>
      %abs3A_1489 = math.absf %mul3A_1488 : vector<16xf32>
      %add3A_1490 = arith.addf %unpack3A_1425, %unpack3A_1430 : vector<16xf32>
      %sub3A_1491 = arith.subf %add3A_1490, %unpack3A_1435 : vector<16xf32>
      %mul3A_1492 = arith.constant 0.159154937 : f32
      %mul3A_1493 = vector.broadcast %mul3A_1492 : f32 to vector<16xf32>
      %mul3A_1494 = arith.mulf %sub3A_1491, %mul3A_1493 : vector<16xf32>
      %add3A_1495 = arith.constant 0x4B400000 : f32
      %add3A_1496 = vector.broadcast %add3A_1495 : f32 to vector<16xf32>
      %add3A_1497 = arith.addf %mul3A_1494, %add3A_1496 : vector<16xf32>
      %sub3A_1498 = arith.constant 0x4B400000 : f32
      %sub3A_1499 = vector.broadcast %sub3A_1498 : f32 to vector<16xf32>
      %sub3A_1500 = arith.subf %add3A_1497, %sub3A_1499 : vector<16xf32>
      %mul3A_1501 = arith.constant 5.000000e-01 : f32
      %mul3A_1502 = vector.broadcast %mul3A_1501 : f32 to vector<16xf32>
      %mul3A_1503 = arith.mulf %sub3A_1491, %mul3A_1502 : vector<16xf32>
      %mul3A_1504 = arith.constant 3.14159274 : f32
      %mul3A_1505 = vector.broadcast %mul3A_1504 : f32 to vector<16xf32>
      %mul3A_1506 = arith.mulf %sub3A_1500, %mul3A_1505 : vector<16xf32>
      %sub3A_1507 = arith.subf %mul3A_1503, %mul3A_1506 : vector<16xf32>
      %mul3A_1508 = arith.constant -8.74227765E-8 : f32
      %mul3A_1509 = vector.broadcast %mul3A_1508 : f32 to vector<16xf32>
      %mul3A_1510 = arith.mulf %sub3A_1500, %mul3A_1509 : vector<16xf32>
      %sub3A_1511 = arith.subf %sub3A_1507, %mul3A_1510 : vector<16xf32>
      %mul3A_1512 = arith.mulf %sub3A_1511, %sub3A_1511 : vector<16xf32>
      %mul3A_1513 = arith.constant -2.50521079E-8 : f32
      %mul3A_1514 = vector.broadcast %mul3A_1513 : f32 to vector<16xf32>
      %mul3A_1515 = arith.mulf %mul3A_1512, %mul3A_1514 : vector<16xf32>
      %add3A_1516 = arith.constant 2.75573188E-6 : f32
      %add3A_1517 = vector.broadcast %add3A_1516 : f32 to vector<16xf32>
      %add3A_1518 = arith.addf %add3A_1517, %mul3A_1515 : vector<16xf32>
      %mul3A_1519 = arith.mulf %mul3A_1512, %add3A_1518 : vector<16xf32>
      %add3A_1520 = arith.constant -1.98412701E-4 : f32
      %add3A_1521 = vector.broadcast %add3A_1520 : f32 to vector<16xf32>
      %add3A_1522 = arith.addf %add3A_1521, %mul3A_1519 : vector<16xf32>
      %mul3A_1523 = arith.mulf %mul3A_1512, %add3A_1522 : vector<16xf32>
      %add3A_1524 = arith.constant 0.00833333377 : f32
      %add3A_1525 = vector.broadcast %add3A_1524 : f32 to vector<16xf32>
      %add3A_1526 = arith.addf %add3A_1525, %mul3A_1523 : vector<16xf32>
      %mul3A_1527 = arith.mulf %mul3A_1512, %add3A_1526 : vector<16xf32>
      %add3A_1528 = arith.constant -0.166666672 : f32
      %add3A_1529 = vector.broadcast %add3A_1528 : f32 to vector<16xf32>
      %add3A_1530 = arith.addf %add3A_1529, %mul3A_1527 : vector<16xf32>
      %mul3A_1531 = arith.mulf %mul3A_1512, %add3A_1530 : vector<16xf32>
      %add3A_1532 = arith.constant 1.000000e+00 : f32
      %add3A_1533 = vector.broadcast %add3A_1532 : f32 to vector<16xf32>
      %add3A_1534 = arith.addf %add3A_1533, %mul3A_1531 : vector<16xf32>
      %mul3A_1535 = arith.mulf %sub3A_1511, %add3A_1534 : vector<16xf32>
      %abs3A_1536 = math.absf %mul3A_1535 : vector<16xf32>
      %add3A_1537 = arith.addf %abs3A_1489, %abs3A_1536 : vector<16xf32>
      %swap3A_1538 = arith.constant 128 : index
      %swap3A_1539 = tpu.vector_load %arg28[%swap3A_1538] {strides = array<i32>} : memref<256xf32, #tpu.memory_space<vmem>>, vector<16xf32>,
      tpu.vector_store %arg28[%swap3A_1538], %add3A_1442 {strides = array<i32>} : memref<256xf32, #tpu.memory_space<vmem>>, vector<16xf32>,
      %swap3A_1540 = arith.constant 128 : index
      %swap3A_1541 = tpu.vector_load %arg29[%swap3A_1540] {strides = array<i32>} : memref<256xf32, #tpu.memory_space<vmem>>, vector<16xf32>,
      tpu.vector_store %arg29[%swap3A_1540], %add3A_1537 {strides = array<i32>} : memref<256xf32, #tpu.memory_space<vmem>>, vector<16xf32>,
      %add3A_1542 = arith.constant 9 : i32
      %add3A_1543 = arith.addi %mul3A_304, %add3A_1542 : i32
      %get3A_1544 = arith.index_cast %add3A_1543 : i32 to index
      %get3A_1545 = arith.constant 0 : index
      %get3A_1546 = tpu.vector_load %arg22[%get3A_1544, %get3A_1545] {strides = array<i32>} : memref<512x32xbf16, #tpu.memory_space<vmem>>, vector<32xbf16>,
      %unpack3A_1547 = tpu.unpack_subelements %get3A_1546, 0 {pack_format = #tpu.pack_format<interleaved>} : vector<32xbf16> -> vector<16xf32>
      %unpack3A_1548 = tpu.unpack_subelements %get3A_1546, 1 {pack_format = #tpu.pack_format<interleaved>} : vector<32xbf16> -> vector<16xf32>
      %get3A_1549 = arith.index_cast %add3A_1543 : i32 to index
      %get3A_1550 = arith.constant 0 : index
      %get3A_1551 = tpu.vector_load %arg26[%get3A_1549, %get3A_1550] {strides = array<i32>} : memref<512x32xbf16, #tpu.memory_space<vmem>>, vector<32xbf16>,
      %unpack3A_1552 = tpu.unpack_subelements %get3A_1551, 0 {pack_format = #tpu.pack_format<interleaved>} : vector<32xbf16> -> vector<16xf32>
      %unpack3A_1553 = tpu.unpack_subelements %get3A_1551, 1 {pack_format = #tpu.pack_format<interleaved>} : vector<32xbf16> -> vector<16xf32>
      %get3A_1554 = arith.index_cast %add3A_1543 : i32 to index
      %get3A_1555 = arith.constant 0 : index
      %get3A_1556 = tpu.vector_load %arg24[%get3A_1554, %get3A_1555] {strides = array<i32>} : memref<512x32xbf16, #tpu.memory_space<vmem>>, vector<32xbf16>,
      %unpack3A_1557 = tpu.unpack_subelements %get3A_1556, 0 {pack_format = #tpu.pack_format<interleaved>} : vector<32xbf16> -> vector<16xf32>
      %unpack3A_1558 = tpu.unpack_subelements %get3A_1556, 1 {pack_format = #tpu.pack_format<interleaved>} : vector<32xbf16> -> vector<16xf32>
      %get3A_1559 = arith.index_cast %add3A_1543 : i32 to index
      %get3A_1560 = arith.constant 0 : index
      %get3A_1561 = tpu.vector_load %arg23[%get3A_1559, %get3A_1560] {strides = array<i32>} : memref<512x32xbf16, #tpu.memory_space<vmem>>, vector<32xbf16>,
      %unpack3A_1562 = tpu.unpack_subelements %get3A_1561, 0 {pack_format = #tpu.pack_format<interleaved>} : vector<32xbf16> -> vector<16xf32>
      %unpack3A_1563 = tpu.unpack_subelements %get3A_1561, 1 {pack_format = #tpu.pack_format<interleaved>} : vector<32xbf16> -> vector<16xf32>
      %get3A_1564 = arith.index_cast %add3A_1543 : i32 to index
      %get3A_1565 = arith.constant 0 : index
      %get3A_1566 = tpu.vector_load %arg27[%get3A_1564, %get3A_1565] {strides = array<i32>} : memref<512x32xbf16, #tpu.memory_space<vmem>>, vector<32xbf16>,
      %unpack3A_1567 = tpu.unpack_subelements %get3A_1566, 0 {pack_format = #tpu.pack_format<interleaved>} : vector<32xbf16> -> vector<16xf32>
      %unpack3A_1568 = tpu.unpack_subelements %get3A_1566, 1 {pack_format = #tpu.pack_format<interleaved>} : vector<32xbf16> -> vector<16xf32>
      %get3A_1569 = arith.index_cast %add3A_1543 : i32 to index
      %get3A_1570 = arith.constant 0 : index
      %get3A_1571 = tpu.vector_load %arg25[%get3A_1569, %get3A_1570] {strides = array<i32>} : memref<512x32xbf16, #tpu.memory_space<vmem>>, vector<32xbf16>,
      %unpack3A_1572 = tpu.unpack_subelements %get3A_1571, 0 {pack_format = #tpu.pack_format<interleaved>} : vector<32xbf16> -> vector<16xf32>
      %unpack3A_1573 = tpu.unpack_subelements %get3A_1571, 1 {pack_format = #tpu.pack_format<interleaved>} : vector<32xbf16> -> vector<16xf32>
      %mul3A_1574 = arith.mulf %unpack3A_1547, %unpack3A_1552 : vector<16xf32>
      %sub3A_1575 = arith.subf %mul3A_1574, %unpack3A_1557 : vector<16xf32>
      %mul3A_1576 = arith.mulf %unpack3A_1548, %unpack3A_1553 : vector<16xf32>
      %sub3A_1577 = arith.subf %mul3A_1576, %unpack3A_1558 : vector<16xf32>
      %mul3A_1578 = arith.mulf %sub3A_1575, %sub3A_1575 : vector<16xf32>
      %mul3A_1579 = arith.mulf %sub3A_1577, %sub3A_1577 : vector<16xf32>
      %add3A_1580 = arith.addf %mul3A_1578, %mul3A_1579 : vector<16xf32>
      %add3A_1581 = arith.addf %unpack3A_1562, %unpack3A_1567 : vector<16xf32>
      %sub3A_1582 = arith.subf %add3A_1581, %unpack3A_1572 : vector<16xf32>
      %mul3A_1583 = arith.constant 0.159154937 : f32
      %mul3A_1584 = vector.broadcast %mul3A_1583 : f32 to vector<16xf32>
      %mul3A_1585 = arith.mulf %sub3A_1582, %mul3A_1584 : vector<16xf32>
      %add3A_1586 = arith.constant 0x4B400000 : f32
      %add3A_1587 = vector.broadcast %add3A_1586 : f32 to vector<16xf32>
      %add3A_1588 = arith.addf %mul3A_1585, %add3A_1587 : vector<16xf32>
      %sub3A_1589 = arith.constant 0x4B400000 : f32
      %sub3A_1590 = vector.broadcast %sub3A_1589 : f32 to vector<16xf32>
      %sub3A_1591 = arith.subf %add3A_1588, %sub3A_1590 : vector<16xf32>
      %mul3A_1592 = arith.constant 5.000000e-01 : f32
      %mul3A_1593 = vector.broadcast %mul3A_1592 : f32 to vector<16xf32>
      %mul3A_1594 = arith.mulf %sub3A_1582, %mul3A_1593 : vector<16xf32>
      %mul3A_1595 = arith.constant 3.14159274 : f32
      %mul3A_1596 = vector.broadcast %mul3A_1595 : f32 to vector<16xf32>
      %mul3A_1597 = arith.mulf %sub3A_1591, %mul3A_1596 : vector<16xf32>
      %sub3A_1598 = arith.subf %mul3A_1594, %mul3A_1597 : vector<16xf32>
      %mul3A_1599 = arith.constant -8.74227765E-8 : f32
      %mul3A_1600 = vector.broadcast %mul3A_1599 : f32 to vector<16xf32>
      %mul3A_1601 = arith.mulf %sub3A_1591, %mul3A_1600 : vector<16xf32>
      %sub3A_1602 = arith.subf %sub3A_1598, %mul3A_1601 : vector<16xf32>
      %mul3A_1603 = arith.mulf %sub3A_1602, %sub3A_1602 : vector<16xf32>
      %mul3A_1604 = arith.constant -2.50521079E-8 : f32
      %mul3A_1605 = vector.broadcast %mul3A_1604 : f32 to vector<16xf32>
      %mul3A_1606 = arith.mulf %mul3A_1603, %mul3A_1605 : vector<16xf32>
      %add3A_1607 = arith.constant 2.75573188E-6 : f32
      %add3A_1608 = vector.broadcast %add3A_1607 : f32 to vector<16xf32>
      %add3A_1609 = arith.addf %add3A_1608, %mul3A_1606 : vector<16xf32>
      %mul3A_1610 = arith.mulf %mul3A_1603, %add3A_1609 : vector<16xf32>
      %add3A_1611 = arith.constant -1.98412701E-4 : f32
      %add3A_1612 = vector.broadcast %add3A_1611 : f32 to vector<16xf32>
      %add3A_1613 = arith.addf %add3A_1612, %mul3A_1610 : vector<16xf32>
      %mul3A_1614 = arith.mulf %mul3A_1603, %add3A_1613 : vector<16xf32>
      %add3A_1615 = arith.constant 0.00833333377 : f32
      %add3A_1616 = vector.broadcast %add3A_1615 : f32 to vector<16xf32>
      %add3A_1617 = arith.addf %add3A_1616, %mul3A_1614 : vector<16xf32>
      %mul3A_1618 = arith.mulf %mul3A_1603, %add3A_1617 : vector<16xf32>
      %add3A_1619 = arith.constant -0.166666672 : f32
      %add3A_1620 = vector.broadcast %add3A_1619 : f32 to vector<16xf32>
      %add3A_1621 = arith.addf %add3A_1620, %mul3A_1618 : vector<16xf32>
      %mul3A_1622 = arith.mulf %mul3A_1603, %add3A_1621 : vector<16xf32>
      %add3A_1623 = arith.constant 1.000000e+00 : f32
      %add3A_1624 = vector.broadcast %add3A_1623 : f32 to vector<16xf32>
      %add3A_1625 = arith.addf %add3A_1624, %mul3A_1622 : vector<16xf32>
      %mul3A_1626 = arith.mulf %sub3A_1602, %add3A_1625 : vector<16xf32>
      %abs3A_1627 = math.absf %mul3A_1626 : vector<16xf32>
      %add3A_1628 = arith.addf %unpack3A_1563, %unpack3A_1568 : vector<16xf32>
      %sub3A_1629 = arith.subf %add3A_1628, %unpack3A_1573 : vector<16xf32>
      %mul3A_1630 = arith.constant 0.159154937 : f32
      %mul3A_1631 = vector.broadcast %mul3A_1630 : f32 to vector<16xf32>
      %mul3A_1632 = arith.mulf %sub3A_1629, %mul3A_1631 : vector<16xf32>
      %add3A_1633 = arith.constant 0x4B400000 : f32
      %add3A_1634 = vector.broadcast %add3A_1633 : f32 to vector<16xf32>
      %add3A_1635 = arith.addf %mul3A_1632, %add3A_1634 : vector<16xf32>
      %sub3A_1636 = arith.constant 0x4B400000 : f32
      %sub3A_1637 = vector.broadcast %sub3A_1636 : f32 to vector<16xf32>
      %sub3A_1638 = arith.subf %add3A_1635, %sub3A_1637 : vector<16xf32>
      %mul3A_1639 = arith.constant 5.000000e-01 : f32
      %mul3A_1640 = vector.broadcast %mul3A_1639 : f32 to vector<16xf32>
      %mul3A_1641 = arith.mulf %sub3A_1629, %mul3A_1640 : vector<16xf32>
      %mul3A_1642 = arith.constant 3.14159274 : f32
      %mul3A_1643 = vector.broadcast %mul3A_1642 : f32 to vector<16xf32>
      %mul3A_1644 = arith.mulf %sub3A_1638, %mul3A_1643 : vector<16xf32>
      %sub3A_1645 = arith.subf %mul3A_1641, %mul3A_1644 : vector<16xf32>
      %mul3A_1646 = arith.constant -8.74227765E-8 : f32
      %mul3A_1647 = vector.broadcast %mul3A_1646 : f32 to vector<16xf32>
      %mul3A_1648 = arith.mulf %sub3A_1638, %mul3A_1647 : vector<16xf32>
      %sub3A_1649 = arith.subf %sub3A_1645, %mul3A_1648 : vector<16xf32>
      %mul3A_1650 = arith.mulf %sub3A_1649, %sub3A_1649 : vector<16xf32>
      %mul3A_1651 = arith.constant -2.50521079E-8 : f32
      %mul3A_1652 = vector.broadcast %mul3A_1651 : f32 to vector<16xf32>
      %mul3A_1653 = arith.mulf %mul3A_1650, %mul3A_1652 : vector<16xf32>
      %add3A_1654 = arith.constant 2.75573188E-6 : f32
      %add3A_1655 = vector.broadcast %add3A_1654 : f32 to vector<16xf32>
      %add3A_1656 = arith.addf %add3A_1655, %mul3A_1653 : vector<16xf32>
      %mul3A_1657 = arith.mulf %mul3A_1650, %add3A_1656 : vector<16xf32>
      %add3A_1658 = arith.constant -1.98412701E-4 : f32
      %add3A_1659 = vector.broadcast %add3A_1658 : f32 to vector<16xf32>
      %add3A_1660 = arith.addf %add3A_1659, %mul3A_1657 : vector<16xf32>
      %mul3A_1661 = arith.mulf %mul3A_1650, %add3A_1660 : vector<16xf32>
      %add3A_1662 = arith.constant 0.00833333377 : f32
      %add3A_1663 = vector.broadcast %add3A_1662 : f32 to vector<16xf32>
      %add3A_1664 = arith.addf %add3A_1663, %mul3A_1661 : vector<16xf32>
      %mul3A_1665 = arith.mulf %mul3A_1650, %add3A_1664 : vector<16xf32>
      %add3A_1666 = arith.constant -0.166666672 : f32
      %add3A_1667 = vector.broadcast %add3A_1666 : f32 to vector<16xf32>
      %add3A_1668 = arith.addf %add3A_1667, %mul3A_1665 : vector<16xf32>
      %mul3A_1669 = arith.mulf %mul3A_1650, %add3A_1668 : vector<16xf32>
      %add3A_1670 = arith.constant 1.000000e+00 : f32
      %add3A_1671 = vector.broadcast %add3A_1670 : f32 to vector<16xf32>
      %add3A_1672 = arith.addf %add3A_1671, %mul3A_1669 : vector<16xf32>
      %mul3A_1673 = arith.mulf %sub3A_1649, %add3A_1672 : vector<16xf32>
      %abs3A_1674 = math.absf %mul3A_1673 : vector<16xf32>
      %add3A_1675 = arith.addf %abs3A_1627, %abs3A_1674 : vector<16xf32>
      %swap3A_1676 = arith.constant 144 : index
      %swap3A_1677 = tpu.vector_load %arg28[%swap3A_1676] {strides = array<i32>} : memref<256xf32, #tpu.memory_space<vmem>>, vector<16xf32>,
      tpu.vector_store %arg28[%swap3A_1676], %add3A_1580 {strides = array<i32>} : memref<256xf32, #tpu.memory_space<vmem>>, vector<16xf32>,
      %swap3A_1678 = arith.constant 144 : index
      %swap3A_1679 = tpu.vector_load %arg29[%swap3A_1678] {strides = array<i32>} : memref<256xf32, #tpu.memory_space<vmem>>, vector<16xf32>,
      tpu.vector_store %arg29[%swap3A_1678], %add3A_1675 {strides = array<i32>} : memref<256xf32, #tpu.memory_space<vmem>>, vector<16xf32>,
      %add3A_1680 = arith.constant 10 : i32
      %add3A_1681 = arith.addi %mul3A_304, %add3A_1680 : i32
      %get3A_1682 = arith.index_cast %add3A_1681 : i32 to index
      %get3A_1683 = arith.constant 0 : index
      %get3A_1684 = tpu.vector_load %arg22[%get3A_1682, %get3A_1683] {strides = array<i32>} : memref<512x32xbf16, #tpu.memory_space<vmem>>, vector<32xbf16>,
      %unpack3A_1685 = tpu.unpack_subelements %get3A_1684, 0 {pack_format = #tpu.pack_format<interleaved>} : vector<32xbf16> -> vector<16xf32>
      %unpack3A_1686 = tpu.unpack_subelements %get3A_1684, 1 {pack_format = #tpu.pack_format<interleaved>} : vector<32xbf16> -> vector<16xf32>
      %get3A_1687 = arith.index_cast %add3A_1681 : i32 to index
      %get3A_1688 = arith.constant 0 : index
      %get3A_1689 = tpu.vector_load %arg26[%get3A_1687, %get3A_1688] {strides = array<i32>} : memref<512x32xbf16, #tpu.memory_space<vmem>>, vector<32xbf16>,
      %unpack3A_1690 = tpu.unpack_subelements %get3A_1689, 0 {pack_format = #tpu.pack_format<interleaved>} : vector<32xbf16> -> vector<16xf32>
      %unpack3A_1691 = tpu.unpack_subelements %get3A_1689, 1 {pack_format = #tpu.pack_format<interleaved>} : vector<32xbf16> -> vector<16xf32>
      %get3A_1692 = arith.index_cast %add3A_1681 : i32 to index
      %get3A_1693 = arith.constant 0 : index
      %get3A_1694 = tpu.vector_load %arg24[%get3A_1692, %get3A_1693] {strides = array<i32>} : memref<512x32xbf16, #tpu.memory_space<vmem>>, vector<32xbf16>,
      %unpack3A_1695 = tpu.unpack_subelements %get3A_1694, 0 {pack_format = #tpu.pack_format<interleaved>} : vector<32xbf16> -> vector<16xf32>
      %unpack3A_1696 = tpu.unpack_subelements %get3A_1694, 1 {pack_format = #tpu.pack_format<interleaved>} : vector<32xbf16> -> vector<16xf32>
      %get3A_1697 = arith.index_cast %add3A_1681 : i32 to index
      %get3A_1698 = arith.constant 0 : index
      %get3A_1699 = tpu.vector_load %arg23[%get3A_1697, %get3A_1698] {strides = array<i32>} : memref<512x32xbf16, #tpu.memory_space<vmem>>, vector<32xbf16>,
      %unpack3A_1700 = tpu.unpack_subelements %get3A_1699, 0 {pack_format = #tpu.pack_format<interleaved>} : vector<32xbf16> -> vector<16xf32>
      %unpack3A_1701 = tpu.unpack_subelements %get3A_1699, 1 {pack_format = #tpu.pack_format<interleaved>} : vector<32xbf16> -> vector<16xf32>
      %get3A_1702 = arith.index_cast %add3A_1681 : i32 to index
      %get3A_1703 = arith.constant 0 : index
      %get3A_1704 = tpu.vector_load %arg27[%get3A_1702, %get3A_1703] {strides = array<i32>} : memref<512x32xbf16, #tpu.memory_space<vmem>>, vector<32xbf16>,
      %unpack3A_1705 = tpu.unpack_subelements %get3A_1704, 0 {pack_format = #tpu.pack_format<interleaved>} : vector<32xbf16> -> vector<16xf32>
      %unpack3A_1706 = tpu.unpack_subelements %get3A_1704, 1 {pack_format = #tpu.pack_format<interleaved>} : vector<32xbf16> -> vector<16xf32>
      %get3A_1707 = arith.index_cast %add3A_1681 : i32 to index
      %get3A_1708 = arith.constant 0 : index
      %get3A_1709 = tpu.vector_load %arg25[%get3A_1707, %get3A_1708] {strides = array<i32>} : memref<512x32xbf16, #tpu.memory_space<vmem>>, vector<32xbf16>,
      %unpack3A_1710 = tpu.unpack_subelements %get3A_1709, 0 {pack_format = #tpu.pack_format<interleaved>} : vector<32xbf16> -> vector<16xf32>
      %unpack3A_1711 = tpu.unpack_subelements %get3A_1709, 1 {pack_format = #tpu.pack_format<interleaved>} : vector<32xbf16> -> vector<16xf32>
      %mul3A_1712 = arith.mulf %unpack3A_1685, %unpack3A_1690 : vector<16xf32>
      %sub3A_1713 = arith.subf %mul3A_1712, %unpack3A_1695 : vector<16xf32>
      %mul3A_1714 = arith.mulf %unpack3A_1686, %unpack3A_1691 : vector<16xf32>
      %sub3A_1715 = arith.subf %mul3A_1714, %unpack3A_1696 : vector<16xf32>
      %mul3A_1716 = arith.mulf %sub3A_1713, %sub3A_1713 : vector<16xf32>
      %mul3A_1717 = arith.mulf %sub3A_1715, %sub3A_1715 : vector<16xf32>
      %add3A_1718 = arith.addf %mul3A_1716, %mul3A_1717 : vector<16xf32>
      %add3A_1719 = arith.addf %unpack3A_1700, %unpack3A_1705 : vector<16xf32>
      %sub3A_1720 = arith.subf %add3A_1719, %unpack3A_1710 : vector<16xf32>
      %mul3A_1721 = arith.constant 0.159154937 : f32
      %mul3A_1722 = vector.broadcast %mul3A_1721 : f32 to vector<16xf32>
      %mul3A_1723 = arith.mulf %sub3A_1720, %mul3A_1722 : vector<16xf32>
      %add3A_1724 = arith.constant 0x4B400000 : f32
      %add3A_1725 = vector.broadcast %add3A_1724 : f32 to vector<16xf32>
      %add3A_1726 = arith.addf %mul3A_1723, %add3A_1725 : vector<16xf32>
      %sub3A_1727 = arith.constant 0x4B400000 : f32
      %sub3A_1728 = vector.broadcast %sub3A_1727 : f32 to vector<16xf32>
      %sub3A_1729 = arith.subf %add3A_1726, %sub3A_1728 : vector<16xf32>
      %mul3A_1730 = arith.constant 5.000000e-01 : f32
      %mul3A_1731 = vector.broadcast %mul3A_1730 : f32 to vector<16xf32>
      %mul3A_1732 = arith.mulf %sub3A_1720, %mul3A_1731 : vector<16xf32>
      %mul3A_1733 = arith.constant 3.14159274 : f32
      %mul3A_1734 = vector.broadcast %mul3A_1733 : f32 to vector<16xf32>
      %mul3A_1735 = arith.mulf %sub3A_1729, %mul3A_1734 : vector<16xf32>
      %sub3A_1736 = arith.subf %mul3A_1732, %mul3A_1735 : vector<16xf32>
      %mul3A_1737 = arith.constant -8.74227765E-8 : f32
      %mul3A_1738 = vector.broadcast %mul3A_1737 : f32 to vector<16xf32>
      %mul3A_1739 = arith.mulf %sub3A_1729, %mul3A_1738 : vector<16xf32>
      %sub3A_1740 = arith.subf %sub3A_1736, %mul3A_1739 : vector<16xf32>
      %mul3A_1741 = arith.mulf %sub3A_1740, %sub3A_1740 : vector<16xf32>
      %mul3A_1742 = arith.constant -2.50521079E-8 : f32
      %mul3A_1743 = vector.broadcast %mul3A_1742 : f32 to vector<16xf32>
      %mul3A_1744 = arith.mulf %mul3A_1741, %mul3A_1743 : vector<16xf32>
      %add3A_1745 = arith.constant 2.75573188E-6 : f32
      %add3A_1746 = vector.broadcast %add3A_1745 : f32 to vector<16xf32>
      %add3A_1747 = arith.addf %add3A_1746, %mul3A_1744 : vector<16xf32>
      %mul3A_1748 = arith.mulf %mul3A_1741, %add3A_1747 : vector<16xf32>
      %add3A_1749 = arith.constant -1.98412701E-4 : f32
      %add3A_1750 = vector.broadcast %add3A_1749 : f32 to vector<16xf32>
      %add3A_1751 = arith.addf %add3A_1750, %mul3A_1748 : vector<16xf32>
      %mul3A_1752 = arith.mulf %mul3A_1741, %add3A_1751 : vector<16xf32>
      %add3A_1753 = arith.constant 0.00833333377 : f32
      %add3A_1754 = vector.broadcast %add3A_1753 : f32 to vector<16xf32>
      %add3A_1755 = arith.addf %add3A_1754, %mul3A_1752 : vector<16xf32>
      %mul3A_1756 = arith.mulf %mul3A_1741, %add3A_1755 : vector<16xf32>
      %add3A_1757 = arith.constant -0.166666672 : f32
      %add3A_1758 = vector.broadcast %add3A_1757 : f32 to vector<16xf32>
      %add3A_1759 = arith.addf %add3A_1758, %mul3A_1756 : vector<16xf32>
      %mul3A_1760 = arith.mulf %mul3A_1741, %add3A_1759 : vector<16xf32>
      %add3A_1761 = arith.constant 1.000000e+00 : f32
      %add3A_1762 = vector.broadcast %add3A_1761 : f32 to vector<16xf32>
      %add3A_1763 = arith.addf %add3A_1762, %mul3A_1760 : vector<16xf32>
      %mul3A_1764 = arith.mulf %sub3A_1740, %add3A_1763 : vector<16xf32>
      %abs3A_1765 = math.absf %mul3A_1764 : vector<16xf32>
      %add3A_1766 = arith.addf %unpack3A_1701, %unpack3A_1706 : vector<16xf32>
      %sub3A_1767 = arith.subf %add3A_1766, %unpack3A_1711 : vector<16xf32>
      %mul3A_1768 = arith.constant 0.159154937 : f32
      %mul3A_1769 = vector.broadcast %mul3A_1768 : f32 to vector<16xf32>
      %mul3A_1770 = arith.mulf %sub3A_1767, %mul3A_1769 : vector<16xf32>
      %add3A_1771 = arith.constant 0x4B400000 : f32
      %add3A_1772 = vector.broadcast %add3A_1771 : f32 to vector<16xf32>
      %add3A_1773 = arith.addf %mul3A_1770, %add3A_1772 : vector<16xf32>
      %sub3A_1774 = arith.constant 0x4B400000 : f32
      %sub3A_1775 = vector.broadcast %sub3A_1774 : f32 to vector<16xf32>
      %sub3A_1776 = arith.subf %add3A_1773, %sub3A_1775 : vector<16xf32>
      %mul3A_1777 = arith.constant 5.000000e-01 : f32
      %mul3A_1778 = vector.broadcast %mul3A_1777 : f32 to vector<16xf32>
      %mul3A_1779 = arith.mulf %sub3A_1767, %mul3A_1778 : vector<16xf32>
      %mul3A_1780 = arith.constant 3.14159274 : f32
      %mul3A_1781 = vector.broadcast %mul3A_1780 : f32 to vector<16xf32>
      %mul3A_1782 = arith.mulf %sub3A_1776, %mul3A_1781 : vector<16xf32>
      %sub3A_1783 = arith.subf %mul3A_1779, %mul3A_1782 : vector<16xf32>
      %mul3A_1784 = arith.constant -8.74227765E-8 : f32
      %mul3A_1785 = vector.broadcast %mul3A_1784 : f32 to vector<16xf32>
      %mul3A_1786 = arith.mulf %sub3A_1776, %mul3A_1785 : vector<16xf32>
      %sub3A_1787 = arith.subf %sub3A_1783, %mul3A_1786 : vector<16xf32>
      %mul3A_1788 = arith.mulf %sub3A_1787, %sub3A_1787 : vector<16xf32>
      %mul3A_1789 = arith.constant -2.50521079E-8 : f32
      %mul3A_1790 = vector.broadcast %mul3A_1789 : f32 to vector<16xf32>
      %mul3A_1791 = arith.mulf %mul3A_1788, %mul3A_1790 : vector<16xf32>
      %add3A_1792 = arith.constant 2.75573188E-6 : f32
      %add3A_1793 = vector.broadcast %add3A_1792 : f32 to vector<16xf32>
      %add3A_1794 = arith.addf %add3A_1793, %mul3A_1791 : vector<16xf32>
      %mul3A_1795 = arith.mulf %mul3A_1788, %add3A_1794 : vector<16xf32>
      %add3A_1796 = arith.constant -1.98412701E-4 : f32
      %add3A_1797 = vector.broadcast %add3A_1796 : f32 to vector<16xf32>
      %add3A_1798 = arith.addf %add3A_1797, %mul3A_1795 : vector<16xf32>
      %mul3A_1799 = arith.mulf %mul3A_1788, %add3A_1798 : vector<16xf32>
      %add3A_1800 = arith.constant 0.00833333377 : f32
      %add3A_1801 = vector.broadcast %add3A_1800 : f32 to vector<16xf32>
      %add3A_1802 = arith.addf %add3A_1801, %mul3A_1799 : vector<16xf32>
      %mul3A_1803 = arith.mulf %mul3A_1788, %add3A_1802 : vector<16xf32>
      %add3A_1804 = arith.constant -0.166666672 : f32
      %add3A_1805 = vector.broadcast %add3A_1804 : f32 to vector<16xf32>
      %add3A_1806 = arith.addf %add3A_1805, %mul3A_1803 : vector<16xf32>
      %mul3A_1807 = arith.mulf %mul3A_1788, %add3A_1806 : vector<16xf32>
      %add3A_1808 = arith.constant 1.000000e+00 : f32
      %add3A_1809 = vector.broadcast %add3A_1808 : f32 to vector<16xf32>
      %add3A_1810 = arith.addf %add3A_1809, %mul3A_1807 : vector<16xf32>
      %mul3A_1811 = arith.mulf %sub3A_1787, %add3A_1810 : vector<16xf32>
      %abs3A_1812 = math.absf %mul3A_1811 : vector<16xf32>
      %add3A_1813 = arith.addf %abs3A_1765, %abs3A_1812 : vector<16xf32>
      %swap3A_1814 = arith.constant 160 : index
      %swap3A_1815 = tpu.vector_load %arg28[%swap3A_1814] {strides = array<i32>} : memref<256xf32, #tpu.memory_space<vmem>>, vector<16xf32>,
      tpu.vector_store %arg28[%swap3A_1814], %add3A_1718 {strides = array<i32>} : memref<256xf32, #tpu.memory_space<vmem>>, vector<16xf32>,
      %swap3A_1816 = arith.constant 160 : index
      %swap3A_1817 = tpu.vector_load %arg29[%swap3A_1816] {strides = array<i32>} : memref<256xf32, #tpu.memory_space<vmem>>, vector<16xf32>,
      tpu.vector_store %arg29[%swap3A_1816], %add3A_1813 {strides = array<i32>} : memref<256xf32, #tpu.memory_space<vmem>>, vector<16xf32>,
      %add3A_1818 = arith.constant 11 : i32
      %add3A_1819 = arith.addi %mul3A_304, %add3A_1818 : i32
      %get3A_1820 = arith.index_cast %add3A_1819 : i32 to index
      %get3A_1821 = arith.constant 0 : index
      %get3A_1822 = tpu.vector_load %arg22[%get3A_1820, %get3A_1821] {strides = array<i32>} : memref<512x32xbf16, #tpu.memory_space<vmem>>, vector<32xbf16>,
      %unpack3A_1823 = tpu.unpack_subelements %get3A_1822, 0 {pack_format = #tpu.pack_format<interleaved>} : vector<32xbf16> -> vector<16xf32>
      %unpack3A_1824 = tpu.unpack_subelements %get3A_1822, 1 {pack_format = #tpu.pack_format<interleaved>} : vector<32xbf16> -> vector<16xf32>
      %get3A_1825 = arith.index_cast %add3A_1819 : i32 to index
      %get3A_1826 = arith.constant 0 : index
      %get3A_1827 = tpu.vector_load %arg26[%get3A_1825, %get3A_1826] {strides = array<i32>} : memref<512x32xbf16, #tpu.memory_space<vmem>>, vector<32xbf16>,
      %unpack3A_1828 = tpu.unpack_subelements %get3A_1827, 0 {pack_format = #tpu.pack_format<interleaved>} : vector<32xbf16> -> vector<16xf32>
      %unpack3A_1829 = tpu.unpack_subelements %get3A_1827, 1 {pack_format = #tpu.pack_format<interleaved>} : vector<32xbf16> -> vector<16xf32>
      %get3A_1830 = arith.index_cast %add3A_1819 : i32 to index
      %get3A_1831 = arith.constant 0 : index
      %get3A_1832 = tpu.vector_load %arg24[%get3A_1830, %get3A_1831] {strides = array<i32>} : memref<512x32xbf16, #tpu.memory_space<vmem>>, vector<32xbf16>,
      %unpack3A_1833 = tpu.unpack_subelements %get3A_1832, 0 {pack_format = #tpu.pack_format<interleaved>} : vector<32xbf16> -> vector<16xf32>
      %unpack3A_1834 = tpu.unpack_subelements %get3A_1832, 1 {pack_format = #tpu.pack_format<interleaved>} : vector<32xbf16> -> vector<16xf32>
      %get3A_1835 = arith.index_cast %add3A_1819 : i32 to index
      %get3A_1836 = arith.constant 0 : index
      %get3A_1837 = tpu.vector_load %arg23[%get3A_1835, %get3A_1836] {strides = array<i32>} : memref<512x32xbf16, #tpu.memory_space<vmem>>, vector<32xbf16>,
      %unpack3A_1838 = tpu.unpack_subelements %get3A_1837, 0 {pack_format = #tpu.pack_format<interleaved>} : vector<32xbf16> -> vector<16xf32>
      %unpack3A_1839 = tpu.unpack_subelements %get3A_1837, 1 {pack_format = #tpu.pack_format<interleaved>} : vector<32xbf16> -> vector<16xf32>
      %get3A_1840 = arith.index_cast %add3A_1819 : i32 to index
      %get3A_1841 = arith.constant 0 : index
      %get3A_1842 = tpu.vector_load %arg27[%get3A_1840, %get3A_1841] {strides = array<i32>} : memref<512x32xbf16, #tpu.memory_space<vmem>>, vector<32xbf16>,
      %unpack3A_1843 = tpu.unpack_subelements %get3A_1842, 0 {pack_format = #tpu.pack_format<interleaved>} : vector<32xbf16> -> vector<16xf32>
      %unpack3A_1844 = tpu.unpack_subelements %get3A_1842, 1 {pack_format = #tpu.pack_format<interleaved>} : vector<32xbf16> -> vector<16xf32>
      %get3A_1845 = arith.index_cast %add3A_1819 : i32 to index
      %get3A_1846 = arith.constant 0 : index
      %get3A_1847 = tpu.vector_load %arg25[%get3A_1845, %get3A_1846] {strides = array<i32>} : memref<512x32xbf16, #tpu.memory_space<vmem>>, vector<32xbf16>,
      %unpack3A_1848 = tpu.unpack_subelements %get3A_1847, 0 {pack_format = #tpu.pack_format<interleaved>} : vector<32xbf16> -> vector<16xf32>
      %unpack3A_1849 = tpu.unpack_subelements %get3A_1847, 1 {pack_format = #tpu.pack_format<interleaved>} : vector<32xbf16> -> vector<16xf32>
      %mul3A_1850 = arith.mulf %unpack3A_1823, %unpack3A_1828 : vector<16xf32>
      %sub3A_1851 = arith.subf %mul3A_1850, %unpack3A_1833 : vector<16xf32>
      %mul3A_1852 = arith.mulf %unpack3A_1824, %unpack3A_1829 : vector<16xf32>
      %sub3A_1853 = arith.subf %mul3A_1852, %unpack3A_1834 : vector<16xf32>
      %mul3A_1854 = arith.mulf %sub3A_1851, %sub3A_1851 : vector<16xf32>
      %mul3A_1855 = arith.mulf %sub3A_1853, %sub3A_1853 : vector<16xf32>
      %add3A_1856 = arith.addf %mul3A_1854, %mul3A_1855 : vector<16xf32>
      %add3A_1857 = arith.addf %unpack3A_1838, %unpack3A_1843 : vector<16xf32>
      %sub3A_1858 = arith.subf %add3A_1857, %unpack3A_1848 : vector<16xf32>
      %mul3A_1859 = arith.constant 0.159154937 : f32
      %mul3A_1860 = vector.broadcast %mul3A_1859 : f32 to vector<16xf32>
      %mul3A_1861 = arith.mulf %sub3A_1858, %mul3A_1860 : vector<16xf32>
      %add3A_1862 = arith.constant 0x4B400000 : f32
      %add3A_1863 = vector.broadcast %add3A_1862 : f32 to vector<16xf32>
      %add3A_1864 = arith.addf %mul3A_1861, %add3A_1863 : vector<16xf32>
      %sub3A_1865 = arith.constant 0x4B400000 : f32
      %sub3A_1866 = vector.broadcast %sub3A_1865 : f32 to vector<16xf32>
      %sub3A_1867 = arith.subf %add3A_1864, %sub3A_1866 : vector<16xf32>
      %mul3A_1868 = arith.constant 5.000000e-01 : f32
      %mul3A_1869 = vector.broadcast %mul3A_1868 : f32 to vector<16xf32>
      %mul3A_1870 = arith.mulf %sub3A_1858, %mul3A_1869 : vector<16xf32>
      %mul3A_1871 = arith.constant 3.14159274 : f32
      %mul3A_1872 = vector.broadcast %mul3A_1871 : f32 to vector<16xf32>
      %mul3A_1873 = arith.mulf %sub3A_1867, %mul3A_1872 : vector<16xf32>
      %sub3A_1874 = arith.subf %mul3A_1870, %mul3A_1873 : vector<16xf32>
      %mul3A_1875 = arith.constant -8.74227765E-8 : f32
      %mul3A_1876 = vector.broadcast %mul3A_1875 : f32 to vector<16xf32>
      %mul3A_1877 = arith.mulf %sub3A_1867, %mul3A_1876 : vector<16xf32>
      %sub3A_1878 = arith.subf %sub3A_1874, %mul3A_1877 : vector<16xf32>
      %mul3A_1879 = arith.mulf %sub3A_1878, %sub3A_1878 : vector<16xf32>
      %mul3A_1880 = arith.constant -2.50521079E-8 : f32
      %mul3A_1881 = vector.broadcast %mul3A_1880 : f32 to vector<16xf32>
      %mul3A_1882 = arith.mulf %mul3A_1879, %mul3A_1881 : vector<16xf32>
      %add3A_1883 = arith.constant 2.75573188E-6 : f32
      %add3A_1884 = vector.broadcast %add3A_1883 : f32 to vector<16xf32>
      %add3A_1885 = arith.addf %add3A_1884, %mul3A_1882 : vector<16xf32>
      %mul3A_1886 = arith.mulf %mul3A_1879, %add3A_1885 : vector<16xf32>
      %add3A_1887 = arith.constant -1.98412701E-4 : f32
      %add3A_1888 = vector.broadcast %add3A_1887 : f32 to vector<16xf32>
      %add3A_1889 = arith.addf %add3A_1888, %mul3A_1886 : vector<16xf32>
      %mul3A_1890 = arith.mulf %mul3A_1879, %add3A_1889 : vector<16xf32>
      %add3A_1891 = arith.constant 0.00833333377 : f32
      %add3A_1892 = vector.broadcast %add3A_1891 : f32 to vector<16xf32>
      %add3A_1893 = arith.addf %add3A_1892, %mul3A_1890 : vector<16xf32>
      %mul3A_1894 = arith.mulf %mul3A_1879, %add3A_1893 : vector<16xf32>
      %add3A_1895 = arith.constant -0.166666672 : f32
      %add3A_1896 = vector.broadcast %add3A_1895 : f32 to vector<16xf32>
      %add3A_1897 = arith.addf %add3A_1896, %mul3A_1894 : vector<16xf32>
      %mul3A_1898 = arith.mulf %mul3A_1879, %add3A_1897 : vector<16xf32>
      %add3A_1899 = arith.constant 1.000000e+00 : f32
      %add3A_1900 = vector.broadcast %add3A_1899 : f32 to vector<16xf32>
      %add3A_1901 = arith.addf %add3A_1900, %mul3A_1898 : vector<16xf32>
      %mul3A_1902 = arith.mulf %sub3A_1878, %add3A_1901 : vector<16xf32>
      %abs3A_1903 = math.absf %mul3A_1902 : vector<16xf32>
      %add3A_1904 = arith.addf %unpack3A_1839, %unpack3A_1844 : vector<16xf32>
      %sub3A_1905 = arith.subf %add3A_1904, %unpack3A_1849 : vector<16xf32>
      %mul3A_1906 = arith.constant 0.159154937 : f32
      %mul3A_1907 = vector.broadcast %mul3A_1906 : f32 to vector<16xf32>
      %mul3A_1908 = arith.mulf %sub3A_1905, %mul3A_1907 : vector<16xf32>
      %add3A_1909 = arith.constant 0x4B400000 : f32
      %add3A_1910 = vector.broadcast %add3A_1909 : f32 to vector<16xf32>
      %add3A_1911 = arith.addf %mul3A_1908, %add3A_1910 : vector<16xf32>
      %sub3A_1912 = arith.constant 0x4B400000 : f32
      %sub3A_1913 = vector.broadcast %sub3A_1912 : f32 to vector<16xf32>
      %sub3A_1914 = arith.subf %add3A_1911, %sub3A_1913 : vector<16xf32>
      %mul3A_1915 = arith.constant 5.000000e-01 : f32
      %mul3A_1916 = vector.broadcast %mul3A_1915 : f32 to vector<16xf32>
      %mul3A_1917 = arith.mulf %sub3A_1905, %mul3A_1916 : vector<16xf32>
      %mul3A_1918 = arith.constant 3.14159274 : f32
      %mul3A_1919 = vector.broadcast %mul3A_1918 : f32 to vector<16xf32>
      %mul3A_1920 = arith.mulf %sub3A_1914, %mul3A_1919 : vector<16xf32>
      %sub3A_1921 = arith.subf %mul3A_1917, %mul3A_1920 : vector<16xf32>
      %mul3A_1922 = arith.constant -8.74227765E-8 : f32
      %mul3A_1923 = vector.broadcast %mul3A_1922 : f32 to vector<16xf32>
      %mul3A_1924 = arith.mulf %sub3A_1914, %mul3A_1923 : vector<16xf32>
      %sub3A_1925 = arith.subf %sub3A_1921, %mul3A_1924 : vector<16xf32>
      %mul3A_1926 = arith.mulf %sub3A_1925, %sub3A_1925 : vector<16xf32>
      %mul3A_1927 = arith.constant -2.50521079E-8 : f32
      %mul3A_1928 = vector.broadcast %mul3A_1927 : f32 to vector<16xf32>
      %mul3A_1929 = arith.mulf %mul3A_1926, %mul3A_1928 : vector<16xf32>
      %add3A_1930 = arith.constant 2.75573188E-6 : f32
      %add3A_1931 = vector.broadcast %add3A_1930 : f32 to vector<16xf32>
      %add3A_1932 = arith.addf %add3A_1931, %mul3A_1929 : vector<16xf32>
      %mul3A_1933 = arith.mulf %mul3A_1926, %add3A_1932 : vector<16xf32>
      %add3A_1934 = arith.constant -1.98412701E-4 : f32
      %add3A_1935 = vector.broadcast %add3A_1934 : f32 to vector<16xf32>
      %add3A_1936 = arith.addf %add3A_1935, %mul3A_1933 : vector<16xf32>
      %mul3A_1937 = arith.mulf %mul3A_1926, %add3A_1936 : vector<16xf32>
      %add3A_1938 = arith.constant 0.00833333377 : f32
      %add3A_1939 = vector.broadcast %add3A_1938 : f32 to vector<16xf32>
      %add3A_1940 = arith.addf %add3A_1939, %mul3A_1937 : vector<16xf32>
      %mul3A_1941 = arith.mulf %mul3A_1926, %add3A_1940 : vector<16xf32>
      %add3A_1942 = arith.constant -0.166666672 : f32
      %add3A_1943 = vector.broadcast %add3A_1942 : f32 to vector<16xf32>
      %add3A_1944 = arith.addf %add3A_1943, %mul3A_1941 : vector<16xf32>
      %mul3A_1945 = arith.mulf %mul3A_1926, %add3A_1944 : vector<16xf32>
      %add3A_1946 = arith.constant 1.000000e+00 : f32
      %add3A_1947 = vector.broadcast %add3A_1946 : f32 to vector<16xf32>
      %add3A_1948 = arith.addf %add3A_1947, %mul3A_1945 : vector<16xf32>
      %mul3A_1949 = arith.mulf %sub3A_1925, %add3A_1948 : vector<16xf32>
      %abs3A_1950 = math.absf %mul3A_1949 : vector<16xf32>
      %add3A_1951 = arith.addf %abs3A_1903, %abs3A_1950 : vector<16xf32>
      %swap3A_1952 = arith.constant 176 : index
      %swap3A_1953 = tpu.vector_load %arg28[%swap3A_1952] {strides = array<i32>} : memref<256xf32, #tpu.memory_space<vmem>>, vector<16xf32>,
      tpu.vector_store %arg28[%swap3A_1952], %add3A_1856 {strides = array<i32>} : memref<256xf32, #tpu.memory_space<vmem>>, vector<16xf32>,
      %swap3A_1954 = arith.constant 176 : index
      %swap3A_1955 = tpu.vector_load %arg29[%swap3A_1954] {strides = array<i32>} : memref<256xf32, #tpu.memory_space<vmem>>, vector<16xf32>,
      tpu.vector_store %arg29[%swap3A_1954], %add3A_1951 {strides = array<i32>} : memref<256xf32, #tpu.memory_space<vmem>>, vector<16xf32>,
      %add3A_1956 = arith.constant 12 : i32
      %add3A_1957 = arith.addi %mul3A_304, %add3A_1956 : i32
      %get3A_1958 = arith.index_cast %add3A_1957 : i32 to index
      %get3A_1959 = arith.constant 0 : index
      %get3A_1960 = tpu.vector_load %arg22[%get3A_1958, %get3A_1959] {strides = array<i32>} : memref<512x32xbf16, #tpu.memory_space<vmem>>, vector<32xbf16>,
      %unpack3A_1961 = tpu.unpack_subelements %get3A_1960, 0 {pack_format = #tpu.pack_format<interleaved>} : vector<32xbf16> -> vector<16xf32>
      %unpack3A_1962 = tpu.unpack_subelements %get3A_1960, 1 {pack_format = #tpu.pack_format<interleaved>} : vector<32xbf16> -> vector<16xf32>
      %get3A_1963 = arith.index_cast %add3A_1957 : i32 to index
      %get3A_1964 = arith.constant 0 : index
      %get3A_1965 = tpu.vector_load %arg26[%get3A_1963, %get3A_1964] {strides = array<i32>} : memref<512x32xbf16, #tpu.memory_space<vmem>>, vector<32xbf16>,
      %unpack3A_1966 = tpu.unpack_subelements %get3A_1965, 0 {pack_format = #tpu.pack_format<interleaved>} : vector<32xbf16> -> vector<16xf32>
      %unpack3A_1967 = tpu.unpack_subelements %get3A_1965, 1 {pack_format = #tpu.pack_format<interleaved>} : vector<32xbf16> -> vector<16xf32>
      %get3A_1968 = arith.index_cast %add3A_1957 : i32 to index
      %get3A_1969 = arith.constant 0 : index
      %get3A_1970 = tpu.vector_load %arg24[%get3A_1968, %get3A_1969] {strides = array<i32>} : memref<512x32xbf16, #tpu.memory_space<vmem>>, vector<32xbf16>,
      %unpack3A_1971 = tpu.unpack_subelements %get3A_1970, 0 {pack_format = #tpu.pack_format<interleaved>} : vector<32xbf16> -> vector<16xf32>
      %unpack3A_1972 = tpu.unpack_subelements %get3A_1970, 1 {pack_format = #tpu.pack_format<interleaved>} : vector<32xbf16> -> vector<16xf32>
      %get3A_1973 = arith.index_cast %add3A_1957 : i32 to index
      %get3A_1974 = arith.constant 0 : index
      %get3A_1975 = tpu.vector_load %arg23[%get3A_1973, %get3A_1974] {strides = array<i32>} : memref<512x32xbf16, #tpu.memory_space<vmem>>, vector<32xbf16>,
      %unpack3A_1976 = tpu.unpack_subelements %get3A_1975, 0 {pack_format = #tpu.pack_format<interleaved>} : vector<32xbf16> -> vector<16xf32>
      %unpack3A_1977 = tpu.unpack_subelements %get3A_1975, 1 {pack_format = #tpu.pack_format<interleaved>} : vector<32xbf16> -> vector<16xf32>
      %get3A_1978 = arith.index_cast %add3A_1957 : i32 to index
      %get3A_1979 = arith.constant 0 : index
      %get3A_1980 = tpu.vector_load %arg27[%get3A_1978, %get3A_1979] {strides = array<i32>} : memref<512x32xbf16, #tpu.memory_space<vmem>>, vector<32xbf16>,
      %unpack3A_1981 = tpu.unpack_subelements %get3A_1980, 0 {pack_format = #tpu.pack_format<interleaved>} : vector<32xbf16> -> vector<16xf32>
      %unpack3A_1982 = tpu.unpack_subelements %get3A_1980, 1 {pack_format = #tpu.pack_format<interleaved>} : vector<32xbf16> -> vector<16xf32>
      %get3A_1983 = arith.index_cast %add3A_1957 : i32 to index
      %get3A_1984 = arith.constant 0 : index
      %get3A_1985 = tpu.vector_load %arg25[%get3A_1983, %get3A_1984] {strides = array<i32>} : memref<512x32xbf16, #tpu.memory_space<vmem>>, vector<32xbf16>,
      %unpack3A_1986 = tpu.unpack_subelements %get3A_1985, 0 {pack_format = #tpu.pack_format<interleaved>} : vector<32xbf16> -> vector<16xf32>
      %unpack3A_1987 = tpu.unpack_subelements %get3A_1985, 1 {pack_format = #tpu.pack_format<interleaved>} : vector<32xbf16> -> vector<16xf32>
      %mul3A_1988 = arith.mulf %unpack3A_1961, %unpack3A_1966 : vector<16xf32>
      %sub3A_1989 = arith.subf %mul3A_1988, %unpack3A_1971 : vector<16xf32>
      %mul3A_1990 = arith.mulf %unpack3A_1962, %unpack3A_1967 : vector<16xf32>
      %sub3A_1991 = arith.subf %mul3A_1990, %unpack3A_1972 : vector<16xf32>
      %mul3A_1992 = arith.mulf %sub3A_1989, %sub3A_1989 : vector<16xf32>
      %mul3A_1993 = arith.mulf %sub3A_1991, %sub3A_1991 : vector<16xf32>
      %add3A_1994 = arith.addf %mul3A_1992, %mul3A_1993 : vector<16xf32>
      %add3A_1995 = arith.addf %unpack3A_1976, %unpack3A_1981 : vector<16xf32>
      %sub3A_1996 = arith.subf %add3A_1995, %unpack3A_1986 : vector<16xf32>
      %mul3A_1997 = arith.constant 0.159154937 : f32
      %mul3A_1998 = vector.broadcast %mul3A_1997 : f32 to vector<16xf32>
      %mul3A_1999 = arith.mulf %sub3A_1996, %mul3A_1998 : vector<16xf32>
      %add3A_2000 = arith.constant 0x4B400000 : f32
      %add3A_2001 = vector.broadcast %add3A_2000 : f32 to vector<16xf32>
      %add3A_2002 = arith.addf %mul3A_1999, %add3A_2001 : vector<16xf32>
      %sub3A_2003 = arith.constant 0x4B400000 : f32
      %sub3A_2004 = vector.broadcast %sub3A_2003 : f32 to vector<16xf32>
      %sub3A_2005 = arith.subf %add3A_2002, %sub3A_2004 : vector<16xf32>
      %mul3A_2006 = arith.constant 5.000000e-01 : f32
      %mul3A_2007 = vector.broadcast %mul3A_2006 : f32 to vector<16xf32>
      %mul3A_2008 = arith.mulf %sub3A_1996, %mul3A_2007 : vector<16xf32>
      %mul3A_2009 = arith.constant 3.14159274 : f32
      %mul3A_2010 = vector.broadcast %mul3A_2009 : f32 to vector<16xf32>
      %mul3A_2011 = arith.mulf %sub3A_2005, %mul3A_2010 : vector<16xf32>
      %sub3A_2012 = arith.subf %mul3A_2008, %mul3A_2011 : vector<16xf32>
      %mul3A_2013 = arith.constant -8.74227765E-8 : f32
      %mul3A_2014 = vector.broadcast %mul3A_2013 : f32 to vector<16xf32>
      %mul3A_2015 = arith.mulf %sub3A_2005, %mul3A_2014 : vector<16xf32>
      %sub3A_2016 = arith.subf %sub3A_2012, %mul3A_2015 : vector<16xf32>
      %mul3A_2017 = arith.mulf %sub3A_2016, %sub3A_2016 : vector<16xf32>
      %mul3A_2018 = arith.constant -2.50521079E-8 : f32
      %mul3A_2019 = vector.broadcast %mul3A_2018 : f32 to vector<16xf32>
      %mul3A_2020 = arith.mulf %mul3A_2017, %mul3A_2019 : vector<16xf32>
      %add3A_2021 = arith.constant 2.75573188E-6 : f32
      %add3A_2022 = vector.broadcast %add3A_2021 : f32 to vector<16xf32>
      %add3A_2023 = arith.addf %add3A_2022, %mul3A_2020 : vector<16xf32>
      %mul3A_2024 = arith.mulf %mul3A_2017, %add3A_2023 : vector<16xf32>
      %add3A_2025 = arith.constant -1.98412701E-4 : f32
      %add3A_2026 = vector.broadcast %add3A_2025 : f32 to vector<16xf32>
      %add3A_2027 = arith.addf %add3A_2026, %mul3A_2024 : vector<16xf32>
      %mul3A_2028 = arith.mulf %mul3A_2017, %add3A_2027 : vector<16xf32>
      %add3A_2029 = arith.constant 0.00833333377 : f32
      %add3A_2030 = vector.broadcast %add3A_2029 : f32 to vector<16xf32>
      %add3A_2031 = arith.addf %add3A_2030, %mul3A_2028 : vector<16xf32>
      %mul3A_2032 = arith.mulf %mul3A_2017, %add3A_2031 : vector<16xf32>
      %add3A_2033 = arith.constant -0.166666672 : f32
      %add3A_2034 = vector.broadcast %add3A_2033 : f32 to vector<16xf32>
      %add3A_2035 = arith.addf %add3A_2034, %mul3A_2032 : vector<16xf32>
      %mul3A_2036 = arith.mulf %mul3A_2017, %add3A_2035 : vector<16xf32>
      %add3A_2037 = arith.constant 1.000000e+00 : f32
      %add3A_2038 = vector.broadcast %add3A_2037 : f32 to vector<16xf32>
      %add3A_2039 = arith.addf %add3A_2038, %mul3A_2036 : vector<16xf32>
      %mul3A_2040 = arith.mulf %sub3A_2016, %add3A_2039 : vector<16xf32>
      %abs3A_2041 = math.absf %mul3A_2040 : vector<16xf32>
      %add3A_2042 = arith.addf %unpack3A_1977, %unpack3A_1982 : vector<16xf32>
      %sub3A_2043 = arith.subf %add3A_2042, %unpack3A_1987 : vector<16xf32>
      %mul3A_2044 = arith.constant 0.159154937 : f32
      %mul3A_2045 = vector.broadcast %mul3A_2044 : f32 to vector<16xf32>
      %mul3A_2046 = arith.mulf %sub3A_2043, %mul3A_2045 : vector<16xf32>
      %add3A_2047 = arith.constant 0x4B400000 : f32
      %add3A_2048 = vector.broadcast %add3A_2047 : f32 to vector<16xf32>
      %add3A_2049 = arith.addf %mul3A_2046, %add3A_2048 : vector<16xf32>
      %sub3A_2050 = arith.constant 0x4B400000 : f32
      %sub3A_2051 = vector.broadcast %sub3A_2050 : f32 to vector<16xf32>
      %sub3A_2052 = arith.subf %add3A_2049, %sub3A_2051 : vector<16xf32>
      %mul3A_2053 = arith.constant 5.000000e-01 : f32
      %mul3A_2054 = vector.broadcast %mul3A_2053 : f32 to vector<16xf32>
      %mul3A_2055 = arith.mulf %sub3A_2043, %mul3A_2054 : vector<16xf32>
      %mul3A_2056 = arith.constant 3.14159274 : f32
      %mul3A_2057 = vector.broadcast %mul3A_2056 : f32 to vector<16xf32>
      %mul3A_2058 = arith.mulf %sub3A_2052, %mul3A_2057 : vector<16xf32>
      %sub3A_2059 = arith.subf %mul3A_2055, %mul3A_2058 : vector<16xf32>
      %mul3A_2060 = arith.constant -8.74227765E-8 : f32
      %mul3A_2061 = vector.broadcast %mul3A_2060 : f32 to vector<16xf32>
      %mul3A_2062 = arith.mulf %sub3A_2052, %mul3A_2061 : vector<16xf32>
      %sub3A_2063 = arith.subf %sub3A_2059, %mul3A_2062 : vector<16xf32>
      %mul3A_2064 = arith.mulf %sub3A_2063, %sub3A_2063 : vector<16xf32>
      %mul3A_2065 = arith.constant -2.50521079E-8 : f32
      %mul3A_2066 = vector.broadcast %mul3A_2065 : f32 to vector<16xf32>
      %mul3A_2067 = arith.mulf %mul3A_2064, %mul3A_2066 : vector<16xf32>
      %add3A_2068 = arith.constant 2.75573188E-6 : f32
      %add3A_2069 = vector.broadcast %add3A_2068 : f32 to vector<16xf32>
      %add3A_2070 = arith.addf %add3A_2069, %mul3A_2067 : vector<16xf32>
      %mul3A_2071 = arith.mulf %mul3A_2064, %add3A_2070 : vector<16xf32>
      %add3A_2072 = arith.constant -1.98412701E-4 : f32
      %add3A_2073 = vector.broadcast %add3A_2072 : f32 to vector<16xf32>
      %add3A_2074 = arith.addf %add3A_2073, %mul3A_2071 : vector<16xf32>
      %mul3A_2075 = arith.mulf %mul3A_2064, %add3A_2074 : vector<16xf32>
      %add3A_2076 = arith.constant 0.00833333377 : f32
      %add3A_2077 = vector.broadcast %add3A_2076 : f32 to vector<16xf32>
      %add3A_2078 = arith.addf %add3A_2077, %mul3A_2075 : vector<16xf32>
      %mul3A_2079 = arith.mulf %mul3A_2064, %add3A_2078 : vector<16xf32>
      %add3A_2080 = arith.constant -0.166666672 : f32
      %add3A_2081 = vector.broadcast %add3A_2080 : f32 to vector<16xf32>
      %add3A_2082 = arith.addf %add3A_2081, %mul3A_2079 : vector<16xf32>
      %mul3A_2083 = arith.mulf %mul3A_2064, %add3A_2082 : vector<16xf32>
      %add3A_2084 = arith.constant 1.000000e+00 : f32
      %add3A_2085 = vector.broadcast %add3A_2084 : f32 to vector<16xf32>
      %add3A_2086 = arith.addf %add3A_2085, %mul3A_2083 : vector<16xf32>
      %mul3A_2087 = arith.mulf %sub3A_2063, %add3A_2086 : vector<16xf32>
      %abs3A_2088 = math.absf %mul3A_2087 : vector<16xf32>
      %add3A_2089 = arith.addf %abs3A_2041, %abs3A_2088 : vector<16xf32>
      %swap3A_2090 = arith.constant 192 : index
      %swap3A_2091 = tpu.vector_load %arg28[%swap3A_2090] {strides = array<i32>} : memref<256xf32, #tpu.memory_space<vmem>>, vector<16xf32>,
      tpu.vector_store %arg28[%swap3A_2090], %add3A_1994 {strides = array<i32>} : memref<256xf32, #tpu.memory_space<vmem>>, vector<16xf32>,
      %swap3A_2092 = arith.constant 192 : index
      %swap3A_2093 = tpu.vector_load %arg29[%swap3A_2092] {strides = array<i32>} : memref<256xf32, #tpu.memory_space<vmem>>, vector<16xf32>,
      tpu.vector_store %arg29[%swap3A_2092], %add3A_2089 {strides = array<i32>} : memref<256xf32, #tpu.memory_space<vmem>>, vector<16xf32>,
      %add3A_2094 = arith.constant 13 : i32
      %add3A_2095 = arith.addi %mul3A_304, %add3A_2094 : i32
      %get3A_2096 = arith.index_cast %add3A_2095 : i32 to index
      %get3A_2097 = arith.constant 0 : index
      %get3A_2098 = tpu.vector_load %arg22[%get3A_2096, %get3A_2097] {strides = array<i32>} : memref<512x32xbf16, #tpu.memory_space<vmem>>, vector<32xbf16>,
      %unpack3A_2099 = tpu.unpack_subelements %get3A_2098, 0 {pack_format = #tpu.pack_format<interleaved>} : vector<32xbf16> -> vector<16xf32>
      %unpack3A_2100 = tpu.unpack_subelements %get3A_2098, 1 {pack_format = #tpu.pack_format<interleaved>} : vector<32xbf16> -> vector<16xf32>
      %get3A_2101 = arith.index_cast %add3A_2095 : i32 to index
      %get3A_2102 = arith.constant 0 : index
      %get3A_2103 = tpu.vector_load %arg26[%get3A_2101, %get3A_2102] {strides = array<i32>} : memref<512x32xbf16, #tpu.memory_space<vmem>>, vector<32xbf16>,
      %unpack3A_2104 = tpu.unpack_subelements %get3A_2103, 0 {pack_format = #tpu.pack_format<interleaved>} : vector<32xbf16> -> vector<16xf32>
      %unpack3A_2105 = tpu.unpack_subelements %get3A_2103, 1 {pack_format = #tpu.pack_format<interleaved>} : vector<32xbf16> -> vector<16xf32>
      %get3A_2106 = arith.index_cast %add3A_2095 : i32 to index
      %get3A_2107 = arith.constant 0 : index
      %get3A_2108 = tpu.vector_load %arg24[%get3A_2106, %get3A_2107] {strides = array<i32>} : memref<512x32xbf16, #tpu.memory_space<vmem>>, vector<32xbf16>,
      %unpack3A_2109 = tpu.unpack_subelements %get3A_2108, 0 {pack_format = #tpu.pack_format<interleaved>} : vector<32xbf16> -> vector<16xf32>
      %unpack3A_2110 = tpu.unpack_subelements %get3A_2108, 1 {pack_format = #tpu.pack_format<interleaved>} : vector<32xbf16> -> vector<16xf32>
      %get3A_2111 = arith.index_cast %add3A_2095 : i32 to index
      %get3A_2112 = arith.constant 0 : index
      %get3A_2113 = tpu.vector_load %arg23[%get3A_2111, %get3A_2112] {strides = array<i32>} : memref<512x32xbf16, #tpu.memory_space<vmem>>, vector<32xbf16>,
      %unpack3A_2114 = tpu.unpack_subelements %get3A_2113, 0 {pack_format = #tpu.pack_format<interleaved>} : vector<32xbf16> -> vector<16xf32>
      %unpack3A_2115 = tpu.unpack_subelements %get3A_2113, 1 {pack_format = #tpu.pack_format<interleaved>} : vector<32xbf16> -> vector<16xf32>
      %get3A_2116 = arith.index_cast %add3A_2095 : i32 to index
      %get3A_2117 = arith.constant 0 : index
      %get3A_2118 = tpu.vector_load %arg27[%get3A_2116, %get3A_2117] {strides = array<i32>} : memref<512x32xbf16, #tpu.memory_space<vmem>>, vector<32xbf16>,
      %unpack3A_2119 = tpu.unpack_subelements %get3A_2118, 0 {pack_format = #tpu.pack_format<interleaved>} : vector<32xbf16> -> vector<16xf32>
      %unpack3A_2120 = tpu.unpack_subelements %get3A_2118, 1 {pack_format = #tpu.pack_format<interleaved>} : vector<32xbf16> -> vector<16xf32>
      %get3A_2121 = arith.index_cast %add3A_2095 : i32 to index
      %get3A_2122 = arith.constant 0 : index
      %get3A_2123 = tpu.vector_load %arg25[%get3A_2121, %get3A_2122] {strides = array<i32>} : memref<512x32xbf16, #tpu.memory_space<vmem>>, vector<32xbf16>,
      %unpack3A_2124 = tpu.unpack_subelements %get3A_2123, 0 {pack_format = #tpu.pack_format<interleaved>} : vector<32xbf16> -> vector<16xf32>
      %unpack3A_2125 = tpu.unpack_subelements %get3A_2123, 1 {pack_format = #tpu.pack_format<interleaved>} : vector<32xbf16> -> vector<16xf32>
      %mul3A_2126 = arith.mulf %unpack3A_2099, %unpack3A_2104 : vector<16xf32>
      %sub3A_2127 = arith.subf %mul3A_2126, %unpack3A_2109 : vector<16xf32>
      %mul3A_2128 = arith.mulf %unpack3A_2100, %unpack3A_2105 : vector<16xf32>
      %sub3A_2129 = arith.subf %mul3A_2128, %unpack3A_2110 : vector<16xf32>
      %mul3A_2130 = arith.mulf %sub3A_2127, %sub3A_2127 : vector<16xf32>
      %mul3A_2131 = arith.mulf %sub3A_2129, %sub3A_2129 : vector<16xf32>
      %add3A_2132 = arith.addf %mul3A_2130, %mul3A_2131 : vector<16xf32>
      %add3A_2133 = arith.addf %unpack3A_2114, %unpack3A_2119 : vector<16xf32>
      %sub3A_2134 = arith.subf %add3A_2133, %unpack3A_2124 : vector<16xf32>
      %mul3A_2135 = arith.constant 0.159154937 : f32
      %mul3A_2136 = vector.broadcast %mul3A_2135 : f32 to vector<16xf32>
      %mul3A_2137 = arith.mulf %sub3A_2134, %mul3A_2136 : vector<16xf32>
      %add3A_2138 = arith.constant 0x4B400000 : f32
      %add3A_2139 = vector.broadcast %add3A_2138 : f32 to vector<16xf32>
      %add3A_2140 = arith.addf %mul3A_2137, %add3A_2139 : vector<16xf32>
      %sub3A_2141 = arith.constant 0x4B400000 : f32
      %sub3A_2142 = vector.broadcast %sub3A_2141 : f32 to vector<16xf32>
      %sub3A_2143 = arith.subf %add3A_2140, %sub3A_2142 : vector<16xf32>
      %mul3A_2144 = arith.constant 5.000000e-01 : f32
      %mul3A_2145 = vector.broadcast %mul3A_2144 : f32 to vector<16xf32>
      %mul3A_2146 = arith.mulf %sub3A_2134, %mul3A_2145 : vector<16xf32>
      %mul3A_2147 = arith.constant 3.14159274 : f32
      %mul3A_2148 = vector.broadcast %mul3A_2147 : f32 to vector<16xf32>
      %mul3A_2149 = arith.mulf %sub3A_2143, %mul3A_2148 : vector<16xf32>
      %sub3A_2150 = arith.subf %mul3A_2146, %mul3A_2149 : vector<16xf32>
      %mul3A_2151 = arith.constant -8.74227765E-8 : f32
      %mul3A_2152 = vector.broadcast %mul3A_2151 : f32 to vector<16xf32>
      %mul3A_2153 = arith.mulf %sub3A_2143, %mul3A_2152 : vector<16xf32>
      %sub3A_2154 = arith.subf %sub3A_2150, %mul3A_2153 : vector<16xf32>
      %mul3A_2155 = arith.mulf %sub3A_2154, %sub3A_2154 : vector<16xf32>
      %mul3A_2156 = arith.constant -2.50521079E-8 : f32
      %mul3A_2157 = vector.broadcast %mul3A_2156 : f32 to vector<16xf32>
      %mul3A_2158 = arith.mulf %mul3A_2155, %mul3A_2157 : vector<16xf32>
      %add3A_2159 = arith.constant 2.75573188E-6 : f32
      %add3A_2160 = vector.broadcast %add3A_2159 : f32 to vector<16xf32>
      %add3A_2161 = arith.addf %add3A_2160, %mul3A_2158 : vector<16xf32>
      %mul3A_2162 = arith.mulf %mul3A_2155, %add3A_2161 : vector<16xf32>
      %add3A_2163 = arith.constant -1.98412701E-4 : f32
      %add3A_2164 = vector.broadcast %add3A_2163 : f32 to vector<16xf32>
      %add3A_2165 = arith.addf %add3A_2164, %mul3A_2162 : vector<16xf32>
      %mul3A_2166 = arith.mulf %mul3A_2155, %add3A_2165 : vector<16xf32>
      %add3A_2167 = arith.constant 0.00833333377 : f32
      %add3A_2168 = vector.broadcast %add3A_2167 : f32 to vector<16xf32>
      %add3A_2169 = arith.addf %add3A_2168, %mul3A_2166 : vector<16xf32>
      %mul3A_2170 = arith.mulf %mul3A_2155, %add3A_2169 : vector<16xf32>
      %add3A_2171 = arith.constant -0.166666672 : f32
      %add3A_2172 = vector.broadcast %add3A_2171 : f32 to vector<16xf32>
      %add3A_2173 = arith.addf %add3A_2172, %mul3A_2170 : vector<16xf32>
      %mul3A_2174 = arith.mulf %mul3A_2155, %add3A_2173 : vector<16xf32>
      %add3A_2175 = arith.constant 1.000000e+00 : f32
      %add3A_2176 = vector.broadcast %add3A_2175 : f32 to vector<16xf32>
      %add3A_2177 = arith.addf %add3A_2176, %mul3A_2174 : vector<16xf32>
      %mul3A_2178 = arith.mulf %sub3A_2154, %add3A_2177 : vector<16xf32>
      %abs3A_2179 = math.absf %mul3A_2178 : vector<16xf32>
      %add3A_2180 = arith.addf %unpack3A_2115, %unpack3A_2120 : vector<16xf32>
      %sub3A_2181 = arith.subf %add3A_2180, %unpack3A_2125 : vector<16xf32>
      %mul3A_2182 = arith.constant 0.159154937 : f32
      %mul3A_2183 = vector.broadcast %mul3A_2182 : f32 to vector<16xf32>
      %mul3A_2184 = arith.mulf %sub3A_2181, %mul3A_2183 : vector<16xf32>
      %add3A_2185 = arith.constant 0x4B400000 : f32
      %add3A_2186 = vector.broadcast %add3A_2185 : f32 to vector<16xf32>
      %add3A_2187 = arith.addf %mul3A_2184, %add3A_2186 : vector<16xf32>
      %sub3A_2188 = arith.constant 0x4B400000 : f32
      %sub3A_2189 = vector.broadcast %sub3A_2188 : f32 to vector<16xf32>
      %sub3A_2190 = arith.subf %add3A_2187, %sub3A_2189 : vector<16xf32>
      %mul3A_2191 = arith.constant 5.000000e-01 : f32
      %mul3A_2192 = vector.broadcast %mul3A_2191 : f32 to vector<16xf32>
      %mul3A_2193 = arith.mulf %sub3A_2181, %mul3A_2192 : vector<16xf32>
      %mul3A_2194 = arith.constant 3.14159274 : f32
      %mul3A_2195 = vector.broadcast %mul3A_2194 : f32 to vector<16xf32>
      %mul3A_2196 = arith.mulf %sub3A_2190, %mul3A_2195 : vector<16xf32>
      %sub3A_2197 = arith.subf %mul3A_2193, %mul3A_2196 : vector<16xf32>
      %mul3A_2198 = arith.constant -8.74227765E-8 : f32
      %mul3A_2199 = vector.broadcast %mul3A_2198 : f32 to vector<16xf32>
      %mul3A_2200 = arith.mulf %sub3A_2190, %mul3A_2199 : vector<16xf32>
      %sub3A_2201 = arith.subf %sub3A_2197, %mul3A_2200 : vector<16xf32>
      %mul3A_2202 = arith.mulf %sub3A_2201, %sub3A_2201 : vector<16xf32>
      %mul3A_2203 = arith.constant -2.50521079E-8 : f32
      %mul3A_2204 = vector.broadcast %mul3A_2203 : f32 to vector<16xf32>
      %mul3A_2205 = arith.mulf %mul3A_2202, %mul3A_2204 : vector<16xf32>
      %add3A_2206 = arith.constant 2.75573188E-6 : f32
      %add3A_2207 = vector.broadcast %add3A_2206 : f32 to vector<16xf32>
      %add3A_2208 = arith.addf %add3A_2207, %mul3A_2205 : vector<16xf32>
      %mul3A_2209 = arith.mulf %mul3A_2202, %add3A_2208 : vector<16xf32>
      %add3A_2210 = arith.constant -1.98412701E-4 : f32
      %add3A_2211 = vector.broadcast %add3A_2210 : f32 to vector<16xf32>
      %add3A_2212 = arith.addf %add3A_2211, %mul3A_2209 : vector<16xf32>
      %mul3A_2213 = arith.mulf %mul3A_2202, %add3A_2212 : vector<16xf32>
      %add3A_2214 = arith.constant 0.00833333377 : f32
      %add3A_2215 = vector.broadcast %add3A_2214 : f32 to vector<16xf32>
      %add3A_2216 = arith.addf %add3A_2215, %mul3A_2213 : vector<16xf32>
      %mul3A_2217 = arith.mulf %mul3A_2202, %add3A_2216 : vector<16xf32>
      %add3A_2218 = arith.constant -0.166666672 : f32
      %add3A_2219 = vector.broadcast %add3A_2218 : f32 to vector<16xf32>
      %add3A_2220 = arith.addf %add3A_2219, %mul3A_2217 : vector<16xf32>
      %mul3A_2221 = arith.mulf %mul3A_2202, %add3A_2220 : vector<16xf32>
      %add3A_2222 = arith.constant 1.000000e+00 : f32
      %add3A_2223 = vector.broadcast %add3A_2222 : f32 to vector<16xf32>
      %add3A_2224 = arith.addf %add3A_2223, %mul3A_2221 : vector<16xf32>
      %mul3A_2225 = arith.mulf %sub3A_2201, %add3A_2224 : vector<16xf32>
      %abs3A_2226 = math.absf %mul3A_2225 : vector<16xf32>
      %add3A_2227 = arith.addf %abs3A_2179, %abs3A_2226 : vector<16xf32>
      %swap3A_2228 = arith.constant 208 : index
      %swap3A_2229 = tpu.vector_load %arg28[%swap3A_2228] {strides = array<i32>} : memref<256xf32, #tpu.memory_space<vmem>>, vector<16xf32>,
      tpu.vector_store %arg28[%swap3A_2228], %add3A_2132 {strides = array<i32>} : memref<256xf32, #tpu.memory_space<vmem>>, vector<16xf32>,
      %swap3A_2230 = arith.constant 208 : index
      %swap3A_2231 = tpu.vector_load %arg29[%swap3A_2230] {strides = array<i32>} : memref<256xf32, #tpu.memory_space<vmem>>, vector<16xf32>,
      tpu.vector_store %arg29[%swap3A_2230], %add3A_2227 {strides = array<i32>} : memref<256xf32, #tpu.memory_space<vmem>>, vector<16xf32>,
      %add3A_2232 = arith.constant 14 : i32
      %add3A_2233 = arith.addi %mul3A_304, %add3A_2232 : i32
      %get3A_2234 = arith.index_cast %add3A_2233 : i32 to index
      %get3A_2235 = arith.constant 0 : index
      %get3A_2236 = tpu.vector_load %arg22[%get3A_2234, %get3A_2235] {strides = array<i32>} : memref<512x32xbf16, #tpu.memory_space<vmem>>, vector<32xbf16>,
      %unpack3A_2237 = tpu.unpack_subelements %get3A_2236, 0 {pack_format = #tpu.pack_format<interleaved>} : vector<32xbf16> -> vector<16xf32>
      %unpack3A_2238 = tpu.unpack_subelements %get3A_2236, 1 {pack_format = #tpu.pack_format<interleaved>} : vector<32xbf16> -> vector<16xf32>
      %get3A_2239 = arith.index_cast %add3A_2233 : i32 to index
      %get3A_2240 = arith.constant 0 : index
      %get3A_2241 = tpu.vector_load %arg26[%get3A_2239, %get3A_2240] {strides = array<i32>} : memref<512x32xbf16, #tpu.memory_space<vmem>>, vector<32xbf16>,
      %unpack3A_2242 = tpu.unpack_subelements %get3A_2241, 0 {pack_format = #tpu.pack_format<interleaved>} : vector<32xbf16> -> vector<16xf32>
      %unpack3A_2243 = tpu.unpack_subelements %get3A_2241, 1 {pack_format = #tpu.pack_format<interleaved>} : vector<32xbf16> -> vector<16xf32>
      %get3A_2244 = arith.index_cast %add3A_2233 : i32 to index
      %get3A_2245 = arith.constant 0 : index
      %get3A_2246 = tpu.vector_load %arg24[%get3A_2244, %get3A_2245] {strides = array<i32>} : memref<512x32xbf16, #tpu.memory_space<vmem>>, vector<32xbf16>,
      %unpack3A_2247 = tpu.unpack_subelements %get3A_2246, 0 {pack_format = #tpu.pack_format<interleaved>} : vector<32xbf16> -> vector<16xf32>
      %unpack3A_2248 = tpu.unpack_subelements %get3A_2246, 1 {pack_format = #tpu.pack_format<interleaved>} : vector<32xbf16> -> vector<16xf32>
      %get3A_2249 = arith.index_cast %add3A_2233 : i32 to index
      %get3A_2250 = arith.constant 0 : index
      %get3A_2251 = tpu.vector_load %arg23[%get3A_2249, %get3A_2250] {strides = array<i32>} : memref<512x32xbf16, #tpu.memory_space<vmem>>, vector<32xbf16>,
      %unpack3A_2252 = tpu.unpack_subelements %get3A_2251, 0 {pack_format = #tpu.pack_format<interleaved>} : vector<32xbf16> -> vector<16xf32>
      %unpack3A_2253 = tpu.unpack_subelements %get3A_2251, 1 {pack_format = #tpu.pack_format<interleaved>} : vector<32xbf16> -> vector<16xf32>
      %get3A_2254 = arith.index_cast %add3A_2233 : i32 to index
      %get3A_2255 = arith.constant 0 : index
      %get3A_2256 = tpu.vector_load %arg27[%get3A_2254, %get3A_2255] {strides = array<i32>} : memref<512x32xbf16, #tpu.memory_space<vmem>>, vector<32xbf16>,
      %unpack3A_2257 = tpu.unpack_subelements %get3A_2256, 0 {pack_format = #tpu.pack_format<interleaved>} : vector<32xbf16> -> vector<16xf32>
      %unpack3A_2258 = tpu.unpack_subelements %get3A_2256, 1 {pack_format = #tpu.pack_format<interleaved>} : vector<32xbf16> -> vector<16xf32>
      %get3A_2259 = arith.index_cast %add3A_2233 : i32 to index
      %get3A_2260 = arith.constant 0 : index
      %get3A_2261 = tpu.vector_load %arg25[%get3A_2259, %get3A_2260] {strides = array<i32>} : memref<512x32xbf16, #tpu.memory_space<vmem>>, vector<32xbf16>,
      %unpack3A_2262 = tpu.unpack_subelements %get3A_2261, 0 {pack_format = #tpu.pack_format<interleaved>} : vector<32xbf16> -> vector<16xf32>
      %unpack3A_2263 = tpu.unpack_subelements %get3A_2261, 1 {pack_format = #tpu.pack_format<interleaved>} : vector<32xbf16> -> vector<16xf32>
      %mul3A_2264 = arith.mulf %unpack3A_2237, %unpack3A_2242 : vector<16xf32>
      %sub3A_2265 = arith.subf %mul3A_2264, %unpack3A_2247 : vector<16xf32>
      %mul3A_2266 = arith.mulf %unpack3A_2238, %unpack3A_2243 : vector<16xf32>
      %sub3A_2267 = arith.subf %mul3A_2266, %unpack3A_2248 : vector<16xf32>
      %mul3A_2268 = arith.mulf %sub3A_2265, %sub3A_2265 : vector<16xf32>
      %mul3A_2269 = arith.mulf %sub3A_2267, %sub3A_2267 : vector<16xf32>
      %add3A_2270 = arith.addf %mul3A_2268, %mul3A_2269 : vector<16xf32>
      %add3A_2271 = arith.addf %unpack3A_2252, %unpack3A_2257 : vector<16xf32>
      %sub3A_2272 = arith.subf %add3A_2271, %unpack3A_2262 : vector<16xf32>
      %mul3A_2273 = arith.constant 0.159154937 : f32
      %mul3A_2274 = vector.broadcast %mul3A_2273 : f32 to vector<16xf32>
      %mul3A_2275 = arith.mulf %sub3A_2272, %mul3A_2274 : vector<16xf32>
      %add3A_2276 = arith.constant 0x4B400000 : f32
      %add3A_2277 = vector.broadcast %add3A_2276 : f32 to vector<16xf32>
      %add3A_2278 = arith.addf %mul3A_2275, %add3A_2277 : vector<16xf32>
      %sub3A_2279 = arith.constant 0x4B400000 : f32
      %sub3A_2280 = vector.broadcast %sub3A_2279 : f32 to vector<16xf32>
      %sub3A_2281 = arith.subf %add3A_2278, %sub3A_2280 : vector<16xf32>
      %mul3A_2282 = arith.constant 5.000000e-01 : f32
      %mul3A_2283 = vector.broadcast %mul3A_2282 : f32 to vector<16xf32>
      %mul3A_2284 = arith.mulf %sub3A_2272, %mul3A_2283 : vector<16xf32>
      %mul3A_2285 = arith.constant 3.14159274 : f32
      %mul3A_2286 = vector.broadcast %mul3A_2285 : f32 to vector<16xf32>
      %mul3A_2287 = arith.mulf %sub3A_2281, %mul3A_2286 : vector<16xf32>
      %sub3A_2288 = arith.subf %mul3A_2284, %mul3A_2287 : vector<16xf32>
      %mul3A_2289 = arith.constant -8.74227765E-8 : f32
      %mul3A_2290 = vector.broadcast %mul3A_2289 : f32 to vector<16xf32>
      %mul3A_2291 = arith.mulf %sub3A_2281, %mul3A_2290 : vector<16xf32>
      %sub3A_2292 = arith.subf %sub3A_2288, %mul3A_2291 : vector<16xf32>
      %mul3A_2293 = arith.mulf %sub3A_2292, %sub3A_2292 : vector<16xf32>
      %mul3A_2294 = arith.constant -2.50521079E-8 : f32
      %mul3A_2295 = vector.broadcast %mul3A_2294 : f32 to vector<16xf32>
      %mul3A_2296 = arith.mulf %mul3A_2293, %mul3A_2295 : vector<16xf32>
      %add3A_2297 = arith.constant 2.75573188E-6 : f32
      %add3A_2298 = vector.broadcast %add3A_2297 : f32 to vector<16xf32>
      %add3A_2299 = arith.addf %add3A_2298, %mul3A_2296 : vector<16xf32>
      %mul3A_2300 = arith.mulf %mul3A_2293, %add3A_2299 : vector<16xf32>
      %add3A_2301 = arith.constant -1.98412701E-4 : f32
      %add3A_2302 = vector.broadcast %add3A_2301 : f32 to vector<16xf32>
      %add3A_2303 = arith.addf %add3A_2302, %mul3A_2300 : vector<16xf32>
      %mul3A_2304 = arith.mulf %mul3A_2293, %add3A_2303 : vector<16xf32>
      %add3A_2305 = arith.constant 0.00833333377 : f32
      %add3A_2306 = vector.broadcast %add3A_2305 : f32 to vector<16xf32>
      %add3A_2307 = arith.addf %add3A_2306, %mul3A_2304 : vector<16xf32>
      %mul3A_2308 = arith.mulf %mul3A_2293, %add3A_2307 : vector<16xf32>
      %add3A_2309 = arith.constant -0.166666672 : f32
      %add3A_2310 = vector.broadcast %add3A_2309 : f32 to vector<16xf32>
      %add3A_2311 = arith.addf %add3A_2310, %mul3A_2308 : vector<16xf32>
      %mul3A_2312 = arith.mulf %mul3A_2293, %add3A_2311 : vector<16xf32>
      %add3A_2313 = arith.constant 1.000000e+00 : f32
      %add3A_2314 = vector.broadcast %add3A_2313 : f32 to vector<16xf32>
      %add3A_2315 = arith.addf %add3A_2314, %mul3A_2312 : vector<16xf32>
      %mul3A_2316 = arith.mulf %sub3A_2292, %add3A_2315 : vector<16xf32>
      %abs3A_2317 = math.absf %mul3A_2316 : vector<16xf32>
      %add3A_2318 = arith.addf %unpack3A_2253, %unpack3A_2258 : vector<16xf32>
      %sub3A_2319 = arith.subf %add3A_2318, %unpack3A_2263 : vector<16xf32>
      %mul3A_2320 = arith.constant 0.159154937 : f32
      %mul3A_2321 = vector.broadcast %mul3A_2320 : f32 to vector<16xf32>
      %mul3A_2322 = arith.mulf %sub3A_2319, %mul3A_2321 : vector<16xf32>
      %add3A_2323 = arith.constant 0x4B400000 : f32
      %add3A_2324 = vector.broadcast %add3A_2323 : f32 to vector<16xf32>
      %add3A_2325 = arith.addf %mul3A_2322, %add3A_2324 : vector<16xf32>
      %sub3A_2326 = arith.constant 0x4B400000 : f32
      %sub3A_2327 = vector.broadcast %sub3A_2326 : f32 to vector<16xf32>
      %sub3A_2328 = arith.subf %add3A_2325, %sub3A_2327 : vector<16xf32>
      %mul3A_2329 = arith.constant 5.000000e-01 : f32
      %mul3A_2330 = vector.broadcast %mul3A_2329 : f32 to vector<16xf32>
      %mul3A_2331 = arith.mulf %sub3A_2319, %mul3A_2330 : vector<16xf32>
      %mul3A_2332 = arith.constant 3.14159274 : f32
      %mul3A_2333 = vector.broadcast %mul3A_2332 : f32 to vector<16xf32>
      %mul3A_2334 = arith.mulf %sub3A_2328, %mul3A_2333 : vector<16xf32>
      %sub3A_2335 = arith.subf %mul3A_2331, %mul3A_2334 : vector<16xf32>
      %mul3A_2336 = arith.constant -8.74227765E-8 : f32
      %mul3A_2337 = vector.broadcast %mul3A_2336 : f32 to vector<16xf32>
      %mul3A_2338 = arith.mulf %sub3A_2328, %mul3A_2337 : vector<16xf32>
      %sub3A_2339 = arith.subf %sub3A_2335, %mul3A_2338 : vector<16xf32>
      %mul3A_2340 = arith.mulf %sub3A_2339, %sub3A_2339 : vector<16xf32>
      %mul3A_2341 = arith.constant -2.50521079E-8 : f32
      %mul3A_2342 = vector.broadcast %mul3A_2341 : f32 to vector<16xf32>
      %mul3A_2343 = arith.mulf %mul3A_2340, %mul3A_2342 : vector<16xf32>
      %add3A_2344 = arith.constant 2.75573188E-6 : f32
      %add3A_2345 = vector.broadcast %add3A_2344 : f32 to vector<16xf32>
      %add3A_2346 = arith.addf %add3A_2345, %mul3A_2343 : vector<16xf32>
      %mul3A_2347 = arith.mulf %mul3A_2340, %add3A_2346 : vector<16xf32>
      %add3A_2348 = arith.constant -1.98412701E-4 : f32
      %add3A_2349 = vector.broadcast %add3A_2348 : f32 to vector<16xf32>
      %add3A_2350 = arith.addf %add3A_2349, %mul3A_2347 : vector<16xf32>
      %mul3A_2351 = arith.mulf %mul3A_2340, %add3A_2350 : vector<16xf32>
      %add3A_2352 = arith.constant 0.00833333377 : f32
      %add3A_2353 = vector.broadcast %add3A_2352 : f32 to vector<16xf32>
      %add3A_2354 = arith.addf %add3A_2353, %mul3A_2351 : vector<16xf32>
      %mul3A_2355 = arith.mulf %mul3A_2340, %add3A_2354 : vector<16xf32>
      %add3A_2356 = arith.constant -0.166666672 : f32
      %add3A_2357 = vector.broadcast %add3A_2356 : f32 to vector<16xf32>
      %add3A_2358 = arith.addf %add3A_2357, %mul3A_2355 : vector<16xf32>
      %mul3A_2359 = arith.mulf %mul3A_2340, %add3A_2358 : vector<16xf32>
      %add3A_2360 = arith.constant 1.000000e+00 : f32
      %add3A_2361 = vector.broadcast %add3A_2360 : f32 to vector<16xf32>
      %add3A_2362 = arith.addf %add3A_2361, %mul3A_2359 : vector<16xf32>
      %mul3A_2363 = arith.mulf %sub3A_2339, %add3A_2362 : vector<16xf32>
      %abs3A_2364 = math.absf %mul3A_2363 : vector<16xf32>
      %add3A_2365 = arith.addf %abs3A_2317, %abs3A_2364 : vector<16xf32>
      %swap3A_2366 = arith.constant 224 : index
      %swap3A_2367 = tpu.vector_load %arg28[%swap3A_2366] {strides = array<i32>} : memref<256xf32, #tpu.memory_space<vmem>>, vector<16xf32>,
      tpu.vector_store %arg28[%swap3A_2366], %add3A_2270 {strides = array<i32>} : memref<256xf32, #tpu.memory_space<vmem>>, vector<16xf32>,
      %swap3A_2368 = arith.constant 224 : index
      %swap3A_2369 = tpu.vector_load %arg29[%swap3A_2368] {strides = array<i32>} : memref<256xf32, #tpu.memory_space<vmem>>, vector<16xf32>,
      tpu.vector_store %arg29[%swap3A_2368], %add3A_2365 {strides = array<i32>} : memref<256xf32, #tpu.memory_space<vmem>>, vector<16xf32>,
      %add3A_2370 = arith.constant 15 : i32
      %add3A_2371 = arith.addi %mul3A_304, %add3A_2370 : i32
      %get3A_2372 = arith.index_cast %add3A_2371 : i32 to index
      %get3A_2373 = arith.constant 0 : index
      %get3A_2374 = tpu.vector_load %arg22[%get3A_2372, %get3A_2373] {strides = array<i32>} : memref<512x32xbf16, #tpu.memory_space<vmem>>, vector<32xbf16>,
      %unpack3A_2375 = tpu.unpack_subelements %get3A_2374, 0 {pack_format = #tpu.pack_format<interleaved>} : vector<32xbf16> -> vector<16xf32>
      %unpack3A_2376 = tpu.unpack_subelements %get3A_2374, 1 {pack_format = #tpu.pack_format<interleaved>} : vector<32xbf16> -> vector<16xf32>
      %get3A_2377 = arith.index_cast %add3A_2371 : i32 to index
      %get3A_2378 = arith.constant 0 : index
      %get3A_2379 = tpu.vector_load %arg26[%get3A_2377, %get3A_2378] {strides = array<i32>} : memref<512x32xbf16, #tpu.memory_space<vmem>>, vector<32xbf16>,
      %unpack3A_2380 = tpu.unpack_subelements %get3A_2379, 0 {pack_format = #tpu.pack_format<interleaved>} : vector<32xbf16> -> vector<16xf32>
      %unpack3A_2381 = tpu.unpack_subelements %get3A_2379, 1 {pack_format = #tpu.pack_format<interleaved>} : vector<32xbf16> -> vector<16xf32>
      %get3A_2382 = arith.index_cast %add3A_2371 : i32 to index
      %get3A_2383 = arith.constant 0 : index
      %get3A_2384 = tpu.vector_load %arg24[%get3A_2382, %get3A_2383] {strides = array<i32>} : memref<512x32xbf16, #tpu.memory_space<vmem>>, vector<32xbf16>,
      %unpack3A_2385 = tpu.unpack_subelements %get3A_2384, 0 {pack_format = #tpu.pack_format<interleaved>} : vector<32xbf16> -> vector<16xf32>
      %unpack3A_2386 = tpu.unpack_subelements %get3A_2384, 1 {pack_format = #tpu.pack_format<interleaved>} : vector<32xbf16> -> vector<16xf32>
      %get3A_2387 = arith.index_cast %add3A_2371 : i32 to index
      %get3A_2388 = arith.constant 0 : index
      %get3A_2389 = tpu.vector_load %arg23[%get3A_2387, %get3A_2388] {strides = array<i32>} : memref<512x32xbf16, #tpu.memory_space<vmem>>, vector<32xbf16>,
      %unpack3A_2390 = tpu.unpack_subelements %get3A_2389, 0 {pack_format = #tpu.pack_format<interleaved>} : vector<32xbf16> -> vector<16xf32>
      %unpack3A_2391 = tpu.unpack_subelements %get3A_2389, 1 {pack_format = #tpu.pack_format<interleaved>} : vector<32xbf16> -> vector<16xf32>
      %get3A_2392 = arith.index_cast %add3A_2371 : i32 to index
      %get3A_2393 = arith.constant 0 : index
      %get3A_2394 = tpu.vector_load %arg27[%get3A_2392, %get3A_2393] {strides = array<i32>} : memref<512x32xbf16, #tpu.memory_space<vmem>>, vector<32xbf16>,
      %unpack3A_2395 = tpu.unpack_subelements %get3A_2394, 0 {pack_format = #tpu.pack_format<interleaved>} : vector<32xbf16> -> vector<16xf32>
      %unpack3A_2396 = tpu.unpack_subelements %get3A_2394, 1 {pack_format = #tpu.pack_format<interleaved>} : vector<32xbf16> -> vector<16xf32>
      %get3A_2397 = arith.index_cast %add3A_2371 : i32 to index
      %get3A_2398 = arith.constant 0 : index
      %get3A_2399 = tpu.vector_load %arg25[%get3A_2397, %get3A_2398] {strides = array<i32>} : memref<512x32xbf16, #tpu.memory_space<vmem>>, vector<32xbf16>,
      %unpack3A_2400 = tpu.unpack_subelements %get3A_2399, 0 {pack_format = #tpu.pack_format<interleaved>} : vector<32xbf16> -> vector<16xf32>
      %unpack3A_2401 = tpu.unpack_subelements %get3A_2399, 1 {pack_format = #tpu.pack_format<interleaved>} : vector<32xbf16> -> vector<16xf32>
      %mul3A_2402 = arith.mulf %unpack3A_2375, %unpack3A_2380 : vector<16xf32>
      %sub3A_2403 = arith.subf %mul3A_2402, %unpack3A_2385 : vector<16xf32>
      %mul3A_2404 = arith.mulf %unpack3A_2376, %unpack3A_2381 : vector<16xf32>
      %sub3A_2405 = arith.subf %mul3A_2404, %unpack3A_2386 : vector<16xf32>
      %mul3A_2406 = arith.mulf %sub3A_2403, %sub3A_2403 : vector<16xf32>
      %mul3A_2407 = arith.mulf %sub3A_2405, %sub3A_2405 : vector<16xf32>
      %add3A_2408 = arith.addf %mul3A_2406, %mul3A_2407 : vector<16xf32>
      %add3A_2409 = arith.addf %unpack3A_2390, %unpack3A_2395 : vector<16xf32>
      %sub3A_2410 = arith.subf %add3A_2409, %unpack3A_2400 : vector<16xf32>
      %mul3A_2411 = arith.constant 0.159154937 : f32
      %mul3A_2412 = vector.broadcast %mul3A_2411 : f32 to vector<16xf32>
      %mul3A_2413 = arith.mulf %sub3A_2410, %mul3A_2412 : vector<16xf32>
      %add3A_2414 = arith.constant 0x4B400000 : f32
      %add3A_2415 = vector.broadcast %add3A_2414 : f32 to vector<16xf32>
      %add3A_2416 = arith.addf %mul3A_2413, %add3A_2415 : vector<16xf32>
      %sub3A_2417 = arith.constant 0x4B400000 : f32
      %sub3A_2418 = vector.broadcast %sub3A_2417 : f32 to vector<16xf32>
      %sub3A_2419 = arith.subf %add3A_2416, %sub3A_2418 : vector<16xf32>
      %mul3A_2420 = arith.constant 5.000000e-01 : f32
      %mul3A_2421 = vector.broadcast %mul3A_2420 : f32 to vector<16xf32>
      %mul3A_2422 = arith.mulf %sub3A_2410, %mul3A_2421 : vector<16xf32>
      %mul3A_2423 = arith.constant 3.14159274 : f32
      %mul3A_2424 = vector.broadcast %mul3A_2423 : f32 to vector<16xf32>
      %mul3A_2425 = arith.mulf %sub3A_2419, %mul3A_2424 : vector<16xf32>
      %sub3A_2426 = arith.subf %mul3A_2422, %mul3A_2425 : vector<16xf32>
      %mul3A_2427 = arith.constant -8.74227765E-8 : f32
      %mul3A_2428 = vector.broadcast %mul3A_2427 : f32 to vector<16xf32>
      %mul3A_2429 = arith.mulf %sub3A_2419, %mul3A_2428 : vector<16xf32>
      %sub3A_2430 = arith.subf %sub3A_2426, %mul3A_2429 : vector<16xf32>
      %mul3A_2431 = arith.mulf %sub3A_2430, %sub3A_2430 : vector<16xf32>
      %mul3A_2432 = arith.constant -2.50521079E-8 : f32
      %mul3A_2433 = vector.broadcast %mul3A_2432 : f32 to vector<16xf32>
      %mul3A_2434 = arith.mulf %mul3A_2431, %mul3A_2433 : vector<16xf32>
      %add3A_2435 = arith.constant 2.75573188E-6 : f32
      %add3A_2436 = vector.broadcast %add3A_2435 : f32 to vector<16xf32>
      %add3A_2437 = arith.addf %add3A_2436, %mul3A_2434 : vector<16xf32>
      %mul3A_2438 = arith.mulf %mul3A_2431, %add3A_2437 : vector<16xf32>
      %add3A_2439 = arith.constant -1.98412701E-4 : f32
      %add3A_2440 = vector.broadcast %add3A_2439 : f32 to vector<16xf32>
      %add3A_2441 = arith.addf %add3A_2440, %mul3A_2438 : vector<16xf32>
      %mul3A_2442 = arith.mulf %mul3A_2431, %add3A_2441 : vector<16xf32>
      %add3A_2443 = arith.constant 0.00833333377 : f32
      %add3A_2444 = vector.broadcast %add3A_2443 : f32 to vector<16xf32>
      %add3A_2445 = arith.addf %add3A_2444, %mul3A_2442 : vector<16xf32>
      %mul3A_2446 = arith.mulf %mul3A_2431, %add3A_2445 : vector<16xf32>
      %add3A_2447 = arith.constant -0.166666672 : f32
      %add3A_2448 = vector.broadcast %add3A_2447 : f32 to vector<16xf32>
      %add3A_2449 = arith.addf %add3A_2448, %mul3A_2446 : vector<16xf32>
      %mul3A_2450 = arith.mulf %mul3A_2431, %add3A_2449 : vector<16xf32>
      %add3A_2451 = arith.constant 1.000000e+00 : f32
      %add3A_2452 = vector.broadcast %add3A_2451 : f32 to vector<16xf32>
      %add3A_2453 = arith.addf %add3A_2452, %mul3A_2450 : vector<16xf32>
      %mul3A_2454 = arith.mulf %sub3A_2430, %add3A_2453 : vector<16xf32>
      %abs3A_2455 = math.absf %mul3A_2454 : vector<16xf32>
      %add3A_2456 = arith.addf %unpack3A_2391, %unpack3A_2396 : vector<16xf32>
      %sub3A_2457 = arith.subf %add3A_2456, %unpack3A_2401 : vector<16xf32>
      %mul3A_2458 = arith.constant 0.159154937 : f32
      %mul3A_2459 = vector.broadcast %mul3A_2458 : f32 to vector<16xf32>
      %mul3A_2460 = arith.mulf %sub3A_2457, %mul3A_2459 : vector<16xf32>
      %add3A_2461 = arith.constant 0x4B400000 : f32
      %add3A_2462 = vector.broadcast %add3A_2461 : f32 to vector<16xf32>
      %add3A_2463 = arith.addf %mul3A_2460, %add3A_2462 : vector<16xf32>
      %sub3A_2464 = arith.constant 0x4B400000 : f32
      %sub3A_2465 = vector.broadcast %sub3A_2464 : f32 to vector<16xf32>
      %sub3A_2466 = arith.subf %add3A_2463, %sub3A_2465 : vector<16xf32>
      %mul3A_2467 = arith.constant 5.000000e-01 : f32
      %mul3A_2468 = vector.broadcast %mul3A_2467 : f32 to vector<16xf32>
      %mul3A_2469 = arith.mulf %sub3A_2457, %mul3A_2468 : vector<16xf32>
      %mul3A_2470 = arith.constant 3.14159274 : f32
      %mul3A_2471 = vector.broadcast %mul3A_2470 : f32 to vector<16xf32>
      %mul3A_2472 = arith.mulf %sub3A_2466, %mul3A_2471 : vector<16xf32>
      %sub3A_2473 = arith.subf %mul3A_2469, %mul3A_2472 : vector<16xf32>
      %mul3A_2474 = arith.constant -8.74227765E-8 : f32
      %mul3A_2475 = vector.broadcast %mul3A_2474 : f32 to vector<16xf32>
      %mul3A_2476 = arith.mulf %sub3A_2466, %mul3A_2475 : vector<16xf32>
      %sub3A_2477 = arith.subf %sub3A_2473, %mul3A_2476 : vector<16xf32>
      %mul3A_2478 = arith.mulf %sub3A_2477, %sub3A_2477 : vector<16xf32>
      %mul3A_2479 = arith.constant -2.50521079E-8 : f32
      %mul3A_2480 = vector.broadcast %mul3A_2479 : f32 to vector<16xf32>
      %mul3A_2481 = arith.mulf %mul3A_2478, %mul3A_2480 : vector<16xf32>
      %add3A_2482 = arith.constant 2.75573188E-6 : f32
      %add3A_2483 = vector.broadcast %add3A_2482 : f32 to vector<16xf32>
      %add3A_2484 = arith.addf %add3A_2483, %mul3A_2481 : vector<16xf32>
      %mul3A_2485 = arith.mulf %mul3A_2478, %add3A_2484 : vector<16xf32>
      %add3A_2486 = arith.constant -1.98412701E-4 : f32
      %add3A_2487 = vector.broadcast %add3A_2486 : f32 to vector<16xf32>
      %add3A_2488 = arith.addf %add3A_2487, %mul3A_2485 : vector<16xf32>
      %mul3A_2489 = arith.mulf %mul3A_2478, %add3A_2488 : vector<16xf32>
      %add3A_2490 = arith.constant 0.00833333377 : f32
      %add3A_2491 = vector.broadcast %add3A_2490 : f32 to vector<16xf32>
      %add3A_2492 = arith.addf %add3A_2491, %mul3A_2489 : vector<16xf32>
      %mul3A_2493 = arith.mulf %mul3A_2478, %add3A_2492 : vector<16xf32>
      %add3A_2494 = arith.constant -0.166666672 : f32
      %add3A_2495 = vector.broadcast %add3A_2494 : f32 to vector<16xf32>
      %add3A_2496 = arith.addf %add3A_2495, %mul3A_2493 : vector<16xf32>
      %mul3A_2497 = arith.mulf %mul3A_2478, %add3A_2496 : vector<16xf32>
      %add3A_2498 = arith.constant 1.000000e+00 : f32
      %add3A_2499 = vector.broadcast %add3A_2498 : f32 to vector<16xf32>
      %add3A_2500 = arith.addf %add3A_2499, %mul3A_2497 : vector<16xf32>
      %mul3A_2501 = arith.mulf %sub3A_2477, %add3A_2500 : vector<16xf32>
      %abs3A_2502 = math.absf %mul3A_2501 : vector<16xf32>
      %add3A_2503 = arith.addf %abs3A_2455, %abs3A_2502 : vector<16xf32>
      %swap3A_2504 = arith.constant 240 : index
      %swap3A_2505 = tpu.vector_load %arg28[%swap3A_2504] {strides = array<i32>} : memref<256xf32, #tpu.memory_space<vmem>>, vector<16xf32>,
      tpu.vector_store %arg28[%swap3A_2504], %add3A_2408 {strides = array<i32>} : memref<256xf32, #tpu.memory_space<vmem>>, vector<16xf32>,
      %swap3A_2506 = arith.constant 240 : index
      %swap3A_2507 = tpu.vector_load %arg29[%swap3A_2506] {strides = array<i32>} : memref<256xf32, #tpu.memory_space<vmem>>, vector<16xf32>,
      tpu.vector_store %arg29[%swap3A_2506], %add3A_2503 {strides = array<i32>} : memref<256xf32, #tpu.memory_space<vmem>>, vector<16xf32>,
      %mul3A_2508 = arith.constant 16 : i32
      %mul3A_2509 = vector.broadcast %mul3A_2508 : i32 to vector<16xi32>
      %mul3A_2510 = arith.muli %iota3A, %mul3A_2509 : vector<16xi32>
      %add3A_2511 = arith.constant 0 : i32
      %add3A_2512 = vector.broadcast %add3A_2511 : i32 to vector<16xi32>
      %add3A_2513 = arith.addi %mul3A_2510, %add3A_2512 : vector<16xi32>
      %gather3A = tpu.vector_load_idx %arg28[%add3A_2513] : memref<256xf32, #tpu.memory_space<vmem>>[vector<16xi32>], vector<16xf32>,
      %gather3A_2514 = tpu.vector_load_idx %arg29[%add3A_2513] : memref<256xf32, #tpu.memory_space<vmem>>[vector<16xi32>], vector<16xf32>,
      %mul3A_2515 = arith.constant 16 : i32
      %mul3A_2516 = vector.broadcast %mul3A_2515 : i32 to vector<16xi32>
      %mul3A_2517 = arith.muli %iota3A, %mul3A_2516 : vector<16xi32>
      %add3A_2518 = arith.constant 1 : i32
      %add3A_2519 = vector.broadcast %add3A_2518 : i32 to vector<16xi32>
      %add3A_2520 = arith.addi %mul3A_2517, %add3A_2519 : vector<16xi32>
      %gather3A_2521 = tpu.vector_load_idx %arg28[%add3A_2520] : memref<256xf32, #tpu.memory_space<vmem>>[vector<16xi32>], vector<16xf32>,
      %gather3A_2522 = tpu.vector_load_idx %arg29[%add3A_2520] : memref<256xf32, #tpu.memory_space<vmem>>[vector<16xi32>], vector<16xf32>,
      %add3A_2523 = arith.addf %gather3A, %gather3A_2521 : vector<16xf32>
      %add3A_2524 = arith.addf %gather3A_2514, %gather3A_2522 : vector<16xf32>
      %mul3A_2525 = arith.constant 16 : i32
      %mul3A_2526 = vector.broadcast %mul3A_2525 : i32 to vector<16xi32>
      %mul3A_2527 = arith.muli %iota3A, %mul3A_2526 : vector<16xi32>
      %add3A_2528 = arith.constant 2 : i32
      %add3A_2529 = vector.broadcast %add3A_2528 : i32 to vector<16xi32>
      %add3A_2530 = arith.addi %mul3A_2527, %add3A_2529 : vector<16xi32>
      %gather3A_2531 = tpu.vector_load_idx %arg28[%add3A_2530] : memref<256xf32, #tpu.memory_space<vmem>>[vector<16xi32>], vector<16xf32>,
      %gather3A_2532 = tpu.vector_load_idx %arg29[%add3A_2530] : memref<256xf32, #tpu.memory_space<vmem>>[vector<16xi32>], vector<16xf32>,
      %add3A_2533 = arith.addf %add3A_2523, %gather3A_2531 : vector<16xf32>
      %add3A_2534 = arith.addf %add3A_2524, %gather3A_2532 : vector<16xf32>
      %mul3A_2535 = arith.constant 16 : i32
      %mul3A_2536 = vector.broadcast %mul3A_2535 : i32 to vector<16xi32>
      %mul3A_2537 = arith.muli %iota3A, %mul3A_2536 : vector<16xi32>
      %add3A_2538 = arith.constant 3 : i32
      %add3A_2539 = vector.broadcast %add3A_2538 : i32 to vector<16xi32>
      %add3A_2540 = arith.addi %mul3A_2537, %add3A_2539 : vector<16xi32>
      %gather3A_2541 = tpu.vector_load_idx %arg28[%add3A_2540] : memref<256xf32, #tpu.memory_space<vmem>>[vector<16xi32>], vector<16xf32>,
      %gather3A_2542 = tpu.vector_load_idx %arg29[%add3A_2540] : memref<256xf32, #tpu.memory_space<vmem>>[vector<16xi32>], vector<16xf32>,
      %add3A_2543 = arith.addf %add3A_2533, %gather3A_2541 : vector<16xf32>
      %add3A_2544 = arith.addf %add3A_2534, %gather3A_2542 : vector<16xf32>
      %mul3A_2545 = arith.constant 16 : i32
      %mul3A_2546 = vector.broadcast %mul3A_2545 : i32 to vector<16xi32>
      %mul3A_2547 = arith.muli %iota3A, %mul3A_2546 : vector<16xi32>
      %add3A_2548 = arith.constant 4 : i32
      %add3A_2549 = vector.broadcast %add3A_2548 : i32 to vector<16xi32>
      %add3A_2550 = arith.addi %mul3A_2547, %add3A_2549 : vector<16xi32>
      %gather3A_2551 = tpu.vector_load_idx %arg28[%add3A_2550] : memref<256xf32, #tpu.memory_space<vmem>>[vector<16xi32>], vector<16xf32>,
      %gather3A_2552 = tpu.vector_load_idx %arg29[%add3A_2550] : memref<256xf32, #tpu.memory_space<vmem>>[vector<16xi32>], vector<16xf32>,
      %add3A_2553 = arith.addf %add3A_2543, %gather3A_2551 : vector<16xf32>
      %add3A_2554 = arith.addf %add3A_2544, %gather3A_2552 : vector<16xf32>
      %mul3A_2555 = arith.constant 16 : i32
      %mul3A_2556 = vector.broadcast %mul3A_2555 : i32 to vector<16xi32>
      %mul3A_2557 = arith.muli %iota3A, %mul3A_2556 : vector<16xi32>
      %add3A_2558 = arith.constant 5 : i32
      %add3A_2559 = vector.broadcast %add3A_2558 : i32 to vector<16xi32>
      %add3A_2560 = arith.addi %mul3A_2557, %add3A_2559 : vector<16xi32>
      %gather3A_2561 = tpu.vector_load_idx %arg28[%add3A_2560] : memref<256xf32, #tpu.memory_space<vmem>>[vector<16xi32>], vector<16xf32>,
      %gather3A_2562 = tpu.vector_load_idx %arg29[%add3A_2560] : memref<256xf32, #tpu.memory_space<vmem>>[vector<16xi32>], vector<16xf32>,
      %add3A_2563 = arith.addf %add3A_2553, %gather3A_2561 : vector<16xf32>
      %add3A_2564 = arith.addf %add3A_2554, %gather3A_2562 : vector<16xf32>
      %mul3A_2565 = arith.constant 16 : i32
      %mul3A_2566 = vector.broadcast %mul3A_2565 : i32 to vector<16xi32>
      %mul3A_2567 = arith.muli %iota3A, %mul3A_2566 : vector<16xi32>
      %add3A_2568 = arith.constant 6 : i32
      %add3A_2569 = vector.broadcast %add3A_2568 : i32 to vector<16xi32>
      %add3A_2570 = arith.addi %mul3A_2567, %add3A_2569 : vector<16xi32>
      %gather3A_2571 = tpu.vector_load_idx %arg28[%add3A_2570] : memref<256xf32, #tpu.memory_space<vmem>>[vector<16xi32>], vector<16xf32>,
      %gather3A_2572 = tpu.vector_load_idx %arg29[%add3A_2570] : memref<256xf32, #tpu.memory_space<vmem>>[vector<16xi32>], vector<16xf32>,
      %add3A_2573 = arith.addf %add3A_2563, %gather3A_2571 : vector<16xf32>
      %add3A_2574 = arith.addf %add3A_2564, %gather3A_2572 : vector<16xf32>
      %mul3A_2575 = arith.constant 16 : i32
      %mul3A_2576 = vector.broadcast %mul3A_2575 : i32 to vector<16xi32>
      %mul3A_2577 = arith.muli %iota3A, %mul3A_2576 : vector<16xi32>
      %add3A_2578 = arith.constant 7 : i32
      %add3A_2579 = vector.broadcast %add3A_2578 : i32 to vector<16xi32>
      %add3A_2580 = arith.addi %mul3A_2577, %add3A_2579 : vector<16xi32>
      %gather3A_2581 = tpu.vector_load_idx %arg28[%add3A_2580] : memref<256xf32, #tpu.memory_space<vmem>>[vector<16xi32>], vector<16xf32>,
      %gather3A_2582 = tpu.vector_load_idx %arg29[%add3A_2580] : memref<256xf32, #tpu.memory_space<vmem>>[vector<16xi32>], vector<16xf32>,
      %add3A_2583 = arith.addf %add3A_2573, %gather3A_2581 : vector<16xf32>
      %add3A_2584 = arith.addf %add3A_2574, %gather3A_2582 : vector<16xf32>
      %mul3A_2585 = arith.constant 16 : i32
      %mul3A_2586 = vector.broadcast %mul3A_2585 : i32 to vector<16xi32>
      %mul3A_2587 = arith.muli %iota3A, %mul3A_2586 : vector<16xi32>
      %add3A_2588 = arith.constant 8 : i32
      %add3A_2589 = vector.broadcast %add3A_2588 : i32 to vector<16xi32>
      %add3A_2590 = arith.addi %mul3A_2587, %add3A_2589 : vector<16xi32>
      %gather3A_2591 = tpu.vector_load_idx %arg28[%add3A_2590] : memref<256xf32, #tpu.memory_space<vmem>>[vector<16xi32>], vector<16xf32>,
      %gather3A_2592 = tpu.vector_load_idx %arg29[%add3A_2590] : memref<256xf32, #tpu.memory_space<vmem>>[vector<16xi32>], vector<16xf32>,
      %add3A_2593 = arith.addf %add3A_2583, %gather3A_2591 : vector<16xf32>
      %add3A_2594 = arith.addf %add3A_2584, %gather3A_2592 : vector<16xf32>
      %mul3A_2595 = arith.constant 16 : i32
      %mul3A_2596 = vector.broadcast %mul3A_2595 : i32 to vector<16xi32>
      %mul3A_2597 = arith.muli %iota3A, %mul3A_2596 : vector<16xi32>
      %add3A_2598 = arith.constant 9 : i32
      %add3A_2599 = vector.broadcast %add3A_2598 : i32 to vector<16xi32>
      %add3A_2600 = arith.addi %mul3A_2597, %add3A_2599 : vector<16xi32>
      %gather3A_2601 = tpu.vector_load_idx %arg28[%add3A_2600] : memref<256xf32, #tpu.memory_space<vmem>>[vector<16xi32>], vector<16xf32>,
      %gather3A_2602 = tpu.vector_load_idx %arg29[%add3A_2600] : memref<256xf32, #tpu.memory_space<vmem>>[vector<16xi32>], vector<16xf32>,
      %add3A_2603 = arith.addf %add3A_2593, %gather3A_2601 : vector<16xf32>
      %add3A_2604 = arith.addf %add3A_2594, %gather3A_2602 : vector<16xf32>
      %mul3A_2605 = arith.constant 16 : i32
      %mul3A_2606 = vector.broadcast %mul3A_2605 : i32 to vector<16xi32>
      %mul3A_2607 = arith.muli %iota3A, %mul3A_2606 : vector<16xi32>
      %add3A_2608 = arith.constant 10 : i32
      %add3A_2609 = vector.broadcast %add3A_2608 : i32 to vector<16xi32>
      %add3A_2610 = arith.addi %mul3A_2607, %add3A_2609 : vector<16xi32>
      %gather3A_2611 = tpu.vector_load_idx %arg28[%add3A_2610] : memref<256xf32, #tpu.memory_space<vmem>>[vector<16xi32>], vector<16xf32>,
      %gather3A_2612 = tpu.vector_load_idx %arg29[%add3A_2610] : memref<256xf32, #tpu.memory_space<vmem>>[vector<16xi32>], vector<16xf32>,
      %add3A_2613 = arith.addf %add3A_2603, %gather3A_2611 : vector<16xf32>
      %add3A_2614 = arith.addf %add3A_2604, %gather3A_2612 : vector<16xf32>
      %mul3A_2615 = arith.constant 16 : i32
      %mul3A_2616 = vector.broadcast %mul3A_2615 : i32 to vector<16xi32>
      %mul3A_2617 = arith.muli %iota3A, %mul3A_2616 : vector<16xi32>
      %add3A_2618 = arith.constant 11 : i32
      %add3A_2619 = vector.broadcast %add3A_2618 : i32 to vector<16xi32>
      %add3A_2620 = arith.addi %mul3A_2617, %add3A_2619 : vector<16xi32>
      %gather3A_2621 = tpu.vector_load_idx %arg28[%add3A_2620] : memref<256xf32, #tpu.memory_space<vmem>>[vector<16xi32>], vector<16xf32>,
      %gather3A_2622 = tpu.vector_load_idx %arg29[%add3A_2620] : memref<256xf32, #tpu.memory_space<vmem>>[vector<16xi32>], vector<16xf32>,
      %add3A_2623 = arith.addf %add3A_2613, %gather3A_2621 : vector<16xf32>
      %add3A_2624 = arith.addf %add3A_2614, %gather3A_2622 : vector<16xf32>
      %mul3A_2625 = arith.constant 16 : i32
      %mul3A_2626 = vector.broadcast %mul3A_2625 : i32 to vector<16xi32>
      %mul3A_2627 = arith.muli %iota3A, %mul3A_2626 : vector<16xi32>
      %add3A_2628 = arith.constant 12 : i32
      %add3A_2629 = vector.broadcast %add3A_2628 : i32 to vector<16xi32>
      %add3A_2630 = arith.addi %mul3A_2627, %add3A_2629 : vector<16xi32>
      %gather3A_2631 = tpu.vector_load_idx %arg28[%add3A_2630] : memref<256xf32, #tpu.memory_space<vmem>>[vector<16xi32>], vector<16xf32>,
      %gather3A_2632 = tpu.vector_load_idx %arg29[%add3A_2630] : memref<256xf32, #tpu.memory_space<vmem>>[vector<16xi32>], vector<16xf32>,
      %add3A_2633 = arith.addf %add3A_2623, %gather3A_2631 : vector<16xf32>
      %add3A_2634 = arith.addf %add3A_2624, %gather3A_2632 : vector<16xf32>
      %mul3A_2635 = arith.constant 16 : i32
      %mul3A_2636 = vector.broadcast %mul3A_2635 : i32 to vector<16xi32>
      %mul3A_2637 = arith.muli %iota3A, %mul3A_2636 : vector<16xi32>
      %add3A_2638 = arith.constant 13 : i32
      %add3A_2639 = vector.broadcast %add3A_2638 : i32 to vector<16xi32>
      %add3A_2640 = arith.addi %mul3A_2637, %add3A_2639 : vector<16xi32>
      %gather3A_2641 = tpu.vector_load_idx %arg28[%add3A_2640] : memref<256xf32, #tpu.memory_space<vmem>>[vector<16xi32>], vector<16xf32>,
      %gather3A_2642 = tpu.vector_load_idx %arg29[%add3A_2640] : memref<256xf32, #tpu.memory_space<vmem>>[vector<16xi32>], vector<16xf32>,
      %add3A_2643 = arith.addf %add3A_2633, %gather3A_2641 : vector<16xf32>
      %add3A_2644 = arith.addf %add3A_2634, %gather3A_2642 : vector<16xf32>
      %mul3A_2645 = arith.constant 16 : i32
      %mul3A_2646 = vector.broadcast %mul3A_2645 : i32 to vector<16xi32>
      %mul3A_2647 = arith.muli %iota3A, %mul3A_2646 : vector<16xi32>
      %add3A_2648 = arith.constant 14 : i32
      %add3A_2649 = vector.broadcast %add3A_2648 : i32 to vector<16xi32>
      %add3A_2650 = arith.addi %mul3A_2647, %add3A_2649 : vector<16xi32>
      %gather3A_2651 = tpu.vector_load_idx %arg28[%add3A_2650] : memref<256xf32, #tpu.memory_space<vmem>>[vector<16xi32>], vector<16xf32>,
      %gather3A_2652 = tpu.vector_load_idx %arg29[%add3A_2650] : memref<256xf32, #tpu.memory_space<vmem>>[vector<16xi32>], vector<16xf32>,
      %add3A_2653 = arith.addf %add3A_2643, %gather3A_2651 : vector<16xf32>
      %add3A_2654 = arith.addf %add3A_2644, %gather3A_2652 : vector<16xf32>
      %mul3A_2655 = arith.constant 16 : i32
      %mul3A_2656 = vector.broadcast %mul3A_2655 : i32 to vector<16xi32>
      %mul3A_2657 = arith.muli %iota3A, %mul3A_2656 : vector<16xi32>
      %add3A_2658 = arith.constant 15 : i32
      %add3A_2659 = vector.broadcast %add3A_2658 : i32 to vector<16xi32>
      %add3A_2660 = arith.addi %mul3A_2657, %add3A_2659 : vector<16xi32>
      %gather3A_2661 = tpu.vector_load_idx %arg28[%add3A_2660] : memref<256xf32, #tpu.memory_space<vmem>>[vector<16xi32>], vector<16xf32>,
      %gather3A_2662 = tpu.vector_load_idx %arg29[%add3A_2660] : memref<256xf32, #tpu.memory_space<vmem>>[vector<16xi32>], vector<16xf32>,
      %add3A_2663 = arith.addf %add3A_2653, %gather3A_2661 : vector<16xf32>
      %add3A_2664 = arith.addf %add3A_2654, %gather3A_2662 : vector<16xf32>
      %bitcast_convert_type3A = tpu.bitcast %add3A_2663 : vector<16xf32> -> vector<16xi32>
      %shift_right_arithmetic3A = arith.constant 1 : i32
      %shift_right_arithmetic3A_2665 = vector.broadcast %shift_right_arithmetic3A : i32 to vector<16xi32>
      %shift_right_arithmetic3A_2666 = arith.shrsi %bitcast_convert_type3A, %shift_right_arithmetic3A_2665 : vector<16xi32>
      %add3A_2667 = arith.constant 532487669 : i32
      %add3A_2668 = vector.broadcast %add3A_2667 : i32 to vector<16xi32>
      %add3A_2669 = arith.addi %add3A_2668, %shift_right_arithmetic3A_2666 : vector<16xi32>
      %bitcast_convert_type3A_2670 = tpu.bitcast %add3A_2669 : vector<16xi32> -> vector<16xf32>
      %div3A = arith.divf %add3A_2663, %bitcast_convert_type3A_2670 : vector<16xf32>
      %add3A_2671 = arith.addf %bitcast_convert_type3A_2670, %div3A : vector<16xf32>
      %mul3A_2672 = arith.constant 5.000000e-01 : f32
      %mul3A_2673 = vector.broadcast %mul3A_2672 : f32 to vector<16xf32>
      %mul3A_2674 = arith.mulf %mul3A_2673, %add3A_2671 : vector<16xf32>
      %div3A_2675 = arith.divf %add3A_2663, %mul3A_2674 : vector<16xf32>
      %add3A_2676 = arith.addf %mul3A_2674, %div3A_2675 : vector<16xf32>
      %mul3A_2677 = arith.constant 5.000000e-01 : f32
      %mul3A_2678 = vector.broadcast %mul3A_2677 : f32 to vector<16xf32>
      %mul3A_2679 = arith.mulf %mul3A_2678, %add3A_2676 : vector<16xf32>
      %div3A_2680 = arith.divf %add3A_2663, %mul3A_2679 : vector<16xf32>
      %add3A_2681 = arith.addf %mul3A_2679, %div3A_2680 : vector<16xf32>
      %mul3A_2682 = arith.constant 5.000000e-01 : f32
      %mul3A_2683 = vector.broadcast %mul3A_2682 : f32 to vector<16xf32>
      %mul3A_2684 = arith.mulf %mul3A_2683, %add3A_2681 : vector<16xf32>
      %mul3A_2685 = arith.constant 4.000000e+00 : f32
      %mul3A_2686 = vector.broadcast %mul3A_2685 : f32 to vector<16xf32>
      %mul3A_2687 = arith.mulf %mul3A_2686, %mul3A_2684 : vector<16xf32>
      %mul3A_2688 = arith.constant 1.000000e+00 : f32
      %mul3A_2689 = vector.broadcast %mul3A_2688 : f32 to vector<16xf32>
      %mul3A_2690 = arith.mulf %mul3A_2689, %add3A_2664 : vector<16xf32>
      %add3A_2691 = arith.addf %mul3A_2687, %mul3A_2690 : vector<16xf32>
      %swap3A_2692 = arith.index_cast %mul3A_304 : i32 to index
      %swap3A_2693 = tpu.vector_load %arg30[%swap3A_2692] {strides = array<i32>} : memref<512xf32, #tpu.memory_space<vmem>>, vector<16xf32>,
      tpu.vector_store %arg30[%swap3A_2692], %add3A_2691 {strides = array<i32>} : memref<512xf32, #tpu.memory_space<vmem>>, vector<16xf32>,
    }
    %scan3A_301 = arith.constant 32 : i32
    "tpu.region"() ({
      %run_scoped3A = tpu.sem_alloc : memref<!tpu.dma_semaphore, #tpu.memory_space<semaphore_mem>>
      %dma_start3A_302 = tpu.memref_slice %arg9[%mul3A_2] : memref<16384xf32, #tpu.memory_space<hbm>> -> memref<512xf32, #tpu.memory_space<hbm>>
      %dma_start3A_303 = tpu.memref_slice %arg9[%mul3A_2] : memref<16384xf32, #tpu.memory_space<hbm>> -> memref<512xf32, #tpu.memory_space<hbm>>
      tpu.enqueue_dma source(%arg30 : memref<512xf32, #tpu.memory_space<vmem>>) target(%dma_start3A_303 : memref<512xf32, #tpu.memory_space<hbm>>) target_semaphore(%run_scoped3A : memref<!tpu.dma_semaphore, #tpu.memory_space<semaphore_mem>>)
      %dma_wait3A_304 = tpu.memref_slice %arg9[%mul3A_2] : memref<16384xf32, #tpu.memory_space<hbm>> -> memref<512xf32, #tpu.memory_space<hbm>>
      %dma_wait3A_305 = tpu.memref_slice %arg9[%mul3A_2] : memref<16384xf32, #tpu.memory_space<hbm>> -> memref<512xf32, #tpu.memory_space<hbm>>
      tpu.wait_dma2 semaphore(%run_scoped3A : memref<!tpu.dma_semaphore, #tpu.memory_space<semaphore_mem>>) src(%arg30 : memref<512xf32, #tpu.memory_space<vmem>>) dst(%dma_wait3A_305 : memref<512xf32, #tpu.memory_space<hbm>>)
      tpu.yield
    }) : () -> ()
    return
  }
}

</mosaic_0001>

<sc_bundles>
// kernel: _transee_score.3.cloned.1.call-start
scs
__scs_entry_jumppad:
0x0: {  	(pc) =	sbr.rel $0x88, $3  }
0x1: {  	(tag) =	ssettag $0x0;
	lr =	simm.s32 $0x1  }
0x2: {  	[smem:$0x3F9A] =	sst lr;
	_ =	strace $0xD0000000  }
0x3: {  	_ = 	snop  }
0x4: {  	_ = 	snop  }
0x5: {  	_ = 	snop  }
0x6: {  	_ = 	snop  }
0x7: {  	_ = 	snop  }
__scs_overlays_trampoline_lowered:
0x8: {  	[smem:$0x3FA9] =	sst s0  }
0x9: {  	[smem:$0x3FAA] =	sst s1  }
0xa: {  	[smem:$0x3FAB] =	sst s2  }
0xb: {  	[smem:$0x3FAC] =	sst s3  }
0xc: {  	[smem:$0x3FAD] =	sst s4  }
0xd: {  	[smem:$0x3FAE] =	sst s5  }
0xe: {  	[smem:$0x3FAF] =	sst s6  }
0xf: {  	[smem:$0x3FB0] =	sst s7  }
0x10: {  	[smem:$0x3FB1] =	sst s8  }
0x11: {  	[smem:$0x3FB2] =	sst s9;
	s0 =	simm.s32 @!p0 $0x0  }
0x12: {  	s1 =	sld [smem:$0x3F98];
	s0 =	simm.s32 @p0 $0x1  }
0x13: {  	[smem:$0x3FB3] =	sst s0;
	s0 =	simm.s32 @!p1 $0x0  }
0x14: {  	s2 =	sld [smem:$0x3F97];
	s0 =	simm.s32 @p1 $0x1  }
0x15: {  	[smem:$0x3FB4] =	sst s0;
	s0 =	simm.s32 @!p2 $0x0  }
0x16: {  	s3 =	sld [smem:$0x3FDB];
	s0 =	simm.s32 @p2 $0x1  }
0x17: {  	s4 =	simm.s32 $0x1BF5;
	[smem:$0x3FB6] =	sst s0  }
0x18: {  	s0 =	sld [smem:$0x3F99];
	_ =	swait.ge [sflag:s4], $0x0  }
0x19: {  	s7 =	sld [smem:$0x3F9A]  }
0x1a: {  	s8 =	sadd.s32 $0xFFFFE003, lr  }
0x1b: {  	s9 =	sadd.s32 $0xFFFFFEF7, lr;
	s5 =	simm.s32 $0xFFFFFFFF;
	p2 =	slt.u32 s8, $0xFFFFF086  }
0x1c: {  	p1 =	slt.u32 s9, $0xF7A;
	s5 =	simm.s32 @!p2 $0x0  }
0x1d: {  	s5 =	simm.s32 @p1 $0x1;
	p0 =	seq.s32 s7, s2  }
0x1e: {  	s7 =	smul.u32 @!p0 $0xF7A, s2;
	p2 =	seq.s32 @!p0 s5, $0x0  }
0x1f: {  	s9 =	smul.u32 $0xF7A, s1;
	s8 =	simm.s32 @!p0 $0x1BF5;
	p2 =	por !p2, p0  }
0x20: {  	[sflag:s8] =	ssyncset.s32 @!p0 $0xFFFFF086;
	s6 =	sadd.s32 @!p0 s3, s7;
	s7 =	simm.s32 @!p0 $0x108  }
0x21: {  	s3 =	sadd.s32 s3, s9;
	s6 =	sadd.s32 @!p0 $0x88, s6;
	s7 =	simm.s32 @p2 $0x1082  }
0x22: {  	[simem:s7], [sflag:s8] =	dma.local @!p0 [hbm:s6], $0xF7A  }
0x23: {  	s9 =	sor.u32 $0xD0000000, s2;
	s6 =	simm.s32 $0x108;
	_ =	swait.ge @!p0 [sflag:s8], $0x0  }
0x24: {  	s3 =	sadd.s32 $0x88, s3;
	s6 =	simm.s32 @!p1 $0x1082;
	[sflag:s4] =	ssyncset.s32 $0xFFFFF086  }
0x25: {  	[simem:s6], [sflag:s4] =	dma.local [hbm:s3], $0xF7A  }
0x26: {  	[smem:$0x3F9A] =	sst s1;
	(tag) =	ssettag s2;
	_ =	strace s9  }
0x27: {  	s1 =	sld [smem:$0x3FAA]  }
0x28: {  	s2 =	sld [smem:$0x3FAB]  }
0x29: {  	s4 =	sld [smem:$0x3FAD]  }
0x2a: {  	p0 =	seq.s32 s5, $0x0;
	s5 =	sld [smem:$0x3FAE]  }
0x2b: {  	s6 =	sld [smem:$0x3FAF]  }
0x2c: {  	s7 =	sld [smem:$0x3FB0]  }
0x2d: {  	s3 =	simm.s32 $0x108;
	s8 =	sld [smem:$0x3FB1]  }
0x2e: {  	s3 =	simm.s32 @!p0 $0x1082;
	s9 =	sld [smem:$0x3FB2]  }
0x2f: {  	lr =	sadd.s32 s0, s3;
	s0 =	sld [smem:$0x3FA9]  }
0x30: {  	s3 =	sld [smem:$0x3FAC]  }
0x31: {  	[smem:$0x3FB5] =	sst s10  }
0x32: {  	s10 =	sld [smem:$0x3FB3];
	_ =	sdelay $0x3  }
0x33: {  	p0 =	seq.s32 s10, $0x1;
	s10 =	sld [smem:$0x3FB5];
	_ =	sdelay $0x3  }
0x34: {  	[smem:$0x3FB5] =	sst s10  }
0x35: {  	s10 =	sld [smem:$0x3FB4];
	_ =	sdelay $0x3  }
0x36: {  	p1 =	seq.s32 s10, $0x1;
	s10 =	sld [smem:$0x3FB5];
	_ =	sdelay $0x3  }
0x37: {  	[smem:$0x3FB5] =	sst s10  }
0x38: {  	s10 =	sld [smem:$0x3FB6]  }
0x39: {  	_ = 	snop;
	(pc) =	sbr.ind lr, $3  }
0x3a: {  	_ = 	snop  }
0x3b: {  	_ = 	snop  }
0x3c: {  	p2 =	seq.s32 s10, $0x1;
	s10 =	sld [smem:$0x3FB5]  }
0x3d: {  	_ =	shalt  }
0x3e: {  	_ =	shalt  }
0x3f: {  	_ =	shalt  }
0x40: {  	_ =	shalt  }
0x41: {  	_ =	shalt  }
0x42: {  	_ =	shalt  }
0x43: {  	_ =	shalt  }
0x44: {  	_ =	shalt  }
0x45: {  	_ =	shalt  }
0x46: {  	_ =	shalt  }
0x47: {  	_ =	shalt  }
0x48: {  	_ =	shalt  }
0x49: {  	_ =	shalt  }
0x4a: {  	_ =	shalt  }
0x4b: {  	_ =	shalt  }
0x4c: {  	_ =	shalt  }
0x4d: {  	_ =	shalt  }
0x4e: {  	_ =	shalt  }
0x4f: {  	_ =	shalt  }
0x50: {  	_ =	shalt  }
0x51: {  	_ =	shalt  }
0x52: {  	_ =	shalt  }
0x53: {  	_ =	shalt  }
0x54: {  	_ =	shalt  }
0x55: {  	_ =	shalt  }
0x56: {  	_ =	shalt  }
0x57: {  	_ =	shalt  }
0x58: {  	_ =	shalt  }
0x59: {  	_ =	shalt  }
0x5a: {  	_ =	shalt  }
0x5b: {  	_ =	shalt  }
0x5c: {  	_ =	shalt  }
0x5d: {  	_ =	shalt  }
0x5e: {  	_ =	shalt  }
0x5f: {  	_ =	shalt  }
0x60: {  	_ =	shalt  }
0x61: {  	_ =	shalt  }
0x62: {  	_ =	shalt  }
0x63: {  	_ =	shalt  }
0x64: {  	_ =	shalt  }
0x65: {  	_ =	shalt  }
0x66: {  	_ =	shalt  }
0x67: {  	_ =	shalt  }
0x68: {  	_ =	shalt  }
0x69: {  	_ =	shalt  }
0x6a: {  	_ =	shalt  }
0x6b: {  	_ =	shalt  }
0x6c: {  	_ =	shalt  }
0x6d: {  	_ =	shalt  }
0x6e: {  	_ =	shalt  }
0x6f: {  	_ =	shalt  }
0x70: {  	_ =	shalt  }
0x71: {  	_ =	shalt  }
0x72: {  	_ =	shalt  }
0x73: {  	_ =	shalt  }
0x74: {  	_ =	shalt  }
0x75: {  	_ =	shalt  }
0x76: {  	_ =	shalt  }
0x77: {  	_ =	shalt  }
0x78: {  	_ =	shalt  }
0x79: {  	_ =	shalt  }
0x7a: {  	_ =	shalt  }
0x7b: {  	_ =	shalt  }
0x7c: {  	_ =	shalt  }
0x7d: {  	_ =	shalt  }
0x7e: {  	_ =	shalt  }
0x7f: {  	_ =	shalt  }
0x80: {  	_ =	shalt  }
0x81: {  	_ =	shalt  }
0x82: {  	_ =	shalt  }
0x83: {  	_ =	shalt  }
0x84: {  	_ =	shalt  }
0x85: {  	_ =	shalt  }
0x86: {  	_ =	shalt  }
0x87: {  	_ =	shalt  }
.Lfunc_end0:
.L_simem_size_0:
called_computation.2_lowered:
.L_overlay_start_0:
0x88: {  	s2 =	sld [smem:$0x3FD9]  }
0x89: {  	s3 =	sld [smem:$0x3FFE];
	_ =	sdelay $0x1  }
0x8a: {  	s1 =	srdreg.scid  }
0x8b: {  	s0 =	sand.u32 $0x1, s1  }
0x8c: {  	s17 =	sshll.u32 s0, $0xA;
	s2 =	sadd.s32 s3, s2  }
0x8d: {  	s2 =	sadd.s32 s2, s17  }
0x8e: {  	[smem:$0x3FC1] =	sst s2  }
0x8f: {  	_ = 	snop  }
0x90: {  	s2 =	sld [smem:$0x3FC9]  }
0x91: {  	s18 =	sld [smem:$0x3FC8]  }
0x92: {  	s4 =	sld [smem:$0x3FC7]  }
0x93: {  	s5 =	sld [smem:$0x3FD0];
	(tm) =	ssettm $0x1  }
0x94: {  	s6 =	sld [smem:$0x3FFB];
	_ =	sdelay $0x3  }
0x95: {  	_ =	strace s6  }
0x96: {  	s6 =	sld [smem:$0x3FFC];
	_ =	sdelay $0x3  }
0x97: {  	_ =	strace s6  }
0x98: {  	s6 =	sld [smem:$0x3FFD];
	_ =	sdelay $0x3  }
0x99: {  	_ =	strace s6  }
0x9a: {  	_ =	strace $0x8FFFFFFF  }
0x9b: {  	s19 =	sld [smem:$0x3FDB];
	_ =	sdelay $0x1  }
0x9c: {  	s7 =	simm.s32 $_scs_section_size  }
0x9d: {  	s8 =	simm.s32 $_size__tile_overlayer_lowered;
	s9 =	simm.s32 $_tile_overlayer_lowered  }
0x9e: {  	s22 =	simm.s32 $0x1BFF;
	s21 =	sshll.u32 s9, $0x1;
	s6 =	sadd.s32 s7, s19  }
0x9f: {  	s10 =	simm.s32 $0x0;
	s20 =	sshll.u32 s8, $0x1;
	s8 =	sadd.s32 s21, s6  }
0xa0: {  	[timem:s10], [sflag:s22] =	dma.local [hbm:s8], s20  }
0xa1: {  	_ =	swait.ge [sflag:s22], s20  }
0xa2: {  	s7 =	ssub.s32 $0x0, s20;
	[sflag:s22] =	ssyncset.done $0x0  }
0xa3: {  	[sflag:s22] =	ssyncadd.s32 s7;
	_ =	sdelay $0x1  }
0xa4: {  	s23 =	simm.s32 $0x1B8B  }
0xa5: {  	_ =	swait.ge [sflag:s23], $0x1  }
0xa6: {  	[sflag:s23] =	ssyncset.done $0x0  }
0xa7: {  	s25 =	simm.s32 $0x1B8E;
	s24 =	sld [smem:$0x3FFE];
	[sflag:s23] =	ssyncadd.s32 $0xFFFFFFFF  }
0xa8: {  	s26 =	simm.s32 $execute0_lowered;
	[smem:$0x3FD2] =	sst s25  }
0xa9: {  	s8 =	sshll.u32 s26, $0x1;
	_ =	strace $0x8000004C;
	[dreg:$0x1] =	wrdreg $0xFFFFFFFF  }
0xaa: {  	s28 =	simm.s32 $_size_execute0_lowered;
	s6 =	sadd.s32 s6, s8;
	[dreg:$0x0] =	wrdreg $0x0  }
0xab: {  	s8 =	sshll.u32 s28, $0x1;
	[dreg:$0x2] =	wrdreg s6  }
0xac: {  	[dreg:$0x3] =	wrdreg s8  }
0xad: {  	[dreg:$0x4] =	wrdreg $0xC0  }
0xae: {  	_ =	task [dreg:s10], $0x5FFFF  }
0xaf: {  	[dreg:$0x1] =	wrdreg $0xFFFFFFFF  }
0xb0: {  	[dreg:$0x0] =	wrdreg $0x60  }
0xb1: {  	[dreg:$0x2] =	wrdreg s2  }
0xb2: {  	[dreg:$0x3] =	wrdreg s18  }
0xb3: {  	[dreg:$0x4] =	wrdreg s4  }
0xb4: {  	[dreg:$0x5] =	wrdreg s24  }
0xb5: {  	[dreg:$0x6] =	wrdreg s5  }
0xb6: {  	[dreg:$0x7] =	wrdreg $0x9  }
0xb7: {  	_ =	task.clear_ibuf [dreg:s10], $0x8FFFF;
	_ =	strace $0x9000004C  }
0xb8: {  	s29 =	simm.s32 $0x9;
	_ =	strace $0x8000004E  }
0xb9: {  	_ =	swait.ge [sflag:s29], $0x1  }
0xba: {  	[sflag:s29] =	ssyncadd.s32 $0xFFFFFFFF  }
0xbb: {  	_ =	strace $0x9000004E  }
0xbc: {  	_ =	sfence  }
0xbd: {  	s30 =	sld [smem:$0x0];
	_ =	sdelay $0x2  }
0xbe: {  	s31 =	sshll.u32 s1, $0xD;
	s1 =	sshrl.u32 s1, $0x2  }
0xbf: {  	s3 =	sand.u32 $0x4000, s31;
	s1 =	sadd.s32 s1, s30  }
0xc0: {  	s0 =	sor.u32 s3, s0;
	s1 =	sshll.u32 s1, $0x11  }
0xc1: {  	s0 =	sor.u32 s1, s0  }
0xc2: {  	s0 =	sadd.s32 $0x8F2B, s0  }
0xc3: {  	[sflag:s0] =	ssyncadd.remote.s32 $0x1  }
0xc4: {  	_ =	sfence.sel $0xFFFF  }
0xc5: {  	[dreg:$0x0] =	wrdreg $0xFFFFFFFF;
	(pc) =	sbr.abs _section_cstart, $3  }
0xc6: {  	[dreg:$0x1] =	wrdreg $0xFFFFFFFF  }
0xc7: {  	_ =	task.clear_ibuf [dreg:s10], $0x2FFFF;
	_ =	strace $0x9FFFFFFF  }
0xc8: {  	(tm) =	ssettm $0x7FFFFFFF  }
0xc9: {  	_ =	shalt  }
tec
execute0_lowered:
.L_overlay_start_1:
0x0: {  	(tag) =	ssettag $0x1  }
0x1: {  	s0 =	rddreg [dreg:$0x0]  }
0x2: {  	s2 =	rddreg [dreg:$0x1]  }
0x3: {  	s7 =	rddreg [dreg:$0x2]  }
0x4: {  	s6 =	rddreg [dreg:$0x3]  }
0x5: {  	s8 =	rddreg [dreg:$0x4];
	s1 =	simm.s32 $0x0;
	s5 =	srdreg.scid  }
0x6: {  	s10 =	stileid.u32;
	s28 =	simm.s32 $0x100;
	s29 =	simm.s32 $0x300  }
0x7: {  	s30 =	simm.s32 $0x500;
	s31 =	simm.s32 $0x180;
	[smem:$0x7FF] =	sst s1  }
0x8: {  	s3 =	sadd.s32 $0x1E9600, s6;
	s4 =	sadd.s32 $0x5BA200, s6;
	s5 =	sand.u32 $0x1, s5  }
0x9: {  	s10 =	sshll.u32 s10, $0x7;
	_ =	strace $0x8000004D;
	s11 =	sshll.u32 s5, $0x6  }
0xa: {  	s9 =	ssub.s32 $0x2, s5;
	s5 =	sadd.s32 $0x7A3000, s6;
	s10 =	sor.u32 s11, s10  }
0xb: {  	s6 =	sadd.s32 $0x7A2800, s6;
	s12 =	sshrl.u32 s9, $0x1;
	s11 =	sadd.s32 s0, s10  }
0xc: {  	s9 =	ssub.s32 s9, s12;
	s19 =	sadd.s32 s7, s10;
	[dreg:$0x6] =	wrdreg s11  }
0xd: {  	s20 =	sadd.s32 s2, s10;
	s21 =	sor.u32 $0x10, s10;
	[dreg:$0x7] =	wrdreg s19  }
0xe: {  	s24 =	sor.u32 $0x20, s10;
	s26 =	sor.u32 $0x30, s10;
	[dreg:$0x8] =	wrdreg s20  }
0xf: {  	s22 =	sadd.s32 s0, s21;
	s23 =	sadd.s32 s7, s21;
	s11 =	sadd.s32 s2, s21  }
0x10: {  	v0 =	vlaneseq.u32;
	s25 =	sadd.s32 s0, s24;
	s14 =	sadd.s32 s7, s24;
	s15 =	sadd.s32 s2, s24  }
0x11: {  	v0 =	vmul.u32 $0x10, v0;
	s16 =	sadd.s32 s0, s26;
	s17 =	sadd.s32 s7, s26;
	s18 =	sadd.s32 s2, s26  }
0x12: {  	s19 =	sadd.s32 s8, s10;
	s20 =	smax.u32 s9, $0x1;
	s21 =	simm.s32 $0x2  }
0x13: {  	v1 =	vor.u32 $0x1, v0;
	v2 =	vor.u32 $0x2, v0;
	v3 =	vor.u32 $0x3, v0;
	s24 =	simm.s32 $0x80;
	s26 =	simm.s32 $0x480;
	[dreg:$0x9] =	wrdreg s22  }
0x14: {  	v4 =	vor.u32 $0x4, v0;
	v5 =	vor.u32 $0x5, v0;
	v6 =	vor.u32 $0x6, v0;
	s0 =	simm.s32 $0x380;
	s2 =	simm.s32 $0x580;
	[dreg:$0xa] =	wrdreg s23  }
0x15: {  	v7 =	vor.u32 $0x7, v0;
	v8 =	vor.u32 $0x8, v0;
	v9 =	vor.u32 $0x9, v0;
	s7 =	simm.s32 $0x1;
	s8 =	simm.s32 $0xC600;
	[dreg:$0xb] =	wrdreg s11  }
0x16: {  	v10 =	vor.u32 $0xA, v0;
	v11 =	vor.u32 $0xB, v0;
	v12 =	vor.u32 $0xC, v0;
	s9 =	simm.s32 $0xC700;
	s10 =	simm.s32 $0x0;
	[dreg:$0xc] =	wrdreg s25  }
0x17: {  	v13 =	vor.u32 $0xD, v0;
	v14 =	vor.u32 $0xE, v0;
	v15 =	vor.u32 $0xF, v0;
	s22 =	simm.s32 $0x200;
	s23 =	simm.s32 $0x400;
	s25 =	simm.s32 $0x280  }
.LBB2_1:
0x18: {  	s11 =	rddreg [dreg:$0x6]  }
0x19: {  	[tilespmem:s1], [sflag:$0x2] =	stream.linear.gather [hbm4b:s11+s1], $0x80, $0x38;
	[tilespmem:$0xCA00] =	vst v63  }
0x1a: {  	_ =	swait.ge [sflag:s21], $0x80  }
0x1b: {  	[sflag:s21] =	ssyncset.done $0x0  }
0x1c: {  	s12 =	rddreg [dreg:$0x7];
	[sflag:s21] =	ssyncadd.s32 $0xFFFFFF80  }
0x1d: {  	[tilespmem:s22], [sflag:$0x2] =	stream.linear.gather [hbm4b:s12+s1], $0x80, $0x38;
	[tilespmem:$0xCA00] =	vst v63  }
0x1e: {  	_ =	swait.ge [sflag:s21], $0x80  }
0x1f: {  	[sflag:s21] =	ssyncset.done $0x0  }
0x20: {  	s13 =	rddreg [dreg:$0x8];
	[sflag:s21] =	ssyncadd.s32 $0xFFFFFF80  }
0x21: {  	[tilespmem:s23], [sflag:$0x2] =	stream.linear.gather [hbm4b:s13+s1], $0x80, $0x38;
	[tilespmem:$0xCA00] =	vst v63  }
0x22: {  	_ =	swait.ge [sflag:s21], $0x80  }
0x23: {  	[sflag:s21] =	ssyncset.done $0x0  }
0x24: {  	s12 =	rddreg [dreg:$0x9];
	[sflag:s21] =	ssyncadd.s32 $0xFFFFFF80  }
0x25: {  	[tilespmem:s24], [sflag:$0x2] =	stream.linear.gather [hbm4b:s12+s1], $0x80, $0x38;
	[tilespmem:$0xCA00] =	vst v63  }
0x26: {  	_ =	swait.ge [sflag:s21], $0x80  }
0x27: {  	[sflag:s21] =	ssyncset.done $0x0  }
0x28: {  	s13 =	rddreg [dreg:$0xa];
	[sflag:s21] =	ssyncadd.s32 $0xFFFFFF80  }
0x29: {  	[tilespmem:s25], [sflag:$0x2] =	stream.linear.gather [hbm4b:s13+s1], $0x80, $0x38;
	[tilespmem:$0xCA00] =	vst v63  }
0x2a: {  	_ =	swait.ge [sflag:s21], $0x80  }
0x2b: {  	[sflag:s21] =	ssyncset.done $0x0  }
0x2c: {  	s12 =	rddreg [dreg:$0xb];
	[sflag:s21] =	ssyncadd.s32 $0xFFFFFF80  }
0x2d: {  	[tilespmem:s26], [sflag:$0x2] =	stream.linear.gather [hbm4b:s12+s1], $0x80, $0x38;
	[tilespmem:$0xCA00] =	vst v63  }
0x2e: {  	_ =	swait.ge [sflag:s21], $0x80  }
0x2f: {  	[sflag:s21] =	ssyncset.done $0x0  }
0x30: {  	s13 =	rddreg [dreg:$0xc];
	[sflag:s21] =	ssyncadd.s32 $0xFFFFFF80  }
0x31: {  	[tilespmem:s28], [sflag:$0x2] =	stream.linear.gather [hbm4b:s13+s1], $0x80, $0x38;
	[tilespmem:$0xCA00] =	vst v63  }
0x32: {  	_ =	swait.ge [sflag:s21], $0x80  }
0x33: {  	[sflag:s21] =	ssyncset.done $0x0  }
0x34: {  	[sflag:s21] =	ssyncadd.s32 $0xFFFFFF80  }
0x35: {  	[tilespmem:s29], [sflag:$0x2] =	stream.linear.gather [hbm4b:s14+s1], $0x80, $0x38;
	[tilespmem:$0xCA00] =	vst v63  }
0x36: {  	_ =	swait.ge [sflag:s21], $0x80  }
0x37: {  	[sflag:s21] =	ssyncset.done $0x0  }
0x38: {  	[sflag:s21] =	ssyncadd.s32 $0xFFFFFF80  }
0x39: {  	[tilespmem:s30], [sflag:$0x2] =	stream.linear.gather [hbm4b:s15+s1], $0x80, $0x38;
	[tilespmem:$0xCA00] =	vst v63  }
0x3a: {  	_ =	swait.ge [sflag:s21], $0x80  }
0x3b: {  	[sflag:s21] =	ssyncset.done $0x0  }
0x3c: {  	[sflag:s21] =	ssyncadd.s32 $0xFFFFFF80  }
0x3d: {  	[tilespmem:s31], [sflag:$0x2] =	stream.linear.gather [hbm4b:s16+s1], $0x80, $0x38;
	[tilespmem:$0xCA00] =	vst v63  }
0x3e: {  	_ =	swait.ge [sflag:s21], $0x80  }
0x3f: {  	[sflag:s21] =	ssyncset.done $0x0  }
0x40: {  	[sflag:s21] =	ssyncadd.s32 $0xFFFFFF80  }
0x41: {  	[tilespmem:s0], [sflag:$0x2] =	stream.linear.gather [hbm4b:s17+s1], $0x80, $0x38;
	[tilespmem:$0xCA00] =	vst v63  }
0x42: {  	_ =	swait.ge [sflag:s21], $0x80  }
0x43: {  	[sflag:s21] =	ssyncset.done $0x0  }
0x44: {  	[sflag:s21] =	ssyncadd.s32 $0xFFFFFF80  }
0x45: {  	[tilespmem:s2], [sflag:$0x2] =	stream.linear.gather [hbm4b:s18+s1], $0x80, $0x38;
	[tilespmem:$0xCA00] =	vst v63  }
0x46: {  	_ =	swait.ge [sflag:s21], $0x80  }
0x47: {  	[sflag:s21] =	ssyncset.done $0x0  }
0x48: {  	s12 =	simm.s32 $0x600;
	[sflag:s21] =	ssyncadd.s32 $0xFFFFFF80  }
0x49: {  	[tilespmem:s12], [sflag:$0x1] =	stream.indirect.gather [hbm4b:s3+s24], $0x10, s1, s24, $0xb8;
	[tilespmem:$0xCA00] =	vst v63  }
0x4a: {  	s13 =	simm.s32 $0x2600  }
0x4b: {  	[tilespmem:s13], [sflag:$0x1] =	stream.indirect.gather [hbm4b:s4+s24], $0x10, s1, s24, $0xb8;
	[tilespmem:$0xCA00] =	vst v63  }
0x4c: {  	s12 =	simm.s32 $0x4600  }
0x4d: {  	[tilespmem:s12], [sflag:$0x1] =	stream.indirect.gather [hbm4b:s3+s24], $0x10, s22, s24, $0xb8;
	[tilespmem:$0xCA00] =	vst v63  }
0x4e: {  	s13 =	simm.s32 $0x6600  }
0x4f: {  	[tilespmem:s13], [sflag:$0x1] =	stream.indirect.gather [hbm4b:s4+s24], $0x10, s22, s24, $0xb8;
	[tilespmem:$0xCA00] =	vst v63  }
0x50: {  	s12 =	simm.s32 $0x8600  }
0x51: {  	[tilespmem:s12], [sflag:$0x1] =	stream.indirect.gather [hbm4b:s5+s24], $0x10, s23, s24, $0xb8;
	[tilespmem:$0xCA00] =	vst v63  }
0x52: {  	s13 =	simm.s32 $0xA600  }
0x53: {  	[tilespmem:s13], [sflag:$0x1] =	stream.indirect.gather [hbm4b:s6+s24], $0x10, s23, s24, $0xb8;
	[tilespmem:$0xCA00] =	vst v63  }
0x54: {  	s12 =	simm.s32 $0xE00  }
0x55: {  	[tilespmem:s12], [sflag:$0x1] =	stream.indirect.gather [hbm4b:s3+s24], $0x10, s24, s24, $0xb8;
	[tilespmem:$0xCA00] =	vst v63  }
0x56: {  	s13 =	simm.s32 $0x2E00  }
0x57: {  	[tilespmem:s13], [sflag:$0x1] =	stream.indirect.gather [hbm4b:s4+s24], $0x10, s24, s24, $0xb8;
	[tilespmem:$0xCA00] =	vst v63  }
0x58: {  	s12 =	simm.s32 $0x4E00  }
0x59: {  	[tilespmem:s12], [sflag:$0x1] =	stream.indirect.gather [hbm4b:s3+s24], $0x10, s25, s24, $0xb8;
	[tilespmem:$0xCA00] =	vst v63  }
0x5a: {  	s13 =	simm.s32 $0x6E00  }
0x5b: {  	[tilespmem:s13], [sflag:$0x1] =	stream.indirect.gather [hbm4b:s4+s24], $0x10, s25, s24, $0xb8;
	[tilespmem:$0xCA00] =	vst v63  }
0x5c: {  	s12 =	simm.s32 $0x8E00  }
0x5d: {  	[tilespmem:s12], [sflag:$0x1] =	stream.indirect.gather [hbm4b:s5+s24], $0x10, s26, s24, $0xb8;
	[tilespmem:$0xCA00] =	vst v63  }
0x5e: {  	s13 =	simm.s32 $0xAE00  }
0x5f: {  	[tilespmem:s13], [sflag:$0x1] =	stream.indirect.gather [hbm4b:s6+s24], $0x10, s26, s24, $0xb8;
	[tilespmem:$0xCA00] =	vst v63  }
0x60: {  	s12 =	simm.s32 $0x1600  }
0x61: {  	[tilespmem:s12], [sflag:$0x1] =	stream.indirect.gather [hbm4b:s3+s24], $0x10, s28, s24, $0xb8;
	[tilespmem:$0xCA00] =	vst v63  }
0x62: {  	s13 =	simm.s32 $0x3600  }
0x63: {  	[tilespmem:s13], [sflag:$0x1] =	stream.indirect.gather [hbm4b:s4+s24], $0x10, s28, s24, $0xb8;
	[tilespmem:$0xCA00] =	vst v63  }
0x64: {  	s12 =	simm.s32 $0x5600  }
0x65: {  	[tilespmem:s12], [sflag:$0x1] =	stream.indirect.gather [hbm4b:s3+s24], $0x10, s29, s24, $0xb8;
	[tilespmem:$0xCA00] =	vst v63  }
0x66: {  	s13 =	simm.s32 $0x7600  }
0x67: {  	[tilespmem:s13], [sflag:$0x1] =	stream.indirect.gather [hbm4b:s4+s24], $0x10, s29, s24, $0xb8;
	[tilespmem:$0xCA00] =	vst v63  }
0x68: {  	s12 =	simm.s32 $0x9600  }
0x69: {  	[tilespmem:s12], [sflag:$0x1] =	stream.indirect.gather [hbm4b:s5+s24], $0x10, s30, s24, $0xb8;
	[tilespmem:$0xCA00] =	vst v63  }
0x6a: {  	s13 =	simm.s32 $0xB600  }
0x6b: {  	[tilespmem:s13], [sflag:$0x1] =	stream.indirect.gather [hbm4b:s6+s24], $0x10, s30, s24, $0xb8;
	[tilespmem:$0xCA00] =	vst v63  }
0x6c: {  	s12 =	simm.s32 $0x1E00  }
0x6d: {  	[tilespmem:s12], [sflag:$0x1] =	stream.indirect.gather [hbm4b:s3+s24], $0x10, s31, s24, $0xb8;
	[tilespmem:$0xCA00] =	vst v63  }
0x6e: {  	s13 =	simm.s32 $0x3E00  }
0x6f: {  	[tilespmem:s13], [sflag:$0x1] =	stream.indirect.gather [hbm4b:s4+s24], $0x10, s31, s24, $0xb8;
	[tilespmem:$0xCA00] =	vst v63  }
0x70: {  	s12 =	simm.s32 $0x5E00  }
0x71: {  	[tilespmem:s12], [sflag:$0x1] =	stream.indirect.gather [hbm4b:s3+s24], $0x10, s0, s24, $0xb8;
	[tilespmem:$0xCA00] =	vst v63  }
0x72: {  	s13 =	simm.s32 $0x7E00  }
0x73: {  	[tilespmem:s13], [sflag:$0x1] =	stream.indirect.gather [hbm4b:s4+s24], $0x10, s0, s24, $0xb8;
	[tilespmem:$0xCA00] =	vst v63  }
0x74: {  	s12 =	simm.s32 $0x9E00  }
0x75: {  	[tilespmem:s12], [sflag:$0x1] =	stream.indirect.gather [hbm4b:s5+s24], $0x10, s2, s24, $0xb8;
	[tilespmem:$0xCA00] =	vst v63  }
0x76: {  	s13 =	simm.s32 $0xBE00  }
0x77: {  	[tilespmem:s13], [sflag:$0x1] =	stream.indirect.gather [hbm4b:s6+s24], $0x10, s2, s24, $0xb8;
	[tilespmem:$0xCA00] =	vst v63  }
0x78: {  	_ =	swait.ge [sflag:s7], $0x800  }
0x79: {  	[sflag:s7] =	ssyncset.done $0x0  }
0x7a: {  	[sflag:s7] =	ssyncadd.s32 $0xFFFFF800  }
0x7b: {  	_ =	swait.ge [sflag:s7], $0x800  }
0x7c: {  	[sflag:s7] =	ssyncset.done $0x0  }
0x7d: {  	[sflag:s7] =	ssyncadd.s32 $0xFFFFF800  }
0x7e: {  	_ =	swait.ge [sflag:s7], $0x800  }
0x7f: {  	[sflag:s7] =	ssyncset.done $0x0  }
0x80: {  	[sflag:s7] =	ssyncadd.s32 $0xFFFFF800  }
0x81: {  	_ =	swait.ge [sflag:s7], $0x800  }
0x82: {  	[sflag:s7] =	ssyncset.done $0x0  }
0x83: {  	[sflag:s7] =	ssyncadd.s32 $0xFFFFF800  }
0x84: {  	_ =	swait.ge [sflag:s7], $0x800  }
0x85: {  	[sflag:s7] =	ssyncset.done $0x0  }
0x86: {  	[sflag:s7] =	ssyncadd.s32 $0xFFFFF800  }
0x87: {  	_ =	swait.ge [sflag:s7], $0x800  }
0x88: {  	[sflag:s7] =	ssyncset.done $0x0  }
0x89: {  	[sflag:s7] =	ssyncadd.s32 $0xFFFFF800  }
0x8a: {  	_ =	swait.ge [sflag:s7], $0x800  }
0x8b: {  	[sflag:s7] =	ssyncset.done $0x0  }
0x8c: {  	[sflag:s7] =	ssyncadd.s32 $0xFFFFF800  }
0x8d: {  	_ =	swait.ge [sflag:s7], $0x800  }
0x8e: {  	[sflag:s7] =	ssyncset.done $0x0  }
0x8f: {  	[sflag:s7] =	ssyncadd.s32 $0xFFFFF800  }
0x90: {  	_ =	swait.ge [sflag:s7], $0x800  }
0x91: {  	[sflag:s7] =	ssyncset.done $0x0  }
0x92: {  	[sflag:s7] =	ssyncadd.s32 $0xFFFFF800  }
0x93: {  	_ =	swait.ge [sflag:s7], $0x800  }
0x94: {  	[sflag:s7] =	ssyncset.done $0x0  }
0x95: {  	[sflag:s7] =	ssyncadd.s32 $0xFFFFF800  }
0x96: {  	_ =	swait.ge [sflag:s7], $0x800  }
0x97: {  	[sflag:s7] =	ssyncset.done $0x0  }
0x98: {  	[sflag:s7] =	ssyncadd.s32 $0xFFFFF800  }
0x99: {  	_ =	swait.ge [sflag:s7], $0x800  }
0x9a: {  	[sflag:s7] =	ssyncset.done $0x0  }
0x9b: {  	[sflag:s7] =	ssyncadd.s32 $0xFFFFF800  }
0x9c: {  	_ =	swait.ge [sflag:s7], $0x800  }
0x9d: {  	[sflag:s7] =	ssyncset.done $0x0  }
0x9e: {  	[sflag:s7] =	ssyncadd.s32 $0xFFFFF800  }
0x9f: {  	_ =	swait.ge [sflag:s7], $0x800  }
0xa0: {  	[sflag:s7] =	ssyncset.done $0x0  }
0xa1: {  	[sflag:s7] =	ssyncadd.s32 $0xFFFFF800  }
0xa2: {  	_ =	swait.ge [sflag:s7], $0x800  }
0xa3: {  	[sflag:s7] =	ssyncset.done $0x0  }
0xa4: {  	[sflag:s7] =	ssyncadd.s32 $0xFFFFF800  }
0xa5: {  	_ =	swait.ge [sflag:s7], $0x800  }
0xa6: {  	[sflag:s7] =	ssyncset.done $0x0  }
0xa7: {  	[sflag:s7] =	ssyncadd.s32 $0xFFFFF800  }
0xa8: {  	_ =	swait.ge [sflag:s7], $0x800  }
0xa9: {  	[sflag:s7] =	ssyncset.done $0x0  }
0xaa: {  	[sflag:s7] =	ssyncadd.s32 $0xFFFFF800  }
0xab: {  	_ =	swait.ge [sflag:s7], $0x800  }
0xac: {  	[sflag:s7] =	ssyncset.done $0x0  }
0xad: {  	[sflag:s7] =	ssyncadd.s32 $0xFFFFF800  }
0xae: {  	_ =	swait.ge [sflag:s7], $0x800  }
0xaf: {  	[sflag:s7] =	ssyncset.done $0x0  }
0xb0: {  	[sflag:s7] =	ssyncadd.s32 $0xFFFFF800  }
0xb1: {  	_ =	swait.ge [sflag:s7], $0x800  }
0xb2: {  	[sflag:s7] =	ssyncset.done $0x0  }
0xb3: {  	[sflag:s7] =	ssyncadd.s32 $0xFFFFF800  }
0xb4: {  	_ =	swait.ge [sflag:s7], $0x800  }
0xb5: {  	[sflag:s7] =	ssyncset.done $0x0  }
0xb6: {  	[sflag:s7] =	ssyncadd.s32 $0xFFFFF800  }
0xb7: {  	_ =	swait.ge [sflag:s7], $0x800  }
0xb8: {  	[sflag:s7] =	ssyncset.done $0x0  }
0xb9: {  	[sflag:s7] =	ssyncadd.s32 $0xFFFFF800  }
0xba: {  	_ =	swait.ge [sflag:s7], $0x800  }
0xbb: {  	[sflag:s7] =	ssyncset.done $0x0  }
0xbc: {  	[sflag:s7] =	ssyncadd.s32 $0xFFFFF800  }
0xbd: {  	_ =	swait.ge [sflag:s7], $0x800  }
0xbe: {  	[sflag:s7] =	ssyncset.done $0x0  }
0xbf: {  	s11 =	simm.s32 $0xC800;
	s12 =	simm.s32 $0x0;
	[sflag:s7] =	ssyncadd.s32 $0xFFFFF800  }
.LBB2_2:
0xc0: {  	s13 =	sshra.s32 s12, $0x2  }
0xc1: {  	v16 =	vld [tilespmem:s13+$0x2600]  }
0xc2: {  	v17 =	vld [tilespmem:s13+$0xA600];
	_ =	sdelay $0x1  }
0xc3: {  	v18 =	vld [tilespmem:s13+$0x6600];
	_ =	sdelay $0x1  }
0xc4: {  	v19 =	vunpack.i.l.bf16.f32 v16  }
0xc5: {  	v20 =	vunpack.i.l.bf16.f32 v17;
	v16 =	vunpack.i.u.bf16.f32 v16;
	v17 =	vunpack.i.u.bf16.f32 v17  }
0xc6: {  	v19 =	vadd.f32 v20, v19;
	v16 =	vadd.f32 v17, v16  }
0xc7: {  	v38 =	vunpack.i.l.bf16.f32 v18;
	v17 =	vunpack.i.u.bf16.f32 v18  }
0xc8: {  	v39 =	vsub.f32 v19, v38;
	v16 =	vsub.f32 v16, v17;
	_ =	sdelay $0x1  }
0xc9: {  	v17 =	vmul.f32 $1.591549370e-01, v39;
	v40 =	vmul.f32 $1.591549370e-01, v16;
	_ =	sdelay $0x1  }
0xca: {  	v17 =	vadd.f32 $1.258291200e+07, v17;
	v19 =	vadd.f32 $1.258291200e+07, v40;
	_ =	sdelay $0x1  }
0xcb: {  	v17 =	vadd.f32 $-1.258291200e+07, v17;
	v19 =	vadd.f32 $-1.258291200e+07, v19  }
0xcc: {  	v18 =	vmul.f32 $5.000000000e-01, v39;
	v16 =	vmul.f32 $5.000000000e-01, v16  }
0xcd: {  	v41 =	vmul.f32 $3.141592740e+00, v17;
	v21 =	vmul.f32 $3.141592740e+00, v19  }
0xce: {  	v17 =	vmul.f32 $8.742277650e-08, v17  }
0xcf: {  	v19 =	vmul.f32 $8.742277650e-08, v19;
	v18 =	vsub.f32 v18, v41;
	v16 =	vsub.f32 v16, v21;
	_ =	sdelay $0x1  }
0xd0: {  	v17 =	vadd.f32 v17, v18;
	v16 =	vadd.f32 v19, v16;
	_ =	sdelay $0x1  }
0xd1: {  	v18 =	vmul.f32 v17, v17;
	v19 =	vmul.f32 v16, v16;
	_ =	sdelay $0x1  }
0xd2: {  	v42 =	vmul.f32 $2.505210790e-08, v18;
	v43 =	vmul.f32 $2.505210790e-08, v19;
	_ =	sdelay $0x1  }
0xd3: {  	v20 =	vsub.f32 $2.755731880e-06, v42;
	v21 =	vsub.f32 $2.755731880e-06, v43;
	_ =	sdelay $0x1  }
0xd4: {  	v20 =	vmul.f32 v20, v18;
	v21 =	vmul.f32 v21, v19;
	_ =	sdelay $0x1  }
0xd5: {  	v20 =	vadd.f32 $-1.984127010e-04, v20;
	v21 =	vadd.f32 $-1.984127010e-04, v21  }
0xd6: {  	v22 =	vld [tilespmem:s13+$0x600]  }
0xd7: {  	v23 =	vld [tilespmem:s13+$0x8600];
	v20 =	vmul.f32 v20, v18;
	v21 =	vmul.f32 v21, v19;
	_ =	sdelay $0x1  }
0xd8: {  	v24 =	vld [tilespmem:s13+$0x4600];
	v20 =	vadd.f32 $8.333333770e-03, v20;
	v21 =	vadd.f32 $8.333333770e-03, v21;
	_ =	sdelay $0x1  }
0xd9: {  	v20 =	vmul.f32 v20, v18;
	v21 =	vmul.f32 v21, v19  }
0xda: {  	v25 =	vunpack.i.u.bf16.f32 v22;
	v22 =	vunpack.i.l.bf16.f32 v22;
	v26 =	vunpack.i.u.bf16.f32 v23  }
0xdb: {  	v23 =	vunpack.i.l.bf16.f32 v23;
	v20 =	vadd.f32 $-1.666666720e-01, v20;
	v21 =	vadd.f32 $-1.666666720e-01, v21  }
0xdc: {  	v27 =	vunpack.i.u.bf16.f32 v24;
	v22 =	vmul.f32 v23, v22;
	v44 =	vmul.f32 v26, v25  }
0xdd: {  	v24 =	vunpack.i.l.bf16.f32 v24;
	v18 =	vmul.f32 v20, v18;
	v19 =	vmul.f32 v21, v19  }
0xde: {  	v45 =	vsub.f32 v22, v24;
	v46 =	vsub.f32 v44, v27  }
0xdf: {  	v18 =	vadd.f32 $1.000000000e+00, v18;
	v19 =	vadd.f32 $1.000000000e+00, v19  }
0xe0: {  	v20 =	vmul.f32 v45, v45;
	v21 =	vmul.f32 v46, v46  }
0xe1: {  	v17 =	vmul.f32 v18, v17;
	v16 =	vmul.f32 v19, v16;
	_ =	sdelay $0x1  }
0xe2: {  	v47 =	vadd.f32 v20, v21;
	v17 =	vand.u32 $0x7FFFFFFF, v17;
	v16 =	vand.u32 $0x7FFFFFFF, v16  }
0xe3: {  	v16 =	vadd.f32 v17, v16  }
0xe4: {  	[tilespmem:$0xC600] =	vst v47  }
0xe5: {  	[tilespmem:$0xC700] =	vst v16  }
0xe6: {  	v16 =	vld [tilespmem:s13+$0x2610]  }
0xe7: {  	v17 =	vld [tilespmem:s13+$0xA610];
	_ =	sdelay $0x1  }
0xe8: {  	v18 =	vld [tilespmem:s13+$0x6610];
	_ =	sdelay $0x1  }
0xe9: {  	v48 =	vunpack.i.l.bf16.f32 v16  }
0xea: {  	v49 =	vunpack.i.l.bf16.f32 v17;
	v16 =	vunpack.i.u.bf16.f32 v16;
	v17 =	vunpack.i.u.bf16.f32 v17  }
0xeb: {  	v19 =	vadd.f32 v49, v48;
	v16 =	vadd.f32 v17, v16  }
0xec: {  	v50 =	vunpack.i.l.bf16.f32 v18;
	v17 =	vunpack.i.u.bf16.f32 v18  }
0xed: {  	v51 =	vsub.f32 v19, v50;
	v16 =	vsub.f32 v16, v17;
	_ =	sdelay $0x1  }
0xee: {  	v17 =	vmul.f32 $1.591549370e-01, v51;
	v52 =	vmul.f32 $1.591549370e-01, v16;
	_ =	sdelay $0x1  }
0xef: {  	v17 =	vadd.f32 $1.258291200e+07, v17;
	v19 =	vadd.f32 $1.258291200e+07, v52;
	_ =	sdelay $0x1  }
0xf0: {  	v17 =	vadd.f32 $-1.258291200e+07, v17;
	v19 =	vadd.f32 $-1.258291200e+07, v19  }
0xf1: {  	v18 =	vmul.f32 $5.000000000e-01, v51;
	v16 =	vmul.f32 $5.000000000e-01, v16  }
0xf2: {  	v53 =	vmul.f32 $3.141592740e+00, v17;
	v54 =	vmul.f32 $3.141592740e+00, v19  }
0xf3: {  	v17 =	vmul.f32 $8.742277650e-08, v17  }
0xf4: {  	v19 =	vmul.f32 $8.742277650e-08, v19;
	v18 =	vsub.f32 v18, v53;
	v16 =	vsub.f32 v16, v54;
	_ =	sdelay $0x1  }
0xf5: {  	v17 =	vadd.f32 v17, v18;
	v16 =	vadd.f32 v19, v16;
	_ =	sdelay $0x1  }
0xf6: {  	v18 =	vmul.f32 v17, v17;
	v19 =	vmul.f32 v16, v16;
	_ =	sdelay $0x1  }
0xf7: {  	v55 =	vmul.f32 $2.505210790e-08, v18;
	v56 =	vmul.f32 $2.505210790e-08, v19;
	_ =	sdelay $0x1  }
0xf8: {  	v20 =	vsub.f32 $2.755731880e-06, v55;
	v21 =	vsub.f32 $2.755731880e-06, v56;
	_ =	sdelay $0x1  }
0xf9: {  	v20 =	vmul.f32 v20, v18;
	v21 =	vmul.f32 v21, v19;
	_ =	sdelay $0x1  }
0xfa: {  	v20 =	vadd.f32 $-1.984127010e-04, v20;
	v21 =	vadd.f32 $-1.984127010e-04, v21  }
0xfb: {  	v57 =	vld [tilespmem:s13+$0x610]  }
0xfc: {  	v58 =	vld [tilespmem:s13+$0x8610];
	v20 =	vmul.f32 v20, v18;
	v21 =	vmul.f32 v21, v19;
	_ =	sdelay $0x1  }
0xfd: {  	v59 =	vld [tilespmem:s13+$0x4610];
	v20 =	vadd.f32 $8.333333770e-03, v20;
	v21 =	vadd.f32 $8.333333770e-03, v21;
	_ =	sdelay $0x1  }
0xfe: {  	v20 =	vmul.f32 v20, v18;
	v21 =	vmul.f32 v21, v19  }
0xff: {  	v60 =	vunpack.i.u.bf16.f32 v57;
	v22 =	vunpack.i.l.bf16.f32 v57;
	v61 =	vunpack.i.u.bf16.f32 v58  }
0x100: {  	v23 =	vunpack.i.l.bf16.f32 v58;
	v20 =	vadd.f32 $-1.666666720e-01, v20;
	v21 =	vadd.f32 $-1.666666720e-01, v21  }
0x101: {  	v62 =	vunpack.i.u.bf16.f32 v59;
	v22 =	vmul.f32 v23, v22;
	v63 =	vmul.f32 v61, v60  }
0x102: {  	v24 =	vunpack.i.l.bf16.f32 v59;
	v18 =	vmul.f32 v20, v18;
	v19 =	vmul.f32 v21, v19  }
0x103: {  	v26 =	vsub.f32 v22, v24;
	v27 =	vsub.f32 v63, v62  }
0x104: {  	v18 =	vadd.f32 $1.000000000e+00, v18;
	v19 =	vadd.f32 $1.000000000e+00, v19  }
0x105: {  	v20 =	vmul.f32 v26, v26;
	v21 =	vmul.f32 v27, v27  }
0x106: {  	v17 =	vmul.f32 v18, v17;
	v16 =	vmul.f32 v19, v16;
	_ =	sdelay $0x1  }
0x107: {  	v28 =	vadd.f32 v20, v21;
	v17 =	vand.u32 $0x7FFFFFFF, v17;
	v16 =	vand.u32 $0x7FFFFFFF, v16  }
0x108: {  	v16 =	vadd.f32 v17, v16  }
0x109: {  	[tilespmem:$0xC610] =	vst v28  }
0x10a: {  	[tilespmem:$0xC710] =	vst v16  }
0x10b: {  	v16 =	vld [tilespmem:s13+$0x2620]  }
0x10c: {  	v17 =	vld [tilespmem:s13+$0xA620];
	_ =	sdelay $0x1  }
0x10d: {  	v18 =	vld [tilespmem:s13+$0x6620];
	_ =	sdelay $0x1  }
0x10e: {  	v29 =	vunpack.i.l.bf16.f32 v16  }
0x10f: {  	v30 =	vunpack.i.l.bf16.f32 v17;
	v16 =	vunpack.i.u.bf16.f32 v16;
	v17 =	vunpack.i.u.bf16.f32 v17  }
0x110: {  	v19 =	vadd.f32 v30, v29;
	v16 =	vadd.f32 v17, v16  }
0x111: {  	v31 =	vunpack.i.l.bf16.f32 v18;
	v17 =	vunpack.i.u.bf16.f32 v18  }
0x112: {  	v32 =	vsub.f32 v19, v31;
	v16 =	vsub.f32 v16, v17;
	_ =	sdelay $0x1  }
0x113: {  	v17 =	vmul.f32 $1.591549370e-01, v32;
	v33 =	vmul.f32 $1.591549370e-01, v16;
	_ =	sdelay $0x1  }
0x114: {  	v17 =	vadd.f32 $1.258291200e+07, v17;
	v19 =	vadd.f32 $1.258291200e+07, v33;
	_ =	sdelay $0x1  }
0x115: {  	v17 =	vadd.f32 $-1.258291200e+07, v17;
	v19 =	vadd.f32 $-1.258291200e+07, v19  }
0x116: {  	v18 =	vmul.f32 $5.000000000e-01, v32;
	v16 =	vmul.f32 $5.000000000e-01, v16  }
0x117: {  	v34 =	vmul.f32 $3.141592740e+00, v17;
	v35 =	vmul.f32 $3.141592740e+00, v19  }
0x118: {  	v17 =	vmul.f32 $8.742277650e-08, v17  }
0x119: {  	v19 =	vmul.f32 $8.742277650e-08, v19;
	v18 =	vsub.f32 v18, v34;
	v16 =	vsub.f32 v16, v35;
	_ =	sdelay $0x1  }
0x11a: {  	v17 =	vadd.f32 v17, v18;
	v16 =	vadd.f32 v19, v16;
	_ =	sdelay $0x1  }
0x11b: {  	v18 =	vmul.f32 v17, v17;
	v19 =	vmul.f32 v16, v16;
	_ =	sdelay $0x1  }
0x11c: {  	v36 =	vmul.f32 $2.505210790e-08, v18;
	v37 =	vmul.f32 $2.505210790e-08, v19;
	_ =	sdelay $0x1  }
0x11d: {  	v20 =	vsub.f32 $2.755731880e-06, v36;
	v21 =	vsub.f32 $2.755731880e-06, v37;
	_ =	sdelay $0x1  }
0x11e: {  	v20 =	vmul.f32 v20, v18;
	v21 =	vmul.f32 v21, v19;
	_ =	sdelay $0x1  }
0x11f: {  	v20 =	vadd.f32 $-1.984127010e-04, v20;
	v21 =	vadd.f32 $-1.984127010e-04, v21  }
0x120: {  	v38 =	vld [tilespmem:s13+$0x620]  }
0x121: {  	v39 =	vld [tilespmem:s13+$0x8620];
	v20 =	vmul.f32 v20, v18;
	v21 =	vmul.f32 v21, v19;
	_ =	sdelay $0x1  }
0x122: {  	v40 =	vld [tilespmem:s13+$0x4620];
	v20 =	vadd.f32 $8.333333770e-03, v20;
	v21 =	vadd.f32 $8.333333770e-03, v21;
	_ =	sdelay $0x1  }
0x123: {  	v20 =	vmul.f32 v20, v18;
	v21 =	vmul.f32 v21, v19  }
0x124: {  	v41 =	vunpack.i.u.bf16.f32 v38;
	v22 =	vunpack.i.l.bf16.f32 v38;
	v42 =	vunpack.i.u.bf16.f32 v39  }
0x125: {  	v23 =	vunpack.i.l.bf16.f32 v39;
	v20 =	vadd.f32 $-1.666666720e-01, v20;
	v21 =	vadd.f32 $-1.666666720e-01, v21  }
0x126: {  	v43 =	vunpack.i.u.bf16.f32 v40;
	v22 =	vmul.f32 v23, v22;
	v44 =	vmul.f32 v42, v41  }
0x127: {  	v24 =	vunpack.i.l.bf16.f32 v40;
	v18 =	vmul.f32 v20, v18;
	v19 =	vmul.f32 v21, v19  }
0x128: {  	v45 =	vsub.f32 v22, v24;
	v46 =	vsub.f32 v44, v43  }
0x129: {  	v18 =	vadd.f32 $1.000000000e+00, v18;
	v19 =	vadd.f32 $1.000000000e+00, v19  }
0x12a: {  	v20 =	vmul.f32 v45, v45;
	v21 =	vmul.f32 v46, v46  }
0x12b: {  	v17 =	vmul.f32 v18, v17;
	v16 =	vmul.f32 v19, v16;
	_ =	sdelay $0x1  }
0x12c: {  	v47 =	vadd.f32 v20, v21;
	v17 =	vand.u32 $0x7FFFFFFF, v17;
	v16 =	vand.u32 $0x7FFFFFFF, v16  }
0x12d: {  	v16 =	vadd.f32 v17, v16  }
0x12e: {  	[tilespmem:$0xC620] =	vst v47  }
0x12f: {  	[tilespmem:$0xC720] =	vst v16  }
0x130: {  	v16 =	vld [tilespmem:s13+$0x2630]  }
0x131: {  	v17 =	vld [tilespmem:s13+$0xA630];
	_ =	sdelay $0x1  }
0x132: {  	v18 =	vld [tilespmem:s13+$0x6630];
	_ =	sdelay $0x1  }
0x133: {  	v48 =	vunpack.i.l.bf16.f32 v16  }
0x134: {  	v49 =	vunpack.i.l.bf16.f32 v17;
	v16 =	vunpack.i.u.bf16.f32 v16;
	v17 =	vunpack.i.u.bf16.f32 v17  }
0x135: {  	v19 =	vadd.f32 v49, v48;
	v16 =	vadd.f32 v17, v16  }
0x136: {  	v50 =	vunpack.i.l.bf16.f32 v18;
	v17 =	vunpack.i.u.bf16.f32 v18  }
0x137: {  	v51 =	vsub.f32 v19, v50;
	v16 =	vsub.f32 v16, v17;
	_ =	sdelay $0x1  }
0x138: {  	v17 =	vmul.f32 $1.591549370e-01, v51;
	v52 =	vmul.f32 $1.591549370e-01, v16;
	_ =	sdelay $0x1  }
0x139: {  	v17 =	vadd.f32 $1.258291200e+07, v17;
	v19 =	vadd.f32 $1.258291200e+07, v52;
	_ =	sdelay $0x1  }
0x13a: {  	v17 =	vadd.f32 $-1.258291200e+07, v17;
	v19 =	vadd.f32 $-1.258291200e+07, v19  }
0x13b: {  	v18 =	vmul.f32 $5.000000000e-01, v51;
	v16 =	vmul.f32 $5.000000000e-01, v16  }
0x13c: {  	v53 =	vmul.f32 $3.141592740e+00, v17;
	v54 =	vmul.f32 $3.141592740e+00, v19  }
0x13d: {  	v17 =	vmul.f32 $8.742277650e-08, v17  }
0x13e: {  	v19 =	vmul.f32 $8.742277650e-08, v19;
	v18 =	vsub.f32 v18, v53;
	v16 =	vsub.f32 v16, v54;
	_ =	sdelay $0x1  }
0x13f: {  	v17 =	vadd.f32 v17, v18;
	v16 =	vadd.f32 v19, v16;
	_ =	sdelay $0x1  }
0x140: {  	v18 =	vmul.f32 v17, v17;
	v19 =	vmul.f32 v16, v16;
	_ =	sdelay $0x1  }
0x141: {  	v55 =	vmul.f32 $2.505210790e-08, v18;
	v56 =	vmul.f32 $2.505210790e-08, v19;
	_ =	sdelay $0x1  }
0x142: {  	v20 =	vsub.f32 $2.755731880e-06, v55;
	v21 =	vsub.f32 $2.755731880e-06, v56;
	_ =	sdelay $0x1  }
0x143: {  	v20 =	vmul.f32 v20, v18;
	v21 =	vmul.f32 v21, v19;
	_ =	sdelay $0x1  }
0x144: {  	v20 =	vadd.f32 $-1.984127010e-04, v20;
	v21 =	vadd.f32 $-1.984127010e-04, v21  }
0x145: {  	v57 =	vld [tilespmem:s13+$0x630]  }
0x146: {  	v58 =	vld [tilespmem:s13+$0x8630];
	v20 =	vmul.f32 v20, v18;
	v21 =	vmul.f32 v21, v19;
	_ =	sdelay $0x1  }
0x147: {  	v59 =	vld [tilespmem:s13+$0x4630];
	v20 =	vadd.f32 $8.333333770e-03, v20;
	v21 =	vadd.f32 $8.333333770e-03, v21;
	_ =	sdelay $0x1  }
0x148: {  	v20 =	vmul.f32 v20, v18;
	v21 =	vmul.f32 v21, v19  }
0x149: {  	v60 =	vunpack.i.u.bf16.f32 v57;
	v22 =	vunpack.i.l.bf16.f32 v57;
	v61 =	vunpack.i.u.bf16.f32 v58  }
0x14a: {  	v23 =	vunpack.i.l.bf16.f32 v58;
	v20 =	vadd.f32 $-1.666666720e-01, v20;
	v21 =	vadd.f32 $-1.666666720e-01, v21  }
0x14b: {  	v62 =	vunpack.i.u.bf16.f32 v59;
	v22 =	vmul.f32 v23, v22;
	v63 =	vmul.f32 v61, v60  }
0x14c: {  	v24 =	vunpack.i.l.bf16.f32 v59;
	v18 =	vmul.f32 v20, v18;
	v19 =	vmul.f32 v21, v19  }
0x14d: {  	v26 =	vsub.f32 v22, v24;
	v27 =	vsub.f32 v63, v62  }
0x14e: {  	v18 =	vadd.f32 $1.000000000e+00, v18;
	v19 =	vadd.f32 $1.000000000e+00, v19  }
0x14f: {  	v20 =	vmul.f32 v26, v26;
	v21 =	vmul.f32 v27, v27  }
0x150: {  	v17 =	vmul.f32 v18, v17;
	v16 =	vmul.f32 v19, v16;
	_ =	sdelay $0x1  }
0x151: {  	v28 =	vadd.f32 v20, v21;
	v17 =	vand.u32 $0x7FFFFFFF, v17;
	v16 =	vand.u32 $0x7FFFFFFF, v16  }
0x152: {  	v16 =	vadd.f32 v17, v16  }
0x153: {  	[tilespmem:$0xC630] =	vst v28  }
0x154: {  	[tilespmem:$0xC730] =	vst v16  }
0x155: {  	v16 =	vld [tilespmem:s13+$0x2640]  }
0x156: {  	v17 =	vld [tilespmem:s13+$0xA640];
	_ =	sdelay $0x1  }
0x157: {  	v18 =	vld [tilespmem:s13+$0x6640];
	_ =	sdelay $0x1  }
0x158: {  	v29 =	vunpack.i.l.bf16.f32 v16  }
0x159: {  	v30 =	vunpack.i.l.bf16.f32 v17;
	v16 =	vunpack.i.u.bf16.f32 v16;
	v17 =	vunpack.i.u.bf16.f32 v17  }
0x15a: {  	v19 =	vadd.f32 v30, v29;
	v16 =	vadd.f32 v17, v16  }
0x15b: {  	v31 =	vunpack.i.l.bf16.f32 v18;
	v17 =	vunpack.i.u.bf16.f32 v18  }
0x15c: {  	v32 =	vsub.f32 v19, v31;
	v16 =	vsub.f32 v16, v17;
	_ =	sdelay $0x1  }
0x15d: {  	v17 =	vmul.f32 $1.591549370e-01, v32;
	v33 =	vmul.f32 $1.591549370e-01, v16;
	_ =	sdelay $0x1  }
0x15e: {  	v17 =	vadd.f32 $1.258291200e+07, v17;
	v19 =	vadd.f32 $1.258291200e+07, v33;
	_ =	sdelay $0x1  }
0x15f: {  	v17 =	vadd.f32 $-1.258291200e+07, v17;
	v19 =	vadd.f32 $-1.258291200e+07, v19  }
0x160: {  	v18 =	vmul.f32 $5.000000000e-01, v32;
	v16 =	vmul.f32 $5.000000000e-01, v16  }
0x161: {  	v34 =	vmul.f32 $3.141592740e+00, v17;
	v35 =	vmul.f32 $3.141592740e+00, v19  }
0x162: {  	v17 =	vmul.f32 $8.742277650e-08, v17  }
0x163: {  	v19 =	vmul.f32 $8.742277650e-08, v19;
	v18 =	vsub.f32 v18, v34;
	v16 =	vsub.f32 v16, v35;
	_ =	sdelay $0x1  }
0x164: {  	v17 =	vadd.f32 v17, v18;
	v16 =	vadd.f32 v19, v16;
	_ =	sdelay $0x1  }
0x165: {  	v18 =	vmul.f32 v17, v17;
	v19 =	vmul.f32 v16, v16;
	_ =	sdelay $0x1  }
0x166: {  	v36 =	vmul.f32 $2.505210790e-08, v18;
	v37 =	vmul.f32 $2.505210790e-08, v19;
	_ =	sdelay $0x1  }
0x167: {  	v20 =	vsub.f32 $2.755731880e-06, v36;
	v21 =	vsub.f32 $2.755731880e-06, v37;
	_ =	sdelay $0x1  }
0x168: {  	v20 =	vmul.f32 v20, v18;
	v21 =	vmul.f32 v21, v19;
	_ =	sdelay $0x1  }
0x169: {  	v20 =	vadd.f32 $-1.984127010e-04, v20;
	v21 =	vadd.f32 $-1.984127010e-04, v21  }
0x16a: {  	v38 =	vld [tilespmem:s13+$0x640]  }
0x16b: {  	v39 =	vld [tilespmem:s13+$0x8640];
	v20 =	vmul.f32 v20, v18;
	v21 =	vmul.f32 v21, v19;
	_ =	sdelay $0x1  }
0x16c: {  	v40 =	vld [tilespmem:s13+$0x4640];
	v20 =	vadd.f32 $8.333333770e-03, v20;
	v21 =	vadd.f32 $8.333333770e-03, v21;
	_ =	sdelay $0x1  }
0x16d: {  	v20 =	vmul.f32 v20, v18;
	v21 =	vmul.f32 v21, v19  }
0x16e: {  	v41 =	vunpack.i.u.bf16.f32 v38;
	v22 =	vunpack.i.l.bf16.f32 v38;
	v42 =	vunpack.i.u.bf16.f32 v39  }
0x16f: {  	v23 =	vunpack.i.l.bf16.f32 v39;
	v20 =	vadd.f32 $-1.666666720e-01, v20;
	v21 =	vadd.f32 $-1.666666720e-01, v21  }
0x170: {  	v43 =	vunpack.i.u.bf16.f32 v40;
	v22 =	vmul.f32 v23, v22;
	v44 =	vmul.f32 v42, v41  }
0x171: {  	v24 =	vunpack.i.l.bf16.f32 v40;
	v18 =	vmul.f32 v20, v18;
	v19 =	vmul.f32 v21, v19  }
0x172: {  	v45 =	vsub.f32 v22, v24;
	v46 =	vsub.f32 v44, v43  }
0x173: {  	v18 =	vadd.f32 $1.000000000e+00, v18;
	v19 =	vadd.f32 $1.000000000e+00, v19  }
0x174: {  	v20 =	vmul.f32 v45, v45;
	v21 =	vmul.f32 v46, v46  }
0x175: {  	v17 =	vmul.f32 v18, v17;
	v16 =	vmul.f32 v19, v16;
	_ =	sdelay $0x1  }
0x176: {  	v47 =	vadd.f32 v20, v21;
	v17 =	vand.u32 $0x7FFFFFFF, v17;
	v16 =	vand.u32 $0x7FFFFFFF, v16  }
0x177: {  	v16 =	vadd.f32 v17, v16  }
0x178: {  	[tilespmem:$0xC640] =	vst v47  }
0x179: {  	[tilespmem:$0xC740] =	vst v16  }
0x17a: {  	v16 =	vld [tilespmem:s13+$0x2650]  }
0x17b: {  	v17 =	vld [tilespmem:s13+$0xA650];
	_ =	sdelay $0x1  }
0x17c: {  	v18 =	vld [tilespmem:s13+$0x6650];
	_ =	sdelay $0x1  }
0x17d: {  	v48 =	vunpack.i.l.bf16.f32 v16  }
0x17e: {  	v49 =	vunpack.i.l.bf16.f32 v17;
	v16 =	vunpack.i.u.bf16.f32 v16;
	v17 =	vunpack.i.u.bf16.f32 v17  }
0x17f: {  	v19 =	vadd.f32 v49, v48;
	v16 =	vadd.f32 v17, v16  }
0x180: {  	v50 =	vunpack.i.l.bf16.f32 v18;
	v17 =	vunpack.i.u.bf16.f32 v18  }
0x181: {  	v51 =	vsub.f32 v19, v50;
	v16 =	vsub.f32 v16, v17;
	_ =	sdelay $0x1  }
0x182: {  	v17 =	vmul.f32 $1.591549370e-01, v51;
	v52 =	vmul.f32 $1.591549370e-01, v16;
	_ =	sdelay $0x1  }
0x183: {  	v17 =	vadd.f32 $1.258291200e+07, v17;
	v19 =	vadd.f32 $1.258291200e+07, v52;
	_ =	sdelay $0x1  }
0x184: {  	v17 =	vadd.f32 $-1.258291200e+07, v17;
	v19 =	vadd.f32 $-1.258291200e+07, v19  }
0x185: {  	v18 =	vmul.f32 $5.000000000e-01, v51;
	v16 =	vmul.f32 $5.000000000e-01, v16  }
0x186: {  	v53 =	vmul.f32 $3.141592740e+00, v17;
	v54 =	vmul.f32 $3.141592740e+00, v19  }
0x187: {  	v17 =	vmul.f32 $8.742277650e-08, v17  }
0x188: {  	v19 =	vmul.f32 $8.742277650e-08, v19;
	v18 =	vsub.f32 v18, v53;
	v16 =	vsub.f32 v16, v54;
	_ =	sdelay $0x1  }
0x189: {  	v17 =	vadd.f32 v17, v18;
	v16 =	vadd.f32 v19, v16;
	_ =	sdelay $0x1  }
0x18a: {  	v18 =	vmul.f32 v17, v17;
	v19 =	vmul.f32 v16, v16;
	_ =	sdelay $0x1  }
0x18b: {  	v55 =	vmul.f32 $2.505210790e-08, v18;
	v56 =	vmul.f32 $2.505210790e-08, v19;
	_ =	sdelay $0x1  }
0x18c: {  	v20 =	vsub.f32 $2.755731880e-06, v55;
	v21 =	vsub.f32 $2.755731880e-06, v56;
	_ =	sdelay $0x1  }
0x18d: {  	v20 =	vmul.f32 v20, v18;
	v21 =	vmul.f32 v21, v19;
	_ =	sdelay $0x1  }
0x18e: {  	v20 =	vadd.f32 $-1.984127010e-04, v20;
	v21 =	vadd.f32 $-1.984127010e-04, v21  }
0x18f: {  	v57 =	vld [tilespmem:s13+$0x650]  }
0x190: {  	v58 =	vld [tilespmem:s13+$0x8650];
	v20 =	vmul.f32 v20, v18;
	v21 =	vmul.f32 v21, v19;
	_ =	sdelay $0x1  }
0x191: {  	v59 =	vld [tilespmem:s13+$0x4650];
	v20 =	vadd.f32 $8.333333770e-03, v20;
	v21 =	vadd.f32 $8.333333770e-03, v21;
	_ =	sdelay $0x1  }
0x192: {  	v20 =	vmul.f32 v20, v18;
	v21 =	vmul.f32 v21, v19  }
0x193: {  	v60 =	vunpack.i.u.bf16.f32 v57;
	v22 =	vunpack.i.l.bf16.f32 v57;
	v61 =	vunpack.i.u.bf16.f32 v58  }
0x194: {  	v23 =	vunpack.i.l.bf16.f32 v58;
	v20 =	vadd.f32 $-1.666666720e-01, v20;
	v21 =	vadd.f32 $-1.666666720e-01, v21  }
0x195: {  	v62 =	vunpack.i.u.bf16.f32 v59;
	v22 =	vmul.f32 v23, v22;
	v63 =	vmul.f32 v61, v60  }
0x196: {  	v24 =	vunpack.i.l.bf16.f32 v59;
	v18 =	vmul.f32 v20, v18;
	v19 =	vmul.f32 v21, v19  }
0x197: {  	v26 =	vsub.f32 v22, v24;
	v27 =	vsub.f32 v63, v62  }
0x198: {  	v18 =	vadd.f32 $1.000000000e+00, v18;
	v19 =	vadd.f32 $1.000000000e+00, v19  }
0x199: {  	v20 =	vmul.f32 v26, v26;
	v21 =	vmul.f32 v27, v27  }
0x19a: {  	v17 =	vmul.f32 v18, v17;
	v16 =	vmul.f32 v19, v16;
	_ =	sdelay $0x1  }
0x19b: {  	v28 =	vadd.f32 v20, v21;
	v17 =	vand.u32 $0x7FFFFFFF, v17;
	v16 =	vand.u32 $0x7FFFFFFF, v16  }
0x19c: {  	v16 =	vadd.f32 v17, v16  }
0x19d: {  	[tilespmem:$0xC650] =	vst v28  }
0x19e: {  	[tilespmem:$0xC750] =	vst v16  }
0x19f: {  	v16 =	vld [tilespmem:s13+$0x2660]  }
0x1a0: {  	v17 =	vld [tilespmem:s13+$0xA660];
	_ =	sdelay $0x1  }
0x1a1: {  	v18 =	vld [tilespmem:s13+$0x6660];
	_ =	sdelay $0x1  }
0x1a2: {  	v29 =	vunpack.i.l.bf16.f32 v16  }
0x1a3: {  	v30 =	vunpack.i.l.bf16.f32 v17;
	v16 =	vunpack.i.u.bf16.f32 v16;
	v17 =	vunpack.i.u.bf16.f32 v17  }
0x1a4: {  	v19 =	vadd.f32 v30, v29;
	v16 =	vadd.f32 v17, v16  }
0x1a5: {  	v31 =	vunpack.i.l.bf16.f32 v18;
	v17 =	vunpack.i.u.bf16.f32 v18  }
0x1a6: {  	v32 =	vsub.f32 v19, v31;
	v16 =	vsub.f32 v16, v17;
	_ =	sdelay $0x1  }
0x1a7: {  	v17 =	vmul.f32 $1.591549370e-01, v32;
	v33 =	vmul.f32 $1.591549370e-01, v16;
	_ =	sdelay $0x1  }
0x1a8: {  	v17 =	vadd.f32 $1.258291200e+07, v17;
	v19 =	vadd.f32 $1.258291200e+07, v33;
	_ =	sdelay $0x1  }
0x1a9: {  	v17 =	vadd.f32 $-1.258291200e+07, v17;
	v19 =	vadd.f32 $-1.258291200e+07, v19  }
0x1aa: {  	v18 =	vmul.f32 $5.000000000e-01, v32;
	v16 =	vmul.f32 $5.000000000e-01, v16  }
0x1ab: {  	v34 =	vmul.f32 $3.141592740e+00, v17;
	v35 =	vmul.f32 $3.141592740e+00, v19  }
0x1ac: {  	v17 =	vmul.f32 $8.742277650e-08, v17  }
0x1ad: {  	v19 =	vmul.f32 $8.742277650e-08, v19;
	v18 =	vsub.f32 v18, v34;
	v16 =	vsub.f32 v16, v35;
	_ =	sdelay $0x1  }
0x1ae: {  	v17 =	vadd.f32 v17, v18;
	v16 =	vadd.f32 v19, v16;
	_ =	sdelay $0x1  }
0x1af: {  	v18 =	vmul.f32 v17, v17;
	v19 =	vmul.f32 v16, v16;
	_ =	sdelay $0x1  }
0x1b0: {  	v36 =	vmul.f32 $2.505210790e-08, v18;
	v37 =	vmul.f32 $2.505210790e-08, v19;
	_ =	sdelay $0x1  }
0x1b1: {  	v20 =	vsub.f32 $2.755731880e-06, v36;
	v21 =	vsub.f32 $2.755731880e-06, v37;
	_ =	sdelay $0x1  }
0x1b2: {  	v20 =	vmul.f32 v20, v18;
	v21 =	vmul.f32 v21, v19;
	_ =	sdelay $0x1  }
0x1b3: {  	v20 =	vadd.f32 $-1.984127010e-04, v20;
	v21 =	vadd.f32 $-1.984127010e-04, v21  }
0x1b4: {  	v38 =	vld [tilespmem:s13+$0x660]  }
0x1b5: {  	v39 =	vld [tilespmem:s13+$0x8660];
	v20 =	vmul.f32 v20, v18;
	v21 =	vmul.f32 v21, v19;
	_ =	sdelay $0x1  }
0x1b6: {  	v40 =	vld [tilespmem:s13+$0x4660];
	v20 =	vadd.f32 $8.333333770e-03, v20;
	v21 =	vadd.f32 $8.333333770e-03, v21;
	_ =	sdelay $0x1  }
0x1b7: {  	v20 =	vmul.f32 v20, v18;
	v21 =	vmul.f32 v21, v19  }
0x1b8: {  	v41 =	vunpack.i.u.bf16.f32 v38;
	v22 =	vunpack.i.l.bf16.f32 v38;
	v42 =	vunpack.i.u.bf16.f32 v39  }
0x1b9: {  	v23 =	vunpack.i.l.bf16.f32 v39;
	v20 =	vadd.f32 $-1.666666720e-01, v20;
	v21 =	vadd.f32 $-1.666666720e-01, v21  }
0x1ba: {  	v43 =	vunpack.i.u.bf16.f32 v40;
	v22 =	vmul.f32 v23, v22;
	v44 =	vmul.f32 v42, v41  }
0x1bb: {  	v24 =	vunpack.i.l.bf16.f32 v40;
	v18 =	vmul.f32 v20, v18;
	v19 =	vmul.f32 v21, v19  }
0x1bc: {  	v45 =	vsub.f32 v22, v24;
	v46 =	vsub.f32 v44, v43  }
0x1bd: {  	v18 =	vadd.f32 $1.000000000e+00, v18;
	v19 =	vadd.f32 $1.000000000e+00, v19  }
0x1be: {  	v20 =	vmul.f32 v45, v45;
	v21 =	vmul.f32 v46, v46  }
0x1bf: {  	v17 =	vmul.f32 v18, v17;
	v16 =	vmul.f32 v19, v16;
	_ =	sdelay $0x1  }
0x1c0: {  	v47 =	vadd.f32 v20, v21;
	v17 =	vand.u32 $0x7FFFFFFF, v17;
	v16 =	vand.u32 $0x7FFFFFFF, v16  }
0x1c1: {  	v16 =	vadd.f32 v17, v16  }
0x1c2: {  	[tilespmem:$0xC660] =	vst v47  }
0x1c3: {  	[tilespmem:$0xC760] =	vst v16  }
0x1c4: {  	v16 =	vld [tilespmem:s13+$0x2670]  }
0x1c5: {  	v17 =	vld [tilespmem:s13+$0xA670];
	_ =	sdelay $0x1  }
0x1c6: {  	v18 =	vld [tilespmem:s13+$0x6670];
	_ =	sdelay $0x1  }
0x1c7: {  	v48 =	vunpack.i.l.bf16.f32 v16  }
0x1c8: {  	v49 =	vunpack.i.l.bf16.f32 v17;
	v16 =	vunpack.i.u.bf16.f32 v16;
	v17 =	vunpack.i.u.bf16.f32 v17  }
0x1c9: {  	v19 =	vadd.f32 v49, v48;
	v16 =	vadd.f32 v17, v16  }
0x1ca: {  	v50 =	vunpack.i.l.bf16.f32 v18;
	v17 =	vunpack.i.u.bf16.f32 v18  }
0x1cb: {  	v51 =	vsub.f32 v19, v50;
	v16 =	vsub.f32 v16, v17;
	_ =	sdelay $0x1  }
0x1cc: {  	v17 =	vmul.f32 $1.591549370e-01, v51;
	v52 =	vmul.f32 $1.591549370e-01, v16;
	_ =	sdelay $0x1  }
0x1cd: {  	v17 =	vadd.f32 $1.258291200e+07, v17;
	v19 =	vadd.f32 $1.258291200e+07, v52;
	_ =	sdelay $0x1  }
0x1ce: {  	v17 =	vadd.f32 $-1.258291200e+07, v17;
	v19 =	vadd.f32 $-1.258291200e+07, v19  }
0x1cf: {  	v18 =	vmul.f32 $5.000000000e-01, v51;
	v16 =	vmul.f32 $5.000000000e-01, v16  }
0x1d0: {  	v53 =	vmul.f32 $3.141592740e+00, v17;
	v54 =	vmul.f32 $3.141592740e+00, v19  }
0x1d1: {  	v17 =	vmul.f32 $8.742277650e-08, v17  }
0x1d2: {  	v19 =	vmul.f32 $8.742277650e-08, v19;
	v18 =	vsub.f32 v18, v53;
	v16 =	vsub.f32 v16, v54;
	_ =	sdelay $0x1  }
0x1d3: {  	v17 =	vadd.f32 v17, v18;
	v16 =	vadd.f32 v19, v16;
	_ =	sdelay $0x1  }
0x1d4: {  	v18 =	vmul.f32 v17, v17;
	v19 =	vmul.f32 v16, v16;
	_ =	sdelay $0x1  }
0x1d5: {  	v55 =	vmul.f32 $2.505210790e-08, v18;
	v56 =	vmul.f32 $2.505210790e-08, v19;
	_ =	sdelay $0x1  }
0x1d6: {  	v20 =	vsub.f32 $2.755731880e-06, v55;
	v21 =	vsub.f32 $2.755731880e-06, v56;
	_ =	sdelay $0x1  }
0x1d7: {  	v20 =	vmul.f32 v20, v18;
	v21 =	vmul.f32 v21, v19;
	_ =	sdelay $0x1  }
0x1d8: {  	v20 =	vadd.f32 $-1.984127010e-04, v20;
	v21 =	vadd.f32 $-1.984127010e-04, v21  }
0x1d9: {  	v57 =	vld [tilespmem:s13+$0x670]  }
0x1da: {  	v58 =	vld [tilespmem:s13+$0x8670];
	v20 =	vmul.f32 v20, v18;
	v21 =	vmul.f32 v21, v19;
	_ =	sdelay $0x1  }
0x1db: {  	v59 =	vld [tilespmem:s13+$0x4670];
	v20 =	vadd.f32 $8.333333770e-03, v20;
	v21 =	vadd.f32 $8.333333770e-03, v21;
	_ =	sdelay $0x1  }
0x1dc: {  	v20 =	vmul.f32 v20, v18;
	v21 =	vmul.f32 v21, v19  }
0x1dd: {  	v60 =	vunpack.i.u.bf16.f32 v57;
	v22 =	vunpack.i.l.bf16.f32 v57;
	v61 =	vunpack.i.u.bf16.f32 v58  }
0x1de: {  	v23 =	vunpack.i.l.bf16.f32 v58;
	v20 =	vadd.f32 $-1.666666720e-01, v20;
	v21 =	vadd.f32 $-1.666666720e-01, v21  }
0x1df: {  	v62 =	vunpack.i.u.bf16.f32 v59;
	v22 =	vmul.f32 v23, v22;
	v63 =	vmul.f32 v61, v60  }
0x1e0: {  	v24 =	vunpack.i.l.bf16.f32 v59;
	v18 =	vmul.f32 v20, v18;
	v19 =	vmul.f32 v21, v19  }
0x1e1: {  	v26 =	vsub.f32 v22, v24;
	v27 =	vsub.f32 v63, v62  }
0x1e2: {  	v18 =	vadd.f32 $1.000000000e+00, v18;
	v19 =	vadd.f32 $1.000000000e+00, v19  }
0x1e3: {  	v20 =	vmul.f32 v26, v26;
	v21 =	vmul.f32 v27, v27  }
0x1e4: {  	v17 =	vmul.f32 v18, v17;
	v16 =	vmul.f32 v19, v16;
	_ =	sdelay $0x1  }
0x1e5: {  	v28 =	vadd.f32 v20, v21;
	v17 =	vand.u32 $0x7FFFFFFF, v17;
	v16 =	vand.u32 $0x7FFFFFFF, v16  }
0x1e6: {  	v16 =	vadd.f32 v17, v16  }
0x1e7: {  	[tilespmem:$0xC670] =	vst v28  }
0x1e8: {  	[tilespmem:$0xC770] =	vst v16  }
0x1e9: {  	v16 =	vld [tilespmem:s13+$0x2680]  }
0x1ea: {  	v17 =	vld [tilespmem:s13+$0xA680];
	_ =	sdelay $0x1  }
0x1eb: {  	v18 =	vld [tilespmem:s13+$0x6680];
	_ =	sdelay $0x1  }
0x1ec: {  	v29 =	vunpack.i.l.bf16.f32 v16  }
0x1ed: {  	v30 =	vunpack.i.l.bf16.f32 v17;
	v16 =	vunpack.i.u.bf16.f32 v16;
	v17 =	vunpack.i.u.bf16.f32 v17  }
0x1ee: {  	v19 =	vadd.f32 v30, v29;
	v16 =	vadd.f32 v17, v16  }
0x1ef: {  	v31 =	vunpack.i.l.bf16.f32 v18;
	v17 =	vunpack.i.u.bf16.f32 v18  }
0x1f0: {  	v32 =	vsub.f32 v19, v31;
	v16 =	vsub.f32 v16, v17;
	_ =	sdelay $0x1  }
0x1f1: {  	v17 =	vmul.f32 $1.591549370e-01, v32;
	v33 =	vmul.f32 $1.591549370e-01, v16;
	_ =	sdelay $0x1  }
0x1f2: {  	v17 =	vadd.f32 $1.258291200e+07, v17;
	v19 =	vadd.f32 $1.258291200e+07, v33;
	_ =	sdelay $0x1  }
0x1f3: {  	v17 =	vadd.f32 $-1.258291200e+07, v17;
	v19 =	vadd.f32 $-1.258291200e+07, v19  }
0x1f4: {  	v18 =	vmul.f32 $5.000000000e-01, v32;
	v16 =	vmul.f32 $5.000000000e-01, v16  }
0x1f5: {  	v34 =	vmul.f32 $3.141592740e+00, v17;
	v35 =	vmul.f32 $3.141592740e+00, v19  }
0x1f6: {  	v17 =	vmul.f32 $8.742277650e-08, v17  }
0x1f7: {  	v19 =	vmul.f32 $8.742277650e-08, v19;
	v18 =	vsub.f32 v18, v34;
	v16 =	vsub.f32 v16, v35;
	_ =	sdelay $0x1  }
0x1f8: {  	v17 =	vadd.f32 v17, v18;
	v16 =	vadd.f32 v19, v16;
	_ =	sdelay $0x1  }
0x1f9: {  	v18 =	vmul.f32 v17, v17;
	v19 =	vmul.f32 v16, v16;
	_ =	sdelay $0x1  }
0x1fa: {  	v36 =	vmul.f32 $2.505210790e-08, v18;
	v37 =	vmul.f32 $2.505210790e-08, v19;
	_ =	sdelay $0x1  }
0x1fb: {  	v20 =	vsub.f32 $2.755731880e-06, v36;
	v21 =	vsub.f32 $2.755731880e-06, v37;
	_ =	sdelay $0x1  }
0x1fc: {  	v20 =	vmul.f32 v20, v18;
	v21 =	vmul.f32 v21, v19;
	_ =	sdelay $0x1  }
0x1fd: {  	v20 =	vadd.f32 $-1.984127010e-04, v20;
	v21 =	vadd.f32 $-1.984127010e-04, v21  }
0x1fe: {  	v38 =	vld [tilespmem:s13+$0x680]  }
0x1ff: {  	v39 =	vld [tilespmem:s13+$0x8680];
	v20 =	vmul.f32 v20, v18;
	v21 =	vmul.f32 v21, v19;
	_ =	sdelay $0x1  }
0x200: {  	v40 =	vld [tilespmem:s13+$0x4680];
	v20 =	vadd.f32 $8.333333770e-03, v20;
	v21 =	vadd.f32 $8.333333770e-03, v21;
	_ =	sdelay $0x1  }
0x201: {  	v20 =	vmul.f32 v20, v18;
	v21 =	vmul.f32 v21, v19  }
0x202: {  	v41 =	vunpack.i.u.bf16.f32 v38;
	v22 =	vunpack.i.l.bf16.f32 v38;
	v42 =	vunpack.i.u.bf16.f32 v39  }
0x203: {  	v23 =	vunpack.i.l.bf16.f32 v39;
	v20 =	vadd.f32 $-1.666666720e-01, v20;
	v21 =	vadd.f32 $-1.666666720e-01, v21  }
0x204: {  	v43 =	vunpack.i.u.bf16.f32 v40;
	v22 =	vmul.f32 v23, v22;
	v44 =	vmul.f32 v42, v41  }
0x205: {  	v24 =	vunpack.i.l.bf16.f32 v40;
	v18 =	vmul.f32 v20, v18;
	v19 =	vmul.f32 v21, v19  }
0x206: {  	v45 =	vsub.f32 v22, v24;
	v46 =	vsub.f32 v44, v43  }
0x207: {  	v18 =	vadd.f32 $1.000000000e+00, v18;
	v19 =	vadd.f32 $1.000000000e+00, v19  }
0x208: {  	v20 =	vmul.f32 v45, v45;
	v21 =	vmul.f32 v46, v46  }
0x209: {  	v17 =	vmul.f32 v18, v17;
	v16 =	vmul.f32 v19, v16;
	_ =	sdelay $0x1  }
0x20a: {  	v47 =	vadd.f32 v20, v21;
	v17 =	vand.u32 $0x7FFFFFFF, v17;
	v16 =	vand.u32 $0x7FFFFFFF, v16  }
0x20b: {  	v16 =	vadd.f32 v17, v16  }
0x20c: {  	[tilespmem:$0xC680] =	vst v47  }
0x20d: {  	[tilespmem:$0xC780] =	vst v16  }
0x20e: {  	v16 =	vld [tilespmem:s13+$0x2690]  }
0x20f: {  	v17 =	vld [tilespmem:s13+$0xA690];
	_ =	sdelay $0x1  }
0x210: {  	v18 =	vld [tilespmem:s13+$0x6690];
	_ =	sdelay $0x1  }
0x211: {  	v48 =	vunpack.i.l.bf16.f32 v16  }
0x212: {  	v49 =	vunpack.i.l.bf16.f32 v17;
	v16 =	vunpack.i.u.bf16.f32 v16;
	v17 =	vunpack.i.u.bf16.f32 v17  }
0x213: {  	v19 =	vadd.f32 v49, v48;
	v16 =	vadd.f32 v17, v16  }
0x214: {  	v50 =	vunpack.i.l.bf16.f32 v18;
	v17 =	vunpack.i.u.bf16.f32 v18  }
0x215: {  	v51 =	vsub.f32 v19, v50;
	v16 =	vsub.f32 v16, v17;
	_ =	sdelay $0x1  }
0x216: {  	v17 =	vmul.f32 $1.591549370e-01, v51;
	v52 =	vmul.f32 $1.591549370e-01, v16;
	_ =	sdelay $0x1  }
0x217: {  	v17 =	vadd.f32 $1.258291200e+07, v17;
	v19 =	vadd.f32 $1.258291200e+07, v52;
	_ =	sdelay $0x1  }
0x218: {  	v17 =	vadd.f32 $-1.258291200e+07, v17;
	v19 =	vadd.f32 $-1.258291200e+07, v19  }
0x219: {  	v18 =	vmul.f32 $5.000000000e-01, v51;
	v16 =	vmul.f32 $5.000000000e-01, v16  }
0x21a: {  	v53 =	vmul.f32 $3.141592740e+00, v17;
	v54 =	vmul.f32 $3.141592740e+00, v19  }
0x21b: {  	v17 =	vmul.f32 $8.742277650e-08, v17  }
0x21c: {  	v19 =	vmul.f32 $8.742277650e-08, v19;
	v18 =	vsub.f32 v18, v53;
	v16 =	vsub.f32 v16, v54;
	_ =	sdelay $0x1  }
0x21d: {  	v17 =	vadd.f32 v17, v18;
	v16 =	vadd.f32 v19, v16;
	_ =	sdelay $0x1  }
0x21e: {  	v18 =	vmul.f32 v17, v17;
	v19 =	vmul.f32 v16, v16;
	_ =	sdelay $0x1  }
0x21f: {  	v55 =	vmul.f32 $2.505210790e-08, v18;
	v56 =	vmul.f32 $2.505210790e-08, v19;
	_ =	sdelay $0x1  }
0x220: {  	v20 =	vsub.f32 $2.755731880e-06, v55;
	v21 =	vsub.f32 $2.755731880e-06, v56;
	_ =	sdelay $0x1  }
0x221: {  	v20 =	vmul.f32 v20, v18;
	v21 =	vmul.f32 v21, v19;
	_ =	sdelay $0x1  }
0x222: {  	v20 =	vadd.f32 $-1.984127010e-04, v20;
	v21 =	vadd.f32 $-1.984127010e-04, v21  }
0x223: {  	v57 =	vld [tilespmem:s13+$0x690]  }
0x224: {  	v58 =	vld [tilespmem:s13+$0x8690];
	v20 =	vmul.f32 v20, v18;
	v21 =	vmul.f32 v21, v19;
	_ =	sdelay $0x1  }
0x225: {  	v59 =	vld [tilespmem:s13+$0x4690];
	v20 =	vadd.f32 $8.333333770e-03, v20;
	v21 =	vadd.f32 $8.333333770e-03, v21;
	_ =	sdelay $0x1  }
0x226: {  	v20 =	vmul.f32 v20, v18;
	v21 =	vmul.f32 v21, v19  }
0x227: {  	v60 =	vunpack.i.u.bf16.f32 v57;
	v22 =	vunpack.i.l.bf16.f32 v57;
	v61 =	vunpack.i.u.bf16.f32 v58  }
0x228: {  	v23 =	vunpack.i.l.bf16.f32 v58;
	v20 =	vadd.f32 $-1.666666720e-01, v20;
	v21 =	vadd.f32 $-1.666666720e-01, v21  }
0x229: {  	v62 =	vunpack.i.u.bf16.f32 v59;
	v22 =	vmul.f32 v23, v22;
	v63 =	vmul.f32 v61, v60  }
0x22a: {  	v24 =	vunpack.i.l.bf16.f32 v59;
	v18 =	vmul.f32 v20, v18;
	v19 =	vmul.f32 v21, v19  }
0x22b: {  	v26 =	vsub.f32 v22, v24;
	v27 =	vsub.f32 v63, v62  }
0x22c: {  	v18 =	vadd.f32 $1.000000000e+00, v18;
	v19 =	vadd.f32 $1.000000000e+00, v19  }
0x22d: {  	v20 =	vmul.f32 v26, v26;
	v21 =	vmul.f32 v27, v27  }
0x22e: {  	v17 =	vmul.f32 v18, v17;
	v16 =	vmul.f32 v19, v16;
	_ =	sdelay $0x1  }
0x22f: {  	v28 =	vadd.f32 v20, v21;
	v17 =	vand.u32 $0x7FFFFFFF, v17;
	v16 =	vand.u32 $0x7FFFFFFF, v16  }
0x230: {  	v16 =	vadd.f32 v17, v16  }
0x231: {  	[tilespmem:$0xC690] =	vst v28  }
0x232: {  	[tilespmem:$0xC790] =	vst v16  }
0x233: {  	v16 =	vld [tilespmem:s13+$0x26A0]  }
0x234: {  	v17 =	vld [tilespmem:s13+$0xA6A0];
	_ =	sdelay $0x1  }
0x235: {  	v18 =	vld [tilespmem:s13+$0x66A0];
	_ =	sdelay $0x1  }
0x236: {  	v29 =	vunpack.i.l.bf16.f32 v16  }
0x237: {  	v30 =	vunpack.i.l.bf16.f32 v17;
	v16 =	vunpack.i.u.bf16.f32 v16;
	v17 =	vunpack.i.u.bf16.f32 v17  }
0x238: {  	v19 =	vadd.f32 v30, v29;
	v16 =	vadd.f32 v17, v16  }
0x239: {  	v31 =	vunpack.i.l.bf16.f32 v18;
	v17 =	vunpack.i.u.bf16.f32 v18  }
0x23a: {  	v32 =	vsub.f32 v19, v31;
	v16 =	vsub.f32 v16, v17;
	_ =	sdelay $0x1  }
0x23b: {  	v17 =	vmul.f32 $1.591549370e-01, v32;
	v33 =	vmul.f32 $1.591549370e-01, v16;
	_ =	sdelay $0x1  }
0x23c: {  	v17 =	vadd.f32 $1.258291200e+07, v17;
	v19 =	vadd.f32 $1.258291200e+07, v33;
	_ =	sdelay $0x1  }
0x23d: {  	v17 =	vadd.f32 $-1.258291200e+07, v17;
	v19 =	vadd.f32 $-1.258291200e+07, v19  }
0x23e: {  	v18 =	vmul.f32 $5.000000000e-01, v32;
	v16 =	vmul.f32 $5.000000000e-01, v16  }
0x23f: {  	v34 =	vmul.f32 $3.141592740e+00, v17;
	v35 =	vmul.f32 $3.141592740e+00, v19  }
0x240: {  	v17 =	vmul.f32 $8.742277650e-08, v17  }
0x241: {  	v19 =	vmul.f32 $8.742277650e-08, v19;
	v18 =	vsub.f32 v18, v34;
	v16 =	vsub.f32 v16, v35;
	_ =	sdelay $0x1  }
0x242: {  	v17 =	vadd.f32 v17, v18;
	v16 =	vadd.f32 v19, v16;
	_ =	sdelay $0x1  }
0x243: {  	v18 =	vmul.f32 v17, v17;
	v19 =	vmul.f32 v16, v16;
	_ =	sdelay $0x1  }
0x244: {  	v36 =	vmul.f32 $2.505210790e-08, v18;
	v37 =	vmul.f32 $2.505210790e-08, v19;
	_ =	sdelay $0x1  }
0x245: {  	v20 =	vsub.f32 $2.755731880e-06, v36;
	v21 =	vsub.f32 $2.755731880e-06, v37;
	_ =	sdelay $0x1  }
0x246: {  	v20 =	vmul.f32 v20, v18;
	v21 =	vmul.f32 v21, v19;
	_ =	sdelay $0x1  }
0x247: {  	v20 =	vadd.f32 $-1.984127010e-04, v20;
	v21 =	vadd.f32 $-1.984127010e-04, v21  }
0x248: {  	v38 =	vld [tilespmem:s13+$0x6A0]  }
0x249: {  	v39 =	vld [tilespmem:s13+$0x86A0];
	v20 =	vmul.f32 v20, v18;
	v21 =	vmul.f32 v21, v19;
	_ =	sdelay $0x1  }
0x24a: {  	v40 =	vld [tilespmem:s13+$0x46A0];
	v20 =	vadd.f32 $8.333333770e-03, v20;
	v21 =	vadd.f32 $8.333333770e-03, v21;
	_ =	sdelay $0x1  }
0x24b: {  	v20 =	vmul.f32 v20, v18;
	v21 =	vmul.f32 v21, v19  }
0x24c: {  	v41 =	vunpack.i.u.bf16.f32 v38;
	v22 =	vunpack.i.l.bf16.f32 v38;
	v42 =	vunpack.i.u.bf16.f32 v39  }
0x24d: {  	v23 =	vunpack.i.l.bf16.f32 v39;
	v20 =	vadd.f32 $-1.666666720e-01, v20;
	v21 =	vadd.f32 $-1.666666720e-01, v21  }
0x24e: {  	v43 =	vunpack.i.u.bf16.f32 v40;
	v22 =	vmul.f32 v23, v22;
	v44 =	vmul.f32 v42, v41  }
0x24f: {  	v24 =	vunpack.i.l.bf16.f32 v40;
	v18 =	vmul.f32 v20, v18;
	v19 =	vmul.f32 v21, v19  }
0x250: {  	v45 =	vsub.f32 v22, v24;
	v46 =	vsub.f32 v44, v43  }
0x251: {  	v18 =	vadd.f32 $1.000000000e+00, v18;
	v19 =	vadd.f32 $1.000000000e+00, v19  }
0x252: {  	v20 =	vmul.f32 v45, v45;
	v21 =	vmul.f32 v46, v46  }
0x253: {  	v17 =	vmul.f32 v18, v17;
	v16 =	vmul.f32 v19, v16;
	_ =	sdelay $0x1  }
0x254: {  	v47 =	vadd.f32 v20, v21;
	v17 =	vand.u32 $0x7FFFFFFF, v17;
	v16 =	vand.u32 $0x7FFFFFFF, v16  }
0x255: {  	v16 =	vadd.f32 v17, v16  }
0x256: {  	[tilespmem:$0xC6A0] =	vst v47  }
0x257: {  	[tilespmem:$0xC7A0] =	vst v16  }
0x258: {  	v16 =	vld [tilespmem:s13+$0x26B0]  }
0x259: {  	v17 =	vld [tilespmem:s13+$0xA6B0];
	_ =	sdelay $0x1  }
0x25a: {  	v18 =	vld [tilespmem:s13+$0x66B0];
	_ =	sdelay $0x1  }
0x25b: {  	v48 =	vunpack.i.l.bf16.f32 v16  }
0x25c: {  	v49 =	vunpack.i.l.bf16.f32 v17;
	v16 =	vunpack.i.u.bf16.f32 v16;
	v17 =	vunpack.i.u.bf16.f32 v17  }
0x25d: {  	v19 =	vadd.f32 v49, v48;
	v16 =	vadd.f32 v17, v16  }
0x25e: {  	v50 =	vunpack.i.l.bf16.f32 v18;
	v17 =	vunpack.i.u.bf16.f32 v18  }
0x25f: {  	v51 =	vsub.f32 v19, v50;
	v16 =	vsub.f32 v16, v17;
	_ =	sdelay $0x1  }
0x260: {  	v17 =	vmul.f32 $1.591549370e-01, v51;
	v52 =	vmul.f32 $1.591549370e-01, v16;
	_ =	sdelay $0x1  }
0x261: {  	v17 =	vadd.f32 $1.258291200e+07, v17;
	v19 =	vadd.f32 $1.258291200e+07, v52;
	_ =	sdelay $0x1  }
0x262: {  	v17 =	vadd.f32 $-1.258291200e+07, v17;
	v19 =	vadd.f32 $-1.258291200e+07, v19  }
0x263: {  	v18 =	vmul.f32 $5.000000000e-01, v51;
	v16 =	vmul.f32 $5.000000000e-01, v16  }
0x264: {  	v53 =	vmul.f32 $3.141592740e+00, v17;
	v54 =	vmul.f32 $3.141592740e+00, v19  }
0x265: {  	v17 =	vmul.f32 $8.742277650e-08, v17  }
0x266: {  	v19 =	vmul.f32 $8.742277650e-08, v19;
	v18 =	vsub.f32 v18, v53;
	v16 =	vsub.f32 v16, v54;
	_ =	sdelay $0x1  }
0x267: {  	v17 =	vadd.f32 v17, v18;
	v16 =	vadd.f32 v19, v16;
	_ =	sdelay $0x1  }
0x268: {  	v18 =	vmul.f32 v17, v17;
	v19 =	vmul.f32 v16, v16;
	_ =	sdelay $0x1  }
0x269: {  	v55 =	vmul.f32 $2.505210790e-08, v18;
	v56 =	vmul.f32 $2.505210790e-08, v19;
	_ =	sdelay $0x1  }
0x26a: {  	v20 =	vsub.f32 $2.755731880e-06, v55;
	v21 =	vsub.f32 $2.755731880e-06, v56;
	_ =	sdelay $0x1  }
0x26b: {  	v20 =	vmul.f32 v20, v18;
	v21 =	vmul.f32 v21, v19;
	_ =	sdelay $0x1  }
0x26c: {  	v20 =	vadd.f32 $-1.984127010e-04, v20;
	v21 =	vadd.f32 $-1.984127010e-04, v21  }
0x26d: {  	v57 =	vld [tilespmem:s13+$0x6B0]  }
0x26e: {  	v58 =	vld [tilespmem:s13+$0x86B0];
	v20 =	vmul.f32 v20, v18;
	v21 =	vmul.f32 v21, v19;
	_ =	sdelay $0x1  }
0x26f: {  	v59 =	vld [tilespmem:s13+$0x46B0];
	v20 =	vadd.f32 $8.333333770e-03, v20;
	v21 =	vadd.f32 $8.333333770e-03, v21;
	_ =	sdelay $0x1  }
0x270: {  	v20 =	vmul.f32 v20, v18;
	v21 =	vmul.f32 v21, v19  }
0x271: {  	v60 =	vunpack.i.u.bf16.f32 v57;
	v22 =	vunpack.i.l.bf16.f32 v57;
	v61 =	vunpack.i.u.bf16.f32 v58  }
0x272: {  	v23 =	vunpack.i.l.bf16.f32 v58;
	v20 =	vadd.f32 $-1.666666720e-01, v20;
	v21 =	vadd.f32 $-1.666666720e-01, v21  }
0x273: {  	v62 =	vunpack.i.u.bf16.f32 v59;
	v22 =	vmul.f32 v23, v22;
	v63 =	vmul.f32 v61, v60  }
0x274: {  	v24 =	vunpack.i.l.bf16.f32 v59;
	v18 =	vmul.f32 v20, v18;
	v19 =	vmul.f32 v21, v19  }
0x275: {  	v26 =	vsub.f32 v22, v24;
	v27 =	vsub.f32 v63, v62  }
0x276: {  	v18 =	vadd.f32 $1.000000000e+00, v18;
	v19 =	vadd.f32 $1.000000000e+00, v19  }
0x277: {  	v20 =	vmul.f32 v26, v26;
	v21 =	vmul.f32 v27, v27  }
0x278: {  	v17 =	vmul.f32 v18, v17;
	v16 =	vmul.f32 v19, v16;
	_ =	sdelay $0x1  }
0x279: {  	v28 =	vadd.f32 v20, v21;
	v17 =	vand.u32 $0x7FFFFFFF, v17;
	v16 =	vand.u32 $0x7FFFFFFF, v16  }
0x27a: {  	v16 =	vadd.f32 v17, v16  }
0x27b: {  	[tilespmem:$0xC6B0] =	vst v28  }
0x27c: {  	[tilespmem:$0xC7B0] =	vst v16  }
0x27d: {  	v16 =	vld [tilespmem:s13+$0x26C0]  }
0x27e: {  	v17 =	vld [tilespmem:s13+$0xA6C0];
	_ =	sdelay $0x1  }
0x27f: {  	v18 =	vld [tilespmem:s13+$0x66C0];
	_ =	sdelay $0x1  }
0x280: {  	v29 =	vunpack.i.l.bf16.f32 v16  }
0x281: {  	v30 =	vunpack.i.l.bf16.f32 v17;
	v16 =	vunpack.i.u.bf16.f32 v16;
	v17 =	vunpack.i.u.bf16.f32 v17  }
0x282: {  	v19 =	vadd.f32 v30, v29;
	v16 =	vadd.f32 v17, v16  }
0x283: {  	v31 =	vunpack.i.l.bf16.f32 v18;
	v17 =	vunpack.i.u.bf16.f32 v18  }
0x284: {  	v32 =	vsub.f32 v19, v31;
	v16 =	vsub.f32 v16, v17;
	_ =	sdelay $0x1  }
0x285: {  	v17 =	vmul.f32 $1.591549370e-01, v32;
	v33 =	vmul.f32 $1.591549370e-01, v16;
	_ =	sdelay $0x1  }
0x286: {  	v17 =	vadd.f32 $1.258291200e+07, v17;
	v19 =	vadd.f32 $1.258291200e+07, v33;
	_ =	sdelay $0x1  }
0x287: {  	v17 =	vadd.f32 $-1.258291200e+07, v17;
	v19 =	vadd.f32 $-1.258291200e+07, v19  }
0x288: {  	v18 =	vmul.f32 $5.000000000e-01, v32;
	v16 =	vmul.f32 $5.000000000e-01, v16  }
0x289: {  	v34 =	vmul.f32 $3.141592740e+00, v17;
	v35 =	vmul.f32 $3.141592740e+00, v19  }
0x28a: {  	v17 =	vmul.f32 $8.742277650e-08, v17  }
0x28b: {  	v19 =	vmul.f32 $8.742277650e-08, v19;
	v18 =	vsub.f32 v18, v34;
	v16 =	vsub.f32 v16, v35;
	_ =	sdelay $0x1  }
0x28c: {  	v17 =	vadd.f32 v17, v18;
	v16 =	vadd.f32 v19, v16;
	_ =	sdelay $0x1  }
0x28d: {  	v18 =	vmul.f32 v17, v17;
	v19 =	vmul.f32 v16, v16;
	_ =	sdelay $0x1  }
0x28e: {  	v36 =	vmul.f32 $2.505210790e-08, v18;
	v37 =	vmul.f32 $2.505210790e-08, v19;
	_ =	sdelay $0x1  }
0x28f: {  	v20 =	vsub.f32 $2.755731880e-06, v36;
	v21 =	vsub.f32 $2.755731880e-06, v37;
	_ =	sdelay $0x1  }
0x290: {  	v20 =	vmul.f32 v20, v18;
	v21 =	vmul.f32 v21, v19;
	_ =	sdelay $0x1  }
0x291: {  	v20 =	vadd.f32 $-1.984127010e-04, v20;
	v21 =	vadd.f32 $-1.984127010e-04, v21  }
0x292: {  	v38 =	vld [tilespmem:s13+$0x6C0]  }
0x293: {  	v39 =	vld [tilespmem:s13+$0x86C0];
	v20 =	vmul.f32 v20, v18;
	v21 =	vmul.f32 v21, v19;
	_ =	sdelay $0x1  }
0x294: {  	v40 =	vld [tilespmem:s13+$0x46C0];
	v20 =	vadd.f32 $8.333333770e-03, v20;
	v21 =	vadd.f32 $8.333333770e-03, v21;
	_ =	sdelay $0x1  }
0x295: {  	v20 =	vmul.f32 v20, v18;
	v21 =	vmul.f32 v21, v19  }
0x296: {  	v41 =	vunpack.i.u.bf16.f32 v38;
	v22 =	vunpack.i.l.bf16.f32 v38;
	v42 =	vunpack.i.u.bf16.f32 v39  }
0x297: {  	v23 =	vunpack.i.l.bf16.f32 v39;
	v20 =	vadd.f32 $-1.666666720e-01, v20;
	v21 =	vadd.f32 $-1.666666720e-01, v21  }
0x298: {  	v43 =	vunpack.i.u.bf16.f32 v40;
	v22 =	vmul.f32 v23, v22;
	v44 =	vmul.f32 v42, v41  }
0x299: {  	v24 =	vunpack.i.l.bf16.f32 v40;
	v18 =	vmul.f32 v20, v18;
	v19 =	vmul.f32 v21, v19  }
0x29a: {  	v45 =	vsub.f32 v22, v24;
	v46 =	vsub.f32 v44, v43  }
0x29b: {  	v18 =	vadd.f32 $1.000000000e+00, v18;
	v19 =	vadd.f32 $1.000000000e+00, v19  }
0x29c: {  	v20 =	vmul.f32 v45, v45;
	v21 =	vmul.f32 v46, v46  }
0x29d: {  	v17 =	vmul.f32 v18, v17;
	v16 =	vmul.f32 v19, v16;
	_ =	sdelay $0x1  }
0x29e: {  	v47 =	vadd.f32 v20, v21;
	v17 =	vand.u32 $0x7FFFFFFF, v17;
	v16 =	vand.u32 $0x7FFFFFFF, v16  }
0x29f: {  	v16 =	vadd.f32 v17, v16  }
0x2a0: {  	[tilespmem:$0xC6C0] =	vst v47  }
0x2a1: {  	[tilespmem:$0xC7C0] =	vst v16  }
0x2a2: {  	v16 =	vld [tilespmem:s13+$0x26D0]  }
0x2a3: {  	v17 =	vld [tilespmem:s13+$0xA6D0];
	_ =	sdelay $0x1  }
0x2a4: {  	v18 =	vld [tilespmem:s13+$0x66D0];
	_ =	sdelay $0x1  }
0x2a5: {  	v48 =	vunpack.i.l.bf16.f32 v16  }
0x2a6: {  	v49 =	vunpack.i.l.bf16.f32 v17;
	v16 =	vunpack.i.u.bf16.f32 v16;
	v17 =	vunpack.i.u.bf16.f32 v17  }
0x2a7: {  	v19 =	vadd.f32 v49, v48;
	v16 =	vadd.f32 v17, v16  }
0x2a8: {  	v50 =	vunpack.i.l.bf16.f32 v18;
	v17 =	vunpack.i.u.bf16.f32 v18  }
0x2a9: {  	v51 =	vsub.f32 v19, v50;
	v16 =	vsub.f32 v16, v17;
	_ =	sdelay $0x1  }
0x2aa: {  	v17 =	vmul.f32 $1.591549370e-01, v51;
	v52 =	vmul.f32 $1.591549370e-01, v16;
	_ =	sdelay $0x1  }
0x2ab: {  	v17 =	vadd.f32 $1.258291200e+07, v17;
	v19 =	vadd.f32 $1.258291200e+07, v52;
	_ =	sdelay $0x1  }
0x2ac: {  	v17 =	vadd.f32 $-1.258291200e+07, v17;
	v19 =	vadd.f32 $-1.258291200e+07, v19  }
0x2ad: {  	v18 =	vmul.f32 $5.000000000e-01, v51;
	v16 =	vmul.f32 $5.000000000e-01, v16  }
0x2ae: {  	v53 =	vmul.f32 $3.141592740e+00, v17;
	v54 =	vmul.f32 $3.141592740e+00, v19  }
0x2af: {  	v17 =	vmul.f32 $8.742277650e-08, v17  }
0x2b0: {  	v19 =	vmul.f32 $8.742277650e-08, v19;
	v18 =	vsub.f32 v18, v53;
	v16 =	vsub.f32 v16, v54;
	_ =	sdelay $0x1  }
0x2b1: {  	v17 =	vadd.f32 v17, v18;
	v16 =	vadd.f32 v19, v16;
	_ =	sdelay $0x1  }
0x2b2: {  	v18 =	vmul.f32 v17, v17;
	v19 =	vmul.f32 v16, v16;
	_ =	sdelay $0x1  }
0x2b3: {  	v55 =	vmul.f32 $2.505210790e-08, v18;
	v56 =	vmul.f32 $2.505210790e-08, v19;
	_ =	sdelay $0x1  }
0x2b4: {  	v20 =	vsub.f32 $2.755731880e-06, v55;
	v21 =	vsub.f32 $2.755731880e-06, v56;
	_ =	sdelay $0x1  }
0x2b5: {  	v20 =	vmul.f32 v20, v18;
	v21 =	vmul.f32 v21, v19;
	_ =	sdelay $0x1  }
0x2b6: {  	v20 =	vadd.f32 $-1.984127010e-04, v20;
	v21 =	vadd.f32 $-1.984127010e-04, v21  }
0x2b7: {  	v57 =	vld [tilespmem:s13+$0x6D0]  }
0x2b8: {  	v58 =	vld [tilespmem:s13+$0x86D0];
	v20 =	vmul.f32 v20, v18;
	v21 =	vmul.f32 v21, v19;
	_ =	sdelay $0x1  }
0x2b9: {  	v59 =	vld [tilespmem:s13+$0x46D0];
	v20 =	vadd.f32 $8.333333770e-03, v20;
	v21 =	vadd.f32 $8.333333770e-03, v21;
	_ =	sdelay $0x1  }
0x2ba: {  	v20 =	vmul.f32 v20, v18;
	v21 =	vmul.f32 v21, v19  }
0x2bb: {  	v60 =	vunpack.i.u.bf16.f32 v57;
	v22 =	vunpack.i.l.bf16.f32 v57;
	v61 =	vunpack.i.u.bf16.f32 v58  }
0x2bc: {  	v23 =	vunpack.i.l.bf16.f32 v58;
	v20 =	vadd.f32 $-1.666666720e-01, v20;
	v21 =	vadd.f32 $-1.666666720e-01, v21  }
0x2bd: {  	v62 =	vunpack.i.u.bf16.f32 v59;
	v22 =	vmul.f32 v23, v22;
	v63 =	vmul.f32 v61, v60  }
0x2be: {  	v24 =	vunpack.i.l.bf16.f32 v59;
	v18 =	vmul.f32 v20, v18;
	v19 =	vmul.f32 v21, v19  }
0x2bf: {  	v28 =	vsub.f32 v22, v24;
	v29 =	vsub.f32 v63, v62  }
0x2c0: {  	v18 =	vadd.f32 $1.000000000e+00, v18;
	v19 =	vadd.f32 $1.000000000e+00, v19  }
0x2c1: {  	v20 =	vmul.f32 v28, v28;
	v21 =	vmul.f32 v29, v29  }
0x2c2: {  	v17 =	vmul.f32 v18, v17;
	v16 =	vmul.f32 v19, v16;
	_ =	sdelay $0x1  }
0x2c3: {  	v30 =	vadd.f32 v20, v21;
	v17 =	vand.u32 $0x7FFFFFFF, v17;
	v16 =	vand.u32 $0x7FFFFFFF, v16  }
0x2c4: {  	v16 =	vadd.f32 v17, v16  }
0x2c5: {  	[tilespmem:$0xC6D0] =	vst v30  }
0x2c6: {  	[tilespmem:$0xC7D0] =	vst v16  }
0x2c7: {  	v16 =	vld [tilespmem:s13+$0x26E0]  }
0x2c8: {  	v17 =	vld [tilespmem:s13+$0xA6E0];
	_ =	sdelay $0x1  }
0x2c9: {  	v18 =	vld [tilespmem:s13+$0x66E0];
	_ =	sdelay $0x1  }
0x2ca: {  	v31 =	vunpack.i.l.bf16.f32 v16  }
0x2cb: {  	v32 =	vunpack.i.l.bf16.f32 v17;
	v16 =	vunpack.i.u.bf16.f32 v16;
	v17 =	vunpack.i.u.bf16.f32 v17  }
0x2cc: {  	v19 =	vadd.f32 v32, v31;
	v16 =	vadd.f32 v17, v16  }
0x2cd: {  	v33 =	vunpack.i.l.bf16.f32 v18;
	v17 =	vunpack.i.u.bf16.f32 v18  }
0x2ce: {  	v34 =	vsub.f32 v19, v33;
	v16 =	vsub.f32 v16, v17;
	_ =	sdelay $0x1  }
0x2cf: {  	v17 =	vmul.f32 $1.591549370e-01, v34;
	v35 =	vmul.f32 $1.591549370e-01, v16;
	_ =	sdelay $0x1  }
0x2d0: {  	v17 =	vadd.f32 $1.258291200e+07, v17;
	v19 =	vadd.f32 $1.258291200e+07, v35;
	_ =	sdelay $0x1  }
0x2d1: {  	v17 =	vadd.f32 $-1.258291200e+07, v17;
	v19 =	vadd.f32 $-1.258291200e+07, v19  }
0x2d2: {  	v18 =	vmul.f32 $5.000000000e-01, v34;
	v16 =	vmul.f32 $5.000000000e-01, v16  }
0x2d3: {  	v36 =	vmul.f32 $3.141592740e+00, v17;
	v37 =	vmul.f32 $3.141592740e+00, v19  }
0x2d4: {  	v17 =	vmul.f32 $8.742277650e-08, v17  }
0x2d5: {  	v19 =	vmul.f32 $8.742277650e-08, v19;
	v18 =	vsub.f32 v18, v36;
	v16 =	vsub.f32 v16, v37;
	_ =	sdelay $0x1  }
0x2d6: {  	v17 =	vadd.f32 v17, v18;
	v16 =	vadd.f32 v19, v16;
	_ =	sdelay $0x1  }
0x2d7: {  	v18 =	vmul.f32 v17, v17;
	v19 =	vmul.f32 v16, v16;
	_ =	sdelay $0x1  }
0x2d8: {  	v38 =	vmul.f32 $2.505210790e-08, v18;
	v39 =	vmul.f32 $2.505210790e-08, v19;
	_ =	sdelay $0x1  }
0x2d9: {  	v20 =	vsub.f32 $2.755731880e-06, v38;
	v21 =	vsub.f32 $2.755731880e-06, v39;
	_ =	sdelay $0x1  }
0x2da: {  	v20 =	vmul.f32 v20, v18;
	v21 =	vmul.f32 v21, v19;
	_ =	sdelay $0x1  }
0x2db: {  	v20 =	vadd.f32 $-1.984127010e-04, v20;
	v21 =	vadd.f32 $-1.984127010e-04, v21  }
0x2dc: {  	v40 =	vld [tilespmem:s13+$0x6E0]  }
0x2dd: {  	v41 =	vld [tilespmem:s13+$0x86E0];
	v20 =	vmul.f32 v20, v18;
	v21 =	vmul.f32 v21, v19;
	_ =	sdelay $0x1  }
0x2de: {  	v42 =	vld [tilespmem:s13+$0x46E0];
	v20 =	vadd.f32 $8.333333770e-03, v20;
	v21 =	vadd.f32 $8.333333770e-03, v21;
	_ =	sdelay $0x1  }
0x2df: {  	v20 =	vmul.f32 v20, v18;
	v21 =	vmul.f32 v21, v19  }
0x2e0: {  	v43 =	vunpack.i.u.bf16.f32 v40;
	v22 =	vunpack.i.l.bf16.f32 v40;
	v44 =	vunpack.i.u.bf16.f32 v41  }
0x2e1: {  	v23 =	vunpack.i.l.bf16.f32 v41;
	v20 =	vadd.f32 $-1.666666720e-01, v20;
	v21 =	vadd.f32 $-1.666666720e-01, v21  }
0x2e2: {  	v45 =	vunpack.i.u.bf16.f32 v42;
	v22 =	vmul.f32 v23, v22;
	v46 =	vmul.f32 v44, v43  }
0x2e3: {  	v24 =	vunpack.i.l.bf16.f32 v42;
	v18 =	vmul.f32 v20, v18;
	v19 =	vmul.f32 v21, v19  }
0x2e4: {  	v47 =	vsub.f32 v22, v24;
	v48 =	vsub.f32 v46, v45  }
0x2e5: {  	v18 =	vadd.f32 $1.000000000e+00, v18;
	v19 =	vadd.f32 $1.000000000e+00, v19  }
0x2e6: {  	v20 =	vmul.f32 v47, v47;
	v21 =	vmul.f32 v48, v48  }
0x2e7: {  	v17 =	vmul.f32 v18, v17;
	v16 =	vmul.f32 v19, v16;
	_ =	sdelay $0x1  }
0x2e8: {  	v49 =	vadd.f32 v20, v21;
	v17 =	vand.u32 $0x7FFFFFFF, v17;
	v16 =	vand.u32 $0x7FFFFFFF, v16  }
0x2e9: {  	v16 =	vadd.f32 v17, v16  }
0x2ea: {  	[tilespmem:$0xC6E0] =	vst v49  }
0x2eb: {  	[tilespmem:$0xC7E0] =	vst v16  }
0x2ec: {  	v16 =	vld [tilespmem:s13+$0x26F0]  }
0x2ed: {  	v17 =	vld [tilespmem:s13+$0xA6F0];
	_ =	sdelay $0x1  }
0x2ee: {  	v18 =	vld [tilespmem:s13+$0x66F0];
	_ =	sdelay $0x1  }
0x2ef: {  	v50 =	vunpack.i.l.bf16.f32 v16  }
0x2f0: {  	v51 =	vunpack.i.l.bf16.f32 v17;
	v16 =	vunpack.i.u.bf16.f32 v16;
	v17 =	vunpack.i.u.bf16.f32 v17  }
0x2f1: {  	v19 =	vadd.f32 v51, v50;
	v16 =	vadd.f32 v17, v16  }
0x2f2: {  	v52 =	vunpack.i.l.bf16.f32 v18;
	v17 =	vunpack.i.u.bf16.f32 v18  }
0x2f3: {  	v53 =	vsub.f32 v19, v52;
	v16 =	vsub.f32 v16, v17;
	_ =	sdelay $0x1  }
0x2f4: {  	v17 =	vmul.f32 $1.591549370e-01, v53;
	v54 =	vmul.f32 $1.591549370e-01, v16;
	_ =	sdelay $0x1  }
0x2f5: {  	v17 =	vadd.f32 $1.258291200e+07, v17;
	v19 =	vadd.f32 $1.258291200e+07, v54;
	_ =	sdelay $0x1  }
0x2f6: {  	v17 =	vadd.f32 $-1.258291200e+07, v17;
	v19 =	vadd.f32 $-1.258291200e+07, v19  }
0x2f7: {  	v18 =	vmul.f32 $5.000000000e-01, v53;
	v16 =	vmul.f32 $5.000000000e-01, v16  }
0x2f8: {  	v55 =	vmul.f32 $3.141592740e+00, v17;
	v56 =	vmul.f32 $3.141592740e+00, v19  }
0x2f9: {  	v17 =	vmul.f32 $8.742277650e-08, v17  }
0x2fa: {  	v19 =	vmul.f32 $8.742277650e-08, v19;
	v18 =	vsub.f32 v18, v55;
	v16 =	vsub.f32 v16, v56;
	_ =	sdelay $0x1  }
0x2fb: {  	v17 =	vadd.f32 v17, v18;
	v16 =	vadd.f32 v19, v16;
	_ =	sdelay $0x1  }
0x2fc: {  	v18 =	vmul.f32 v17, v17;
	v19 =	vmul.f32 v16, v16;
	_ =	sdelay $0x1  }
0x2fd: {  	v57 =	vmul.f32 $2.505210790e-08, v18;
	v58 =	vmul.f32 $2.505210790e-08, v19;
	_ =	sdelay $0x1  }
0x2fe: {  	v20 =	vsub.f32 $2.755731880e-06, v57;
	v21 =	vsub.f32 $2.755731880e-06, v58;
	_ =	sdelay $0x1  }
0x2ff: {  	v20 =	vmul.f32 v20, v18;
	v21 =	vmul.f32 v21, v19;
	_ =	sdelay $0x1  }
0x300: {  	v20 =	vadd.f32 $-1.984127010e-04, v20;
	v21 =	vadd.f32 $-1.984127010e-04, v21  }
0x301: {  	v59 =	vld [tilespmem:s13+$0x6F0]  }
0x302: {  	v60 =	vld [tilespmem:s13+$0x86F0];
	v20 =	vmul.f32 v20, v18;
	v21 =	vmul.f32 v21, v19;
	_ =	sdelay $0x1  }
0x303: {  	v61 =	vld [tilespmem:s13+$0x46F0];
	v20 =	vadd.f32 $8.333333770e-03, v20;
	v21 =	vadd.f32 $8.333333770e-03, v21;
	_ =	sdelay $0x1  }
0x304: {  	v20 =	vmul.f32 v20, v18;
	v21 =	vmul.f32 v21, v19  }
0x305: {  	v62 =	vunpack.i.u.bf16.f32 v59;
	v22 =	vunpack.i.l.bf16.f32 v59;
	v63 =	vunpack.i.u.bf16.f32 v60  }
0x306: {  	v23 =	vunpack.i.l.bf16.f32 v60;
	v20 =	vadd.f32 $-1.666666720e-01, v20;
	v21 =	vadd.f32 $-1.666666720e-01, v21  }
0x307: {  	v30 =	vunpack.i.u.bf16.f32 v61;
	v22 =	vmul.f32 v23, v22;
	v31 =	vmul.f32 v63, v62  }
0x308: {  	v24 =	vunpack.i.l.bf16.f32 v61;
	v18 =	vmul.f32 v20, v18;
	v19 =	vmul.f32 v21, v19  }
0x309: {  	v32 =	vsub.f32 v22, v24;
	v33 =	vsub.f32 v31, v30  }
0x30a: {  	v18 =	vadd.f32 $1.000000000e+00, v18;
	v19 =	vadd.f32 $1.000000000e+00, v19  }
0x30b: {  	v20 =	vmul.f32 v32, v32;
	v21 =	vmul.f32 v33, v33  }
0x30c: {  	v17 =	vmul.f32 v18, v17;
	v16 =	vmul.f32 v19, v16;
	_ =	sdelay $0x1  }
0x30d: {  	v34 =	vadd.f32 v20, v21;
	v17 =	vand.u32 $0x7FFFFFFF, v17;
	v16 =	vand.u32 $0x7FFFFFFF, v16  }
0x30e: {  	v16 =	vadd.f32 v17, v16  }
0x30f: {  	[tilespmem:$0xC6F0] =	vst v34  }
0x310: {  	[tilespmem:$0xC7F0] =	vst v16  }
0x311: {  	v16 =	vld.idx.msk [tilespmem:v0+s8+$0x0], $0xffff  }
0x312: {  	v17 =	vld.idx.msk [tilespmem:v1+s8+$0x0], $0xffff;
	_ =	sdelay $0x1  }
0x313: {  	v18 =	vld.idx.msk [tilespmem:v2+s8+$0x0], $0xffff;
	_ =	sdelay $0x1  }
0x314: {  	v35 =	vld.idx.msk [tilespmem:v3+s8+$0x0], $0xffff  }
0x315: {  	v16 =	vadd.f32 v17, v16  }
0x316: {  	v17 =	vld.idx.msk [tilespmem:v4+s8+$0x0], $0xffff  }
0x317: {  	v16 =	vadd.f32 v18, v16  }
0x318: {  	v36 =	vld.idx.msk [tilespmem:v5+s8+$0x0], $0xffff  }
0x319: {  	v16 =	vadd.f32 v35, v16  }
0x31a: {  	v37 =	vld.idx.msk [tilespmem:v6+s8+$0x0], $0xffff  }
0x31b: {  	v16 =	vadd.f32 v17, v16  }
0x31c: {  	v17 =	vld.idx.msk [tilespmem:v7+s8+$0x0], $0xffff  }
0x31d: {  	v16 =	vadd.f32 v36, v16  }
0x31e: {  	v38 =	vld.idx.msk [tilespmem:v8+s8+$0x0], $0xffff  }
0x31f: {  	v16 =	vadd.f32 v37, v16  }
0x320: {  	v39 =	vld.idx.msk [tilespmem:v9+s8+$0x0], $0xffff  }
0x321: {  	v16 =	vadd.f32 v17, v16  }
0x322: {  	v17 =	vld.idx.msk [tilespmem:v10+s8+$0x0], $0xffff  }
0x323: {  	v16 =	vadd.f32 v38, v16  }
0x324: {  	v40 =	vld.idx.msk [tilespmem:v11+s8+$0x0], $0xffff  }
0x325: {  	v16 =	vadd.f32 v39, v16  }
0x326: {  	v41 =	vld.idx.msk [tilespmem:v12+s8+$0x0], $0xffff  }
0x327: {  	v16 =	vadd.f32 v17, v16  }
0x328: {  	v17 =	vld.idx.msk [tilespmem:v13+s8+$0x0], $0xffff  }
0x329: {  	v16 =	vadd.f32 v40, v16  }
0x32a: {  	v42 =	vld.idx.msk [tilespmem:v14+s8+$0x0], $0xffff  }
0x32b: {  	v16 =	vadd.f32 v41, v16  }
0x32c: {  	v43 =	vld.idx.msk [tilespmem:v15+s8+$0x0], $0xffff  }
0x32d: {  	v16 =	vadd.f32 v17, v16;
	_ =	sdelay $0x1  }
0x32e: {  	v16 =	vadd.f32 v42, v16;
	_ =	sdelay $0x1  }
0x32f: {  	v16 =	vadd.f32 v43, v16;
	_ =	sdelay $0x1  }
0x330: {  	v17 =	vshra.s32 v16, $0x1  }
0x331: {  	v17 =	vadd.s32 $0x1FBD1DF5, v17  }
0x332: {  	(erf) = vrcp.f32 v17;
	_ =	sdelay $0x8  }
0x333: {  	v44 =	vpop (erf)  }
0x334: {  	v18 =	vmul.f32 v44, v16;
	_ =	sdelay $0x1  }
0x335: {  	v17 =	vadd.f32 v17, v18;
	_ =	sdelay $0x1  }
0x336: {  	v45 =	vld.idx.msk [tilespmem:v0+s9+$0x0], $0xffff;
	v17 =	vmul.f32 $5.000000000e-01, v17  }
0x337: {  	v46 =	vld.idx.msk [tilespmem:v1+s9+$0x0], $0xffff  }
0x338: {  	(erf) = vrcp.f32 v17  }
0x339: {  	v47 =	vld.idx.msk [tilespmem:v2+s9+$0x0], $0xffff;
	_ =	sdelay $0x1  }
0x33a: {  	v48 =	vld.idx.msk [tilespmem:v3+s9+$0x0], $0xffff  }
0x33b: {  	v18 =	vadd.f32 v46, v45  }
0x33c: {  	v49 =	vld.idx.msk [tilespmem:v4+s9+$0x0], $0xffff  }
0x33d: {  	v18 =	vadd.f32 v47, v18  }
0x33e: {  	v50 =	vld.idx.msk [tilespmem:v5+s9+$0x0], $0xffff  }
0x33f: {  	v18 =	vadd.f32 v48, v18  }
0x340: {  	v51 =	vld.idx.msk [tilespmem:v6+s9+$0x0], $0xffff;
	v52 =	vpop (erf)  }
0x341: {  	v18 =	vadd.f32 v49, v18;
	v53 =	vmul.f32 v52, v16  }
0x342: {  	v54 =	vld.idx.msk [tilespmem:v7+s9+$0x0], $0xffff  }
0x343: {  	v18 =	vadd.f32 v50, v18;
	v17 =	vadd.f32 v53, v17  }
0x344: {  	v55 =	vld.idx.msk [tilespmem:v8+s9+$0x0], $0xffff  }
0x345: {  	v18 =	vadd.f32 v51, v18;
	v17 =	vmul.f32 $5.000000000e-01, v17  }
0x346: {  	v56 =	vld.idx.msk [tilespmem:v9+s9+$0x0], $0xffff  }
0x347: {  	v18 =	vadd.f32 v54, v18;
	(erf) = vrcp.f32 v17  }
0x348: {  	v57 =	vld.idx.msk [tilespmem:v10+s9+$0x0], $0xffff  }
0x349: {  	v18 =	vadd.f32 v55, v18  }
0x34a: {  	v58 =	vld.idx.msk [tilespmem:v11+s9+$0x0], $0xffff  }
0x34b: {  	v18 =	vadd.f32 v56, v18  }
0x34c: {  	v59 =	vld.idx.msk [tilespmem:v12+s9+$0x0], $0xffff  }
0x34d: {  	v18 =	vadd.f32 v57, v18  }
0x34e: {  	v60 =	vld.idx.msk [tilespmem:v13+s9+$0x0], $0xffff  }
0x34f: {  	v18 =	vadd.f32 v58, v18  }
0x350: {  	v61 =	vld.idx.msk [tilespmem:v14+s9+$0x0], $0xffff;
	v62 =	vpop (erf)  }
0x351: {  	v18 =	vadd.f32 v59, v18;
	v16 =	vmul.f32 v62, v16  }
0x352: {  	v63 =	vld.idx.msk [tilespmem:v15+s9+$0x0], $0xffff  }
0x353: {  	v18 =	vadd.f32 v60, v18;
	v16 =	vadd.f32 v16, v17;
	_ =	sdelay $0x1  }
0x354: {  	v17 =	vadd.f32 v61, v18;
	v16 =	vmul.f32 $5.000000000e-01, v16  }
0x355: {  	p0 =	sne.s32 s12, $0x7C00  }
.Ltmp0:
0x356: {  	v17 =	vadd.f32 v63, v17;
	v16 =	vmul.f32 $4.000000000e+00, v16;
	(pc) =	sbr.rel @p0 .LBB2_2-.Ltmp0, $3  }
0x357: {  	_ = 	snop  }
0x358: {  	v16 =	vadd.f32 v16, v17;
	_ =	sdelay $0x1  }
0x359: {  	s12 =	sadd.s32 $0x400, s12;
	[tilespmem:s11+$0x0] =	vst v16;
	s11 =	sadd.s32 $0x10, s11  }
0x35a: {  	s10 =	sadd.s32 $0x1, s10  }
0x35b: {  	p0 =	sne.s32 s10, s20  }
.Ltmp1:
0x35c: {  	s11 =	simm.s32 $0xC800;
	(pc) =	sbr.rel @p0 .LBB2_1-.Ltmp1, $4  }
0x35d: {  	[hbm4b:s19+s1] =	stream.linear.scatter [tilespmem:s11], [sflag:$0x2], $0x200, $0x38;
	[tilespmem:$0xCA00] =	vst v63  }
0x35e: {  	_ =	swait.ge [sflag:s21], $0x200  }
0x35f: {  	[sflag:s21] =	ssyncset.done $0x0  }
0x360: {  	[sflag:s21] =	ssyncadd.s32 $0xFFFFFE00  }
0x361: {  	_ =	sfence.sel $0x180000  }
0x362: {  	[bflag:$0x0] =	sbarrier.arrive $0xFFFF  }
0x363: {  	_ =	strace $0x9000004D  }
0x364: {  	s0 =	stileid.u32;
	[bflag:$0x2] =	sbarrier.arrive $0xFFFF  }
0x365: {  	p0 =	sne.s32 s0, $0x0;
	s0 =	rddreg [dreg:$0x5]  }
0x366: {  	s0 =	sadd.s32 @!p0 $0x100000, s0  }
0x367: {  	[sflag:s0] =	ssyncadd.tile.s32 @!p0 $0x1;
	_ =	shalt  }
.Lfunc_end2:
_tile_overlayer_lowered:
.L_overlay_start_2:
0x368: {  	(tag) =	ssettag $0x2  }
0x369: {  	s0 =	rddreg [dreg:$0x0];
	s2 =	stileid.u32  }
0x36a: {  	s1 =	rddreg [dreg:$0x1];
	p0 =	sne.s32 s2, $0x0  }
0x36b: {  	s3 =	rddreg [dreg:$0x2];
	[bflag:$0x3] =	sbarrier.arrive $0xFFFF;
	s2 =	simm.s32 @!p0 $0x1C02  }
0x36c: {  	[timem:s3], [sflag:s2] =	dma.local @!p0 [hbm:s0], s1  }
0x36d: {  	s0 =	simm.s32 @!p0 $0x2  }
0x36e: {  	_ =	swait.ge @!p0 [sflag:s0], s1  }
0x36f: {  	s1 =	ssub.s32 @!p0 $0x0, s1;
	[sflag:s0] =	ssyncset.done @!p0 $0x0  }
0x370: {  	[sflag:s0] =	ssyncadd.s32 @!p0 s1  }
0x371: {  	[bflag:$0x3] =	sbarrier.arrive $0xFFFF  }
0x372: {  	_ =	shalt  }

// kernel: sparse-core-data-format-call.1.cloned.1.call-start
scs
called_computation.1_lowered:
.L_overlay_start_0:
0x0: {  	s1 =	sld [smem:$0x3FD9]  }
0x1: {  	s2 =	sld [smem:$0x3FFE];
	_ =	sdelay $0x1  }
0x2: {  	s3 =	srdreg.scid  }
0x3: {  	s0 =	sand.u32 $0x1, s3  }
0x4: {  	s17 =	sshll.u32 s0, $0xA;
	s1 =	sadd.s32 s2, s1  }
0x5: {  	s1 =	sadd.s32 s1, s17  }
0x6: {  	[smem:$0x3FC1] =	sst s1  }
0x7: {  	_ = 	snop  }
0x8: {  	(tm) =	ssettm $0x1  }
0x9: {  	s18 =	sld [smem:$0x3FFB];
	_ =	sdelay $0x3  }
0xa: {  	_ =	strace s18  }
0xb: {  	s1 =	sld [smem:$0x3FFC];
	_ =	sdelay $0x3  }
0xc: {  	_ =	strace s1  }
0xd: {  	s1 =	sld [smem:$0x3FFD];
	_ =	sdelay $0x3  }
0xe: {  	_ =	strace s1  }
0xf: {  	_ =	strace $0x8FFFFFFF  }
0x10: {  	s19 =	sld [smem:$0x3FDB];
	_ =	sdelay $0x1  }
0x11: {  	s20 =	simm.s32 $_scs_section_size  }
0x12: {  	s4 =	simm.s32 $_size__tile_overlayer_lowered;
	s5 =	simm.s32 $_tile_overlayer_lowered  }
0x13: {  	s23 =	simm.s32 $0x1BFF;
	s22 =	sshll.u32 s5, $0x1;
	s1 =	sadd.s32 s20, s19  }
0x14: {  	s6 =	simm.s32 $0x0;
	s21 =	sshll.u32 s4, $0x1;
	s4 =	sadd.s32 s22, s1  }
0x15: {  	[timem:s6], [sflag:s23] =	dma.local [hbm:s4], s21  }
0x16: {  	_ =	swait.ge [sflag:s23], s21  }
0x17: {  	s2 =	ssub.s32 $0x0, s21;
	[sflag:s23] =	ssyncset.done $0x0  }
0x18: {  	[sflag:s23] =	ssyncadd.s32 s2;
	_ =	sdelay $0x1  }
0x19: {  	s24 =	simm.s32 $0x1B8B  }
0x1a: {  	_ =	swait.ge [sflag:s24], $0x1  }
0x1b: {  	[sflag:s24] =	ssyncset.done $0x0  }
0x1c: {  	s26 =	simm.s32 $0x1B8E;
	s25 =	sld [smem:$0x3FFE];
	[sflag:s24] =	ssyncadd.s32 $0xFFFFFFFF  }
0x1d: {  	s27 =	simm.s32 $execute0_lowered;
	[smem:$0x3FD2] =	sst s26  }
0x1e: {  	s4 =	sshll.u32 s27, $0x1;
	_ =	strace $0x80000046;
	[dreg:$0x1] =	wrdreg $0xFFFFFFFF  }
0x1f: {  	s28 =	simm.s32 $_size_execute0_lowered;
	s1 =	sadd.s32 s1, s4;
	[dreg:$0x0] =	wrdreg $0x0  }
0x20: {  	s4 =	sshll.u32 s28, $0x1;
	[dreg:$0x2] =	wrdreg s1  }
0x21: {  	[dreg:$0x3] =	wrdreg s4  }
0x22: {  	[dreg:$0x4] =	wrdreg $0xC0  }
0x23: {  	_ =	task [dreg:s6], $0x5FFFF  }
0x24: {  	[dreg:$0x1] =	wrdreg $0xFFFFFFFF  }
0x25: {  	[dreg:$0x0] =	wrdreg $0x60  }
0x26: {  	[dreg:$0x2] =	wrdreg s25  }
0x27: {  	[dreg:$0x3] =	wrdreg $0xA  }
0x28: {  	_ =	task.clear_ibuf [dreg:s6], $0x4FFFF;
	_ =	strace $0x90000046  }
0x29: {  	s29 =	simm.s32 $0xA;
	_ =	strace $0x80000048  }
0x2a: {  	_ =	swait.ge [sflag:s29], $0x1  }
0x2b: {  	[sflag:s29] =	ssyncadd.s32 $0xFFFFFFFF  }
0x2c: {  	_ =	strace $0x90000048  }
0x2d: {  	_ =	sfence  }
0x2e: {  	s30 =	sld [smem:$0x0];
	_ =	sdelay $0x2  }
0x2f: {  	s31 =	sshll.u32 s3, $0xD;
	s3 =	sshrl.u32 s3, $0x2  }
0x30: {  	s2 =	sand.u32 $0x4000, s31;
	s1 =	sadd.s32 s3, s30  }
0x31: {  	s0 =	sor.u32 s2, s0;
	s1 =	sshll.u32 s1, $0x11  }
0x32: {  	s0 =	sor.u32 s1, s0  }
0x33: {  	s0 =	sadd.s32 $0x8F2B, s0  }
0x34: {  	[sflag:s0] =	ssyncadd.remote.s32 $0x1  }
0x35: {  	_ =	sfence.sel $0xFFFF  }
0x36: {  	[dreg:$0x0] =	wrdreg $0xFFFFFFFF;
	(pc) =	sbr.abs _section_cstart, $3  }
0x37: {  	[dreg:$0x1] =	wrdreg $0xFFFFFFFF  }
0x38: {  	_ =	task.clear_ibuf [dreg:s6], $0x2FFFF;
	_ =	strace $0x9FFFFFFF  }
0x39: {  	(tm) =	ssettm $0x7FFFFFFF  }
tec
execute0_lowered:
.L_overlay_start_1:
0x0: {  	(tag) =	ssettag $0x1  }
0x1: {  	s0 =	srdreg.scid  }
0x2: {  	s5 =	rddreg [dreg:$0x0];
	s1 =	stileid.u32;
	s4 =	simm.s32 $0x1  }
0x3: {  	s6 =	simm.s32 $0x2;
	s8 =	simm.s32 $0x0;
	s2 =	sshll.u32 s0, $0x4  }
0x4: {  	s9 =	simm.s32 $0x0;
	s13 =	simm.s32 $0x0;
	s2 =	sand.u32 $0x10, s2  }
.Ltmp0:
0x5: {  	s10 =	simm.s32 $0x0;
	s3 =	sor.u32 s1, s2;
	(pc) =	sbr.rel .LBB1_1-.Ltmp0, $4  }
0x6: {  	s0 =	rddreg [dreg:$0x1];
	_ =	strace $0x80000047;
	s3 =	sshll.u32 s3, $0x4  }
0x7: {  	s12 =	simm.s32 $0x0;
	[sflag:s4] =	ssyncpa.u1 $0x0;
	s7 =	ssub.s32 $0x3D00, s3  }
0x8: {  	s2 =	sadd.s32 $0x1000, s5;
	[sflag:s6] =	ssyncpa.u1 $0x0;
	s6 =	sshrl.u32 s7, $0x9  }
0x9: {  	s5 =	sadd.s32 $0x1E9600, s5;
	s11 =	smov.u32 s3;
	s7 =	sadd.s32 $0x2, s6  }
.LBB1_7:
0xa: {  	s15 =	sshll.u32 s12, $0xF  }
0xb: {  	s15 =	sand.u32 $0x8000, s15  }
0xc: {  	s16 =	sshll.u32 s10, $0x7;
	s15 =	sshrl.u32 s15, $0x1  }
0xd: {  	s16 =	sadd.s32 s5, s16;
	s15 =	sor.u32 $0x8000, s15  }
0xe: {  	[hbm4b:s16+s8] =	stream.linear.scatter [tilespmem:s15], [sflag:$0x2], s14, $0x38;
	[tilespmem:$0x10000] =	vst v63  }
.LBB1_8:
0xf: {  	p0 =	slt.u32 s12, $0x2  }
0x10: {  	p1 =	sgt.s32 @!p0 s13, $0x3CF9  }
0x11: {  	s14 =	smov.u32 s13;
	s15 =	sshra.s32 @!p0 s13, $0x1F;
	p1 =	por !p1, p0  }
0x12: {  	s13 =	sand.u32 @!p0 s15, s13;
	s14 =	simm.s32 @p1 $0x3CF9  }
0x13: {  	s13 =	ssub.s32 @!p0 s14, s13  }
0x14: {  	s13 =	sadd.s32 @!p0 $0xFFFFC307, s13  }
0x15: {  	s14 =	sshll.u32 @!p0 s13, $0xC  }
0x16: {  	p1 =	sgt.s32 @!p0 s13, $0xF;
	s13 =	ssub.s32 @!p0 $0x10000, s14  }
0x17: {  	s15 =	sadd.s32 $0x200, s11;
	p1 =	por !p1, p0;
	s13 =	sshrl.u32 @!p0 s13, $0x2  }
0x18: {  	s13 =	simm.s32 @!p1 $0x0;
	p1 =	sgt.s32 s15, $0x3D08  }
0x19: {  	s15 =	smov.u32 @p1 s3;
	p1 =	sne.s32 s12, s7  }
.Ltmp1:
0x1a: {  	_ = 	snop;
	(pc) =	sbr.rel @!p1 .LBB1_9-.Ltmp1, $4  }
0x1b: {  	s14 =	simm.s32 @!p0 $0x2  }
0x1c: {  	s9 =	sadd.s32 $0x8000, s9;
	_ =	swait.ge @!p0 [sflag:s14], s13;
	s16 =	ssub.s32 @!p0 $0x0, s13  }
0x1d: {  	s13 =	smov.u32 s10;
	s12 =	sadd.s32 $0x1, s12;
	[sflag:s14] =	ssyncset.done @!p0 $0x0  }
0x1e: {  	s10 =	smov.u32 s11;
	s11 =	smov.u32 s15;
	[sflag:s14] =	ssyncadd.s32 @!p0 s16  }
.LBB1_1:
0x1f: {  	p0 =	sgt.u32 s12, s6  }
0x20: {  	p1 =	sgt.s32 @!p0 s11, $0x3CF9  }
0x21: {  	s14 =	smov.u32 s11;
	s15 =	sshra.s32 @!p0 s11, $0x1F;
	p1 =	por !p1, p0  }
0x22: {  	s15 =	sand.u32 @!p0 s15, s11;
	s14 =	simm.s32 @p1 $0x3CF9  }
0x23: {  	s14 =	ssub.s32 @!p0 s14, s15  }
0x24: {  	s14 =	sadd.s32 @!p0 $0xFFFFC307, s14  }
0x25: {  	s16 =	sshll.u32 @!p0 s11, $0x7;
	s17 =	simm.s32 @!p0 $0x0;
	s15 =	sshll.u32 @!p0 s14, $0xC  }
0x26: {  	p1 =	sgt.s32 @!p0 s14, $0xF;
	s14 =	ssub.s32 @!p0 $0x10000, s15;
	s15 =	sxor.u32 @!p0 $0xFFFFFFFF, s12  }
0x27: {  	p1 =	por !p1, p0;
	s14 =	sshrl.u32 @!p0 s14, $0x2;
	s15 =	sshll.u32 @!p0 s15, $0xE  }
0x28: {  	s16 =	sadd.s32 @!p0 s2, s16;
	s14 =	simm.s32 @!p1 $0x0;
	s15 =	sand.u32 @!p0 $0x4000, s15  }
0x29: {  	[tilespmem:s15], [sflag:$0x1] =	stream.linear.gather @!p0 [hbm4b:s16+s17], s14, $0x38;
	[tilespmem:$0x10000] =	vst v63  }
0x2a: {  	p0 =	seq.s32 s12, $0x0  }
0x2b: {  	p1 =	sge.u32 @!p0 s12, s7  }
0x2c: {  	p0 =	por p0, p1  }
.Ltmp2:
0x2d: {  	_ = 	snop;
	(pc) =	sbr.rel @p0 .LBB1_8-.Ltmp2, $1  }
0x2e: {  	_ =	sdelay $0x3  }
0x2f: {  	p0 =	sgt.s32 s10, $0x3CF9;
	s14 =	smov.u32 s10;
	s15 =	sshra.s32 s10, $0x1F  }
0x30: {  	s14 =	simm.s32 @!p0 $0x3CF9;
	s15 =	sand.u32 s15, s10  }
0x31: {  	s14 =	ssub.s32 s14, s15  }
0x32: {  	s16 =	sadd.s32 $0x10, s10;
	s14 =	sadd.s32 $0xFFFFC307, s14  }
0x33: {  	p1 =	slt.s32 s16, $0x3D09;
	s30 =	sshll.u32 s14, $0xC  }
0x34: {  	s16 =	simm.s32 @!p1 $0x3D09;
	s15 =	ssub.s32 $0x10000, s30  }
0x35: {  	p0 =	sgt.s32 s14, $0xF;
	s14 =	sshrl.u32 s15, $0x2;
	s15 =	ssub.s32 s16, s10  }
0x36: {  	s14 =	simm.s32 @p0 $0x0;
	p0 =	slt.s32 s15, $0x1  }
.Ltmp3:
0x37: {  	_ = 	snop;
	(pc) =	sbr.rel @p0 .LBB1_7-.Ltmp3, $4  }
0x38: {  	_ = 	snop  }
0x39: {  	_ =	swait.ge [sflag:s4], s14  }
0x3a: {  	s31 =	ssub.s32 $0x0, s14;
	[sflag:s4] =	ssyncset.done $0x0  }
0x3b: {  	[sflag:s4] =	ssyncadd.s32 s31  }
0x3c: {  	s16 =	sshrl.u32 s9, $0x1  }
0x3d: {  	s17 =	sand.u32 $0x4000, s16  }
0x3e: {  	s18 =	simm.s32 $0x0;
	s16 =	sor.u32 $0x200, s17;
	s17 =	sor.u32 $0x8080, s17  }
.LBB1_4:
0x3f: {  	v0 =	vld [tilespmem:s16+$0xFFFFFE70]  }
0x40: {  	v1 =	vld [tilespmem:s16+$0x70]  }
0x41: {  	v2 =	vld [tilespmem:s16+$0x0]  }
0x42: {  	v3 =	vld [tilespmem:s16+$0xFFFFFE10]  }
0x43: {  	v4 =	vld [tilespmem:s16+$0x10]  }
0x44: {  	v5 =	vld [tilespmem:s16+$0xFFFFFE20]  }
0x45: {  	v7 =	vld [tilespmem:s16+$0x20]  }
0x46: {  	v11 =	vld [tilespmem:s16+$0x30];
	v6 =	vunpack.i.l.s16.s32 v0;
	v8 =	vunpack.i.u.s16.s32 v0;
	v9 =	vunpack.i.u.s16.s32 v1  }
0x47: {  	v10 =	vunpack.i.l.s16.s32 v1;
	v0 =	vunpack.i.u.s16.s32 v2;
	v1 =	vunpack.i.l.s16.s32 v2;
	v2 =	vld [tilespmem:s16+$0xFFFFFE30]  }
0x48: {  	v8 =	vpack.i.b32.b16 v9, v8;
	v9 =	vunpack.i.u.s16.s32 v3;
	v3 =	vunpack.i.l.s16.s32 v3  }
0x49: {  	v12 =	vld [tilespmem:s16+$0xFFFFFE40];
	v6 =	vpack.i.b32.b16 v10, v6;
	[tilespmem:s17+$0x70] =	vst v8;
	v8 =	vunpack.i.u.s16.s32 v4;
	v4 =	vunpack.i.l.s16.s32 v4  }
0x4a: {  	v13 =	vld [tilespmem:s16+$0x40];
	v10 =	vunpack.i.u.s16.s32 v5;
	v5 =	vunpack.i.l.s16.s32 v5;
	[tilespmem:s17+$0xFFFFFFF0] =	vst v6;
	v3 =	vpack.i.b32.b16 v4, v3  }
0x4b: {  	v6 =	vunpack.i.l.s16.s32 v7;
	v4 =	vld [tilespmem:s16+$0xFFFFFE50];
	[tilespmem:s17+$0xFFFFFF90] =	vst v3;
	v3 =	vpack.i.b32.b16 v8, v9;
	v8 =	vunpack.i.u.s16.s32 v7  }
0x4c: {  	v7 =	vunpack.i.l.s16.s32 v11;
	[tilespmem:s17+$0x10] =	vst v3;
	v3 =	vpack.i.b32.b16 v6, v5;
	v9 =	vunpack.i.u.s16.s32 v2;
	v6 =	vld [tilespmem:s16+$0x50]  }
0x4d: {  	v5 =	vunpack.i.l.s16.s32 v2;
	v2 =	vld [tilespmem:s16+$0xFFFFFE60];
	[tilespmem:s17+$0xFFFFFFA0] =	vst v3;
	v3 =	vpack.i.b32.b16 v8, v10;
	v10 =	vunpack.i.u.s16.s32 v11  }
0x4e: {  	s21 =	simm.s32 $0x0;
	v11 =	vpack.i.b32.b16 v7, v5;
	v7 =	vunpack.i.u.s16.s32 v12;
	v8 =	vunpack.i.l.s16.s32 v12;
	[tilespmem:s17+$0x20] =	vst v3;
	v3 =	vld [tilespmem:s16+$0x60]  }
0x4f: {  	s22 =	sadd.s32 $0x80, s16;
	s20 =	smov.u32 s17;
	s19 =	smov.u32 s17;
	v5 =	vld [tilespmem:s16+$0xFFFFFE00];
	[tilespmem:s17+$0xFFFFFFB0] =	vst v11;
	v10 =	vpack.i.b32.b16 v10, v9;
	v9 =	vunpack.i.u.s16.s32 v13;
	v11 =	vunpack.i.l.s16.s32 v13  }
.LBB1_5:
0x50: {  	v12 =	vld [tilespmem:s22+$0xFFFFFE70];
	[tilespmem:s20+$0x30] =	vst v10;
	v8 =	vpack.i.b32.b16 v11, v8;
	v10 =	vunpack.i.u.s16.s32 v4;
	v4 =	vunpack.i.l.s16.s32 v4  }
0x51: {  	s21 =	sadd.s32 $0x2, s21;
	v7 =	vpack.i.b32.b16 v9, v7;
	v11 =	vld [tilespmem:s22+$0x70];
	[tilespmem:s20+$0xFFFFFFC0] =	vst v8;
	v8 =	vunpack.i.u.s16.s32 v6;
	v6 =	vunpack.i.l.s16.s32 v6  }
0x52: {  	p0 =	slt.u32 s21, $0x6;
	v9 =	vld [tilespmem:s22+$0x0];
	[tilespmem:s20+$0x40] =	vst v7;
	v4 =	vpack.i.b32.b16 v6, v4;
	v6 =	vunpack.i.u.s16.s32 v2;
	v2 =	vunpack.i.l.s16.s32 v2  }
0x53: {  	v7 =	vld [tilespmem:s22+$0xFFFFFE10];
	[tilespmem:s20+$0xFFFFFFD0] =	vst v4;
	v4 =	vpack.i.b32.b16 v8, v10;
	v8 =	vunpack.i.u.s16.s32 v3;
	v3 =	vunpack.i.l.s16.s32 v3  }
0x54: {  	v10 =	vld [tilespmem:s22+$0x10];
	v13 =	vunpack.i.u.s16.s32 v5;
	v5 =	vunpack.i.l.s16.s32 v5;
	[tilespmem:s20+$0x50] =	vst v4;
	v2 =	vpack.i.b32.b16 v3, v2  }
0x55: {  	v3 =	vld [tilespmem:s22+$0xFFFFFE20];
	v4 =	vunpack.i.l.s16.s32 v12;
	v1 =	vpack.i.b32.b16 v1, v5;
	v5 =	vpack.i.b32.b16 v0, v13;
	[tilespmem:s20+$0xFFFFFFE0] =	vst v2  }
0x56: {  	v12 =	vunpack.i.u.s16.s32 v12;
	v2 =	vld [tilespmem:s22+$0x20];
	v13 =	vunpack.i.u.s16.s32 v11;
	v11 =	vunpack.i.l.s16.s32 v11;
	[tilespmem:s20+$0xFFFFFF80] =	vst v1  }
0x57: {  	s20 =	sadd.s32 $0x100, s20;
	v0 =	vunpack.i.u.s16.s32 v9;
	v1 =	vunpack.i.l.s16.s32 v9;
	v9 =	vld [tilespmem:s22+$0xFFFFFE30];
	v12 =	vpack.i.b32.b16 v13, v12;
	[tilespmem:s19+$0x0] =	vst v5  }
0x58: {  	v6 =	vpack.i.b32.b16 v8, v6;
	v5 =	vunpack.i.u.s16.s32 v7;
	v7 =	vunpack.i.l.s16.s32 v7;
	v13 =	vld [tilespmem:s22+$0x30];
	[tilespmem:s20+$0x70] =	vst v12  }
0x59: {  	v4 =	vpack.i.b32.b16 v11, v4;
	v8 =	vunpack.i.u.s16.s32 v10;
	v10 =	vunpack.i.l.s16.s32 v10;
	v12 =	vld [tilespmem:s22+$0xFFFFFE40];
	[tilespmem:s19+$0x60] =	vst v6;
	s19 =	smov.u32 s20  }
0x5a: {  	v6 =	vpack.i.b32.b16 v10, v7;
	v7 =	vunpack.i.u.s16.s32 v3;
	v3 =	vunpack.i.l.s16.s32 v3;
	v11 =	vld [tilespmem:s22+$0x40];
	[tilespmem:s20+$0xFFFFFFF0] =	vst v4  }
.Ltmp4:
0x5b: {  	v5 =	vpack.i.b32.b16 v8, v5;
	[tilespmem:s20+$0xFFFFFF90] =	vst v6;
	v8 =	vunpack.i.u.s16.s32 v2;
	v2 =	vunpack.i.l.s16.s32 v2;
	v4 =	vld [tilespmem:s22+$0xFFFFFE50];
	(pc) =	sbr.rel @p0 .LBB1_5-.Ltmp4, $4  }
0x5c: {  	[tilespmem:s20+$0x10] =	vst v5;
	v2 =	vpack.i.b32.b16 v2, v3;
	v10 =	vunpack.i.u.s16.s32 v9;
	v3 =	vunpack.i.l.s16.s32 v9;
	v6 =	vld [tilespmem:s22+$0x50]  }
0x5d: {  	v5 =	vpack.i.b32.b16 v8, v7;
	[tilespmem:s20+$0xFFFFFFA0] =	vst v2;
	v9 =	vunpack.i.u.s16.s32 v13;
	v7 =	vunpack.i.l.s16.s32 v13;
	v2 =	vld [tilespmem:s22+$0xFFFFFE60]  }
0x5e: {  	[tilespmem:s20+$0x20] =	vst v5;
	v13 =	vpack.i.b32.b16 v7, v3;
	v7 =	vunpack.i.u.s16.s32 v12;
	v8 =	vunpack.i.l.s16.s32 v12;
	v3 =	vld [tilespmem:s22+$0x60]  }
0x5f: {  	v10 =	vpack.i.b32.b16 v9, v10;
	v5 =	vld [tilespmem:s22+$0xFFFFFE00];
	[tilespmem:s20+$0xFFFFFFB0] =	vst v13;
	v9 =	vunpack.i.u.s16.s32 v11;
	v11 =	vunpack.i.l.s16.s32 v11;
	s22 =	sadd.s32 $0x80, s22  }
0x60: {  	[tilespmem:s20+$0x30] =	vst v10;
	v8 =	vpack.i.b32.b16 v11, v8  }
0x61: {  	v51 =	vunpack.i.l.s16.s32 v4;
	v7 =	vpack.i.b32.b16 v9, v7;
	[tilespmem:s20+$0xFFFFFFC0] =	vst v8;
	v52 =	vunpack.i.l.s16.s32 v6  }
0x62: {  	v53 =	vunpack.i.u.s16.s32 v4;
	s18 =	sadd.s32 $0x1, s18;
	v54 =	vunpack.i.u.s16.s32 v6;
	[tilespmem:s20+$0x40] =	vst v7;
	v55 =	vpack.i.b32.b16 v52, v51  }
0x63: {  	p0 =	sne.s32 s18, s15;
	v56 =	vunpack.i.l.s16.s32 v2;
	v4 =	vpack.i.b32.b16 v54, v53;
	[tilespmem:s20+$0xFFFFFFD0] =	vst v55;
	v57 =	vunpack.i.l.s16.s32 v3  }
.Ltmp5:
0x64: {  	[tilespmem:s20+$0x50] =	vst v4;
	v58 =	vunpack.i.l.s16.s32 v5;
	v59 =	vpack.i.b32.b16 v57, v56;
	(pc) =	sbr.rel @p0 .LBB1_4-.Ltmp5, $4  }
.Ltmp6:
0x65: {  	v61 =	vunpack.i.u.s16.s32 v2;
	v62 =	vunpack.i.u.s16.s32 v3;
	v1 =	vpack.i.b32.b16 v1, v58;
	[tilespmem:s20+$0xFFFFFFE0] =	vst v59;
	(pc) =	sbr.rel @!p0 .LBB1_7-.Ltmp6, $4  }
0x66: {  	v60 =	vunpack.i.u.s16.s32 v5;
	v63 =	vpack.i.b32.b16 v62, v61;
	[tilespmem:s20+$0xFFFFFF80] =	vst v1  }
0x67: {  	v0 =	vpack.i.b32.b16 v0, v60;
	[tilespmem:s19+$0x60] =	vst v63  }
0x68: {  	s16 =	sadd.s32 $0x400, s16;
	s17 =	sadd.s32 $0x400, s17;
	[tilespmem:s19+$0x0] =	vst v0  }
0x69: {  	_ = 	snop  }
.LBB1_9:
0x6a: {  	_ =	sfence.sel $0x180000  }
0x6b: {  	s2 =	simm.s32 $0x1;
	[bflag:$0x0] =	sbarrier.arrive $0xFFFF  }
0x6c: {  	s31 =	simm.s32 $0x2;
	[sflag:s2] =	ssyncpa.u1 $0x1  }
0x6d: {  	[sflag:s31] =	ssyncpa.u1 $0x1  }
0x6e: {  	p0 =	sne.s32 s1, $0x0;
	_ =	strace $0x90000047  }
0x6f: {  	s0 =	sadd.s32 @!p0 $0x100000, s0;
	[bflag:$0x2] =	sbarrier.arrive $0xFFFF  }
0x70: {  	[sflag:s0] =	ssyncadd.tile.s32 @!p0 $0x1;
	_ =	shalt  }
.Lfunc_end1:
_tile_overlayer_lowered:
.L_overlay_start_2:
0x71: {  	(tag) =	ssettag $0x2  }
0x72: {  	s0 =	rddreg [dreg:$0x0];
	s2 =	stileid.u32  }
0x73: {  	s1 =	rddreg [dreg:$0x1];
	p0 =	sne.s32 s2, $0x0  }
0x74: {  	s3 =	rddreg [dreg:$0x2];
	[bflag:$0x3] =	sbarrier.arrive $0xFFFF;
	s2 =	simm.s32 @!p0 $0x1C01  }
0x75: {  	[timem:s3], [sflag:s2] =	dma.local @!p0 [hbm:s0], s1  }
0x76: {  	s0 =	simm.s32 @!p0 $0x1  }
0x77: {  	_ =	swait.ge @!p0 [sflag:s0], s1  }
0x78: {  	s1 =	ssub.s32 @!p0 $0x0, s1;
	[sflag:s0] =	ssyncset.done @!p0 $0x0  }
0x79: {  	[sflag:s0] =	ssyncadd.s32 @!p0 s1  }
0x7a: {  	[bflag:$0x3] =	sbarrier.arrive $0xFFFF  }
0x7b: {  	_ =	shalt  }

// kernel: sparse-core-data-format-call.cloned.1.call-start
scs
called_computation_lowered:
.L_overlay_start_0:
0x0: {  	s2 =	sld [smem:$0x3FD9]  }
0x1: {  	s3 =	sld [smem:$0x3FFE];
	_ =	sdelay $0x1  }
0x2: {  	s1 =	srdreg.scid  }
0x3: {  	s0 =	sand.u32 $0x1, s1  }
0x4: {  	s18 =	sshll.u32 s0, $0xA;
	s2 =	sadd.s32 s3, s2  }
0x5: {  	s2 =	sadd.s32 s2, s18  }
0x6: {  	[smem:$0x3FC1] =	sst s2  }
0x7: {  	_ = 	snop  }
0x8: {  	(tm) =	ssettm $0x1  }
0x9: {  	s19 =	sld [smem:$0x3FFB];
	_ =	sdelay $0x3  }
0xa: {  	_ =	strace s19  }
0xb: {  	s2 =	sld [smem:$0x3FFC];
	_ =	sdelay $0x3  }
0xc: {  	_ =	strace s2  }
0xd: {  	s2 =	sld [smem:$0x3FFD];
	_ =	sdelay $0x3  }
0xe: {  	_ =	strace s2  }
0xf: {  	_ =	strace $0x8FFFFFFF  }
0x10: {  	s20 =	sld [smem:$0x3FDB];
	_ =	sdelay $0x1  }
0x11: {  	s21 =	simm.s32 $_scs_section_size  }
0x12: {  	s4 =	simm.s32 $_size__tile_overlayer_lowered;
	s5 =	simm.s32 $_tile_overlayer_lowered  }
0x13: {  	s6 =	simm.s32 $0x1BFF;
	s22 =	sshll.u32 s5, $0x1;
	s3 =	sadd.s32 s21, s20  }
0x14: {  	s23 =	simm.s32 $0x0;
	s4 =	sshll.u32 s4, $0x1;
	s5 =	sadd.s32 s22, s3  }
0x15: {  	[timem:s23], [sflag:s6] =	dma.local [hbm:s5], s4  }
0x16: {  	_ =	swait.ge [sflag:s6], s4  }
0x17: {  	s4 =	ssub.s32 $0x0, s4;
	[sflag:s6] =	ssyncset.done $0x0  }
0x18: {  	[sflag:s6] =	ssyncadd.s32 s4;
	_ =	sdelay $0x1  }
0x19: {  	s24 =	simm.s32 $0x1B8B  }
0x1a: {  	_ =	swait.ge [sflag:s24], $0x1  }
0x1b: {  	[sflag:s24] =	ssyncset.done $0x0  }
0x1c: {  	[sflag:s24] =	ssyncadd.s32 $0xFFFFFFFF  }
0x1d: {  	s4 =	sld [smem:$0x0]  }
0x1e: {  	s5 =	sand.u32 $0xFFFFFFFE, s1  }
0x1f: {  	p0 =	sne.s32 s1, s5  }
0x20: {  	s5 =	sshll.u32 @p0 s5, $0xE  }
0x21: {  	s5 =	sadd.s32 @p0 $0x11B8D, s5;
	s6 =	sshll.u32 @p0 s4, $0x11  }
0x22: {  	s5 =	sor.u32 @p0 s6, s5  }
0x23: {  	[sflag:s5] =	ssyncadd.remote.s32 @p0 $0x1;
	_ =	sdelay $0x1  }
0x24: {  	s5 =	simm.s32 @p0 $0x1B8D  }
0x25: {  	_ =	swait.eq @p0 [sflag:s5], $0x1  }
0x26: {  	[sflag:s5] =	ssyncadd.s32 @p0 $0xFFFFFFFF  }
0x27: {  	s6 =	sshll.u32 @!p0 s1, $0xE  }
0x28: {  	s6 =	sor.u32 @!p0 $0x4000, s6;
	s5 =	simm.s32 @!p0 $0x1B8D  }
0x29: {  	s4 =	sshll.u32 @!p0 s4, $0x11;
	s6 =	sadd.s32 @!p0 $0x11B8D, s6;
	_ =	swait.eq @!p0 [sflag:s5], $0x1  }
0x2a: {  	s4 =	sor.u32 @!p0 s4, s6;
	[sflag:s5] =	ssyncadd.s32 @!p0 $0xFFFFFFFF  }
0x2b: {  	s26 =	simm.s32 $0x1B8E;
	s25 =	sld [smem:$0x3FFE];
	[sflag:s4] =	ssyncadd.remote.s32 @!p0 $0x1  }
0x2c: {  	s27 =	simm.s32 $execute0_lowered;
	[smem:$0x3FD2] =	sst s26  }
0x2d: {  	s5 =	sshll.u32 s27, $0x1;
	_ =	strace $0x80000049;
	[dreg:$0x1] =	wrdreg $0xFFFFFFFF  }
0x2e: {  	s28 =	simm.s32 $_size_execute0_lowered;
	s3 =	sadd.s32 s3, s5;
	[dreg:$0x0] =	wrdreg $0x0  }
0x2f: {  	s5 =	sshll.u32 s28, $0x1;
	[dreg:$0x2] =	wrdreg s3  }
0x30: {  	[dreg:$0x3] =	wrdreg s5  }
0x31: {  	[dreg:$0x4] =	wrdreg $0xC0  }
0x32: {  	_ =	task [dreg:s23], $0x5FFFF  }
0x33: {  	[dreg:$0x1] =	wrdreg $0xFFFFFFFF  }
0x34: {  	[dreg:$0x0] =	wrdreg $0x60  }
0x35: {  	[dreg:$0x2] =	wrdreg s25  }
0x36: {  	[dreg:$0x3] =	wrdreg $0x9  }
0x37: {  	_ =	task.clear_ibuf [dreg:s23], $0x4FFFF;
	_ =	strace $0x90000049  }
0x38: {  	s29 =	simm.s32 $0x9;
	_ =	strace $0x8000004B  }
0x39: {  	_ =	swait.ge [sflag:s29], $0x1  }
0x3a: {  	[sflag:s29] =	ssyncadd.s32 $0xFFFFFFFF  }
0x3b: {  	_ =	strace $0x9000004B  }
0x3c: {  	_ =	sfence  }
0x3d: {  	s30 =	sld [smem:$0x0];
	_ =	sdelay $0x2  }
0x3e: {  	s31 =	sshll.u32 s1, $0xD;
	s1 =	sshrl.u32 s1, $0x2  }
0x3f: {  	s4 =	sand.u32 $0x4000, s31;
	s1 =	sadd.s32 s1, s30  }
0x40: {  	s0 =	sor.u32 s4, s0;
	s1 =	sshll.u32 s1, $0x11  }
0x41: {  	s0 =	sor.u32 s1, s0  }
0x42: {  	s0 =	sadd.s32 $0x8F2B, s0  }
0x43: {  	[sflag:s0] =	ssyncadd.remote.s32 $0x1  }
0x44: {  	_ =	sfence.sel $0xFFFF  }
0x45: {  	[dreg:$0x0] =	wrdreg $0xFFFFFFFF;
	(pc) =	sbr.abs _section_cstart, $3  }
0x46: {  	[dreg:$0x1] =	wrdreg $0xFFFFFFFF  }
0x47: {  	_ =	task.clear_ibuf [dreg:s23], $0x2FFFF;
	_ =	strace $0x9FFFFFFF  }
0x48: {  	(tm) =	ssettm $0x7FFFFFFF  }
0x49: {  	_ =	shalt  }
tec
execute0_lowered:
.L_overlay_start_1:
0x0: {  	(tag) =	ssettag $0x1  }
0x1: {  	s0 =	srdreg.scid  }
0x2: {  	s5 =	rddreg [dreg:$0x0];
	s1 =	stileid.u32;
	s4 =	simm.s32 $0x1  }
0x3: {  	s6 =	simm.s32 $0x2;
	s8 =	simm.s32 $0x0;
	s2 =	sshll.u32 s0, $0x4  }
0x4: {  	s9 =	simm.s32 $0x0;
	s13 =	simm.s32 $0x0;
	s2 =	sand.u32 $0x10, s2  }
.Ltmp0:
0x5: {  	s10 =	simm.s32 $0x0;
	s3 =	sor.u32 s1, s2;
	(pc) =	sbr.rel .LBB1_1-.Ltmp0, $4  }
0x6: {  	s0 =	rddreg [dreg:$0x1];
	_ =	strace $0x8000004A;
	s3 =	sshll.u32 s3, $0x4  }
0x7: {  	s12 =	simm.s32 $0x0;
	[sflag:s4] =	ssyncpa.u1 $0x0;
	s7 =	ssub.s32 $0x3D00, s3  }
0x8: {  	s2 =	sadd.s32 $0x3D1C00, s5;
	[sflag:s6] =	ssyncpa.u1 $0x0;
	s6 =	sshrl.u32 s7, $0x9  }
0x9: {  	s5 =	sadd.s32 $0x5BA200, s5;
	s11 =	smov.u32 s3;
	s7 =	sadd.s32 $0x2, s6  }
.LBB1_7:
0xa: {  	s15 =	sshll.u32 s12, $0xF  }
0xb: {  	s15 =	sand.u32 $0x8000, s15  }
0xc: {  	s16 =	sshll.u32 s10, $0x7;
	s15 =	sshrl.u32 s15, $0x1  }
0xd: {  	s16 =	sadd.s32 s5, s16;
	s15 =	sor.u32 $0x8000, s15  }
0xe: {  	[hbm4b:s16+s8] =	stream.linear.scatter [tilespmem:s15], [sflag:$0x2], s14, $0x38;
	[tilespmem:$0x10000] =	vst v63  }
.LBB1_8:
0xf: {  	p0 =	slt.u32 s12, $0x2  }
0x10: {  	p1 =	sgt.s32 @!p0 s13, $0x3CF9  }
0x11: {  	s14 =	smov.u32 s13;
	s15 =	sshra.s32 @!p0 s13, $0x1F;
	p1 =	por !p1, p0  }
0x12: {  	s13 =	sand.u32 @!p0 s15, s13;
	s14 =	simm.s32 @p1 $0x3CF9  }
0x13: {  	s13 =	ssub.s32 @!p0 s14, s13  }
0x14: {  	s13 =	sadd.s32 @!p0 $0xFFFFC307, s13  }
0x15: {  	s14 =	sshll.u32 @!p0 s13, $0xC  }
0x16: {  	p1 =	sgt.s32 @!p0 s13, $0xF;
	s13 =	ssub.s32 @!p0 $0x10000, s14  }
0x17: {  	s15 =	sadd.s32 $0x200, s11;
	p1 =	por !p1, p0;
	s13 =	sshrl.u32 @!p0 s13, $0x2  }
0x18: {  	s13 =	simm.s32 @!p1 $0x0;
	p1 =	sgt.s32 s15, $0x3D08  }
0x19: {  	s15 =	smov.u32 @p1 s3;
	p1 =	sne.s32 s12, s7  }
.Ltmp1:
0x1a: {  	_ = 	snop;
	(pc) =	sbr.rel @!p1 .LBB1_9-.Ltmp1, $4  }
0x1b: {  	s14 =	simm.s32 @!p0 $0x2  }
0x1c: {  	s9 =	sadd.s32 $0x8000, s9;
	_ =	swait.ge @!p0 [sflag:s14], s13;
	s16 =	ssub.s32 @!p0 $0x0, s13  }
0x1d: {  	s13 =	smov.u32 s10;
	s12 =	sadd.s32 $0x1, s12;
	[sflag:s14] =	ssyncset.done @!p0 $0x0  }
0x1e: {  	s10 =	smov.u32 s11;
	s11 =	smov.u32 s15;
	[sflag:s14] =	ssyncadd.s32 @!p0 s16  }
.LBB1_1:
0x1f: {  	p0 =	sgt.u32 s12, s6  }
0x20: {  	p1 =	sgt.s32 @!p0 s11, $0x3CF9  }
0x21: {  	s14 =	smov.u32 s11;
	s15 =	sshra.s32 @!p0 s11, $0x1F;
	p1 =	por !p1, p0  }
0x22: {  	s15 =	sand.u32 @!p0 s15, s11;
	s14 =	simm.s32 @p1 $0x3CF9  }
0x23: {  	s14 =	ssub.s32 @!p0 s14, s15  }
0x24: {  	s14 =	sadd.s32 @!p0 $0xFFFFC307, s14  }
0x25: {  	s16 =	sshll.u32 @!p0 s11, $0x7;
	s17 =	simm.s32 @!p0 $0x0;
	s15 =	sshll.u32 @!p0 s14, $0xC  }
0x26: {  	p1 =	sgt.s32 @!p0 s14, $0xF;
	s14 =	ssub.s32 @!p0 $0x10000, s15;
	s15 =	sxor.u32 @!p0 $0xFFFFFFFF, s12  }
0x27: {  	p1 =	por !p1, p0;
	s14 =	sshrl.u32 @!p0 s14, $0x2;
	s15 =	sshll.u32 @!p0 s15, $0xE  }
0x28: {  	s16 =	sadd.s32 @!p0 s2, s16;
	s14 =	simm.s32 @!p1 $0x0;
	s15 =	sand.u32 @!p0 $0x4000, s15  }
0x29: {  	[tilespmem:s15], [sflag:$0x1] =	stream.linear.gather @!p0 [hbm4b:s16+s17], s14, $0x38;
	[tilespmem:$0x10000] =	vst v63  }
0x2a: {  	p0 =	seq.s32 s12, $0x0  }
0x2b: {  	p1 =	sge.u32 @!p0 s12, s7  }
0x2c: {  	p0 =	por p0, p1  }
.Ltmp2:
0x2d: {  	_ = 	snop;
	(pc) =	sbr.rel @p0 .LBB1_8-.Ltmp2, $1  }
0x2e: {  	_ =	sdelay $0x3  }
0x2f: {  	p0 =	sgt.s32 s10, $0x3CF9;
	s14 =	smov.u32 s10;
	s15 =	sshra.s32 s10, $0x1F  }
0x30: {  	s14 =	simm.s32 @!p0 $0x3CF9;
	s15 =	sand.u32 s15, s10  }
0x31: {  	s14 =	ssub.s32 s14, s15  }
0x32: {  	s16 =	sadd.s32 $0x10, s10;
	s14 =	sadd.s32 $0xFFFFC307, s14  }
0x33: {  	p1 =	slt.s32 s16, $0x3D09;
	s30 =	sshll.u32 s14, $0xC  }
0x34: {  	s16 =	simm.s32 @!p1 $0x3D09;
	s15 =	ssub.s32 $0x10000, s30  }
0x35: {  	p0 =	sgt.s32 s14, $0xF;
	s14 =	sshrl.u32 s15, $0x2;
	s15 =	ssub.s32 s16, s10  }
0x36: {  	s14 =	simm.s32 @p0 $0x0;
	p0 =	slt.s32 s15, $0x1  }
.Ltmp3:
0x37: {  	_ = 	snop;
	(pc) =	sbr.rel @p0 .LBB1_7-.Ltmp3, $4  }
0x38: {  	_ = 	snop  }
0x39: {  	_ =	swait.ge [sflag:s4], s14  }
0x3a: {  	s31 =	ssub.s32 $0x0, s14;
	[sflag:s4] =	ssyncset.done $0x0  }
0x3b: {  	[sflag:s4] =	ssyncadd.s32 s31  }
0x3c: {  	s16 =	sshrl.u32 s9, $0x1  }
0x3d: {  	s17 =	sand.u32 $0x4000, s16  }
0x3e: {  	s18 =	simm.s32 $0x0;
	s16 =	sor.u32 $0x200, s17;
	s17 =	sor.u32 $0x8080, s17  }
.LBB1_4:
0x3f: {  	v0 =	vld [tilespmem:s16+$0xFFFFFE70]  }
0x40: {  	v1 =	vld [tilespmem:s16+$0x70]  }
0x41: {  	v2 =	vld [tilespmem:s16+$0x0]  }
0x42: {  	v3 =	vld [tilespmem:s16+$0xFFFFFE10]  }
0x43: {  	v4 =	vld [tilespmem:s16+$0x10]  }
0x44: {  	v5 =	vld [tilespmem:s16+$0xFFFFFE20]  }
0x45: {  	v7 =	vld [tilespmem:s16+$0x20]  }
0x46: {  	v11 =	vld [tilespmem:s16+$0x30];
	v6 =	vunpack.i.l.s16.s32 v0;
	v8 =	vunpack.i.u.s16.s32 v0;
	v9 =	vunpack.i.u.s16.s32 v1  }
0x47: {  	v10 =	vunpack.i.l.s16.s32 v1;
	v0 =	vunpack.i.u.s16.s32 v2;
	v1 =	vunpack.i.l.s16.s32 v2;
	v2 =	vld [tilespmem:s16+$0xFFFFFE30]  }
0x48: {  	v8 =	vpack.i.b32.b16 v9, v8;
	v9 =	vunpack.i.u.s16.s32 v3;
	v3 =	vunpack.i.l.s16.s32 v3  }
0x49: {  	v12 =	vld [tilespmem:s16+$0xFFFFFE40];
	v6 =	vpack.i.b32.b16 v10, v6;
	[tilespmem:s17+$0x70] =	vst v8;
	v8 =	vunpack.i.u.s16.s32 v4;
	v4 =	vunpack.i.l.s16.s32 v4  }
0x4a: {  	v13 =	vld [tilespmem:s16+$0x40];
	v10 =	vunpack.i.u.s16.s32 v5;
	v5 =	vunpack.i.l.s16.s32 v5;
	[tilespmem:s17+$0xFFFFFFF0] =	vst v6;
	v3 =	vpack.i.b32.b16 v4, v3  }
0x4b: {  	v6 =	vunpack.i.l.s16.s32 v7;
	v4 =	vld [tilespmem:s16+$0xFFFFFE50];
	[tilespmem:s17+$0xFFFFFF90] =	vst v3;
	v3 =	vpack.i.b32.b16 v8, v9;
	v8 =	vunpack.i.u.s16.s32 v7  }
0x4c: {  	v7 =	vunpack.i.l.s16.s32 v11;
	[tilespmem:s17+$0x10] =	vst v3;
	v3 =	vpack.i.b32.b16 v6, v5;
	v9 =	vunpack.i.u.s16.s32 v2;
	v6 =	vld [tilespmem:s16+$0x50]  }
0x4d: {  	v5 =	vunpack.i.l.s16.s32 v2;
	v2 =	vld [tilespmem:s16+$0xFFFFFE60];
	[tilespmem:s17+$0xFFFFFFA0] =	vst v3;
	v3 =	vpack.i.b32.b16 v8, v10;
	v10 =	vunpack.i.u.s16.s32 v11  }
0x4e: {  	s21 =	simm.s32 $0x0;
	v11 =	vpack.i.b32.b16 v7, v5;
	v7 =	vunpack.i.u.s16.s32 v12;
	v8 =	vunpack.i.l.s16.s32 v12;
	[tilespmem:s17+$0x20] =	vst v3;
	v3 =	vld [tilespmem:s16+$0x60]  }
0x4f: {  	s22 =	sadd.s32 $0x80, s16;
	s20 =	smov.u32 s17;
	s19 =	smov.u32 s17;
	v5 =	vld [tilespmem:s16+$0xFFFFFE00];
	[tilespmem:s17+$0xFFFFFFB0] =	vst v11;
	v10 =	vpack.i.b32.b16 v10, v9;
	v9 =	vunpack.i.u.s16.s32 v13;
	v11 =	vunpack.i.l.s16.s32 v13  }
.LBB1_5:
0x50: {  	v12 =	vld [tilespmem:s22+$0xFFFFFE70];
	[tilespmem:s20+$0x30] =	vst v10;
	v8 =	vpack.i.b32.b16 v11, v8;
	v10 =	vunpack.i.u.s16.s32 v4;
	v4 =	vunpack.i.l.s16.s32 v4  }
0x51: {  	s21 =	sadd.s32 $0x2, s21;
	v7 =	vpack.i.b32.b16 v9, v7;
	v11 =	vld [tilespmem:s22+$0x70];
	[tilespmem:s20+$0xFFFFFFC0] =	vst v8;
	v8 =	vunpack.i.u.s16.s32 v6;
	v6 =	vunpack.i.l.s16.s32 v6  }
0x52: {  	p0 =	slt.u32 s21, $0x6;
	v9 =	vld [tilespmem:s22+$0x0];
	[tilespmem:s20+$0x40] =	vst v7;
	v4 =	vpack.i.b32.b16 v6, v4;
	v6 =	vunpack.i.u.s16.s32 v2;
	v2 =	vunpack.i.l.s16.s32 v2  }
0x53: {  	v7 =	vld [tilespmem:s22+$0xFFFFFE10];
	[tilespmem:s20+$0xFFFFFFD0] =	vst v4;
	v4 =	vpack.i.b32.b16 v8, v10;
	v8 =	vunpack.i.u.s16.s32 v3;
	v3 =	vunpack.i.l.s16.s32 v3  }
0x54: {  	v10 =	vld [tilespmem:s22+$0x10];
	v13 =	vunpack.i.u.s16.s32 v5;
	v5 =	vunpack.i.l.s16.s32 v5;
	[tilespmem:s20+$0x50] =	vst v4;
	v2 =	vpack.i.b32.b16 v3, v2  }
0x55: {  	v3 =	vld [tilespmem:s22+$0xFFFFFE20];
	v4 =	vunpack.i.l.s16.s32 v12;
	v1 =	vpack.i.b32.b16 v1, v5;
	v5 =	vpack.i.b32.b16 v0, v13;
	[tilespmem:s20+$0xFFFFFFE0] =	vst v2  }
0x56: {  	v12 =	vunpack.i.u.s16.s32 v12;
	v2 =	vld [tilespmem:s22+$0x20];
	v13 =	vunpack.i.u.s16.s32 v11;
	v11 =	vunpack.i.l.s16.s32 v11;
	[tilespmem:s20+$0xFFFFFF80] =	vst v1  }
0x57: {  	s20 =	sadd.s32 $0x100, s20;
	v0 =	vunpack.i.u.s16.s32 v9;
	v1 =	vunpack.i.l.s16.s32 v9;
	v9 =	vld [tilespmem:s22+$0xFFFFFE30];
	v12 =	vpack.i.b32.b16 v13, v12;
	[tilespmem:s19+$0x0] =	vst v5  }
0x58: {  	v6 =	vpack.i.b32.b16 v8, v6;
	v5 =	vunpack.i.u.s16.s32 v7;
	v7 =	vunpack.i.l.s16.s32 v7;
	v13 =	vld [tilespmem:s22+$0x30];
	[tilespmem:s20+$0x70] =	vst v12  }
0x59: {  	v4 =	vpack.i.b32.b16 v11, v4;
	v8 =	vunpack.i.u.s16.s32 v10;
	v10 =	vunpack.i.l.s16.s32 v10;
	v12 =	vld [tilespmem:s22+$0xFFFFFE40];
	[tilespmem:s19+$0x60] =	vst v6;
	s19 =	smov.u32 s20  }
0x5a: {  	v6 =	vpack.i.b32.b16 v10, v7;
	v7 =	vunpack.i.u.s16.s32 v3;
	v3 =	vunpack.i.l.s16.s32 v3;
	v11 =	vld [tilespmem:s22+$0x40];
	[tilespmem:s20+$0xFFFFFFF0] =	vst v4  }
.Ltmp4:
0x5b: {  	v5 =	vpack.i.b32.b16 v8, v5;
	[tilespmem:s20+$0xFFFFFF90] =	vst v6;
	v8 =	vunpack.i.u.s16.s32 v2;
	v2 =	vunpack.i.l.s16.s32 v2;
	v4 =	vld [tilespmem:s22+$0xFFFFFE50];
	(pc) =	sbr.rel @p0 .LBB1_5-.Ltmp4, $4  }
0x5c: {  	[tilespmem:s20+$0x10] =	vst v5;
	v2 =	vpack.i.b32.b16 v2, v3;
	v10 =	vunpack.i.u.s16.s32 v9;
	v3 =	vunpack.i.l.s16.s32 v9;
	v6 =	vld [tilespmem:s22+$0x50]  }
0x5d: {  	v5 =	vpack.i.b32.b16 v8, v7;
	[tilespmem:s20+$0xFFFFFFA0] =	vst v2;
	v9 =	vunpack.i.u.s16.s32 v13;
	v7 =	vunpack.i.l.s16.s32 v13;
	v2 =	vld [tilespmem:s22+$0xFFFFFE60]  }
0x5e: {  	[tilespmem:s20+$0x20] =	vst v5;
	v13 =	vpack.i.b32.b16 v7, v3;
	v7 =	vunpack.i.u.s16.s32 v12;
	v8 =	vunpack.i.l.s16.s32 v12;
	v3 =	vld [tilespmem:s22+$0x60]  }
0x5f: {  	v10 =	vpack.i.b32.b16 v9, v10;
	v5 =	vld [tilespmem:s22+$0xFFFFFE00];
	[tilespmem:s20+$0xFFFFFFB0] =	vst v13;
	v9 =	vunpack.i.u.s16.s32 v11;
	v11 =	vunpack.i.l.s16.s32 v11;
	s22 =	sadd.s32 $0x80, s22  }
0x60: {  	[tilespmem:s20+$0x30] =	vst v10;
	v8 =	vpack.i.b32.b16 v11, v8  }
0x61: {  	v51 =	vunpack.i.l.s16.s32 v4;
	v7 =	vpack.i.b32.b16 v9, v7;
	[tilespmem:s20+$0xFFFFFFC0] =	vst v8;
	v52 =	vunpack.i.l.s16.s32 v6  }
0x62: {  	v53 =	vunpack.i.u.s16.s32 v4;
	s18 =	sadd.s32 $0x1, s18;
	v54 =	vunpack.i.u.s16.s32 v6;
	[tilespmem:s20+$0x40] =	vst v7;
	v55 =	vpack.i.b32.b16 v52, v51  }
0x63: {  	p0 =	sne.s32 s18, s15;
	v56 =	vunpack.i.l.s16.s32 v2;
	v4 =	vpack.i.b32.b16 v54, v53;
	[tilespmem:s20+$0xFFFFFFD0] =	vst v55;
	v57 =	vunpack.i.l.s16.s32 v3  }
.Ltmp5:
0x64: {  	[tilespmem:s20+$0x50] =	vst v4;
	v58 =	vunpack.i.l.s16.s32 v5;
	v59 =	vpack.i.b32.b16 v57, v56;
	(pc) =	sbr.rel @p0 .LBB1_4-.Ltmp5, $4  }
.Ltmp6:
0x65: {  	v61 =	vunpack.i.u.s16.s32 v2;
	v62 =	vunpack.i.u.s16.s32 v3;
	v1 =	vpack.i.b32.b16 v1, v58;
	[tilespmem:s20+$0xFFFFFFE0] =	vst v59;
	(pc) =	sbr.rel @!p0 .LBB1_7-.Ltmp6, $4  }
0x66: {  	v60 =	vunpack.i.u.s16.s32 v5;
	v63 =	vpack.i.b32.b16 v62, v61;
	[tilespmem:s20+$0xFFFFFF80] =	vst v1  }
0x67: {  	v0 =	vpack.i.b32.b16 v0, v60;
	[tilespmem:s19+$0x60] =	vst v63  }
0x68: {  	s16 =	sadd.s32 $0x400, s16;
	s17 =	sadd.s32 $0x400, s17;
	[tilespmem:s19+$0x0] =	vst v0  }
0x69: {  	_ = 	snop  }
.LBB1_9:
0x6a: {  	_ =	sfence.sel $0x180000  }
0x6b: {  	s2 =	simm.s32 $0x1;
	[bflag:$0x0] =	sbarrier.arrive $0xFFFF  }
0x6c: {  	s31 =	simm.s32 $0x2;
	[sflag:s2] =	ssyncpa.u1 $0x1  }
0x6d: {  	[sflag:s31] =	ssyncpa.u1 $0x1  }
0x6e: {  	p0 =	sne.s32 s1, $0x0;
	_ =	strace $0x9000004A  }
0x6f: {  	s0 =	sadd.s32 @!p0 $0x100000, s0;
	[bflag:$0x2] =	sbarrier.arrive $0xFFFF  }
0x70: {  	[sflag:s0] =	ssyncadd.tile.s32 @!p0 $0x1;
	_ =	shalt  }
.Lfunc_end1:
_tile_overlayer_lowered:
.L_overlay_start_2:
0x71: {  	(tag) =	ssettag $0x2  }
0x72: {  	s0 =	rddreg [dreg:$0x0];
	s2 =	stileid.u32  }
0x73: {  	s1 =	rddreg [dreg:$0x1];
	p0 =	sne.s32 s2, $0x0  }
0x74: {  	s3 =	rddreg [dreg:$0x2];
	[bflag:$0x3] =	sbarrier.arrive $0xFFFF;
	s2 =	simm.s32 @!p0 $0x1C01  }
0x75: {  	[timem:s3], [sflag:s2] =	dma.local @!p0 [hbm:s0], s1  }
0x76: {  	s0 =	simm.s32 @!p0 $0x1  }
0x77: {  	_ =	swait.ge @!p0 [sflag:s0], s1  }
0x78: {  	s1 =	ssub.s32 @!p0 $0x0, s1;
	[sflag:s0] =	ssyncset.done @!p0 $0x0  }
0x79: {  	[sflag:s0] =	ssyncadd.s32 @!p0 s1  }
0x7a: {  	[bflag:$0x3] =	sbarrier.arrive $0xFFFF  }
0x7b: {  	_ =	shalt  }

</sc_bundles>
